<compile_context>
chip_gen: v7x
topology: tpu7x:2x2x1
jax: 0.10.2.dev20260603
libtpu: 0.0.44.dev20260713+nightly
codegen_flags: <defaults>
</compile_context>

<pallas_src>
import functools

import jax
import jax.numpy as jnp
from jax import lax
from jax.experimental import pallas as pl
from jax.experimental.pallas import tpu as pltpu
from jax.experimental.pallas import tpu_sc as plsc

_EPS = 1e-6
_L = 16


def _rsqrt_newton(x):
    i = plsc.bitcast(x, jnp.int32)
    i = jnp.full(x.shape, 0x5F3759DF, jnp.int32) - lax.shift_right_logical(i, 1)
    y = plsc.bitcast(i, jnp.float32)
    for _ in range(3):
        y = y * (1.5 - 0.5 * x * y * y)
    return y


@functools.lru_cache(maxsize=None)
def _build(total, M, B):
    mesh = plsc.VectorSubcoreMesh(core_axis_name="c", subcore_axis_name="s")
    NC, NS = mesh.num_cores, mesh.num_subcores
    NW = NC * NS
    CW = total // NW
    SUB = 256
    NT = CW // SUB
    KV = SUB // _L
    SUBN = 256
    NTN = CW // SUBN
    KVN = SUBN // _L
    NB = 3
    assert total == NW * NT * SUB and CW % SUBN == 0

    def seg_cols(off_vec, i):
        lo = off_vec[i]
        hi = jnp.int32(total) if i == B - 1 else off_vec[i + 1]
        return lo, hi

    @functools.partial(
        pl.kernel,
        out_type=jax.ShapeDtypeStruct((NW * 2 * _L,), jnp.float32),
        mesh=mesh,
        compiler_params=pltpu.CompilerParams(needs_layout_passes=False),
        scratch_types=[
            pltpu.VMEM((M, SUB), jnp.float32),
            pltpu.VMEM((M, SUB), jnp.float32),
            pltpu.VMEM((CW,), jnp.float32),
            pltpu.VMEM((CW,), jnp.float32),
            pltpu.VMEM((_L,), jnp.int32),
            pltpu.VMEM((2 * _L,), jnp.float32),
            pltpu.SemaphoreType.DMA,
            pltpu.SemaphoreType.DMA,
        ],
    )
    def stats_k(vt_hbm, offsets_hbm, part_hbm,
                chunk0, chunk1, colsum, colsq, offs, stat_v, sem0, sem1):
        zeros = jnp.zeros((_L,), jnp.float32)
        lane_iota = lax.iota(jnp.int32, _L)
        wid = lax.axis_index("c") * NS + lax.axis_index("s")
        bufs = [chunk0, chunk1]
        sems = [sem0, sem1]

        def start_load(t):
            cb = wid * CW + t * SUB
            return pltpu.async_copy(
                vt_hbm.at[:, pl.ds(cb, SUB)], bufs[t % 2], sems[t % 2])

        loads = {0: start_load(0)}
        pltpu.sync_copy(offsets_hbm.at[pl.ds(0, _L)], offs)
        off_vec = offs[...]
        sums_vec = zeros
        sq_vec = zeros
        for t in range(NT):
            if t + 1 < NT:
                loads[t + 1] = start_load(t + 1)
            loads[t].wait()
            cbase = wid * CW + t * SUB
            chunk = bufs[t % 2]

            def kbody(k, _):
                def mbody(m, carry):
                    s0, q0, s1, q1 = carry
                    v0 = chunk[m, pl.ds(k * 2 * _L, _L)]
                    v1 = chunk[m, pl.ds(k * 2 * _L + _L, _L)]
                    return s0 + v0, q0 + v0 * v0, s1 + v1, q1 + v1 * v1

                s0, q0, s1, q1 = plsc.parallel_loop(
                    0, M, unroll=8,
                    carry=(zeros, zeros, zeros, zeros))(mbody)
                cb = t * SUB + k * 2 * _L
                colsum[pl.ds(cb, _L)] = s0
                colsq[pl.ds(cb, _L)] = q0
                colsum[pl.ds(cb + _L, _L)] = s1
                colsq[pl.ds(cb + _L, _L)] = q1
                return 0

            lax.fori_loop(0, KV // 2, kbody, 0)

        wbase = wid * CW
        for i in range(B):
            lo, hi = seg_cols(off_vec, i)
            ra = jnp.clip(lo - wbase, 0, CW)
            rb = jnp.clip(hi - wbase, 0, CW)

            def sbody(kk, carry):
                s, q = carry
                g = kk * _L + lane_iota
                msk = (g >= ra) & (g < rb)
                s = s + jnp.where(msk, colsum[pl.ds(kk * _L, _L)], 0.0)
                q = q + jnp.where(msk, colsq[pl.ds(kk * _L, _L)], 0.0)
                return s, q

            s, q = lax.fori_loop(
                lax.div(ra, _L), lax.div(rb + (_L - 1), _L),
                sbody, (zeros, zeros))
            lane = lane_iota == i
            sums_vec = jnp.where(lane, sums_vec + jnp.sum(s), sums_vec)
            sq_vec = jnp.where(lane, sq_vec + jnp.sum(q), sq_vec)

        stat_v[pl.ds(0, _L)] = sums_vec
        stat_v[pl.ds(_L, _L)] = sq_vec
        pltpu.sync_copy(stat_v, part_hbm.at[pl.ds(wid * 2 * _L, 2 * _L)])

    @functools.partial(
        pl.kernel,
        out_type=jax.ShapeDtypeStruct((M, total), jnp.float32),
        mesh=mesh,
        compiler_params=pltpu.CompilerParams(needs_layout_passes=False),
        scratch_types=(
            [pltpu.VMEM((M, SUBN), jnp.float32)] * NB
            + [pltpu.VMEM((_L,), jnp.int32),
               pltpu.VMEM((NW * 2 * _L,), jnp.float32)]
            + [pltpu.SemaphoreType.DMA] * (2 * NB)
        ),
    )
    def norm_k(vt_hbm, offsets_hbm, part_hbm, out_hbm, *refs):
        bufs = list(refs[:NB])
        offs, part_v = refs[NB], refs[NB + 1]
        lsems = list(refs[NB + 2:NB + 2 + NB])
        ssems = list(refs[NB + 2 + NB:])
        zeros = jnp.zeros((_L,), jnp.float32)
        lane_iota = lax.iota(jnp.int32, _L)
        wid = lax.axis_index("c") * NS + lax.axis_index("s")

        def start_load(t):
            cb = wid * CW + t * SUBN
            return pltpu.async_copy(
                vt_hbm.at[:, pl.ds(cb, SUBN)], bufs[t % NB], lsems[t % NB])

        def start_store(t):
            cb = wid * CW + t * SUBN
            return pltpu.async_copy(
                bufs[t % NB], out_hbm.at[:, pl.ds(cb, SUBN)], ssems[t % NB])

        loads = {0: start_load(0), 1: start_load(1)}
        pltpu.sync_copy(offsets_hbm.at[pl.ds(0, _L)], offs)
        pltpu.sync_copy(part_hbm, part_v)
        off_vec = offs[...]

        sums = zeros
        sqs = zeros
        for w in range(NW):
            sums = sums + part_v[pl.ds(w * 2 * _L, _L)]
            sqs = sqs + part_v[pl.ds(w * 2 * _L + _L, _L)]

        off_hi = jnp.full((_L,), total, jnp.int32)
        for i in range(B - 1):
            off_hi = jnp.where(lane_iota == i, off_vec[i + 1], off_hi)
        n_elem = (off_hi - off_vec).astype(jnp.float32) * jnp.float32(M)

        mean = sums / n_elem
        var = sqs / n_elem - mean * mean
        rstd = _rsqrt_newton(var + _EPS)

        stores = {}
        for t in range(NTN):
            if t + 2 < NTN:
                if t + 2 - NB >= 0:
                    stores.pop(t + 2 - NB).wait()
                loads[t + 2] = start_load(t + 2)
            loads[t].wait()
            cbase = wid * CW + t * SUBN
            chunk = bufs[t % NB]

            KS = 2

            def kbody(k, _):
                mvs, rvs = [], []
                for u in range(KS):
                    col = cbase + (k * KS + u) * _L + lane_iota
                    seg = jnp.zeros((_L,), jnp.int32)
                    for j in range(1, B):
                        seg = seg + (col >= off_vec[j]).astype(jnp.int32)
                    mvs.append(mean.at[seg].get(mode="promise_in_bounds"))
                    rvs.append(rstd.at[seg].get(mode="promise_in_bounds"))

                def mbody(m):
                    for u in range(KS):
                        d = pl.ds((k * KS + u) * _L, _L)
                        v = chunk[m, d]
                        chunk[m, d] = (v - mvs[u]) * rvs[u]

                plsc.parallel_loop(0, M, unroll=8)(mbody)
                return 0

            lax.fori_loop(0, KVN // KS, kbody, 0)
            stores[t] = start_store(t)

        for t in sorted(stores):
            stores[t].wait()

    return stats_k, norm_k


def kernel(values, offsets, M):
    total, m = values.shape
    B = offsets.shape[0] - 1
    stats_k, norm_k = _build(total, m, B)
    vt = values.T
    part = stats_k(vt, offsets)
    out_t = norm_k(vt, offsets, part)
    return out_t.T

# --- scband reference (transcript-rebuilt; emitter-appended) ---
"""Pipeline reference for scband-model-91036126806515 (READ-ONLY COPY).

The authoritative reference and input builder live on the scoring server;
editing this copy changes nothing except your own understanding.
"""

import jax, jax.numpy as jnp
import numpy as np

EPSILON = 1e-06

def setup_inputs(seed: int = 0) -> dict:
    key = jax.random.key(seed)
    k1, k2 = jax.random.split(key)
    total, B, M = 32768, 16, 64
    values = jax.random.normal(k1, (total, M), dtype=jnp.float32)
    # strictly increasing interior cut points to guarantee nonzero row lengths
    cuts = jnp.sort(jax.random.randint(k2, (B - 1,), 0, total - B)) + jnp.arange(1, B)
    offsets = jnp.concatenate([
        jnp.zeros((1,), dtype=jnp.int32),
        cuts.astype(jnp.int32),
        jnp.full((1,), total, dtype=jnp.int32),
    ])
    return {"values": values, "offsets": offsets, "M": M}

def reference(values, offsets, M):
    # Jagged layer norm: normalize each variable-length row (over all seq*M elements).
    # Mathematically identical to the padded-tensor approach in the torch module,
    # since padded/masked entries contribute zero to the sums and
    # ragged_lengths = row_length * M.
    B = offsets.shape[0] - 1
    total = values.shape[0]
    row_ids = jnp.searchsorted(offsets, jnp.arange(total, dtype=offsets.dtype), side='right') - 1
    lengths = (offsets[1:] - offsets[:-1]).astype(jnp.float32) * M  # (B,)
    row_sums = jax.ops.segment_sum(values.sum(axis=1), row_ids, num_segments=B)
    mean = row_sums / lengths  # (B,)
    normalized = values - mean[row_ids][:, None]
    var = jax.ops.segment_sum((normalized ** 2).sum(axis=1), row_ids, num_segments=B) / lengths
    out = normalized / jnp.sqrt(var + EPSILON)[row_ids][:, None]
    return out

if __name__ == "__main__":
    import jax
    _d = setup_inputs()
    print(jax.jit(kernel)(*tuple(_d.values())))

</pallas_src>

<mosaic_0001>
#map = affine_map<(d0, d1) -> (0, 0)>
#map1 = affine_map<(d0, d1) -> (0)>
module attributes {stable_mosaic.version = 14 : i64} {
  func.func @stats_k(%arg0: i32, %arg1: i32, %arg2: memref<64x32768xf32, #tpu.memory_space<hbm>>, %arg3: memref<17xi32, #tpu.memory_space<hbm>>, %arg4: memref<1024xf32, #tpu.memory_space<hbm>>, %arg5: memref<64x256xf32, #tpu.memory_space<vmem>>, %arg6: memref<64x256xf32, #tpu.memory_space<vmem>>, %arg7: memref<1024xf32, #tpu.memory_space<vmem>>, %arg8: memref<1024xf32, #tpu.memory_space<vmem>>, %arg9: memref<16xi32, #tpu.memory_space<vmem>>, %arg10: memref<32xf32, #tpu.memory_space<vmem>>, %arg11: memref<!tpu.dma_semaphore, #tpu.memory_space<semaphore_mem>>, %arg12: memref<!tpu.dma_semaphore, #tpu.memory_space<semaphore_mem>>) attributes {dimension_semantics = [#tpu.dimension_semantics<core_parallel>, #tpu.dimension_semantics<subcore_parallel>], iteration_bounds = array<i64: 2, 16>, scalar_prefetch = 0 : i64, scratch_operands = 8 : i64, tpu.core_type = #tpu.core_type<sc_vector_subcore>, window_params = [{transform_indices = #map}, {transform_indices = #map1}, {transform_indices = #map1}]} {
    %broadcast_in_dim3A = arith.constant 0.000000e+00 : f32
    %broadcast_in_dim3A_0 = vector.broadcast %broadcast_in_dim3A : f32 to vector<16xf32>
    %iota3A = tpu.iota {dimensions = array<i32: 0>} : vector<16xi32>
    %mul3A = arith.constant 16 : i32
    %mul3A_1 = arith.muli %arg0, %mul3A : i32
    %add3A = arith.addi %mul3A_1, %arg1 : i32
    %mul3A_2 = arith.constant 1024 : i32
    %mul3A_3 = arith.muli %add3A, %mul3A_2 : i32
    %add3A_4 = arith.constant 0 : i32
    %add3A_5 = arith.addi %mul3A_3, %add3A_4 : i32
    %dma_start3A = arith.constant 0 : i32
    %dma_start3A_6 = tpu.memref_slice %arg2[%dma_start3A, %add3A_5] : memref<64x32768xf32, #tpu.memory_space<hbm>> -> memref<64x256xf32, #tpu.memory_space<hbm>>
    %dma_start3A_7 = arith.constant 0 : i32
    %dma_start3A_8 = tpu.memref_slice %arg2[%dma_start3A_7, %add3A_5] : memref<64x32768xf32, #tpu.memory_space<hbm>> -> memref<64x256xf32, #tpu.memory_space<hbm>>
    tpu.enqueue_dma source(%dma_start3A_8 : memref<64x256xf32, #tpu.memory_space<hbm>>) target(%arg5 : memref<64x256xf32, #tpu.memory_space<vmem>>) target_semaphore(%arg11 : memref<!tpu.dma_semaphore, #tpu.memory_space<semaphore_mem>>)
    "tpu.region"() ({
      %run_scoped3A = tpu.sem_alloc : memref<!tpu.dma_semaphore, #tpu.memory_space<semaphore_mem>>
      %dma_start3A_841 = arith.constant 0 : i32
      %dma_start3A_842 = tpu.memref_slice %arg3[%dma_start3A_841] : memref<17xi32, #tpu.memory_space<hbm>> -> memref<16xi32, #tpu.memory_space<hbm>>
      %dma_start3A_843 = arith.constant 0 : i32
      %dma_start3A_844 = tpu.memref_slice %arg3[%dma_start3A_843] : memref<17xi32, #tpu.memory_space<hbm>> -> memref<16xi32, #tpu.memory_space<hbm>>
      tpu.enqueue_dma source(%dma_start3A_844 : memref<16xi32, #tpu.memory_space<hbm>>) target(%arg9 : memref<16xi32, #tpu.memory_space<vmem>>) target_semaphore(%run_scoped3A : memref<!tpu.dma_semaphore, #tpu.memory_space<semaphore_mem>>)
      %dma_wait3A_845 = arith.constant 0 : i32
      %dma_wait3A_846 = tpu.memref_slice %arg3[%dma_wait3A_845] : memref<17xi32, #tpu.memory_space<hbm>> -> memref<16xi32, #tpu.memory_space<hbm>>
      %dma_wait3A_847 = arith.constant 0 : i32
      %dma_wait3A_848 = tpu.memref_slice %arg3[%dma_wait3A_847] : memref<17xi32, #tpu.memory_space<hbm>> -> memref<16xi32, #tpu.memory_space<hbm>>
      tpu.wait_dma2 semaphore(%run_scoped3A : memref<!tpu.dma_semaphore, #tpu.memory_space<semaphore_mem>>) src(%dma_wait3A_848 : memref<16xi32, #tpu.memory_space<hbm>>) dst(%arg9 : memref<16xi32, #tpu.memory_space<vmem>>)
      tpu.yield
    }) : () -> ()
    %get3A = arith.constant 0 : index
    %get3A_9 = tpu.vector_load %arg9[%get3A] {strides = array<i32>} : memref<16xi32, #tpu.memory_space<vmem>>, vector<16xi32>,
    %mul3A_10 = arith.constant 1024 : i32
    %mul3A_11 = arith.muli %add3A, %mul3A_10 : i32
    %add3A_12 = arith.constant 256 : i32
    %add3A_13 = arith.addi %mul3A_11, %add3A_12 : i32
    %dma_start3A_14 = arith.constant 0 : i32
    %dma_start3A_15 = tpu.memref_slice %arg2[%dma_start3A_14, %add3A_13] : memref<64x32768xf32, #tpu.memory_space<hbm>> -> memref<64x256xf32, #tpu.memory_space<hbm>>
    %dma_start3A_16 = arith.constant 0 : i32
    %dma_start3A_17 = tpu.memref_slice %arg2[%dma_start3A_16, %add3A_13] : memref<64x32768xf32, #tpu.memory_space<hbm>> -> memref<64x256xf32, #tpu.memory_space<hbm>>
    tpu.enqueue_dma source(%dma_start3A_17 : memref<64x256xf32, #tpu.memory_space<hbm>>) target(%arg6 : memref<64x256xf32, #tpu.memory_space<vmem>>) target_semaphore(%arg12 : memref<!tpu.dma_semaphore, #tpu.memory_space<semaphore_mem>>)
    %dma_wait3A = arith.constant 0 : i32
    %dma_wait3A_18 = tpu.memref_slice %arg2[%dma_wait3A, %add3A_5] : memref<64x32768xf32, #tpu.memory_space<hbm>> -> memref<64x256xf32, #tpu.memory_space<hbm>>
    %dma_wait3A_19 = arith.constant 0 : i32
    %dma_wait3A_20 = tpu.memref_slice %arg2[%dma_wait3A_19, %add3A_5] : memref<64x32768xf32, #tpu.memory_space<hbm>> -> memref<64x256xf32, #tpu.memory_space<hbm>>
    tpu.wait_dma2 semaphore(%arg11 : memref<!tpu.dma_semaphore, #tpu.memory_space<semaphore_mem>>) src(%dma_wait3A_20 : memref<64x256xf32, #tpu.memory_space<hbm>>) dst(%arg5 : memref<64x256xf32, #tpu.memory_space<vmem>>)
    %mul3A_21 = arith.constant 1024 : i32
    %mul3A_22 = arith.muli %add3A, %mul3A_21 : i32
    %add3A_23 = arith.constant 0 : i32
    %add3A_24 = arith.addi %mul3A_22, %add3A_23 : i32
    %scan3A = arith.constant 0 : i32
    %scan3A_25 = arith.constant 0 : i32
    %scan3A_26 = arith.constant 8 : i32
    %scan3A_27 = arith.addi %scan3A_25, %scan3A_26 : i32
    %scan3A_28 = arith.constant 1 : i32
    %scan3A_29 = scf.for %scan3A_841 = %scan3A_25 to %scan3A_27 step %scan3A_28 iter_args(%scan3A_842 = %scan3A) -> (i32)  : i32 {
      %parallel_loop3A = arith.constant 0 : i32
      %parallel_loop3A_843 = arith.constant 64 : i32
      %parallel_loop3A_844 = arith.constant 1 : i32
      %parallel_loop3A_845:4 = scf.for %parallel_loop3A_865 = %parallel_loop3A to %parallel_loop3A_843 step %parallel_loop3A_844 iter_args(%parallel_loop3A_866 = %broadcast_in_dim3A_0, %parallel_loop3A_867 = %broadcast_in_dim3A_0, %parallel_loop3A_868 = %broadcast_in_dim3A_0, %parallel_loop3A_869 = %broadcast_in_dim3A_0) -> (vector<16xf32>, vector<16xf32>, vector<16xf32>, vector<16xf32>)  : i32 {
        %parallel_loop3A_870 = arith.constant 2 : i32
        %parallel_loop3A_871 = arith.muli %scan3A_841, %parallel_loop3A_870 : i32
        %parallel_loop3A_872 = arith.constant 16 : i32
        %parallel_loop3A_873 = arith.muli %parallel_loop3A_871, %parallel_loop3A_872 : i32
        %parallel_loop3A_874 = arith.index_cast %parallel_loop3A_865 : i32 to index
        %parallel_loop3A_875 = arith.index_cast %parallel_loop3A_873 : i32 to index
        %parallel_loop3A_876 = tpu.vector_load %arg5[%parallel_loop3A_874, %parallel_loop3A_875] {strides = array<i32>} : memref<64x256xf32, #tpu.memory_space<vmem>>, vector<16xf32>,
        %parallel_loop3A_877 = arith.constant 2 : i32
        %parallel_loop3A_878 = arith.muli %scan3A_841, %parallel_loop3A_877 : i32
        %parallel_loop3A_879 = arith.constant 16 : i32
        %parallel_loop3A_880 = arith.muli %parallel_loop3A_878, %parallel_loop3A_879 : i32
        %parallel_loop3A_881 = arith.constant 16 : i32
        %parallel_loop3A_882 = arith.addi %parallel_loop3A_880, %parallel_loop3A_881 : i32
        %parallel_loop3A_883 = arith.index_cast %parallel_loop3A_865 : i32 to index
        %parallel_loop3A_884 = arith.index_cast %parallel_loop3A_882 : i32 to index
        %parallel_loop3A_885 = tpu.vector_load %arg5[%parallel_loop3A_883, %parallel_loop3A_884] {strides = array<i32>} : memref<64x256xf32, #tpu.memory_space<vmem>>, vector<16xf32>,
        %parallel_loop3A_886 = arith.addf %parallel_loop3A_866, %parallel_loop3A_876 : vector<16xf32>
        %parallel_loop3A_887 = arith.mulf %parallel_loop3A_876, %parallel_loop3A_876 : vector<16xf32>
        %parallel_loop3A_888 = arith.addf %parallel_loop3A_867, %parallel_loop3A_887 : vector<16xf32>
        %parallel_loop3A_889 = arith.addf %parallel_loop3A_868, %parallel_loop3A_885 : vector<16xf32>
        %parallel_loop3A_890 = arith.mulf %parallel_loop3A_885, %parallel_loop3A_885 : vector<16xf32>
        %parallel_loop3A_891 = arith.addf %parallel_loop3A_869, %parallel_loop3A_890 : vector<16xf32>
        scf.yield %parallel_loop3A_886, %parallel_loop3A_888, %parallel_loop3A_889, %parallel_loop3A_891 : vector<16xf32>, vector<16xf32>, vector<16xf32>, vector<16xf32>
      } {sc.loop_unroll_factor = 8 : i64, sc.parallel_access}
      %mul3A_846 = arith.constant 2 : i32
      %mul3A_847 = arith.muli %scan3A_841, %mul3A_846 : i32
      %mul3A_848 = arith.constant 16 : i32
      %mul3A_849 = arith.muli %mul3A_847, %mul3A_848 : i32
      %add3A_850 = arith.constant 0 : i32
      %add3A_851 = arith.addi %add3A_850, %mul3A_849 : i32
      %swap3A_852 = arith.index_cast %add3A_851 : i32 to index
      %swap3A_853 = tpu.vector_load %arg7[%swap3A_852] {strides = array<i32>} : memref<1024xf32, #tpu.memory_space<vmem>>, vector<16xf32>,
      tpu.vector_store %arg7[%swap3A_852], %parallel_loop3A_845#0 {strides = array<i32>} : memref<1024xf32, #tpu.memory_space<vmem>>, vector<16xf32>,
      %swap3A_854 = arith.index_cast %add3A_851 : i32 to index
      %swap3A_855 = tpu.vector_load %arg8[%swap3A_854] {strides = array<i32>} : memref<1024xf32, #tpu.memory_space<vmem>>, vector<16xf32>,
      tpu.vector_store %arg8[%swap3A_854], %parallel_loop3A_845#1 {strides = array<i32>} : memref<1024xf32, #tpu.memory_space<vmem>>, vector<16xf32>,
      %add3A_856 = arith.constant 16 : i32
      %add3A_857 = arith.addi %add3A_851, %add3A_856 : i32
      %swap3A_858 = arith.index_cast %add3A_857 : i32 to index
      %swap3A_859 = tpu.vector_load %arg7[%swap3A_858] {strides = array<i32>} : memref<1024xf32, #tpu.memory_space<vmem>>, vector<16xf32>,
      tpu.vector_store %arg7[%swap3A_858], %parallel_loop3A_845#2 {strides = array<i32>} : memref<1024xf32, #tpu.memory_space<vmem>>, vector<16xf32>,
      %add3A_860 = arith.constant 16 : i32
      %add3A_861 = arith.addi %add3A_851, %add3A_860 : i32
      %swap3A_862 = arith.index_cast %add3A_861 : i32 to index
      %swap3A_863 = tpu.vector_load %arg8[%swap3A_862] {strides = array<i32>} : memref<1024xf32, #tpu.memory_space<vmem>>, vector<16xf32>,
      tpu.vector_store %arg8[%swap3A_862], %parallel_loop3A_845#3 {strides = array<i32>} : memref<1024xf32, #tpu.memory_space<vmem>>, vector<16xf32>,
      %scan3A_864 = arith.constant 0 : i32
      scf.yield %scan3A_864 : i32
    }
    %scan3A_30 = arith.constant 8 : i32
    %mul3A_31 = arith.constant 1024 : i32
    %mul3A_32 = arith.muli %add3A, %mul3A_31 : i32
    %add3A_33 = arith.constant 512 : i32
    %add3A_34 = arith.addi %mul3A_32, %add3A_33 : i32
    %dma_start3A_35 = arith.constant 0 : i32
    %dma_start3A_36 = tpu.memref_slice %arg2[%dma_start3A_35, %add3A_34] : memref<64x32768xf32, #tpu.memory_space<hbm>> -> memref<64x256xf32, #tpu.memory_space<hbm>>
    %dma_start3A_37 = arith.constant 0 : i32
    %dma_start3A_38 = tpu.memref_slice %arg2[%dma_start3A_37, %add3A_34] : memref<64x32768xf32, #tpu.memory_space<hbm>> -> memref<64x256xf32, #tpu.memory_space<hbm>>
    tpu.enqueue_dma source(%dma_start3A_38 : memref<64x256xf32, #tpu.memory_space<hbm>>) target(%arg5 : memref<64x256xf32, #tpu.memory_space<vmem>>) target_semaphore(%arg11 : memref<!tpu.dma_semaphore, #tpu.memory_space<semaphore_mem>>)
    %dma_wait3A_39 = arith.constant 0 : i32
    %dma_wait3A_40 = tpu.memref_slice %arg2[%dma_wait3A_39, %add3A_13] : memref<64x32768xf32, #tpu.memory_space<hbm>> -> memref<64x256xf32, #tpu.memory_space<hbm>>
    %dma_wait3A_41 = arith.constant 0 : i32
    %dma_wait3A_42 = tpu.memref_slice %arg2[%dma_wait3A_41, %add3A_13] : memref<64x32768xf32, #tpu.memory_space<hbm>> -> memref<64x256xf32, #tpu.memory_space<hbm>>
    tpu.wait_dma2 semaphore(%arg12 : memref<!tpu.dma_semaphore, #tpu.memory_space<semaphore_mem>>) src(%dma_wait3A_42 : memref<64x256xf32, #tpu.memory_space<hbm>>) dst(%arg6 : memref<64x256xf32, #tpu.memory_space<vmem>>)
    %mul3A_43 = arith.constant 1024 : i32
    %mul3A_44 = arith.muli %add3A, %mul3A_43 : i32
    %add3A_45 = arith.constant 256 : i32
    %add3A_46 = arith.addi %mul3A_44, %add3A_45 : i32
    %scan3A_47 = arith.constant 0 : i32
    %scan3A_48 = arith.constant 0 : i32
    %scan3A_49 = arith.constant 8 : i32
    %scan3A_50 = arith.addi %scan3A_48, %scan3A_49 : i32
    %scan3A_51 = arith.constant 1 : i32
    %scan3A_52 = scf.for %scan3A_841 = %scan3A_48 to %scan3A_50 step %scan3A_51 iter_args(%scan3A_842 = %scan3A_47) -> (i32)  : i32 {
      %parallel_loop3A = arith.constant 0 : i32
      %parallel_loop3A_843 = arith.constant 64 : i32
      %parallel_loop3A_844 = arith.constant 1 : i32
      %parallel_loop3A_845:4 = scf.for %parallel_loop3A_865 = %parallel_loop3A to %parallel_loop3A_843 step %parallel_loop3A_844 iter_args(%parallel_loop3A_866 = %broadcast_in_dim3A_0, %parallel_loop3A_867 = %broadcast_in_dim3A_0, %parallel_loop3A_868 = %broadcast_in_dim3A_0, %parallel_loop3A_869 = %broadcast_in_dim3A_0) -> (vector<16xf32>, vector<16xf32>, vector<16xf32>, vector<16xf32>)  : i32 {
        %parallel_loop3A_870 = arith.constant 2 : i32
        %parallel_loop3A_871 = arith.muli %scan3A_841, %parallel_loop3A_870 : i32
        %parallel_loop3A_872 = arith.constant 16 : i32
        %parallel_loop3A_873 = arith.muli %parallel_loop3A_871, %parallel_loop3A_872 : i32
        %parallel_loop3A_874 = arith.index_cast %parallel_loop3A_865 : i32 to index
        %parallel_loop3A_875 = arith.index_cast %parallel_loop3A_873 : i32 to index
        %parallel_loop3A_876 = tpu.vector_load %arg6[%parallel_loop3A_874, %parallel_loop3A_875] {strides = array<i32>} : memref<64x256xf32, #tpu.memory_space<vmem>>, vector<16xf32>,
        %parallel_loop3A_877 = arith.constant 2 : i32
        %parallel_loop3A_878 = arith.muli %scan3A_841, %parallel_loop3A_877 : i32
        %parallel_loop3A_879 = arith.constant 16 : i32
        %parallel_loop3A_880 = arith.muli %parallel_loop3A_878, %parallel_loop3A_879 : i32
        %parallel_loop3A_881 = arith.constant 16 : i32
        %parallel_loop3A_882 = arith.addi %parallel_loop3A_880, %parallel_loop3A_881 : i32
        %parallel_loop3A_883 = arith.index_cast %parallel_loop3A_865 : i32 to index
        %parallel_loop3A_884 = arith.index_cast %parallel_loop3A_882 : i32 to index
        %parallel_loop3A_885 = tpu.vector_load %arg6[%parallel_loop3A_883, %parallel_loop3A_884] {strides = array<i32>} : memref<64x256xf32, #tpu.memory_space<vmem>>, vector<16xf32>,
        %parallel_loop3A_886 = arith.addf %parallel_loop3A_866, %parallel_loop3A_876 : vector<16xf32>
        %parallel_loop3A_887 = arith.mulf %parallel_loop3A_876, %parallel_loop3A_876 : vector<16xf32>
        %parallel_loop3A_888 = arith.addf %parallel_loop3A_867, %parallel_loop3A_887 : vector<16xf32>
        %parallel_loop3A_889 = arith.addf %parallel_loop3A_868, %parallel_loop3A_885 : vector<16xf32>
        %parallel_loop3A_890 = arith.mulf %parallel_loop3A_885, %parallel_loop3A_885 : vector<16xf32>
        %parallel_loop3A_891 = arith.addf %parallel_loop3A_869, %parallel_loop3A_890 : vector<16xf32>
        scf.yield %parallel_loop3A_886, %parallel_loop3A_888, %parallel_loop3A_889, %parallel_loop3A_891 : vector<16xf32>, vector<16xf32>, vector<16xf32>, vector<16xf32>
      } {sc.loop_unroll_factor = 8 : i64, sc.parallel_access}
      %mul3A_846 = arith.constant 2 : i32
      %mul3A_847 = arith.muli %scan3A_841, %mul3A_846 : i32
      %mul3A_848 = arith.constant 16 : i32
      %mul3A_849 = arith.muli %mul3A_847, %mul3A_848 : i32
      %add3A_850 = arith.constant 256 : i32
      %add3A_851 = arith.addi %add3A_850, %mul3A_849 : i32
      %swap3A_852 = arith.index_cast %add3A_851 : i32 to index
      %swap3A_853 = tpu.vector_load %arg7[%swap3A_852] {strides = array<i32>} : memref<1024xf32, #tpu.memory_space<vmem>>, vector<16xf32>,
      tpu.vector_store %arg7[%swap3A_852], %parallel_loop3A_845#0 {strides = array<i32>} : memref<1024xf32, #tpu.memory_space<vmem>>, vector<16xf32>,
      %swap3A_854 = arith.index_cast %add3A_851 : i32 to index
      %swap3A_855 = tpu.vector_load %arg8[%swap3A_854] {strides = array<i32>} : memref<1024xf32, #tpu.memory_space<vmem>>, vector<16xf32>,
      tpu.vector_store %arg8[%swap3A_854], %parallel_loop3A_845#1 {strides = array<i32>} : memref<1024xf32, #tpu.memory_space<vmem>>, vector<16xf32>,
      %add3A_856 = arith.constant 16 : i32
      %add3A_857 = arith.addi %add3A_851, %add3A_856 : i32
      %swap3A_858 = arith.index_cast %add3A_857 : i32 to index
      %swap3A_859 = tpu.vector_load %arg7[%swap3A_858] {strides = array<i32>} : memref<1024xf32, #tpu.memory_space<vmem>>, vector<16xf32>,
      tpu.vector_store %arg7[%swap3A_858], %parallel_loop3A_845#2 {strides = array<i32>} : memref<1024xf32, #tpu.memory_space<vmem>>, vector<16xf32>,
      %add3A_860 = arith.constant 16 : i32
      %add3A_861 = arith.addi %add3A_851, %add3A_860 : i32
      %swap3A_862 = arith.index_cast %add3A_861 : i32 to index
      %swap3A_863 = tpu.vector_load %arg8[%swap3A_862] {strides = array<i32>} : memref<1024xf32, #tpu.memory_space<vmem>>, vector<16xf32>,
      tpu.vector_store %arg8[%swap3A_862], %parallel_loop3A_845#3 {strides = array<i32>} : memref<1024xf32, #tpu.memory_space<vmem>>, vector<16xf32>,
      %scan3A_864 = arith.constant 0 : i32
      scf.yield %scan3A_864 : i32
    }
    %scan3A_53 = arith.constant 8 : i32
    %mul3A_54 = arith.constant 1024 : i32
    %mul3A_55 = arith.muli %add3A, %mul3A_54 : i32
    %add3A_56 = arith.constant 768 : i32
    %add3A_57 = arith.addi %mul3A_55, %add3A_56 : i32
    %dma_start3A_58 = arith.constant 0 : i32
    %dma_start3A_59 = tpu.memref_slice %arg2[%dma_start3A_58, %add3A_57] : memref<64x32768xf32, #tpu.memory_space<hbm>> -> memref<64x256xf32, #tpu.memory_space<hbm>>
    %dma_start3A_60 = arith.constant 0 : i32
    %dma_start3A_61 = tpu.memref_slice %arg2[%dma_start3A_60, %add3A_57] : memref<64x32768xf32, #tpu.memory_space<hbm>> -> memref<64x256xf32, #tpu.memory_space<hbm>>
    tpu.enqueue_dma source(%dma_start3A_61 : memref<64x256xf32, #tpu.memory_space<hbm>>) target(%arg6 : memref<64x256xf32, #tpu.memory_space<vmem>>) target_semaphore(%arg12 : memref<!tpu.dma_semaphore, #tpu.memory_space<semaphore_mem>>)
    %dma_wait3A_62 = arith.constant 0 : i32
    %dma_wait3A_63 = tpu.memref_slice %arg2[%dma_wait3A_62, %add3A_34] : memref<64x32768xf32, #tpu.memory_space<hbm>> -> memref<64x256xf32, #tpu.memory_space<hbm>>
    %dma_wait3A_64 = arith.constant 0 : i32
    %dma_wait3A_65 = tpu.memref_slice %arg2[%dma_wait3A_64, %add3A_34] : memref<64x32768xf32, #tpu.memory_space<hbm>> -> memref<64x256xf32, #tpu.memory_space<hbm>>
    tpu.wait_dma2 semaphore(%arg11 : memref<!tpu.dma_semaphore, #tpu.memory_space<semaphore_mem>>) src(%dma_wait3A_65 : memref<64x256xf32, #tpu.memory_space<hbm>>) dst(%arg5 : memref<64x256xf32, #tpu.memory_space<vmem>>)
    %mul3A_66 = arith.constant 1024 : i32
    %mul3A_67 = arith.muli %add3A, %mul3A_66 : i32
    %add3A_68 = arith.constant 512 : i32
    %add3A_69 = arith.addi %mul3A_67, %add3A_68 : i32
    %scan3A_70 = arith.constant 0 : i32
    %scan3A_71 = arith.constant 0 : i32
    %scan3A_72 = arith.constant 8 : i32
    %scan3A_73 = arith.addi %scan3A_71, %scan3A_72 : i32
    %scan3A_74 = arith.constant 1 : i32
    %scan3A_75 = scf.for %scan3A_841 = %scan3A_71 to %scan3A_73 step %scan3A_74 iter_args(%scan3A_842 = %scan3A_70) -> (i32)  : i32 {
      %parallel_loop3A = arith.constant 0 : i32
      %parallel_loop3A_843 = arith.constant 64 : i32
      %parallel_loop3A_844 = arith.constant 1 : i32
      %parallel_loop3A_845:4 = scf.for %parallel_loop3A_865 = %parallel_loop3A to %parallel_loop3A_843 step %parallel_loop3A_844 iter_args(%parallel_loop3A_866 = %broadcast_in_dim3A_0, %parallel_loop3A_867 = %broadcast_in_dim3A_0, %parallel_loop3A_868 = %broadcast_in_dim3A_0, %parallel_loop3A_869 = %broadcast_in_dim3A_0) -> (vector<16xf32>, vector<16xf32>, vector<16xf32>, vector<16xf32>)  : i32 {
        %parallel_loop3A_870 = arith.constant 2 : i32
        %parallel_loop3A_871 = arith.muli %scan3A_841, %parallel_loop3A_870 : i32
        %parallel_loop3A_872 = arith.constant 16 : i32
        %parallel_loop3A_873 = arith.muli %parallel_loop3A_871, %parallel_loop3A_872 : i32
        %parallel_loop3A_874 = arith.index_cast %parallel_loop3A_865 : i32 to index
        %parallel_loop3A_875 = arith.index_cast %parallel_loop3A_873 : i32 to index
        %parallel_loop3A_876 = tpu.vector_load %arg5[%parallel_loop3A_874, %parallel_loop3A_875] {strides = array<i32>} : memref<64x256xf32, #tpu.memory_space<vmem>>, vector<16xf32>,
        %parallel_loop3A_877 = arith.constant 2 : i32
        %parallel_loop3A_878 = arith.muli %scan3A_841, %parallel_loop3A_877 : i32
        %parallel_loop3A_879 = arith.constant 16 : i32
        %parallel_loop3A_880 = arith.muli %parallel_loop3A_878, %parallel_loop3A_879 : i32
        %parallel_loop3A_881 = arith.constant 16 : i32
        %parallel_loop3A_882 = arith.addi %parallel_loop3A_880, %parallel_loop3A_881 : i32
        %parallel_loop3A_883 = arith.index_cast %parallel_loop3A_865 : i32 to index
        %parallel_loop3A_884 = arith.index_cast %parallel_loop3A_882 : i32 to index
        %parallel_loop3A_885 = tpu.vector_load %arg5[%parallel_loop3A_883, %parallel_loop3A_884] {strides = array<i32>} : memref<64x256xf32, #tpu.memory_space<vmem>>, vector<16xf32>,
        %parallel_loop3A_886 = arith.addf %parallel_loop3A_866, %parallel_loop3A_876 : vector<16xf32>
        %parallel_loop3A_887 = arith.mulf %parallel_loop3A_876, %parallel_loop3A_876 : vector<16xf32>
        %parallel_loop3A_888 = arith.addf %parallel_loop3A_867, %parallel_loop3A_887 : vector<16xf32>
        %parallel_loop3A_889 = arith.addf %parallel_loop3A_868, %parallel_loop3A_885 : vector<16xf32>
        %parallel_loop3A_890 = arith.mulf %parallel_loop3A_885, %parallel_loop3A_885 : vector<16xf32>
        %parallel_loop3A_891 = arith.addf %parallel_loop3A_869, %parallel_loop3A_890 : vector<16xf32>
        scf.yield %parallel_loop3A_886, %parallel_loop3A_888, %parallel_loop3A_889, %parallel_loop3A_891 : vector<16xf32>, vector<16xf32>, vector<16xf32>, vector<16xf32>
      } {sc.loop_unroll_factor = 8 : i64, sc.parallel_access}
      %mul3A_846 = arith.constant 2 : i32
      %mul3A_847 = arith.muli %scan3A_841, %mul3A_846 : i32
      %mul3A_848 = arith.constant 16 : i32
      %mul3A_849 = arith.muli %mul3A_847, %mul3A_848 : i32
      %add3A_850 = arith.constant 512 : i32
      %add3A_851 = arith.addi %add3A_850, %mul3A_849 : i32
      %swap3A_852 = arith.index_cast %add3A_851 : i32 to index
      %swap3A_853 = tpu.vector_load %arg7[%swap3A_852] {strides = array<i32>} : memref<1024xf32, #tpu.memory_space<vmem>>, vector<16xf32>,
      tpu.vector_store %arg7[%swap3A_852], %parallel_loop3A_845#0 {strides = array<i32>} : memref<1024xf32, #tpu.memory_space<vmem>>, vector<16xf32>,
      %swap3A_854 = arith.index_cast %add3A_851 : i32 to index
      %swap3A_855 = tpu.vector_load %arg8[%swap3A_854] {strides = array<i32>} : memref<1024xf32, #tpu.memory_space<vmem>>, vector<16xf32>,
      tpu.vector_store %arg8[%swap3A_854], %parallel_loop3A_845#1 {strides = array<i32>} : memref<1024xf32, #tpu.memory_space<vmem>>, vector<16xf32>,
      %add3A_856 = arith.constant 16 : i32
      %add3A_857 = arith.addi %add3A_851, %add3A_856 : i32
      %swap3A_858 = arith.index_cast %add3A_857 : i32 to index
      %swap3A_859 = tpu.vector_load %arg7[%swap3A_858] {strides = array<i32>} : memref<1024xf32, #tpu.memory_space<vmem>>, vector<16xf32>,
      tpu.vector_store %arg7[%swap3A_858], %parallel_loop3A_845#2 {strides = array<i32>} : memref<1024xf32, #tpu.memory_space<vmem>>, vector<16xf32>,
      %add3A_860 = arith.constant 16 : i32
      %add3A_861 = arith.addi %add3A_851, %add3A_860 : i32
      %swap3A_862 = arith.index_cast %add3A_861 : i32 to index
      %swap3A_863 = tpu.vector_load %arg8[%swap3A_862] {strides = array<i32>} : memref<1024xf32, #tpu.memory_space<vmem>>, vector<16xf32>,
      tpu.vector_store %arg8[%swap3A_862], %parallel_loop3A_845#3 {strides = array<i32>} : memref<1024xf32, #tpu.memory_space<vmem>>, vector<16xf32>,
      %scan3A_864 = arith.constant 0 : i32
      scf.yield %scan3A_864 : i32
    }
    %scan3A_76 = arith.constant 8 : i32
    %dma_wait3A_77 = arith.constant 0 : i32
    %dma_wait3A_78 = tpu.memref_slice %arg2[%dma_wait3A_77, %add3A_57] : memref<64x32768xf32, #tpu.memory_space<hbm>> -> memref<64x256xf32, #tpu.memory_space<hbm>>
    %dma_wait3A_79 = arith.constant 0 : i32
    %dma_wait3A_80 = tpu.memref_slice %arg2[%dma_wait3A_79, %add3A_57] : memref<64x32768xf32, #tpu.memory_space<hbm>> -> memref<64x256xf32, #tpu.memory_space<hbm>>
    tpu.wait_dma2 semaphore(%arg12 : memref<!tpu.dma_semaphore, #tpu.memory_space<semaphore_mem>>) src(%dma_wait3A_80 : memref<64x256xf32, #tpu.memory_space<hbm>>) dst(%arg6 : memref<64x256xf32, #tpu.memory_space<vmem>>)
    %mul3A_81 = arith.constant 1024 : i32
    %mul3A_82 = arith.muli %add3A, %mul3A_81 : i32
    %add3A_83 = arith.constant 768 : i32
    %add3A_84 = arith.addi %mul3A_82, %add3A_83 : i32
    %scan3A_85 = arith.constant 0 : i32
    %scan3A_86 = arith.constant 0 : i32
    %scan3A_87 = arith.constant 8 : i32
    %scan3A_88 = arith.addi %scan3A_86, %scan3A_87 : i32
    %scan3A_89 = arith.constant 1 : i32
    %scan3A_90 = scf.for %scan3A_841 = %scan3A_86 to %scan3A_88 step %scan3A_89 iter_args(%scan3A_842 = %scan3A_85) -> (i32)  : i32 {
      %parallel_loop3A = arith.constant 0 : i32
      %parallel_loop3A_843 = arith.constant 64 : i32
      %parallel_loop3A_844 = arith.constant 1 : i32
      %parallel_loop3A_845:4 = scf.for %parallel_loop3A_865 = %parallel_loop3A to %parallel_loop3A_843 step %parallel_loop3A_844 iter_args(%parallel_loop3A_866 = %broadcast_in_dim3A_0, %parallel_loop3A_867 = %broadcast_in_dim3A_0, %parallel_loop3A_868 = %broadcast_in_dim3A_0, %parallel_loop3A_869 = %broadcast_in_dim3A_0) -> (vector<16xf32>, vector<16xf32>, vector<16xf32>, vector<16xf32>)  : i32 {
        %parallel_loop3A_870 = arith.constant 2 : i32
        %parallel_loop3A_871 = arith.muli %scan3A_841, %parallel_loop3A_870 : i32
        %parallel_loop3A_872 = arith.constant 16 : i32
        %parallel_loop3A_873 = arith.muli %parallel_loop3A_871, %parallel_loop3A_872 : i32
        %parallel_loop3A_874 = arith.index_cast %parallel_loop3A_865 : i32 to index
        %parallel_loop3A_875 = arith.index_cast %parallel_loop3A_873 : i32 to index
        %parallel_loop3A_876 = tpu.vector_load %arg6[%parallel_loop3A_874, %parallel_loop3A_875] {strides = array<i32>} : memref<64x256xf32, #tpu.memory_space<vmem>>, vector<16xf32>,
        %parallel_loop3A_877 = arith.constant 2 : i32
        %parallel_loop3A_878 = arith.muli %scan3A_841, %parallel_loop3A_877 : i32
        %parallel_loop3A_879 = arith.constant 16 : i32
        %parallel_loop3A_880 = arith.muli %parallel_loop3A_878, %parallel_loop3A_879 : i32
        %parallel_loop3A_881 = arith.constant 16 : i32
        %parallel_loop3A_882 = arith.addi %parallel_loop3A_880, %parallel_loop3A_881 : i32
        %parallel_loop3A_883 = arith.index_cast %parallel_loop3A_865 : i32 to index
        %parallel_loop3A_884 = arith.index_cast %parallel_loop3A_882 : i32 to index
        %parallel_loop3A_885 = tpu.vector_load %arg6[%parallel_loop3A_883, %parallel_loop3A_884] {strides = array<i32>} : memref<64x256xf32, #tpu.memory_space<vmem>>, vector<16xf32>,
        %parallel_loop3A_886 = arith.addf %parallel_loop3A_866, %parallel_loop3A_876 : vector<16xf32>
        %parallel_loop3A_887 = arith.mulf %parallel_loop3A_876, %parallel_loop3A_876 : vector<16xf32>
        %parallel_loop3A_888 = arith.addf %parallel_loop3A_867, %parallel_loop3A_887 : vector<16xf32>
        %parallel_loop3A_889 = arith.addf %parallel_loop3A_868, %parallel_loop3A_885 : vector<16xf32>
        %parallel_loop3A_890 = arith.mulf %parallel_loop3A_885, %parallel_loop3A_885 : vector<16xf32>
        %parallel_loop3A_891 = arith.addf %parallel_loop3A_869, %parallel_loop3A_890 : vector<16xf32>
        scf.yield %parallel_loop3A_886, %parallel_loop3A_888, %parallel_loop3A_889, %parallel_loop3A_891 : vector<16xf32>, vector<16xf32>, vector<16xf32>, vector<16xf32>
      } {sc.loop_unroll_factor = 8 : i64, sc.parallel_access}
      %mul3A_846 = arith.constant 2 : i32
      %mul3A_847 = arith.muli %scan3A_841, %mul3A_846 : i32
      %mul3A_848 = arith.constant 16 : i32
      %mul3A_849 = arith.muli %mul3A_847, %mul3A_848 : i32
      %add3A_850 = arith.constant 768 : i32
      %add3A_851 = arith.addi %add3A_850, %mul3A_849 : i32
      %swap3A_852 = arith.index_cast %add3A_851 : i32 to index
      %swap3A_853 = tpu.vector_load %arg7[%swap3A_852] {strides = array<i32>} : memref<1024xf32, #tpu.memory_space<vmem>>, vector<16xf32>,
      tpu.vector_store %arg7[%swap3A_852], %parallel_loop3A_845#0 {strides = array<i32>} : memref<1024xf32, #tpu.memory_space<vmem>>, vector<16xf32>,
      %swap3A_854 = arith.index_cast %add3A_851 : i32 to index
      %swap3A_855 = tpu.vector_load %arg8[%swap3A_854] {strides = array<i32>} : memref<1024xf32, #tpu.memory_space<vmem>>, vector<16xf32>,
      tpu.vector_store %arg8[%swap3A_854], %parallel_loop3A_845#1 {strides = array<i32>} : memref<1024xf32, #tpu.memory_space<vmem>>, vector<16xf32>,
      %add3A_856 = arith.constant 16 : i32
      %add3A_857 = arith.addi %add3A_851, %add3A_856 : i32
      %swap3A_858 = arith.index_cast %add3A_857 : i32 to index
      %swap3A_859 = tpu.vector_load %arg7[%swap3A_858] {strides = array<i32>} : memref<1024xf32, #tpu.memory_space<vmem>>, vector<16xf32>,
      tpu.vector_store %arg7[%swap3A_858], %parallel_loop3A_845#2 {strides = array<i32>} : memref<1024xf32, #tpu.memory_space<vmem>>, vector<16xf32>,
      %add3A_860 = arith.constant 16 : i32
      %add3A_861 = arith.addi %add3A_851, %add3A_860 : i32
      %swap3A_862 = arith.index_cast %add3A_861 : i32 to index
      %swap3A_863 = tpu.vector_load %arg8[%swap3A_862] {strides = array<i32>} : memref<1024xf32, #tpu.memory_space<vmem>>, vector<16xf32>,
      tpu.vector_store %arg8[%swap3A_862], %parallel_loop3A_845#3 {strides = array<i32>} : memref<1024xf32, #tpu.memory_space<vmem>>, vector<16xf32>,
      %scan3A_864 = arith.constant 0 : i32
      scf.yield %scan3A_864 : i32
    }
    %scan3A_91 = arith.constant 8 : i32
    %mul3A_92 = arith.constant 1024 : i32
    %mul3A_93 = arith.muli %add3A, %mul3A_92 : i32
    %slice3A = vector.extract_strided_slice %get3A_9 {offsets = [0], sizes = [1], strides = [1]} : vector<16xi32> to vector<1xi32>
    %squeeze3A = vector.extract %slice3A[0] : i32 from vector<1xi32>
    %slice3A_94 = vector.extract_strided_slice %get3A_9 {offsets = [1], sizes = [1], strides = [1]} : vector<16xi32> to vector<1xi32>
    %squeeze3A_95 = vector.extract %slice3A_94[0] : i32 from vector<1xi32>
    %sub3A = arith.subi %squeeze3A, %mul3A_93 : i32
    %jit3A = arith.constant 0 : i32
    %jit3A_96 = arith.constant 1024 : i32
    %max3A = arith.maxsi %jit3A, %sub3A : i32
    %min3A = arith.minsi %jit3A_96, %max3A : i32
    %sub3A_97 = arith.subi %squeeze3A_95, %mul3A_93 : i32
    %jit3A_98 = arith.constant 0 : i32
    %jit3A_99 = arith.constant 1024 : i32
    %max3A_100 = arith.maxsi %jit3A_98, %sub3A_97 : i32
    %min3A_101 = arith.minsi %jit3A_99, %max3A_100 : i32
    %div3A = arith.constant 16 : i32
    %div3A_102 = arith.divsi %min3A, %div3A : i32
    %add3A_103 = arith.constant 15 : i32
    %add3A_104 = arith.addi %min3A_101, %add3A_103 : i32
    %div3A_105 = arith.constant 16 : i32
    %div3A_106 = arith.divsi %add3A_104, %div3A_105 : i32
    %while3A = arith.subi %div3A_106, %div3A_102 : i32
    %while3A_107 = arith.addi %div3A_102, %while3A : i32
    %while3A_108 = arith.constant 1 : i32
    %while3A_109 = arith.divsi %while3A, %while3A_108 : i32
    %while3A_110 = arith.muli %while3A_109, %while3A_108 : i32
    %while3A_111 = arith.addi %div3A_102, %while3A_110 : i32
    %while3A_112 = arith.constant 1 : i32
    %while3A_113:2 = scf.for %while3A_841 = %div3A_102 to %while3A_111 step %while3A_112 iter_args(%while3A_842 = %broadcast_in_dim3A_0, %while3A_843 = %broadcast_in_dim3A_0) -> (vector<16xf32>, vector<16xf32>)  : i32 {
      %mul3A_844 = arith.constant 16 : i32
      %mul3A_845 = arith.muli %while3A_841, %mul3A_844 : i32
      %add3A_846 = vector.broadcast %mul3A_845 : i32 to vector<16xi32>
      %add3A_847 = arith.addi %add3A_846, %iota3A : vector<16xi32>
      %ge3A = vector.broadcast %min3A : i32 to vector<16xi32>
      %ge3A_848 = arith.cmpi sge, %add3A_847, %ge3A : vector<16xi32>
      %lt3A = vector.broadcast %min3A_101 : i32 to vector<16xi32>
      %lt3A_849 = arith.cmpi slt, %add3A_847, %lt3A : vector<16xi32>
      %and3A = arith.andi %ge3A_848, %lt3A_849 : vector<16xi1>
      %mul3A_850 = arith.constant 16 : i32
      %mul3A_851 = arith.muli %while3A_841, %mul3A_850 : i32
      %get3A_852 = arith.index_cast %mul3A_851 : i32 to index
      %get3A_853 = tpu.vector_load %arg7[%get3A_852] {strides = array<i32>} : memref<1024xf32, #tpu.memory_space<vmem>>, vector<16xf32>,
      %jit3A_854 = arith.constant 0.000000e+00 : f32
      %broadcast_in_dim3A_855 = vector.broadcast %jit3A_854 : f32 to vector<16xf32>
      %select_n3A_856 = arith.select %and3A, %get3A_853, %broadcast_in_dim3A_855 : vector<16xi1>, vector<16xf32>
      %add3A_857 = arith.addf %while3A_842, %select_n3A_856 : vector<16xf32>
      %mul3A_858 = arith.constant 16 : i32
      %mul3A_859 = arith.muli %while3A_841, %mul3A_858 : i32
      %get3A_860 = arith.index_cast %mul3A_859 : i32 to index
      %get3A_861 = tpu.vector_load %arg8[%get3A_860] {strides = array<i32>} : memref<1024xf32, #tpu.memory_space<vmem>>, vector<16xf32>,
      %jit3A_862 = arith.constant 0.000000e+00 : f32
      %broadcast_in_dim3A_863 = vector.broadcast %jit3A_862 : f32 to vector<16xf32>
      %select_n3A_864 = arith.select %and3A, %get3A_861, %broadcast_in_dim3A_863 : vector<16xi1>, vector<16xf32>
      %add3A_865 = arith.addf %while3A_843, %select_n3A_864 : vector<16xf32>
      scf.yield %add3A_857, %add3A_865 : vector<16xf32>, vector<16xf32>
    }
    %while3A_114 = arith.constant 1 : i32
    %while3A_115:2 = scf.for %while3A_841 = %while3A_111 to %while3A_107 step %while3A_114 iter_args(%while3A_842 = %while3A_113#0, %while3A_843 = %while3A_113#1) -> (vector<16xf32>, vector<16xf32>)  : i32 {
      %mul3A_844 = arith.constant 16 : i32
      %mul3A_845 = arith.muli %while3A_841, %mul3A_844 : i32
      %add3A_846 = vector.broadcast %mul3A_845 : i32 to vector<16xi32>
      %add3A_847 = arith.addi %add3A_846, %iota3A : vector<16xi32>
      %ge3A = vector.broadcast %min3A : i32 to vector<16xi32>
      %ge3A_848 = arith.cmpi sge, %add3A_847, %ge3A : vector<16xi32>
      %lt3A = vector.broadcast %min3A_101 : i32 to vector<16xi32>
      %lt3A_849 = arith.cmpi slt, %add3A_847, %lt3A : vector<16xi32>
      %and3A = arith.andi %ge3A_848, %lt3A_849 : vector<16xi1>
      %mul3A_850 = arith.constant 16 : i32
      %mul3A_851 = arith.muli %while3A_841, %mul3A_850 : i32
      %get3A_852 = arith.index_cast %mul3A_851 : i32 to index
      %get3A_853 = tpu.vector_load %arg7[%get3A_852] {strides = array<i32>} : memref<1024xf32, #tpu.memory_space<vmem>>, vector<16xf32>,
      %jit3A_854 = arith.constant 0.000000e+00 : f32
      %broadcast_in_dim3A_855 = vector.broadcast %jit3A_854 : f32 to vector<16xf32>
      %select_n3A_856 = arith.select %and3A, %get3A_853, %broadcast_in_dim3A_855 : vector<16xi1>, vector<16xf32>
      %add3A_857 = arith.addf %while3A_842, %select_n3A_856 : vector<16xf32>
      %mul3A_858 = arith.constant 16 : i32
      %mul3A_859 = arith.muli %while3A_841, %mul3A_858 : i32
      %get3A_860 = arith.index_cast %mul3A_859 : i32 to index
      %get3A_861 = tpu.vector_load %arg8[%get3A_860] {strides = array<i32>} : memref<1024xf32, #tpu.memory_space<vmem>>, vector<16xf32>,
      %jit3A_862 = arith.constant 0.000000e+00 : f32
      %broadcast_in_dim3A_863 = vector.broadcast %jit3A_862 : f32 to vector<16xf32>
      %select_n3A_864 = arith.select %and3A, %get3A_861, %broadcast_in_dim3A_863 : vector<16xi1>, vector<16xf32>
      %add3A_865 = arith.addf %while3A_843, %select_n3A_864 : vector<16xf32>
      scf.yield %add3A_857, %add3A_865 : vector<16xf32>, vector<16xf32>
    }
    %eq3A = arith.constant 0 : i32
    %eq3A_116 = vector.broadcast %eq3A : i32 to vector<16xi32>
    %eq3A_117 = arith.cmpi eq, %iota3A, %eq3A_116 : vector<16xi32>
    %reduce_sum3A = arith.constant true
    %reduce_sum3A_118 = vector.broadcast %reduce_sum3A : i1 to vector<16xi1>
    %reduce_sum3A_119 = tpu.scan <sum>, %while3A_115#0 masked %reduce_sum3A_118 : vector<16xf32>, vector<16xi1> -> vector<16xf32>
    %reduce_sum3A_120 = vector.extract %reduce_sum3A_119[15] : f32 from vector<16xf32>
    %add3A_121 = vector.broadcast %reduce_sum3A_120 : f32 to vector<16xf32>
    %add3A_122 = arith.addf %broadcast_in_dim3A_0, %add3A_121 : vector<16xf32>
    %select_n3A = arith.select %eq3A_117, %add3A_122, %broadcast_in_dim3A_0 : vector<16xi1>, vector<16xf32>
    %reduce_sum3A_123 = arith.constant true
    %reduce_sum3A_124 = vector.broadcast %reduce_sum3A_123 : i1 to vector<16xi1>
    %reduce_sum3A_125 = tpu.scan <sum>, %while3A_115#1 masked %reduce_sum3A_124 : vector<16xf32>, vector<16xi1> -> vector<16xf32>
    %reduce_sum3A_126 = vector.extract %reduce_sum3A_125[15] : f32 from vector<16xf32>
    %add3A_127 = vector.broadcast %reduce_sum3A_126 : f32 to vector<16xf32>
    %add3A_128 = arith.addf %broadcast_in_dim3A_0, %add3A_127 : vector<16xf32>
    %select_n3A_129 = arith.select %eq3A_117, %add3A_128, %broadcast_in_dim3A_0 : vector<16xi1>, vector<16xf32>
    %slice3A_130 = vector.extract_strided_slice %get3A_9 {offsets = [1], sizes = [1], strides = [1]} : vector<16xi32> to vector<1xi32>
    %squeeze3A_131 = vector.extract %slice3A_130[0] : i32 from vector<1xi32>
    %slice3A_132 = vector.extract_strided_slice %get3A_9 {offsets = [2], sizes = [1], strides = [1]} : vector<16xi32> to vector<1xi32>
    %squeeze3A_133 = vector.extract %slice3A_132[0] : i32 from vector<1xi32>
    %sub3A_134 = arith.subi %squeeze3A_131, %mul3A_93 : i32
    %jit3A_135 = arith.constant 0 : i32
    %jit3A_136 = arith.constant 1024 : i32
    %max3A_137 = arith.maxsi %jit3A_135, %sub3A_134 : i32
    %min3A_138 = arith.minsi %jit3A_136, %max3A_137 : i32
    %sub3A_139 = arith.subi %squeeze3A_133, %mul3A_93 : i32
    %jit3A_140 = arith.constant 0 : i32
    %jit3A_141 = arith.constant 1024 : i32
    %max3A_142 = arith.maxsi %jit3A_140, %sub3A_139 : i32
    %min3A_143 = arith.minsi %jit3A_141, %max3A_142 : i32
    %div3A_144 = arith.constant 16 : i32
    %div3A_145 = arith.divsi %min3A_138, %div3A_144 : i32
    %add3A_146 = arith.constant 15 : i32
    %add3A_147 = arith.addi %min3A_143, %add3A_146 : i32
    %div3A_148 = arith.constant 16 : i32
    %div3A_149 = arith.divsi %add3A_147, %div3A_148 : i32
    %while3A_150 = arith.subi %div3A_149, %div3A_145 : i32
    %while3A_151 = arith.addi %div3A_145, %while3A_150 : i32
    %while3A_152 = arith.constant 1 : i32
    %while3A_153 = arith.divsi %while3A_150, %while3A_152 : i32
    %while3A_154 = arith.muli %while3A_153, %while3A_152 : i32
    %while3A_155 = arith.addi %div3A_145, %while3A_154 : i32
    %while3A_156 = arith.constant 1 : i32
    %while3A_157:2 = scf.for %while3A_841 = %div3A_145 to %while3A_155 step %while3A_156 iter_args(%while3A_842 = %broadcast_in_dim3A_0, %while3A_843 = %broadcast_in_dim3A_0) -> (vector<16xf32>, vector<16xf32>)  : i32 {
      %mul3A_844 = arith.constant 16 : i32
      %mul3A_845 = arith.muli %while3A_841, %mul3A_844 : i32
      %add3A_846 = vector.broadcast %mul3A_845 : i32 to vector<16xi32>
      %add3A_847 = arith.addi %add3A_846, %iota3A : vector<16xi32>
      %ge3A = vector.broadcast %min3A_138 : i32 to vector<16xi32>
      %ge3A_848 = arith.cmpi sge, %add3A_847, %ge3A : vector<16xi32>
      %lt3A = vector.broadcast %min3A_143 : i32 to vector<16xi32>
      %lt3A_849 = arith.cmpi slt, %add3A_847, %lt3A : vector<16xi32>
      %and3A = arith.andi %ge3A_848, %lt3A_849 : vector<16xi1>
      %mul3A_850 = arith.constant 16 : i32
      %mul3A_851 = arith.muli %while3A_841, %mul3A_850 : i32
      %get3A_852 = arith.index_cast %mul3A_851 : i32 to index
      %get3A_853 = tpu.vector_load %arg7[%get3A_852] {strides = array<i32>} : memref<1024xf32, #tpu.memory_space<vmem>>, vector<16xf32>,
      %jit3A_854 = arith.constant 0.000000e+00 : f32
      %broadcast_in_dim3A_855 = vector.broadcast %jit3A_854 : f32 to vector<16xf32>
      %select_n3A_856 = arith.select %and3A, %get3A_853, %broadcast_in_dim3A_855 : vector<16xi1>, vector<16xf32>
      %add3A_857 = arith.addf %while3A_842, %select_n3A_856 : vector<16xf32>
      %mul3A_858 = arith.constant 16 : i32
      %mul3A_859 = arith.muli %while3A_841, %mul3A_858 : i32
      %get3A_860 = arith.index_cast %mul3A_859 : i32 to index
      %get3A_861 = tpu.vector_load %arg8[%get3A_860] {strides = array<i32>} : memref<1024xf32, #tpu.memory_space<vmem>>, vector<16xf32>,
      %jit3A_862 = arith.constant 0.000000e+00 : f32
      %broadcast_in_dim3A_863 = vector.broadcast %jit3A_862 : f32 to vector<16xf32>
      %select_n3A_864 = arith.select %and3A, %get3A_861, %broadcast_in_dim3A_863 : vector<16xi1>, vector<16xf32>
      %add3A_865 = arith.addf %while3A_843, %select_n3A_864 : vector<16xf32>
      scf.yield %add3A_857, %add3A_865 : vector<16xf32>, vector<16xf32>
    }
    %while3A_158 = arith.constant 1 : i32
    %while3A_159:2 = scf.for %while3A_841 = %while3A_155 to %while3A_151 step %while3A_158 iter_args(%while3A_842 = %while3A_157#0, %while3A_843 = %while3A_157#1) -> (vector<16xf32>, vector<16xf32>)  : i32 {
      %mul3A_844 = arith.constant 16 : i32
      %mul3A_845 = arith.muli %while3A_841, %mul3A_844 : i32
      %add3A_846 = vector.broadcast %mul3A_845 : i32 to vector<16xi32>
      %add3A_847 = arith.addi %add3A_846, %iota3A : vector<16xi32>
      %ge3A = vector.broadcast %min3A_138 : i32 to vector<16xi32>
      %ge3A_848 = arith.cmpi sge, %add3A_847, %ge3A : vector<16xi32>
      %lt3A = vector.broadcast %min3A_143 : i32 to vector<16xi32>
      %lt3A_849 = arith.cmpi slt, %add3A_847, %lt3A : vector<16xi32>
      %and3A = arith.andi %ge3A_848, %lt3A_849 : vector<16xi1>
      %mul3A_850 = arith.constant 16 : i32
      %mul3A_851 = arith.muli %while3A_841, %mul3A_850 : i32
      %get3A_852 = arith.index_cast %mul3A_851 : i32 to index
      %get3A_853 = tpu.vector_load %arg7[%get3A_852] {strides = array<i32>} : memref<1024xf32, #tpu.memory_space<vmem>>, vector<16xf32>,
      %jit3A_854 = arith.constant 0.000000e+00 : f32
      %broadcast_in_dim3A_855 = vector.broadcast %jit3A_854 : f32 to vector<16xf32>
      %select_n3A_856 = arith.select %and3A, %get3A_853, %broadcast_in_dim3A_855 : vector<16xi1>, vector<16xf32>
      %add3A_857 = arith.addf %while3A_842, %select_n3A_856 : vector<16xf32>
      %mul3A_858 = arith.constant 16 : i32
      %mul3A_859 = arith.muli %while3A_841, %mul3A_858 : i32
      %get3A_860 = arith.index_cast %mul3A_859 : i32 to index
      %get3A_861 = tpu.vector_load %arg8[%get3A_860] {strides = array<i32>} : memref<1024xf32, #tpu.memory_space<vmem>>, vector<16xf32>,
      %jit3A_862 = arith.constant 0.000000e+00 : f32
      %broadcast_in_dim3A_863 = vector.broadcast %jit3A_862 : f32 to vector<16xf32>
      %select_n3A_864 = arith.select %and3A, %get3A_861, %broadcast_in_dim3A_863 : vector<16xi1>, vector<16xf32>
      %add3A_865 = arith.addf %while3A_843, %select_n3A_864 : vector<16xf32>
      scf.yield %add3A_857, %add3A_865 : vector<16xf32>, vector<16xf32>
    }
    %eq3A_160 = arith.constant 1 : i32
    %eq3A_161 = vector.broadcast %eq3A_160 : i32 to vector<16xi32>
    %eq3A_162 = arith.cmpi eq, %iota3A, %eq3A_161 : vector<16xi32>
    %reduce_sum3A_163 = arith.constant true
    %reduce_sum3A_164 = vector.broadcast %reduce_sum3A_163 : i1 to vector<16xi1>
    %reduce_sum3A_165 = tpu.scan <sum>, %while3A_159#0 masked %reduce_sum3A_164 : vector<16xf32>, vector<16xi1> -> vector<16xf32>
    %reduce_sum3A_166 = vector.extract %reduce_sum3A_165[15] : f32 from vector<16xf32>
    %add3A_167 = vector.broadcast %reduce_sum3A_166 : f32 to vector<16xf32>
    %add3A_168 = arith.addf %select_n3A, %add3A_167 : vector<16xf32>
    %select_n3A_169 = arith.select %eq3A_162, %add3A_168, %select_n3A : vector<16xi1>, vector<16xf32>
    %reduce_sum3A_170 = arith.constant true
    %reduce_sum3A_171 = vector.broadcast %reduce_sum3A_170 : i1 to vector<16xi1>
    %reduce_sum3A_172 = tpu.scan <sum>, %while3A_159#1 masked %reduce_sum3A_171 : vector<16xf32>, vector<16xi1> -> vector<16xf32>
    %reduce_sum3A_173 = vector.extract %reduce_sum3A_172[15] : f32 from vector<16xf32>
    %add3A_174 = vector.broadcast %reduce_sum3A_173 : f32 to vector<16xf32>
    %add3A_175 = arith.addf %select_n3A_129, %add3A_174 : vector<16xf32>
    %select_n3A_176 = arith.select %eq3A_162, %add3A_175, %select_n3A_129 : vector<16xi1>, vector<16xf32>
    %slice3A_177 = vector.extract_strided_slice %get3A_9 {offsets = [2], sizes = [1], strides = [1]} : vector<16xi32> to vector<1xi32>
    %squeeze3A_178 = vector.extract %slice3A_177[0] : i32 from vector<1xi32>
    %slice3A_179 = vector.extract_strided_slice %get3A_9 {offsets = [3], sizes = [1], strides = [1]} : vector<16xi32> to vector<1xi32>
    %squeeze3A_180 = vector.extract %slice3A_179[0] : i32 from vector<1xi32>
    %sub3A_181 = arith.subi %squeeze3A_178, %mul3A_93 : i32
    %jit3A_182 = arith.constant 0 : i32
    %jit3A_183 = arith.constant 1024 : i32
    %max3A_184 = arith.maxsi %jit3A_182, %sub3A_181 : i32
    %min3A_185 = arith.minsi %jit3A_183, %max3A_184 : i32
    %sub3A_186 = arith.subi %squeeze3A_180, %mul3A_93 : i32
    %jit3A_187 = arith.constant 0 : i32
    %jit3A_188 = arith.constant 1024 : i32
    %max3A_189 = arith.maxsi %jit3A_187, %sub3A_186 : i32
    %min3A_190 = arith.minsi %jit3A_188, %max3A_189 : i32
    %div3A_191 = arith.constant 16 : i32
    %div3A_192 = arith.divsi %min3A_185, %div3A_191 : i32
    %add3A_193 = arith.constant 15 : i32
    %add3A_194 = arith.addi %min3A_190, %add3A_193 : i32
    %div3A_195 = arith.constant 16 : i32
    %div3A_196 = arith.divsi %add3A_194, %div3A_195 : i32
    %while3A_197 = arith.subi %div3A_196, %div3A_192 : i32
    %while3A_198 = arith.addi %div3A_192, %while3A_197 : i32
    %while3A_199 = arith.constant 1 : i32
    %while3A_200 = arith.divsi %while3A_197, %while3A_199 : i32
    %while3A_201 = arith.muli %while3A_200, %while3A_199 : i32
    %while3A_202 = arith.addi %div3A_192, %while3A_201 : i32
    %while3A_203 = arith.constant 1 : i32
    %while3A_204:2 = scf.for %while3A_841 = %div3A_192 to %while3A_202 step %while3A_203 iter_args(%while3A_842 = %broadcast_in_dim3A_0, %while3A_843 = %broadcast_in_dim3A_0) -> (vector<16xf32>, vector<16xf32>)  : i32 {
      %mul3A_844 = arith.constant 16 : i32
      %mul3A_845 = arith.muli %while3A_841, %mul3A_844 : i32
      %add3A_846 = vector.broadcast %mul3A_845 : i32 to vector<16xi32>
      %add3A_847 = arith.addi %add3A_846, %iota3A : vector<16xi32>
      %ge3A = vector.broadcast %min3A_185 : i32 to vector<16xi32>
      %ge3A_848 = arith.cmpi sge, %add3A_847, %ge3A : vector<16xi32>
      %lt3A = vector.broadcast %min3A_190 : i32 to vector<16xi32>
      %lt3A_849 = arith.cmpi slt, %add3A_847, %lt3A : vector<16xi32>
      %and3A = arith.andi %ge3A_848, %lt3A_849 : vector<16xi1>
      %mul3A_850 = arith.constant 16 : i32
      %mul3A_851 = arith.muli %while3A_841, %mul3A_850 : i32
      %get3A_852 = arith.index_cast %mul3A_851 : i32 to index
      %get3A_853 = tpu.vector_load %arg7[%get3A_852] {strides = array<i32>} : memref<1024xf32, #tpu.memory_space<vmem>>, vector<16xf32>,
      %jit3A_854 = arith.constant 0.000000e+00 : f32
      %broadcast_in_dim3A_855 = vector.broadcast %jit3A_854 : f32 to vector<16xf32>
      %select_n3A_856 = arith.select %and3A, %get3A_853, %broadcast_in_dim3A_855 : vector<16xi1>, vector<16xf32>
      %add3A_857 = arith.addf %while3A_842, %select_n3A_856 : vector<16xf32>
      %mul3A_858 = arith.constant 16 : i32
      %mul3A_859 = arith.muli %while3A_841, %mul3A_858 : i32
      %get3A_860 = arith.index_cast %mul3A_859 : i32 to index
      %get3A_861 = tpu.vector_load %arg8[%get3A_860] {strides = array<i32>} : memref<1024xf32, #tpu.memory_space<vmem>>, vector<16xf32>,
      %jit3A_862 = arith.constant 0.000000e+00 : f32
      %broadcast_in_dim3A_863 = vector.broadcast %jit3A_862 : f32 to vector<16xf32>
      %select_n3A_864 = arith.select %and3A, %get3A_861, %broadcast_in_dim3A_863 : vector<16xi1>, vector<16xf32>
      %add3A_865 = arith.addf %while3A_843, %select_n3A_864 : vector<16xf32>
      scf.yield %add3A_857, %add3A_865 : vector<16xf32>, vector<16xf32>
    }
    %while3A_205 = arith.constant 1 : i32
    %while3A_206:2 = scf.for %while3A_841 = %while3A_202 to %while3A_198 step %while3A_205 iter_args(%while3A_842 = %while3A_204#0, %while3A_843 = %while3A_204#1) -> (vector<16xf32>, vector<16xf32>)  : i32 {
      %mul3A_844 = arith.constant 16 : i32
      %mul3A_845 = arith.muli %while3A_841, %mul3A_844 : i32
      %add3A_846 = vector.broadcast %mul3A_845 : i32 to vector<16xi32>
      %add3A_847 = arith.addi %add3A_846, %iota3A : vector<16xi32>
      %ge3A = vector.broadcast %min3A_185 : i32 to vector<16xi32>
      %ge3A_848 = arith.cmpi sge, %add3A_847, %ge3A : vector<16xi32>
      %lt3A = vector.broadcast %min3A_190 : i32 to vector<16xi32>
      %lt3A_849 = arith.cmpi slt, %add3A_847, %lt3A : vector<16xi32>
      %and3A = arith.andi %ge3A_848, %lt3A_849 : vector<16xi1>
      %mul3A_850 = arith.constant 16 : i32
      %mul3A_851 = arith.muli %while3A_841, %mul3A_850 : i32
      %get3A_852 = arith.index_cast %mul3A_851 : i32 to index
      %get3A_853 = tpu.vector_load %arg7[%get3A_852] {strides = array<i32>} : memref<1024xf32, #tpu.memory_space<vmem>>, vector<16xf32>,
      %jit3A_854 = arith.constant 0.000000e+00 : f32
      %broadcast_in_dim3A_855 = vector.broadcast %jit3A_854 : f32 to vector<16xf32>
      %select_n3A_856 = arith.select %and3A, %get3A_853, %broadcast_in_dim3A_855 : vector<16xi1>, vector<16xf32>
      %add3A_857 = arith.addf %while3A_842, %select_n3A_856 : vector<16xf32>
      %mul3A_858 = arith.constant 16 : i32
      %mul3A_859 = arith.muli %while3A_841, %mul3A_858 : i32
      %get3A_860 = arith.index_cast %mul3A_859 : i32 to index
      %get3A_861 = tpu.vector_load %arg8[%get3A_860] {strides = array<i32>} : memref<1024xf32, #tpu.memory_space<vmem>>, vector<16xf32>,
      %jit3A_862 = arith.constant 0.000000e+00 : f32
      %broadcast_in_dim3A_863 = vector.broadcast %jit3A_862 : f32 to vector<16xf32>
      %select_n3A_864 = arith.select %and3A, %get3A_861, %broadcast_in_dim3A_863 : vector<16xi1>, vector<16xf32>
      %add3A_865 = arith.addf %while3A_843, %select_n3A_864 : vector<16xf32>
      scf.yield %add3A_857, %add3A_865 : vector<16xf32>, vector<16xf32>
    }
    %eq3A_207 = arith.constant 2 : i32
    %eq3A_208 = vector.broadcast %eq3A_207 : i32 to vector<16xi32>
    %eq3A_209 = arith.cmpi eq, %iota3A, %eq3A_208 : vector<16xi32>
    %reduce_sum3A_210 = arith.constant true
    %reduce_sum3A_211 = vector.broadcast %reduce_sum3A_210 : i1 to vector<16xi1>
    %reduce_sum3A_212 = tpu.scan <sum>, %while3A_206#0 masked %reduce_sum3A_211 : vector<16xf32>, vector<16xi1> -> vector<16xf32>
    %reduce_sum3A_213 = vector.extract %reduce_sum3A_212[15] : f32 from vector<16xf32>
    %add3A_214 = vector.broadcast %reduce_sum3A_213 : f32 to vector<16xf32>
    %add3A_215 = arith.addf %select_n3A_169, %add3A_214 : vector<16xf32>
    %select_n3A_216 = arith.select %eq3A_209, %add3A_215, %select_n3A_169 : vector<16xi1>, vector<16xf32>
    %reduce_sum3A_217 = arith.constant true
    %reduce_sum3A_218 = vector.broadcast %reduce_sum3A_217 : i1 to vector<16xi1>
    %reduce_sum3A_219 = tpu.scan <sum>, %while3A_206#1 masked %reduce_sum3A_218 : vector<16xf32>, vector<16xi1> -> vector<16xf32>
    %reduce_sum3A_220 = vector.extract %reduce_sum3A_219[15] : f32 from vector<16xf32>
    %add3A_221 = vector.broadcast %reduce_sum3A_220 : f32 to vector<16xf32>
    %add3A_222 = arith.addf %select_n3A_176, %add3A_221 : vector<16xf32>
    %select_n3A_223 = arith.select %eq3A_209, %add3A_222, %select_n3A_176 : vector<16xi1>, vector<16xf32>
    %slice3A_224 = vector.extract_strided_slice %get3A_9 {offsets = [3], sizes = [1], strides = [1]} : vector<16xi32> to vector<1xi32>
    %squeeze3A_225 = vector.extract %slice3A_224[0] : i32 from vector<1xi32>
    %slice3A_226 = vector.extract_strided_slice %get3A_9 {offsets = [4], sizes = [1], strides = [1]} : vector<16xi32> to vector<1xi32>
    %squeeze3A_227 = vector.extract %slice3A_226[0] : i32 from vector<1xi32>
    %sub3A_228 = arith.subi %squeeze3A_225, %mul3A_93 : i32
    %jit3A_229 = arith.constant 0 : i32
    %jit3A_230 = arith.constant 1024 : i32
    %max3A_231 = arith.maxsi %jit3A_229, %sub3A_228 : i32
    %min3A_232 = arith.minsi %jit3A_230, %max3A_231 : i32
    %sub3A_233 = arith.subi %squeeze3A_227, %mul3A_93 : i32
    %jit3A_234 = arith.constant 0 : i32
    %jit3A_235 = arith.constant 1024 : i32
    %max3A_236 = arith.maxsi %jit3A_234, %sub3A_233 : i32
    %min3A_237 = arith.minsi %jit3A_235, %max3A_236 : i32
    %div3A_238 = arith.constant 16 : i32
    %div3A_239 = arith.divsi %min3A_232, %div3A_238 : i32
    %add3A_240 = arith.constant 15 : i32
    %add3A_241 = arith.addi %min3A_237, %add3A_240 : i32
    %div3A_242 = arith.constant 16 : i32
    %div3A_243 = arith.divsi %add3A_241, %div3A_242 : i32
    %while3A_244 = arith.subi %div3A_243, %div3A_239 : i32
    %while3A_245 = arith.addi %div3A_239, %while3A_244 : i32
    %while3A_246 = arith.constant 1 : i32
    %while3A_247 = arith.divsi %while3A_244, %while3A_246 : i32
    %while3A_248 = arith.muli %while3A_247, %while3A_246 : i32
    %while3A_249 = arith.addi %div3A_239, %while3A_248 : i32
    %while3A_250 = arith.constant 1 : i32
    %while3A_251:2 = scf.for %while3A_841 = %div3A_239 to %while3A_249 step %while3A_250 iter_args(%while3A_842 = %broadcast_in_dim3A_0, %while3A_843 = %broadcast_in_dim3A_0) -> (vector<16xf32>, vector<16xf32>)  : i32 {
      %mul3A_844 = arith.constant 16 : i32
      %mul3A_845 = arith.muli %while3A_841, %mul3A_844 : i32
      %add3A_846 = vector.broadcast %mul3A_845 : i32 to vector<16xi32>
      %add3A_847 = arith.addi %add3A_846, %iota3A : vector<16xi32>
      %ge3A = vector.broadcast %min3A_232 : i32 to vector<16xi32>
      %ge3A_848 = arith.cmpi sge, %add3A_847, %ge3A : vector<16xi32>
      %lt3A = vector.broadcast %min3A_237 : i32 to vector<16xi32>
      %lt3A_849 = arith.cmpi slt, %add3A_847, %lt3A : vector<16xi32>
      %and3A = arith.andi %ge3A_848, %lt3A_849 : vector<16xi1>
      %mul3A_850 = arith.constant 16 : i32
      %mul3A_851 = arith.muli %while3A_841, %mul3A_850 : i32
      %get3A_852 = arith.index_cast %mul3A_851 : i32 to index
      %get3A_853 = tpu.vector_load %arg7[%get3A_852] {strides = array<i32>} : memref<1024xf32, #tpu.memory_space<vmem>>, vector<16xf32>,
      %jit3A_854 = arith.constant 0.000000e+00 : f32
      %broadcast_in_dim3A_855 = vector.broadcast %jit3A_854 : f32 to vector<16xf32>
      %select_n3A_856 = arith.select %and3A, %get3A_853, %broadcast_in_dim3A_855 : vector<16xi1>, vector<16xf32>
      %add3A_857 = arith.addf %while3A_842, %select_n3A_856 : vector<16xf32>
      %mul3A_858 = arith.constant 16 : i32
      %mul3A_859 = arith.muli %while3A_841, %mul3A_858 : i32
      %get3A_860 = arith.index_cast %mul3A_859 : i32 to index
      %get3A_861 = tpu.vector_load %arg8[%get3A_860] {strides = array<i32>} : memref<1024xf32, #tpu.memory_space<vmem>>, vector<16xf32>,
      %jit3A_862 = arith.constant 0.000000e+00 : f32
      %broadcast_in_dim3A_863 = vector.broadcast %jit3A_862 : f32 to vector<16xf32>
      %select_n3A_864 = arith.select %and3A, %get3A_861, %broadcast_in_dim3A_863 : vector<16xi1>, vector<16xf32>
      %add3A_865 = arith.addf %while3A_843, %select_n3A_864 : vector<16xf32>
      scf.yield %add3A_857, %add3A_865 : vector<16xf32>, vector<16xf32>
    }
    %while3A_252 = arith.constant 1 : i32
    %while3A_253:2 = scf.for %while3A_841 = %while3A_249 to %while3A_245 step %while3A_252 iter_args(%while3A_842 = %while3A_251#0, %while3A_843 = %while3A_251#1) -> (vector<16xf32>, vector<16xf32>)  : i32 {
      %mul3A_844 = arith.constant 16 : i32
      %mul3A_845 = arith.muli %while3A_841, %mul3A_844 : i32
      %add3A_846 = vector.broadcast %mul3A_845 : i32 to vector<16xi32>
      %add3A_847 = arith.addi %add3A_846, %iota3A : vector<16xi32>
      %ge3A = vector.broadcast %min3A_232 : i32 to vector<16xi32>
      %ge3A_848 = arith.cmpi sge, %add3A_847, %ge3A : vector<16xi32>
      %lt3A = vector.broadcast %min3A_237 : i32 to vector<16xi32>
      %lt3A_849 = arith.cmpi slt, %add3A_847, %lt3A : vector<16xi32>
      %and3A = arith.andi %ge3A_848, %lt3A_849 : vector<16xi1>
      %mul3A_850 = arith.constant 16 : i32
      %mul3A_851 = arith.muli %while3A_841, %mul3A_850 : i32
      %get3A_852 = arith.index_cast %mul3A_851 : i32 to index
      %get3A_853 = tpu.vector_load %arg7[%get3A_852] {strides = array<i32>} : memref<1024xf32, #tpu.memory_space<vmem>>, vector<16xf32>,
      %jit3A_854 = arith.constant 0.000000e+00 : f32
      %broadcast_in_dim3A_855 = vector.broadcast %jit3A_854 : f32 to vector<16xf32>
      %select_n3A_856 = arith.select %and3A, %get3A_853, %broadcast_in_dim3A_855 : vector<16xi1>, vector<16xf32>
      %add3A_857 = arith.addf %while3A_842, %select_n3A_856 : vector<16xf32>
      %mul3A_858 = arith.constant 16 : i32
      %mul3A_859 = arith.muli %while3A_841, %mul3A_858 : i32
      %get3A_860 = arith.index_cast %mul3A_859 : i32 to index
      %get3A_861 = tpu.vector_load %arg8[%get3A_860] {strides = array<i32>} : memref<1024xf32, #tpu.memory_space<vmem>>, vector<16xf32>,
      %jit3A_862 = arith.constant 0.000000e+00 : f32
      %broadcast_in_dim3A_863 = vector.broadcast %jit3A_862 : f32 to vector<16xf32>
      %select_n3A_864 = arith.select %and3A, %get3A_861, %broadcast_in_dim3A_863 : vector<16xi1>, vector<16xf32>
      %add3A_865 = arith.addf %while3A_843, %select_n3A_864 : vector<16xf32>
      scf.yield %add3A_857, %add3A_865 : vector<16xf32>, vector<16xf32>
    }
    %eq3A_254 = arith.constant 3 : i32
    %eq3A_255 = vector.broadcast %eq3A_254 : i32 to vector<16xi32>
    %eq3A_256 = arith.cmpi eq, %iota3A, %eq3A_255 : vector<16xi32>
    %reduce_sum3A_257 = arith.constant true
    %reduce_sum3A_258 = vector.broadcast %reduce_sum3A_257 : i1 to vector<16xi1>
    %reduce_sum3A_259 = tpu.scan <sum>, %while3A_253#0 masked %reduce_sum3A_258 : vector<16xf32>, vector<16xi1> -> vector<16xf32>
    %reduce_sum3A_260 = vector.extract %reduce_sum3A_259[15] : f32 from vector<16xf32>
    %add3A_261 = vector.broadcast %reduce_sum3A_260 : f32 to vector<16xf32>
    %add3A_262 = arith.addf %select_n3A_216, %add3A_261 : vector<16xf32>
    %select_n3A_263 = arith.select %eq3A_256, %add3A_262, %select_n3A_216 : vector<16xi1>, vector<16xf32>
    %reduce_sum3A_264 = arith.constant true
    %reduce_sum3A_265 = vector.broadcast %reduce_sum3A_264 : i1 to vector<16xi1>
    %reduce_sum3A_266 = tpu.scan <sum>, %while3A_253#1 masked %reduce_sum3A_265 : vector<16xf32>, vector<16xi1> -> vector<16xf32>
    %reduce_sum3A_267 = vector.extract %reduce_sum3A_266[15] : f32 from vector<16xf32>
    %add3A_268 = vector.broadcast %reduce_sum3A_267 : f32 to vector<16xf32>
    %add3A_269 = arith.addf %select_n3A_223, %add3A_268 : vector<16xf32>
    %select_n3A_270 = arith.select %eq3A_256, %add3A_269, %select_n3A_223 : vector<16xi1>, vector<16xf32>
    %slice3A_271 = vector.extract_strided_slice %get3A_9 {offsets = [4], sizes = [1], strides = [1]} : vector<16xi32> to vector<1xi32>
    %squeeze3A_272 = vector.extract %slice3A_271[0] : i32 from vector<1xi32>
    %slice3A_273 = vector.extract_strided_slice %get3A_9 {offsets = [5], sizes = [1], strides = [1]} : vector<16xi32> to vector<1xi32>
    %squeeze3A_274 = vector.extract %slice3A_273[0] : i32 from vector<1xi32>
    %sub3A_275 = arith.subi %squeeze3A_272, %mul3A_93 : i32
    %jit3A_276 = arith.constant 0 : i32
    %jit3A_277 = arith.constant 1024 : i32
    %max3A_278 = arith.maxsi %jit3A_276, %sub3A_275 : i32
    %min3A_279 = arith.minsi %jit3A_277, %max3A_278 : i32
    %sub3A_280 = arith.subi %squeeze3A_274, %mul3A_93 : i32
    %jit3A_281 = arith.constant 0 : i32
    %jit3A_282 = arith.constant 1024 : i32
    %max3A_283 = arith.maxsi %jit3A_281, %sub3A_280 : i32
    %min3A_284 = arith.minsi %jit3A_282, %max3A_283 : i32
    %div3A_285 = arith.constant 16 : i32
    %div3A_286 = arith.divsi %min3A_279, %div3A_285 : i32
    %add3A_287 = arith.constant 15 : i32
    %add3A_288 = arith.addi %min3A_284, %add3A_287 : i32
    %div3A_289 = arith.constant 16 : i32
    %div3A_290 = arith.divsi %add3A_288, %div3A_289 : i32
    %while3A_291 = arith.subi %div3A_290, %div3A_286 : i32
    %while3A_292 = arith.addi %div3A_286, %while3A_291 : i32
    %while3A_293 = arith.constant 1 : i32
    %while3A_294 = arith.divsi %while3A_291, %while3A_293 : i32
    %while3A_295 = arith.muli %while3A_294, %while3A_293 : i32
    %while3A_296 = arith.addi %div3A_286, %while3A_295 : i32
    %while3A_297 = arith.constant 1 : i32
    %while3A_298:2 = scf.for %while3A_841 = %div3A_286 to %while3A_296 step %while3A_297 iter_args(%while3A_842 = %broadcast_in_dim3A_0, %while3A_843 = %broadcast_in_dim3A_0) -> (vector<16xf32>, vector<16xf32>)  : i32 {
      %mul3A_844 = arith.constant 16 : i32
      %mul3A_845 = arith.muli %while3A_841, %mul3A_844 : i32
      %add3A_846 = vector.broadcast %mul3A_845 : i32 to vector<16xi32>
      %add3A_847 = arith.addi %add3A_846, %iota3A : vector<16xi32>
      %ge3A = vector.broadcast %min3A_279 : i32 to vector<16xi32>
      %ge3A_848 = arith.cmpi sge, %add3A_847, %ge3A : vector<16xi32>
      %lt3A = vector.broadcast %min3A_284 : i32 to vector<16xi32>
      %lt3A_849 = arith.cmpi slt, %add3A_847, %lt3A : vector<16xi32>
      %and3A = arith.andi %ge3A_848, %lt3A_849 : vector<16xi1>
      %mul3A_850 = arith.constant 16 : i32
      %mul3A_851 = arith.muli %while3A_841, %mul3A_850 : i32
      %get3A_852 = arith.index_cast %mul3A_851 : i32 to index
      %get3A_853 = tpu.vector_load %arg7[%get3A_852] {strides = array<i32>} : memref<1024xf32, #tpu.memory_space<vmem>>, vector<16xf32>,
      %jit3A_854 = arith.constant 0.000000e+00 : f32
      %broadcast_in_dim3A_855 = vector.broadcast %jit3A_854 : f32 to vector<16xf32>
      %select_n3A_856 = arith.select %and3A, %get3A_853, %broadcast_in_dim3A_855 : vector<16xi1>, vector<16xf32>
      %add3A_857 = arith.addf %while3A_842, %select_n3A_856 : vector<16xf32>
      %mul3A_858 = arith.constant 16 : i32
      %mul3A_859 = arith.muli %while3A_841, %mul3A_858 : i32
      %get3A_860 = arith.index_cast %mul3A_859 : i32 to index
      %get3A_861 = tpu.vector_load %arg8[%get3A_860] {strides = array<i32>} : memref<1024xf32, #tpu.memory_space<vmem>>, vector<16xf32>,
      %jit3A_862 = arith.constant 0.000000e+00 : f32
      %broadcast_in_dim3A_863 = vector.broadcast %jit3A_862 : f32 to vector<16xf32>
      %select_n3A_864 = arith.select %and3A, %get3A_861, %broadcast_in_dim3A_863 : vector<16xi1>, vector<16xf32>
      %add3A_865 = arith.addf %while3A_843, %select_n3A_864 : vector<16xf32>
      scf.yield %add3A_857, %add3A_865 : vector<16xf32>, vector<16xf32>
    }
    %while3A_299 = arith.constant 1 : i32
    %while3A_300:2 = scf.for %while3A_841 = %while3A_296 to %while3A_292 step %while3A_299 iter_args(%while3A_842 = %while3A_298#0, %while3A_843 = %while3A_298#1) -> (vector<16xf32>, vector<16xf32>)  : i32 {
      %mul3A_844 = arith.constant 16 : i32
      %mul3A_845 = arith.muli %while3A_841, %mul3A_844 : i32
      %add3A_846 = vector.broadcast %mul3A_845 : i32 to vector<16xi32>
      %add3A_847 = arith.addi %add3A_846, %iota3A : vector<16xi32>
      %ge3A = vector.broadcast %min3A_279 : i32 to vector<16xi32>
      %ge3A_848 = arith.cmpi sge, %add3A_847, %ge3A : vector<16xi32>
      %lt3A = vector.broadcast %min3A_284 : i32 to vector<16xi32>
      %lt3A_849 = arith.cmpi slt, %add3A_847, %lt3A : vector<16xi32>
      %and3A = arith.andi %ge3A_848, %lt3A_849 : vector<16xi1>
      %mul3A_850 = arith.constant 16 : i32
      %mul3A_851 = arith.muli %while3A_841, %mul3A_850 : i32
      %get3A_852 = arith.index_cast %mul3A_851 : i32 to index
      %get3A_853 = tpu.vector_load %arg7[%get3A_852] {strides = array<i32>} : memref<1024xf32, #tpu.memory_space<vmem>>, vector<16xf32>,
      %jit3A_854 = arith.constant 0.000000e+00 : f32
      %broadcast_in_dim3A_855 = vector.broadcast %jit3A_854 : f32 to vector<16xf32>
      %select_n3A_856 = arith.select %and3A, %get3A_853, %broadcast_in_dim3A_855 : vector<16xi1>, vector<16xf32>
      %add3A_857 = arith.addf %while3A_842, %select_n3A_856 : vector<16xf32>
      %mul3A_858 = arith.constant 16 : i32
      %mul3A_859 = arith.muli %while3A_841, %mul3A_858 : i32
      %get3A_860 = arith.index_cast %mul3A_859 : i32 to index
      %get3A_861 = tpu.vector_load %arg8[%get3A_860] {strides = array<i32>} : memref<1024xf32, #tpu.memory_space<vmem>>, vector<16xf32>,
      %jit3A_862 = arith.constant 0.000000e+00 : f32
      %broadcast_in_dim3A_863 = vector.broadcast %jit3A_862 : f32 to vector<16xf32>
      %select_n3A_864 = arith.select %and3A, %get3A_861, %broadcast_in_dim3A_863 : vector<16xi1>, vector<16xf32>
      %add3A_865 = arith.addf %while3A_843, %select_n3A_864 : vector<16xf32>
      scf.yield %add3A_857, %add3A_865 : vector<16xf32>, vector<16xf32>
    }
    %eq3A_301 = arith.constant 4 : i32
    %eq3A_302 = vector.broadcast %eq3A_301 : i32 to vector<16xi32>
    %eq3A_303 = arith.cmpi eq, %iota3A, %eq3A_302 : vector<16xi32>
    %reduce_sum3A_304 = arith.constant true
    %reduce_sum3A_305 = vector.broadcast %reduce_sum3A_304 : i1 to vector<16xi1>
    %reduce_sum3A_306 = tpu.scan <sum>, %while3A_300#0 masked %reduce_sum3A_305 : vector<16xf32>, vector<16xi1> -> vector<16xf32>
    %reduce_sum3A_307 = vector.extract %reduce_sum3A_306[15] : f32 from vector<16xf32>
    %add3A_308 = vector.broadcast %reduce_sum3A_307 : f32 to vector<16xf32>
    %add3A_309 = arith.addf %select_n3A_263, %add3A_308 : vector<16xf32>
    %select_n3A_310 = arith.select %eq3A_303, %add3A_309, %select_n3A_263 : vector<16xi1>, vector<16xf32>
    %reduce_sum3A_311 = arith.constant true
    %reduce_sum3A_312 = vector.broadcast %reduce_sum3A_311 : i1 to vector<16xi1>
    %reduce_sum3A_313 = tpu.scan <sum>, %while3A_300#1 masked %reduce_sum3A_312 : vector<16xf32>, vector<16xi1> -> vector<16xf32>
    %reduce_sum3A_314 = vector.extract %reduce_sum3A_313[15] : f32 from vector<16xf32>
    %add3A_315 = vector.broadcast %reduce_sum3A_314 : f32 to vector<16xf32>
    %add3A_316 = arith.addf %select_n3A_270, %add3A_315 : vector<16xf32>
    %select_n3A_317 = arith.select %eq3A_303, %add3A_316, %select_n3A_270 : vector<16xi1>, vector<16xf32>
    %slice3A_318 = vector.extract_strided_slice %get3A_9 {offsets = [5], sizes = [1], strides = [1]} : vector<16xi32> to vector<1xi32>
    %squeeze3A_319 = vector.extract %slice3A_318[0] : i32 from vector<1xi32>
    %slice3A_320 = vector.extract_strided_slice %get3A_9 {offsets = [6], sizes = [1], strides = [1]} : vector<16xi32> to vector<1xi32>
    %squeeze3A_321 = vector.extract %slice3A_320[0] : i32 from vector<1xi32>
    %sub3A_322 = arith.subi %squeeze3A_319, %mul3A_93 : i32
    %jit3A_323 = arith.constant 0 : i32
    %jit3A_324 = arith.constant 1024 : i32
    %max3A_325 = arith.maxsi %jit3A_323, %sub3A_322 : i32
    %min3A_326 = arith.minsi %jit3A_324, %max3A_325 : i32
    %sub3A_327 = arith.subi %squeeze3A_321, %mul3A_93 : i32
    %jit3A_328 = arith.constant 0 : i32
    %jit3A_329 = arith.constant 1024 : i32
    %max3A_330 = arith.maxsi %jit3A_328, %sub3A_327 : i32
    %min3A_331 = arith.minsi %jit3A_329, %max3A_330 : i32
    %div3A_332 = arith.constant 16 : i32
    %div3A_333 = arith.divsi %min3A_326, %div3A_332 : i32
    %add3A_334 = arith.constant 15 : i32
    %add3A_335 = arith.addi %min3A_331, %add3A_334 : i32
    %div3A_336 = arith.constant 16 : i32
    %div3A_337 = arith.divsi %add3A_335, %div3A_336 : i32
    %while3A_338 = arith.subi %div3A_337, %div3A_333 : i32
    %while3A_339 = arith.addi %div3A_333, %while3A_338 : i32
    %while3A_340 = arith.constant 1 : i32
    %while3A_341 = arith.divsi %while3A_338, %while3A_340 : i32
    %while3A_342 = arith.muli %while3A_341, %while3A_340 : i32
    %while3A_343 = arith.addi %div3A_333, %while3A_342 : i32
    %while3A_344 = arith.constant 1 : i32
    %while3A_345:2 = scf.for %while3A_841 = %div3A_333 to %while3A_343 step %while3A_344 iter_args(%while3A_842 = %broadcast_in_dim3A_0, %while3A_843 = %broadcast_in_dim3A_0) -> (vector<16xf32>, vector<16xf32>)  : i32 {
      %mul3A_844 = arith.constant 16 : i32
      %mul3A_845 = arith.muli %while3A_841, %mul3A_844 : i32
      %add3A_846 = vector.broadcast %mul3A_845 : i32 to vector<16xi32>
      %add3A_847 = arith.addi %add3A_846, %iota3A : vector<16xi32>
      %ge3A = vector.broadcast %min3A_326 : i32 to vector<16xi32>
      %ge3A_848 = arith.cmpi sge, %add3A_847, %ge3A : vector<16xi32>
      %lt3A = vector.broadcast %min3A_331 : i32 to vector<16xi32>
      %lt3A_849 = arith.cmpi slt, %add3A_847, %lt3A : vector<16xi32>
      %and3A = arith.andi %ge3A_848, %lt3A_849 : vector<16xi1>
      %mul3A_850 = arith.constant 16 : i32
      %mul3A_851 = arith.muli %while3A_841, %mul3A_850 : i32
      %get3A_852 = arith.index_cast %mul3A_851 : i32 to index
      %get3A_853 = tpu.vector_load %arg7[%get3A_852] {strides = array<i32>} : memref<1024xf32, #tpu.memory_space<vmem>>, vector<16xf32>,
      %jit3A_854 = arith.constant 0.000000e+00 : f32
      %broadcast_in_dim3A_855 = vector.broadcast %jit3A_854 : f32 to vector<16xf32>
      %select_n3A_856 = arith.select %and3A, %get3A_853, %broadcast_in_dim3A_855 : vector<16xi1>, vector<16xf32>
      %add3A_857 = arith.addf %while3A_842, %select_n3A_856 : vector<16xf32>
      %mul3A_858 = arith.constant 16 : i32
      %mul3A_859 = arith.muli %while3A_841, %mul3A_858 : i32
      %get3A_860 = arith.index_cast %mul3A_859 : i32 to index
      %get3A_861 = tpu.vector_load %arg8[%get3A_860] {strides = array<i32>} : memref<1024xf32, #tpu.memory_space<vmem>>, vector<16xf32>,
      %jit3A_862 = arith.constant 0.000000e+00 : f32
      %broadcast_in_dim3A_863 = vector.broadcast %jit3A_862 : f32 to vector<16xf32>
      %select_n3A_864 = arith.select %and3A, %get3A_861, %broadcast_in_dim3A_863 : vector<16xi1>, vector<16xf32>
      %add3A_865 = arith.addf %while3A_843, %select_n3A_864 : vector<16xf32>
      scf.yield %add3A_857, %add3A_865 : vector<16xf32>, vector<16xf32>
    }
    %while3A_346 = arith.constant 1 : i32
    %while3A_347:2 = scf.for %while3A_841 = %while3A_343 to %while3A_339 step %while3A_346 iter_args(%while3A_842 = %while3A_345#0, %while3A_843 = %while3A_345#1) -> (vector<16xf32>, vector<16xf32>)  : i32 {
      %mul3A_844 = arith.constant 16 : i32
      %mul3A_845 = arith.muli %while3A_841, %mul3A_844 : i32
      %add3A_846 = vector.broadcast %mul3A_845 : i32 to vector<16xi32>
      %add3A_847 = arith.addi %add3A_846, %iota3A : vector<16xi32>
      %ge3A = vector.broadcast %min3A_326 : i32 to vector<16xi32>
      %ge3A_848 = arith.cmpi sge, %add3A_847, %ge3A : vector<16xi32>
      %lt3A = vector.broadcast %min3A_331 : i32 to vector<16xi32>
      %lt3A_849 = arith.cmpi slt, %add3A_847, %lt3A : vector<16xi32>
      %and3A = arith.andi %ge3A_848, %lt3A_849 : vector<16xi1>
      %mul3A_850 = arith.constant 16 : i32
      %mul3A_851 = arith.muli %while3A_841, %mul3A_850 : i32
      %get3A_852 = arith.index_cast %mul3A_851 : i32 to index
      %get3A_853 = tpu.vector_load %arg7[%get3A_852] {strides = array<i32>} : memref<1024xf32, #tpu.memory_space<vmem>>, vector<16xf32>,
      %jit3A_854 = arith.constant 0.000000e+00 : f32
      %broadcast_in_dim3A_855 = vector.broadcast %jit3A_854 : f32 to vector<16xf32>
      %select_n3A_856 = arith.select %and3A, %get3A_853, %broadcast_in_dim3A_855 : vector<16xi1>, vector<16xf32>
      %add3A_857 = arith.addf %while3A_842, %select_n3A_856 : vector<16xf32>
      %mul3A_858 = arith.constant 16 : i32
      %mul3A_859 = arith.muli %while3A_841, %mul3A_858 : i32
      %get3A_860 = arith.index_cast %mul3A_859 : i32 to index
      %get3A_861 = tpu.vector_load %arg8[%get3A_860] {strides = array<i32>} : memref<1024xf32, #tpu.memory_space<vmem>>, vector<16xf32>,
      %jit3A_862 = arith.constant 0.000000e+00 : f32
      %broadcast_in_dim3A_863 = vector.broadcast %jit3A_862 : f32 to vector<16xf32>
      %select_n3A_864 = arith.select %and3A, %get3A_861, %broadcast_in_dim3A_863 : vector<16xi1>, vector<16xf32>
      %add3A_865 = arith.addf %while3A_843, %select_n3A_864 : vector<16xf32>
      scf.yield %add3A_857, %add3A_865 : vector<16xf32>, vector<16xf32>
    }
    %eq3A_348 = arith.constant 5 : i32
    %eq3A_349 = vector.broadcast %eq3A_348 : i32 to vector<16xi32>
    %eq3A_350 = arith.cmpi eq, %iota3A, %eq3A_349 : vector<16xi32>
    %reduce_sum3A_351 = arith.constant true
    %reduce_sum3A_352 = vector.broadcast %reduce_sum3A_351 : i1 to vector<16xi1>
    %reduce_sum3A_353 = tpu.scan <sum>, %while3A_347#0 masked %reduce_sum3A_352 : vector<16xf32>, vector<16xi1> -> vector<16xf32>
    %reduce_sum3A_354 = vector.extract %reduce_sum3A_353[15] : f32 from vector<16xf32>
    %add3A_355 = vector.broadcast %reduce_sum3A_354 : f32 to vector<16xf32>
    %add3A_356 = arith.addf %select_n3A_310, %add3A_355 : vector<16xf32>
    %select_n3A_357 = arith.select %eq3A_350, %add3A_356, %select_n3A_310 : vector<16xi1>, vector<16xf32>
    %reduce_sum3A_358 = arith.constant true
    %reduce_sum3A_359 = vector.broadcast %reduce_sum3A_358 : i1 to vector<16xi1>
    %reduce_sum3A_360 = tpu.scan <sum>, %while3A_347#1 masked %reduce_sum3A_359 : vector<16xf32>, vector<16xi1> -> vector<16xf32>
    %reduce_sum3A_361 = vector.extract %reduce_sum3A_360[15] : f32 from vector<16xf32>
    %add3A_362 = vector.broadcast %reduce_sum3A_361 : f32 to vector<16xf32>
    %add3A_363 = arith.addf %select_n3A_317, %add3A_362 : vector<16xf32>
    %select_n3A_364 = arith.select %eq3A_350, %add3A_363, %select_n3A_317 : vector<16xi1>, vector<16xf32>
    %slice3A_365 = vector.extract_strided_slice %get3A_9 {offsets = [6], sizes = [1], strides = [1]} : vector<16xi32> to vector<1xi32>
    %squeeze3A_366 = vector.extract %slice3A_365[0] : i32 from vector<1xi32>
    %slice3A_367 = vector.extract_strided_slice %get3A_9 {offsets = [7], sizes = [1], strides = [1]} : vector<16xi32> to vector<1xi32>
    %squeeze3A_368 = vector.extract %slice3A_367[0] : i32 from vector<1xi32>
    %sub3A_369 = arith.subi %squeeze3A_366, %mul3A_93 : i32
    %jit3A_370 = arith.constant 0 : i32
    %jit3A_371 = arith.constant 1024 : i32
    %max3A_372 = arith.maxsi %jit3A_370, %sub3A_369 : i32
    %min3A_373 = arith.minsi %jit3A_371, %max3A_372 : i32
    %sub3A_374 = arith.subi %squeeze3A_368, %mul3A_93 : i32
    %jit3A_375 = arith.constant 0 : i32
    %jit3A_376 = arith.constant 1024 : i32
    %max3A_377 = arith.maxsi %jit3A_375, %sub3A_374 : i32
    %min3A_378 = arith.minsi %jit3A_376, %max3A_377 : i32
    %div3A_379 = arith.constant 16 : i32
    %div3A_380 = arith.divsi %min3A_373, %div3A_379 : i32
    %add3A_381 = arith.constant 15 : i32
    %add3A_382 = arith.addi %min3A_378, %add3A_381 : i32
    %div3A_383 = arith.constant 16 : i32
    %div3A_384 = arith.divsi %add3A_382, %div3A_383 : i32
    %while3A_385 = arith.subi %div3A_384, %div3A_380 : i32
    %while3A_386 = arith.addi %div3A_380, %while3A_385 : i32
    %while3A_387 = arith.constant 1 : i32
    %while3A_388 = arith.divsi %while3A_385, %while3A_387 : i32
    %while3A_389 = arith.muli %while3A_388, %while3A_387 : i32
    %while3A_390 = arith.addi %div3A_380, %while3A_389 : i32
    %while3A_391 = arith.constant 1 : i32
    %while3A_392:2 = scf.for %while3A_841 = %div3A_380 to %while3A_390 step %while3A_391 iter_args(%while3A_842 = %broadcast_in_dim3A_0, %while3A_843 = %broadcast_in_dim3A_0) -> (vector<16xf32>, vector<16xf32>)  : i32 {
      %mul3A_844 = arith.constant 16 : i32
      %mul3A_845 = arith.muli %while3A_841, %mul3A_844 : i32
      %add3A_846 = vector.broadcast %mul3A_845 : i32 to vector<16xi32>
      %add3A_847 = arith.addi %add3A_846, %iota3A : vector<16xi32>
      %ge3A = vector.broadcast %min3A_373 : i32 to vector<16xi32>
      %ge3A_848 = arith.cmpi sge, %add3A_847, %ge3A : vector<16xi32>
      %lt3A = vector.broadcast %min3A_378 : i32 to vector<16xi32>
      %lt3A_849 = arith.cmpi slt, %add3A_847, %lt3A : vector<16xi32>
      %and3A = arith.andi %ge3A_848, %lt3A_849 : vector<16xi1>
      %mul3A_850 = arith.constant 16 : i32
      %mul3A_851 = arith.muli %while3A_841, %mul3A_850 : i32
      %get3A_852 = arith.index_cast %mul3A_851 : i32 to index
      %get3A_853 = tpu.vector_load %arg7[%get3A_852] {strides = array<i32>} : memref<1024xf32, #tpu.memory_space<vmem>>, vector<16xf32>,
      %jit3A_854 = arith.constant 0.000000e+00 : f32
      %broadcast_in_dim3A_855 = vector.broadcast %jit3A_854 : f32 to vector<16xf32>
      %select_n3A_856 = arith.select %and3A, %get3A_853, %broadcast_in_dim3A_855 : vector<16xi1>, vector<16xf32>
      %add3A_857 = arith.addf %while3A_842, %select_n3A_856 : vector<16xf32>
      %mul3A_858 = arith.constant 16 : i32
      %mul3A_859 = arith.muli %while3A_841, %mul3A_858 : i32
      %get3A_860 = arith.index_cast %mul3A_859 : i32 to index
      %get3A_861 = tpu.vector_load %arg8[%get3A_860] {strides = array<i32>} : memref<1024xf32, #tpu.memory_space<vmem>>, vector<16xf32>,
      %jit3A_862 = arith.constant 0.000000e+00 : f32
      %broadcast_in_dim3A_863 = vector.broadcast %jit3A_862 : f32 to vector<16xf32>
      %select_n3A_864 = arith.select %and3A, %get3A_861, %broadcast_in_dim3A_863 : vector<16xi1>, vector<16xf32>
      %add3A_865 = arith.addf %while3A_843, %select_n3A_864 : vector<16xf32>
      scf.yield %add3A_857, %add3A_865 : vector<16xf32>, vector<16xf32>
    }
    %while3A_393 = arith.constant 1 : i32
    %while3A_394:2 = scf.for %while3A_841 = %while3A_390 to %while3A_386 step %while3A_393 iter_args(%while3A_842 = %while3A_392#0, %while3A_843 = %while3A_392#1) -> (vector<16xf32>, vector<16xf32>)  : i32 {
      %mul3A_844 = arith.constant 16 : i32
      %mul3A_845 = arith.muli %while3A_841, %mul3A_844 : i32
      %add3A_846 = vector.broadcast %mul3A_845 : i32 to vector<16xi32>
      %add3A_847 = arith.addi %add3A_846, %iota3A : vector<16xi32>
      %ge3A = vector.broadcast %min3A_373 : i32 to vector<16xi32>
      %ge3A_848 = arith.cmpi sge, %add3A_847, %ge3A : vector<16xi32>
      %lt3A = vector.broadcast %min3A_378 : i32 to vector<16xi32>
      %lt3A_849 = arith.cmpi slt, %add3A_847, %lt3A : vector<16xi32>
      %and3A = arith.andi %ge3A_848, %lt3A_849 : vector<16xi1>
      %mul3A_850 = arith.constant 16 : i32
      %mul3A_851 = arith.muli %while3A_841, %mul3A_850 : i32
      %get3A_852 = arith.index_cast %mul3A_851 : i32 to index
      %get3A_853 = tpu.vector_load %arg7[%get3A_852] {strides = array<i32>} : memref<1024xf32, #tpu.memory_space<vmem>>, vector<16xf32>,
      %jit3A_854 = arith.constant 0.000000e+00 : f32
      %broadcast_in_dim3A_855 = vector.broadcast %jit3A_854 : f32 to vector<16xf32>
      %select_n3A_856 = arith.select %and3A, %get3A_853, %broadcast_in_dim3A_855 : vector<16xi1>, vector<16xf32>
      %add3A_857 = arith.addf %while3A_842, %select_n3A_856 : vector<16xf32>
      %mul3A_858 = arith.constant 16 : i32
      %mul3A_859 = arith.muli %while3A_841, %mul3A_858 : i32
      %get3A_860 = arith.index_cast %mul3A_859 : i32 to index
      %get3A_861 = tpu.vector_load %arg8[%get3A_860] {strides = array<i32>} : memref<1024xf32, #tpu.memory_space<vmem>>, vector<16xf32>,
      %jit3A_862 = arith.constant 0.000000e+00 : f32
      %broadcast_in_dim3A_863 = vector.broadcast %jit3A_862 : f32 to vector<16xf32>
      %select_n3A_864 = arith.select %and3A, %get3A_861, %broadcast_in_dim3A_863 : vector<16xi1>, vector<16xf32>
      %add3A_865 = arith.addf %while3A_843, %select_n3A_864 : vector<16xf32>
      scf.yield %add3A_857, %add3A_865 : vector<16xf32>, vector<16xf32>
    }
    %eq3A_395 = arith.constant 6 : i32
    %eq3A_396 = vector.broadcast %eq3A_395 : i32 to vector<16xi32>
    %eq3A_397 = arith.cmpi eq, %iota3A, %eq3A_396 : vector<16xi32>
    %reduce_sum3A_398 = arith.constant true
    %reduce_sum3A_399 = vector.broadcast %reduce_sum3A_398 : i1 to vector<16xi1>
    %reduce_sum3A_400 = tpu.scan <sum>, %while3A_394#0 masked %reduce_sum3A_399 : vector<16xf32>, vector<16xi1> -> vector<16xf32>
    %reduce_sum3A_401 = vector.extract %reduce_sum3A_400[15] : f32 from vector<16xf32>
    %add3A_402 = vector.broadcast %reduce_sum3A_401 : f32 to vector<16xf32>
    %add3A_403 = arith.addf %select_n3A_357, %add3A_402 : vector<16xf32>
    %select_n3A_404 = arith.select %eq3A_397, %add3A_403, %select_n3A_357 : vector<16xi1>, vector<16xf32>
    %reduce_sum3A_405 = arith.constant true
    %reduce_sum3A_406 = vector.broadcast %reduce_sum3A_405 : i1 to vector<16xi1>
    %reduce_sum3A_407 = tpu.scan <sum>, %while3A_394#1 masked %reduce_sum3A_406 : vector<16xf32>, vector<16xi1> -> vector<16xf32>
    %reduce_sum3A_408 = vector.extract %reduce_sum3A_407[15] : f32 from vector<16xf32>
    %add3A_409 = vector.broadcast %reduce_sum3A_408 : f32 to vector<16xf32>
    %add3A_410 = arith.addf %select_n3A_364, %add3A_409 : vector<16xf32>
    %select_n3A_411 = arith.select %eq3A_397, %add3A_410, %select_n3A_364 : vector<16xi1>, vector<16xf32>
    %slice3A_412 = vector.extract_strided_slice %get3A_9 {offsets = [7], sizes = [1], strides = [1]} : vector<16xi32> to vector<1xi32>
    %squeeze3A_413 = vector.extract %slice3A_412[0] : i32 from vector<1xi32>
    %slice3A_414 = vector.extract_strided_slice %get3A_9 {offsets = [8], sizes = [1], strides = [1]} : vector<16xi32> to vector<1xi32>
    %squeeze3A_415 = vector.extract %slice3A_414[0] : i32 from vector<1xi32>
    %sub3A_416 = arith.subi %squeeze3A_413, %mul3A_93 : i32
    %jit3A_417 = arith.constant 0 : i32
    %jit3A_418 = arith.constant 1024 : i32
    %max3A_419 = arith.maxsi %jit3A_417, %sub3A_416 : i32
    %min3A_420 = arith.minsi %jit3A_418, %max3A_419 : i32
    %sub3A_421 = arith.subi %squeeze3A_415, %mul3A_93 : i32
    %jit3A_422 = arith.constant 0 : i32
    %jit3A_423 = arith.constant 1024 : i32
    %max3A_424 = arith.maxsi %jit3A_422, %sub3A_421 : i32
    %min3A_425 = arith.minsi %jit3A_423, %max3A_424 : i32
    %div3A_426 = arith.constant 16 : i32
    %div3A_427 = arith.divsi %min3A_420, %div3A_426 : i32
    %add3A_428 = arith.constant 15 : i32
    %add3A_429 = arith.addi %min3A_425, %add3A_428 : i32
    %div3A_430 = arith.constant 16 : i32
    %div3A_431 = arith.divsi %add3A_429, %div3A_430 : i32
    %while3A_432 = arith.subi %div3A_431, %div3A_427 : i32
    %while3A_433 = arith.addi %div3A_427, %while3A_432 : i32
    %while3A_434 = arith.constant 1 : i32
    %while3A_435 = arith.divsi %while3A_432, %while3A_434 : i32
    %while3A_436 = arith.muli %while3A_435, %while3A_434 : i32
    %while3A_437 = arith.addi %div3A_427, %while3A_436 : i32
    %while3A_438 = arith.constant 1 : i32
    %while3A_439:2 = scf.for %while3A_841 = %div3A_427 to %while3A_437 step %while3A_438 iter_args(%while3A_842 = %broadcast_in_dim3A_0, %while3A_843 = %broadcast_in_dim3A_0) -> (vector<16xf32>, vector<16xf32>)  : i32 {
      %mul3A_844 = arith.constant 16 : i32
      %mul3A_845 = arith.muli %while3A_841, %mul3A_844 : i32
      %add3A_846 = vector.broadcast %mul3A_845 : i32 to vector<16xi32>
      %add3A_847 = arith.addi %add3A_846, %iota3A : vector<16xi32>
      %ge3A = vector.broadcast %min3A_420 : i32 to vector<16xi32>
      %ge3A_848 = arith.cmpi sge, %add3A_847, %ge3A : vector<16xi32>
      %lt3A = vector.broadcast %min3A_425 : i32 to vector<16xi32>
      %lt3A_849 = arith.cmpi slt, %add3A_847, %lt3A : vector<16xi32>
      %and3A = arith.andi %ge3A_848, %lt3A_849 : vector<16xi1>
      %mul3A_850 = arith.constant 16 : i32
      %mul3A_851 = arith.muli %while3A_841, %mul3A_850 : i32
      %get3A_852 = arith.index_cast %mul3A_851 : i32 to index
      %get3A_853 = tpu.vector_load %arg7[%get3A_852] {strides = array<i32>} : memref<1024xf32, #tpu.memory_space<vmem>>, vector<16xf32>,
      %jit3A_854 = arith.constant 0.000000e+00 : f32
      %broadcast_in_dim3A_855 = vector.broadcast %jit3A_854 : f32 to vector<16xf32>
      %select_n3A_856 = arith.select %and3A, %get3A_853, %broadcast_in_dim3A_855 : vector<16xi1>, vector<16xf32>
      %add3A_857 = arith.addf %while3A_842, %select_n3A_856 : vector<16xf32>
      %mul3A_858 = arith.constant 16 : i32
      %mul3A_859 = arith.muli %while3A_841, %mul3A_858 : i32
      %get3A_860 = arith.index_cast %mul3A_859 : i32 to index
      %get3A_861 = tpu.vector_load %arg8[%get3A_860] {strides = array<i32>} : memref<1024xf32, #tpu.memory_space<vmem>>, vector<16xf32>,
      %jit3A_862 = arith.constant 0.000000e+00 : f32
      %broadcast_in_dim3A_863 = vector.broadcast %jit3A_862 : f32 to vector<16xf32>
      %select_n3A_864 = arith.select %and3A, %get3A_861, %broadcast_in_dim3A_863 : vector<16xi1>, vector<16xf32>
      %add3A_865 = arith.addf %while3A_843, %select_n3A_864 : vector<16xf32>
      scf.yield %add3A_857, %add3A_865 : vector<16xf32>, vector<16xf32>
    }
    %while3A_440 = arith.constant 1 : i32
    %while3A_441:2 = scf.for %while3A_841 = %while3A_437 to %while3A_433 step %while3A_440 iter_args(%while3A_842 = %while3A_439#0, %while3A_843 = %while3A_439#1) -> (vector<16xf32>, vector<16xf32>)  : i32 {
      %mul3A_844 = arith.constant 16 : i32
      %mul3A_845 = arith.muli %while3A_841, %mul3A_844 : i32
      %add3A_846 = vector.broadcast %mul3A_845 : i32 to vector<16xi32>
      %add3A_847 = arith.addi %add3A_846, %iota3A : vector<16xi32>
      %ge3A = vector.broadcast %min3A_420 : i32 to vector<16xi32>
      %ge3A_848 = arith.cmpi sge, %add3A_847, %ge3A : vector<16xi32>
      %lt3A = vector.broadcast %min3A_425 : i32 to vector<16xi32>
      %lt3A_849 = arith.cmpi slt, %add3A_847, %lt3A : vector<16xi32>
      %and3A = arith.andi %ge3A_848, %lt3A_849 : vector<16xi1>
      %mul3A_850 = arith.constant 16 : i32
      %mul3A_851 = arith.muli %while3A_841, %mul3A_850 : i32
      %get3A_852 = arith.index_cast %mul3A_851 : i32 to index
      %get3A_853 = tpu.vector_load %arg7[%get3A_852] {strides = array<i32>} : memref<1024xf32, #tpu.memory_space<vmem>>, vector<16xf32>,
      %jit3A_854 = arith.constant 0.000000e+00 : f32
      %broadcast_in_dim3A_855 = vector.broadcast %jit3A_854 : f32 to vector<16xf32>
      %select_n3A_856 = arith.select %and3A, %get3A_853, %broadcast_in_dim3A_855 : vector<16xi1>, vector<16xf32>
      %add3A_857 = arith.addf %while3A_842, %select_n3A_856 : vector<16xf32>
      %mul3A_858 = arith.constant 16 : i32
      %mul3A_859 = arith.muli %while3A_841, %mul3A_858 : i32
      %get3A_860 = arith.index_cast %mul3A_859 : i32 to index
      %get3A_861 = tpu.vector_load %arg8[%get3A_860] {strides = array<i32>} : memref<1024xf32, #tpu.memory_space<vmem>>, vector<16xf32>,
      %jit3A_862 = arith.constant 0.000000e+00 : f32
      %broadcast_in_dim3A_863 = vector.broadcast %jit3A_862 : f32 to vector<16xf32>
      %select_n3A_864 = arith.select %and3A, %get3A_861, %broadcast_in_dim3A_863 : vector<16xi1>, vector<16xf32>
      %add3A_865 = arith.addf %while3A_843, %select_n3A_864 : vector<16xf32>
      scf.yield %add3A_857, %add3A_865 : vector<16xf32>, vector<16xf32>
    }
    %eq3A_442 = arith.constant 7 : i32
    %eq3A_443 = vector.broadcast %eq3A_442 : i32 to vector<16xi32>
    %eq3A_444 = arith.cmpi eq, %iota3A, %eq3A_443 : vector<16xi32>
    %reduce_sum3A_445 = arith.constant true
    %reduce_sum3A_446 = vector.broadcast %reduce_sum3A_445 : i1 to vector<16xi1>
    %reduce_sum3A_447 = tpu.scan <sum>, %while3A_441#0 masked %reduce_sum3A_446 : vector<16xf32>, vector<16xi1> -> vector<16xf32>
    %reduce_sum3A_448 = vector.extract %reduce_sum3A_447[15] : f32 from vector<16xf32>
    %add3A_449 = vector.broadcast %reduce_sum3A_448 : f32 to vector<16xf32>
    %add3A_450 = arith.addf %select_n3A_404, %add3A_449 : vector<16xf32>
    %select_n3A_451 = arith.select %eq3A_444, %add3A_450, %select_n3A_404 : vector<16xi1>, vector<16xf32>
    %reduce_sum3A_452 = arith.constant true
    %reduce_sum3A_453 = vector.broadcast %reduce_sum3A_452 : i1 to vector<16xi1>
    %reduce_sum3A_454 = tpu.scan <sum>, %while3A_441#1 masked %reduce_sum3A_453 : vector<16xf32>, vector<16xi1> -> vector<16xf32>
    %reduce_sum3A_455 = vector.extract %reduce_sum3A_454[15] : f32 from vector<16xf32>
    %add3A_456 = vector.broadcast %reduce_sum3A_455 : f32 to vector<16xf32>
    %add3A_457 = arith.addf %select_n3A_411, %add3A_456 : vector<16xf32>
    %select_n3A_458 = arith.select %eq3A_444, %add3A_457, %select_n3A_411 : vector<16xi1>, vector<16xf32>
    %slice3A_459 = vector.extract_strided_slice %get3A_9 {offsets = [8], sizes = [1], strides = [1]} : vector<16xi32> to vector<1xi32>
    %squeeze3A_460 = vector.extract %slice3A_459[0] : i32 from vector<1xi32>
    %slice3A_461 = vector.extract_strided_slice %get3A_9 {offsets = [9], sizes = [1], strides = [1]} : vector<16xi32> to vector<1xi32>
    %squeeze3A_462 = vector.extract %slice3A_461[0] : i32 from vector<1xi32>
    %sub3A_463 = arith.subi %squeeze3A_460, %mul3A_93 : i32
    %jit3A_464 = arith.constant 0 : i32
    %jit3A_465 = arith.constant 1024 : i32
    %max3A_466 = arith.maxsi %jit3A_464, %sub3A_463 : i32
    %min3A_467 = arith.minsi %jit3A_465, %max3A_466 : i32
    %sub3A_468 = arith.subi %squeeze3A_462, %mul3A_93 : i32
    %jit3A_469 = arith.constant 0 : i32
    %jit3A_470 = arith.constant 1024 : i32
    %max3A_471 = arith.maxsi %jit3A_469, %sub3A_468 : i32
    %min3A_472 = arith.minsi %jit3A_470, %max3A_471 : i32
    %div3A_473 = arith.constant 16 : i32
    %div3A_474 = arith.divsi %min3A_467, %div3A_473 : i32
    %add3A_475 = arith.constant 15 : i32
    %add3A_476 = arith.addi %min3A_472, %add3A_475 : i32
    %div3A_477 = arith.constant 16 : i32
    %div3A_478 = arith.divsi %add3A_476, %div3A_477 : i32
    %while3A_479 = arith.subi %div3A_478, %div3A_474 : i32
    %while3A_480 = arith.addi %div3A_474, %while3A_479 : i32
    %while3A_481 = arith.constant 1 : i32
    %while3A_482 = arith.divsi %while3A_479, %while3A_481 : i32
    %while3A_483 = arith.muli %while3A_482, %while3A_481 : i32
    %while3A_484 = arith.addi %div3A_474, %while3A_483 : i32
    %while3A_485 = arith.constant 1 : i32
    %while3A_486:2 = scf.for %while3A_841 = %div3A_474 to %while3A_484 step %while3A_485 iter_args(%while3A_842 = %broadcast_in_dim3A_0, %while3A_843 = %broadcast_in_dim3A_0) -> (vector<16xf32>, vector<16xf32>)  : i32 {
      %mul3A_844 = arith.constant 16 : i32
      %mul3A_845 = arith.muli %while3A_841, %mul3A_844 : i32
      %add3A_846 = vector.broadcast %mul3A_845 : i32 to vector<16xi32>
      %add3A_847 = arith.addi %add3A_846, %iota3A : vector<16xi32>
      %ge3A = vector.broadcast %min3A_467 : i32 to vector<16xi32>
      %ge3A_848 = arith.cmpi sge, %add3A_847, %ge3A : vector<16xi32>
      %lt3A = vector.broadcast %min3A_472 : i32 to vector<16xi32>
      %lt3A_849 = arith.cmpi slt, %add3A_847, %lt3A : vector<16xi32>
      %and3A = arith.andi %ge3A_848, %lt3A_849 : vector<16xi1>
      %mul3A_850 = arith.constant 16 : i32
      %mul3A_851 = arith.muli %while3A_841, %mul3A_850 : i32
      %get3A_852 = arith.index_cast %mul3A_851 : i32 to index
      %get3A_853 = tpu.vector_load %arg7[%get3A_852] {strides = array<i32>} : memref<1024xf32, #tpu.memory_space<vmem>>, vector<16xf32>,
      %jit3A_854 = arith.constant 0.000000e+00 : f32
      %broadcast_in_dim3A_855 = vector.broadcast %jit3A_854 : f32 to vector<16xf32>
      %select_n3A_856 = arith.select %and3A, %get3A_853, %broadcast_in_dim3A_855 : vector<16xi1>, vector<16xf32>
      %add3A_857 = arith.addf %while3A_842, %select_n3A_856 : vector<16xf32>
      %mul3A_858 = arith.constant 16 : i32
      %mul3A_859 = arith.muli %while3A_841, %mul3A_858 : i32
      %get3A_860 = arith.index_cast %mul3A_859 : i32 to index
      %get3A_861 = tpu.vector_load %arg8[%get3A_860] {strides = array<i32>} : memref<1024xf32, #tpu.memory_space<vmem>>, vector<16xf32>,
      %jit3A_862 = arith.constant 0.000000e+00 : f32
      %broadcast_in_dim3A_863 = vector.broadcast %jit3A_862 : f32 to vector<16xf32>
      %select_n3A_864 = arith.select %and3A, %get3A_861, %broadcast_in_dim3A_863 : vector<16xi1>, vector<16xf32>
      %add3A_865 = arith.addf %while3A_843, %select_n3A_864 : vector<16xf32>
      scf.yield %add3A_857, %add3A_865 : vector<16xf32>, vector<16xf32>
    }
    %while3A_487 = arith.constant 1 : i32
    %while3A_488:2 = scf.for %while3A_841 = %while3A_484 to %while3A_480 step %while3A_487 iter_args(%while3A_842 = %while3A_486#0, %while3A_843 = %while3A_486#1) -> (vector<16xf32>, vector<16xf32>)  : i32 {
      %mul3A_844 = arith.constant 16 : i32
      %mul3A_845 = arith.muli %while3A_841, %mul3A_844 : i32
      %add3A_846 = vector.broadcast %mul3A_845 : i32 to vector<16xi32>
      %add3A_847 = arith.addi %add3A_846, %iota3A : vector<16xi32>
      %ge3A = vector.broadcast %min3A_467 : i32 to vector<16xi32>
      %ge3A_848 = arith.cmpi sge, %add3A_847, %ge3A : vector<16xi32>
      %lt3A = vector.broadcast %min3A_472 : i32 to vector<16xi32>
      %lt3A_849 = arith.cmpi slt, %add3A_847, %lt3A : vector<16xi32>
      %and3A = arith.andi %ge3A_848, %lt3A_849 : vector<16xi1>
      %mul3A_850 = arith.constant 16 : i32
      %mul3A_851 = arith.muli %while3A_841, %mul3A_850 : i32
      %get3A_852 = arith.index_cast %mul3A_851 : i32 to index
      %get3A_853 = tpu.vector_load %arg7[%get3A_852] {strides = array<i32>} : memref<1024xf32, #tpu.memory_space<vmem>>, vector<16xf32>,
      %jit3A_854 = arith.constant 0.000000e+00 : f32
      %broadcast_in_dim3A_855 = vector.broadcast %jit3A_854 : f32 to vector<16xf32>
      %select_n3A_856 = arith.select %and3A, %get3A_853, %broadcast_in_dim3A_855 : vector<16xi1>, vector<16xf32>
      %add3A_857 = arith.addf %while3A_842, %select_n3A_856 : vector<16xf32>
      %mul3A_858 = arith.constant 16 : i32
      %mul3A_859 = arith.muli %while3A_841, %mul3A_858 : i32
      %get3A_860 = arith.index_cast %mul3A_859 : i32 to index
      %get3A_861 = tpu.vector_load %arg8[%get3A_860] {strides = array<i32>} : memref<1024xf32, #tpu.memory_space<vmem>>, vector<16xf32>,
      %jit3A_862 = arith.constant 0.000000e+00 : f32
      %broadcast_in_dim3A_863 = vector.broadcast %jit3A_862 : f32 to vector<16xf32>
      %select_n3A_864 = arith.select %and3A, %get3A_861, %broadcast_in_dim3A_863 : vector<16xi1>, vector<16xf32>
      %add3A_865 = arith.addf %while3A_843, %select_n3A_864 : vector<16xf32>
      scf.yield %add3A_857, %add3A_865 : vector<16xf32>, vector<16xf32>
    }
    %eq3A_489 = arith.constant 8 : i32
    %eq3A_490 = vector.broadcast %eq3A_489 : i32 to vector<16xi32>
    %eq3A_491 = arith.cmpi eq, %iota3A, %eq3A_490 : vector<16xi32>
    %reduce_sum3A_492 = arith.constant true
    %reduce_sum3A_493 = vector.broadcast %reduce_sum3A_492 : i1 to vector<16xi1>
    %reduce_sum3A_494 = tpu.scan <sum>, %while3A_488#0 masked %reduce_sum3A_493 : vector<16xf32>, vector<16xi1> -> vector<16xf32>
    %reduce_sum3A_495 = vector.extract %reduce_sum3A_494[15] : f32 from vector<16xf32>
    %add3A_496 = vector.broadcast %reduce_sum3A_495 : f32 to vector<16xf32>
    %add3A_497 = arith.addf %select_n3A_451, %add3A_496 : vector<16xf32>
    %select_n3A_498 = arith.select %eq3A_491, %add3A_497, %select_n3A_451 : vector<16xi1>, vector<16xf32>
    %reduce_sum3A_499 = arith.constant true
    %reduce_sum3A_500 = vector.broadcast %reduce_sum3A_499 : i1 to vector<16xi1>
    %reduce_sum3A_501 = tpu.scan <sum>, %while3A_488#1 masked %reduce_sum3A_500 : vector<16xf32>, vector<16xi1> -> vector<16xf32>
    %reduce_sum3A_502 = vector.extract %reduce_sum3A_501[15] : f32 from vector<16xf32>
    %add3A_503 = vector.broadcast %reduce_sum3A_502 : f32 to vector<16xf32>
    %add3A_504 = arith.addf %select_n3A_458, %add3A_503 : vector<16xf32>
    %select_n3A_505 = arith.select %eq3A_491, %add3A_504, %select_n3A_458 : vector<16xi1>, vector<16xf32>
    %slice3A_506 = vector.extract_strided_slice %get3A_9 {offsets = [9], sizes = [1], strides = [1]} : vector<16xi32> to vector<1xi32>
    %squeeze3A_507 = vector.extract %slice3A_506[0] : i32 from vector<1xi32>
    %slice3A_508 = vector.extract_strided_slice %get3A_9 {offsets = [10], sizes = [1], strides = [1]} : vector<16xi32> to vector<1xi32>
    %squeeze3A_509 = vector.extract %slice3A_508[0] : i32 from vector<1xi32>
    %sub3A_510 = arith.subi %squeeze3A_507, %mul3A_93 : i32
    %jit3A_511 = arith.constant 0 : i32
    %jit3A_512 = arith.constant 1024 : i32
    %max3A_513 = arith.maxsi %jit3A_511, %sub3A_510 : i32
    %min3A_514 = arith.minsi %jit3A_512, %max3A_513 : i32
    %sub3A_515 = arith.subi %squeeze3A_509, %mul3A_93 : i32
    %jit3A_516 = arith.constant 0 : i32
    %jit3A_517 = arith.constant 1024 : i32
    %max3A_518 = arith.maxsi %jit3A_516, %sub3A_515 : i32
    %min3A_519 = arith.minsi %jit3A_517, %max3A_518 : i32
    %div3A_520 = arith.constant 16 : i32
    %div3A_521 = arith.divsi %min3A_514, %div3A_520 : i32
    %add3A_522 = arith.constant 15 : i32
    %add3A_523 = arith.addi %min3A_519, %add3A_522 : i32
    %div3A_524 = arith.constant 16 : i32
    %div3A_525 = arith.divsi %add3A_523, %div3A_524 : i32
    %while3A_526 = arith.subi %div3A_525, %div3A_521 : i32
    %while3A_527 = arith.addi %div3A_521, %while3A_526 : i32
    %while3A_528 = arith.constant 1 : i32
    %while3A_529 = arith.divsi %while3A_526, %while3A_528 : i32
    %while3A_530 = arith.muli %while3A_529, %while3A_528 : i32
    %while3A_531 = arith.addi %div3A_521, %while3A_530 : i32
    %while3A_532 = arith.constant 1 : i32
    %while3A_533:2 = scf.for %while3A_841 = %div3A_521 to %while3A_531 step %while3A_532 iter_args(%while3A_842 = %broadcast_in_dim3A_0, %while3A_843 = %broadcast_in_dim3A_0) -> (vector<16xf32>, vector<16xf32>)  : i32 {
      %mul3A_844 = arith.constant 16 : i32
      %mul3A_845 = arith.muli %while3A_841, %mul3A_844 : i32
      %add3A_846 = vector.broadcast %mul3A_845 : i32 to vector<16xi32>
      %add3A_847 = arith.addi %add3A_846, %iota3A : vector<16xi32>
      %ge3A = vector.broadcast %min3A_514 : i32 to vector<16xi32>
      %ge3A_848 = arith.cmpi sge, %add3A_847, %ge3A : vector<16xi32>
      %lt3A = vector.broadcast %min3A_519 : i32 to vector<16xi32>
      %lt3A_849 = arith.cmpi slt, %add3A_847, %lt3A : vector<16xi32>
      %and3A = arith.andi %ge3A_848, %lt3A_849 : vector<16xi1>
      %mul3A_850 = arith.constant 16 : i32
      %mul3A_851 = arith.muli %while3A_841, %mul3A_850 : i32
      %get3A_852 = arith.index_cast %mul3A_851 : i32 to index
      %get3A_853 = tpu.vector_load %arg7[%get3A_852] {strides = array<i32>} : memref<1024xf32, #tpu.memory_space<vmem>>, vector<16xf32>,
      %jit3A_854 = arith.constant 0.000000e+00 : f32
      %broadcast_in_dim3A_855 = vector.broadcast %jit3A_854 : f32 to vector<16xf32>
      %select_n3A_856 = arith.select %and3A, %get3A_853, %broadcast_in_dim3A_855 : vector<16xi1>, vector<16xf32>
      %add3A_857 = arith.addf %while3A_842, %select_n3A_856 : vector<16xf32>
      %mul3A_858 = arith.constant 16 : i32
      %mul3A_859 = arith.muli %while3A_841, %mul3A_858 : i32
      %get3A_860 = arith.index_cast %mul3A_859 : i32 to index
      %get3A_861 = tpu.vector_load %arg8[%get3A_860] {strides = array<i32>} : memref<1024xf32, #tpu.memory_space<vmem>>, vector<16xf32>,
      %jit3A_862 = arith.constant 0.000000e+00 : f32
      %broadcast_in_dim3A_863 = vector.broadcast %jit3A_862 : f32 to vector<16xf32>
      %select_n3A_864 = arith.select %and3A, %get3A_861, %broadcast_in_dim3A_863 : vector<16xi1>, vector<16xf32>
      %add3A_865 = arith.addf %while3A_843, %select_n3A_864 : vector<16xf32>
      scf.yield %add3A_857, %add3A_865 : vector<16xf32>, vector<16xf32>
    }
    %while3A_534 = arith.constant 1 : i32
    %while3A_535:2 = scf.for %while3A_841 = %while3A_531 to %while3A_527 step %while3A_534 iter_args(%while3A_842 = %while3A_533#0, %while3A_843 = %while3A_533#1) -> (vector<16xf32>, vector<16xf32>)  : i32 {
      %mul3A_844 = arith.constant 16 : i32
      %mul3A_845 = arith.muli %while3A_841, %mul3A_844 : i32
      %add3A_846 = vector.broadcast %mul3A_845 : i32 to vector<16xi32>
      %add3A_847 = arith.addi %add3A_846, %iota3A : vector<16xi32>
      %ge3A = vector.broadcast %min3A_514 : i32 to vector<16xi32>
      %ge3A_848 = arith.cmpi sge, %add3A_847, %ge3A : vector<16xi32>
      %lt3A = vector.broadcast %min3A_519 : i32 to vector<16xi32>
      %lt3A_849 = arith.cmpi slt, %add3A_847, %lt3A : vector<16xi32>
      %and3A = arith.andi %ge3A_848, %lt3A_849 : vector<16xi1>
      %mul3A_850 = arith.constant 16 : i32
      %mul3A_851 = arith.muli %while3A_841, %mul3A_850 : i32
      %get3A_852 = arith.index_cast %mul3A_851 : i32 to index
      %get3A_853 = tpu.vector_load %arg7[%get3A_852] {strides = array<i32>} : memref<1024xf32, #tpu.memory_space<vmem>>, vector<16xf32>,
      %jit3A_854 = arith.constant 0.000000e+00 : f32
      %broadcast_in_dim3A_855 = vector.broadcast %jit3A_854 : f32 to vector<16xf32>
      %select_n3A_856 = arith.select %and3A, %get3A_853, %broadcast_in_dim3A_855 : vector<16xi1>, vector<16xf32>
      %add3A_857 = arith.addf %while3A_842, %select_n3A_856 : vector<16xf32>
      %mul3A_858 = arith.constant 16 : i32
      %mul3A_859 = arith.muli %while3A_841, %mul3A_858 : i32
      %get3A_860 = arith.index_cast %mul3A_859 : i32 to index
      %get3A_861 = tpu.vector_load %arg8[%get3A_860] {strides = array<i32>} : memref<1024xf32, #tpu.memory_space<vmem>>, vector<16xf32>,
      %jit3A_862 = arith.constant 0.000000e+00 : f32
      %broadcast_in_dim3A_863 = vector.broadcast %jit3A_862 : f32 to vector<16xf32>
      %select_n3A_864 = arith.select %and3A, %get3A_861, %broadcast_in_dim3A_863 : vector<16xi1>, vector<16xf32>
      %add3A_865 = arith.addf %while3A_843, %select_n3A_864 : vector<16xf32>
      scf.yield %add3A_857, %add3A_865 : vector<16xf32>, vector<16xf32>
    }
    %eq3A_536 = arith.constant 9 : i32
    %eq3A_537 = vector.broadcast %eq3A_536 : i32 to vector<16xi32>
    %eq3A_538 = arith.cmpi eq, %iota3A, %eq3A_537 : vector<16xi32>
    %reduce_sum3A_539 = arith.constant true
    %reduce_sum3A_540 = vector.broadcast %reduce_sum3A_539 : i1 to vector<16xi1>
    %reduce_sum3A_541 = tpu.scan <sum>, %while3A_535#0 masked %reduce_sum3A_540 : vector<16xf32>, vector<16xi1> -> vector<16xf32>
    %reduce_sum3A_542 = vector.extract %reduce_sum3A_541[15] : f32 from vector<16xf32>
    %add3A_543 = vector.broadcast %reduce_sum3A_542 : f32 to vector<16xf32>
    %add3A_544 = arith.addf %select_n3A_498, %add3A_543 : vector<16xf32>
    %select_n3A_545 = arith.select %eq3A_538, %add3A_544, %select_n3A_498 : vector<16xi1>, vector<16xf32>
    %reduce_sum3A_546 = arith.constant true
    %reduce_sum3A_547 = vector.broadcast %reduce_sum3A_546 : i1 to vector<16xi1>
    %reduce_sum3A_548 = tpu.scan <sum>, %while3A_535#1 masked %reduce_sum3A_547 : vector<16xf32>, vector<16xi1> -> vector<16xf32>
    %reduce_sum3A_549 = vector.extract %reduce_sum3A_548[15] : f32 from vector<16xf32>
    %add3A_550 = vector.broadcast %reduce_sum3A_549 : f32 to vector<16xf32>
    %add3A_551 = arith.addf %select_n3A_505, %add3A_550 : vector<16xf32>
    %select_n3A_552 = arith.select %eq3A_538, %add3A_551, %select_n3A_505 : vector<16xi1>, vector<16xf32>
    %slice3A_553 = vector.extract_strided_slice %get3A_9 {offsets = [10], sizes = [1], strides = [1]} : vector<16xi32> to vector<1xi32>
    %squeeze3A_554 = vector.extract %slice3A_553[0] : i32 from vector<1xi32>
    %slice3A_555 = vector.extract_strided_slice %get3A_9 {offsets = [11], sizes = [1], strides = [1]} : vector<16xi32> to vector<1xi32>
    %squeeze3A_556 = vector.extract %slice3A_555[0] : i32 from vector<1xi32>
    %sub3A_557 = arith.subi %squeeze3A_554, %mul3A_93 : i32
    %jit3A_558 = arith.constant 0 : i32
    %jit3A_559 = arith.constant 1024 : i32
    %max3A_560 = arith.maxsi %jit3A_558, %sub3A_557 : i32
    %min3A_561 = arith.minsi %jit3A_559, %max3A_560 : i32
    %sub3A_562 = arith.subi %squeeze3A_556, %mul3A_93 : i32
    %jit3A_563 = arith.constant 0 : i32
    %jit3A_564 = arith.constant 1024 : i32
    %max3A_565 = arith.maxsi %jit3A_563, %sub3A_562 : i32
    %min3A_566 = arith.minsi %jit3A_564, %max3A_565 : i32
    %div3A_567 = arith.constant 16 : i32
    %div3A_568 = arith.divsi %min3A_561, %div3A_567 : i32
    %add3A_569 = arith.constant 15 : i32
    %add3A_570 = arith.addi %min3A_566, %add3A_569 : i32
    %div3A_571 = arith.constant 16 : i32
    %div3A_572 = arith.divsi %add3A_570, %div3A_571 : i32
    %while3A_573 = arith.subi %div3A_572, %div3A_568 : i32
    %while3A_574 = arith.addi %div3A_568, %while3A_573 : i32
    %while3A_575 = arith.constant 1 : i32
    %while3A_576 = arith.divsi %while3A_573, %while3A_575 : i32
    %while3A_577 = arith.muli %while3A_576, %while3A_575 : i32
    %while3A_578 = arith.addi %div3A_568, %while3A_577 : i32
    %while3A_579 = arith.constant 1 : i32
    %while3A_580:2 = scf.for %while3A_841 = %div3A_568 to %while3A_578 step %while3A_579 iter_args(%while3A_842 = %broadcast_in_dim3A_0, %while3A_843 = %broadcast_in_dim3A_0) -> (vector<16xf32>, vector<16xf32>)  : i32 {
      %mul3A_844 = arith.constant 16 : i32
      %mul3A_845 = arith.muli %while3A_841, %mul3A_844 : i32
      %add3A_846 = vector.broadcast %mul3A_845 : i32 to vector<16xi32>
      %add3A_847 = arith.addi %add3A_846, %iota3A : vector<16xi32>
      %ge3A = vector.broadcast %min3A_561 : i32 to vector<16xi32>
      %ge3A_848 = arith.cmpi sge, %add3A_847, %ge3A : vector<16xi32>
      %lt3A = vector.broadcast %min3A_566 : i32 to vector<16xi32>
      %lt3A_849 = arith.cmpi slt, %add3A_847, %lt3A : vector<16xi32>
      %and3A = arith.andi %ge3A_848, %lt3A_849 : vector<16xi1>
      %mul3A_850 = arith.constant 16 : i32
      %mul3A_851 = arith.muli %while3A_841, %mul3A_850 : i32
      %get3A_852 = arith.index_cast %mul3A_851 : i32 to index
      %get3A_853 = tpu.vector_load %arg7[%get3A_852] {strides = array<i32>} : memref<1024xf32, #tpu.memory_space<vmem>>, vector<16xf32>,
      %jit3A_854 = arith.constant 0.000000e+00 : f32
      %broadcast_in_dim3A_855 = vector.broadcast %jit3A_854 : f32 to vector<16xf32>
      %select_n3A_856 = arith.select %and3A, %get3A_853, %broadcast_in_dim3A_855 : vector<16xi1>, vector<16xf32>
      %add3A_857 = arith.addf %while3A_842, %select_n3A_856 : vector<16xf32>
      %mul3A_858 = arith.constant 16 : i32
      %mul3A_859 = arith.muli %while3A_841, %mul3A_858 : i32
      %get3A_860 = arith.index_cast %mul3A_859 : i32 to index
      %get3A_861 = tpu.vector_load %arg8[%get3A_860] {strides = array<i32>} : memref<1024xf32, #tpu.memory_space<vmem>>, vector<16xf32>,
      %jit3A_862 = arith.constant 0.000000e+00 : f32
      %broadcast_in_dim3A_863 = vector.broadcast %jit3A_862 : f32 to vector<16xf32>
      %select_n3A_864 = arith.select %and3A, %get3A_861, %broadcast_in_dim3A_863 : vector<16xi1>, vector<16xf32>
      %add3A_865 = arith.addf %while3A_843, %select_n3A_864 : vector<16xf32>
      scf.yield %add3A_857, %add3A_865 : vector<16xf32>, vector<16xf32>
    }
    %while3A_581 = arith.constant 1 : i32
    %while3A_582:2 = scf.for %while3A_841 = %while3A_578 to %while3A_574 step %while3A_581 iter_args(%while3A_842 = %while3A_580#0, %while3A_843 = %while3A_580#1) -> (vector<16xf32>, vector<16xf32>)  : i32 {
      %mul3A_844 = arith.constant 16 : i32
      %mul3A_845 = arith.muli %while3A_841, %mul3A_844 : i32
      %add3A_846 = vector.broadcast %mul3A_845 : i32 to vector<16xi32>
      %add3A_847 = arith.addi %add3A_846, %iota3A : vector<16xi32>
      %ge3A = vector.broadcast %min3A_561 : i32 to vector<16xi32>
      %ge3A_848 = arith.cmpi sge, %add3A_847, %ge3A : vector<16xi32>
      %lt3A = vector.broadcast %min3A_566 : i32 to vector<16xi32>
      %lt3A_849 = arith.cmpi slt, %add3A_847, %lt3A : vector<16xi32>
      %and3A = arith.andi %ge3A_848, %lt3A_849 : vector<16xi1>
      %mul3A_850 = arith.constant 16 : i32
      %mul3A_851 = arith.muli %while3A_841, %mul3A_850 : i32
      %get3A_852 = arith.index_cast %mul3A_851 : i32 to index
      %get3A_853 = tpu.vector_load %arg7[%get3A_852] {strides = array<i32>} : memref<1024xf32, #tpu.memory_space<vmem>>, vector<16xf32>,
      %jit3A_854 = arith.constant 0.000000e+00 : f32
      %broadcast_in_dim3A_855 = vector.broadcast %jit3A_854 : f32 to vector<16xf32>
      %select_n3A_856 = arith.select %and3A, %get3A_853, %broadcast_in_dim3A_855 : vector<16xi1>, vector<16xf32>
      %add3A_857 = arith.addf %while3A_842, %select_n3A_856 : vector<16xf32>
      %mul3A_858 = arith.constant 16 : i32
      %mul3A_859 = arith.muli %while3A_841, %mul3A_858 : i32
      %get3A_860 = arith.index_cast %mul3A_859 : i32 to index
      %get3A_861 = tpu.vector_load %arg8[%get3A_860] {strides = array<i32>} : memref<1024xf32, #tpu.memory_space<vmem>>, vector<16xf32>,
      %jit3A_862 = arith.constant 0.000000e+00 : f32
      %broadcast_in_dim3A_863 = vector.broadcast %jit3A_862 : f32 to vector<16xf32>
      %select_n3A_864 = arith.select %and3A, %get3A_861, %broadcast_in_dim3A_863 : vector<16xi1>, vector<16xf32>
      %add3A_865 = arith.addf %while3A_843, %select_n3A_864 : vector<16xf32>
      scf.yield %add3A_857, %add3A_865 : vector<16xf32>, vector<16xf32>
    }
    %eq3A_583 = arith.constant 10 : i32
    %eq3A_584 = vector.broadcast %eq3A_583 : i32 to vector<16xi32>
    %eq3A_585 = arith.cmpi eq, %iota3A, %eq3A_584 : vector<16xi32>
    %reduce_sum3A_586 = arith.constant true
    %reduce_sum3A_587 = vector.broadcast %reduce_sum3A_586 : i1 to vector<16xi1>
    %reduce_sum3A_588 = tpu.scan <sum>, %while3A_582#0 masked %reduce_sum3A_587 : vector<16xf32>, vector<16xi1> -> vector<16xf32>
    %reduce_sum3A_589 = vector.extract %reduce_sum3A_588[15] : f32 from vector<16xf32>
    %add3A_590 = vector.broadcast %reduce_sum3A_589 : f32 to vector<16xf32>
    %add3A_591 = arith.addf %select_n3A_545, %add3A_590 : vector<16xf32>
    %select_n3A_592 = arith.select %eq3A_585, %add3A_591, %select_n3A_545 : vector<16xi1>, vector<16xf32>
    %reduce_sum3A_593 = arith.constant true
    %reduce_sum3A_594 = vector.broadcast %reduce_sum3A_593 : i1 to vector<16xi1>
    %reduce_sum3A_595 = tpu.scan <sum>, %while3A_582#1 masked %reduce_sum3A_594 : vector<16xf32>, vector<16xi1> -> vector<16xf32>
    %reduce_sum3A_596 = vector.extract %reduce_sum3A_595[15] : f32 from vector<16xf32>
    %add3A_597 = vector.broadcast %reduce_sum3A_596 : f32 to vector<16xf32>
    %add3A_598 = arith.addf %select_n3A_552, %add3A_597 : vector<16xf32>
    %select_n3A_599 = arith.select %eq3A_585, %add3A_598, %select_n3A_552 : vector<16xi1>, vector<16xf32>
    %slice3A_600 = vector.extract_strided_slice %get3A_9 {offsets = [11], sizes = [1], strides = [1]} : vector<16xi32> to vector<1xi32>
    %squeeze3A_601 = vector.extract %slice3A_600[0] : i32 from vector<1xi32>
    %slice3A_602 = vector.extract_strided_slice %get3A_9 {offsets = [12], sizes = [1], strides = [1]} : vector<16xi32> to vector<1xi32>
    %squeeze3A_603 = vector.extract %slice3A_602[0] : i32 from vector<1xi32>
    %sub3A_604 = arith.subi %squeeze3A_601, %mul3A_93 : i32
    %jit3A_605 = arith.constant 0 : i32
    %jit3A_606 = arith.constant 1024 : i32
    %max3A_607 = arith.maxsi %jit3A_605, %sub3A_604 : i32
    %min3A_608 = arith.minsi %jit3A_606, %max3A_607 : i32
    %sub3A_609 = arith.subi %squeeze3A_603, %mul3A_93 : i32
    %jit3A_610 = arith.constant 0 : i32
    %jit3A_611 = arith.constant 1024 : i32
    %max3A_612 = arith.maxsi %jit3A_610, %sub3A_609 : i32
    %min3A_613 = arith.minsi %jit3A_611, %max3A_612 : i32
    %div3A_614 = arith.constant 16 : i32
    %div3A_615 = arith.divsi %min3A_608, %div3A_614 : i32
    %add3A_616 = arith.constant 15 : i32
    %add3A_617 = arith.addi %min3A_613, %add3A_616 : i32
    %div3A_618 = arith.constant 16 : i32
    %div3A_619 = arith.divsi %add3A_617, %div3A_618 : i32
    %while3A_620 = arith.subi %div3A_619, %div3A_615 : i32
    %while3A_621 = arith.addi %div3A_615, %while3A_620 : i32
    %while3A_622 = arith.constant 1 : i32
    %while3A_623 = arith.divsi %while3A_620, %while3A_622 : i32
    %while3A_624 = arith.muli %while3A_623, %while3A_622 : i32
    %while3A_625 = arith.addi %div3A_615, %while3A_624 : i32
    %while3A_626 = arith.constant 1 : i32
    %while3A_627:2 = scf.for %while3A_841 = %div3A_615 to %while3A_625 step %while3A_626 iter_args(%while3A_842 = %broadcast_in_dim3A_0, %while3A_843 = %broadcast_in_dim3A_0) -> (vector<16xf32>, vector<16xf32>)  : i32 {
      %mul3A_844 = arith.constant 16 : i32
      %mul3A_845 = arith.muli %while3A_841, %mul3A_844 : i32
      %add3A_846 = vector.broadcast %mul3A_845 : i32 to vector<16xi32>
      %add3A_847 = arith.addi %add3A_846, %iota3A : vector<16xi32>
      %ge3A = vector.broadcast %min3A_608 : i32 to vector<16xi32>
      %ge3A_848 = arith.cmpi sge, %add3A_847, %ge3A : vector<16xi32>
      %lt3A = vector.broadcast %min3A_613 : i32 to vector<16xi32>
      %lt3A_849 = arith.cmpi slt, %add3A_847, %lt3A : vector<16xi32>
      %and3A = arith.andi %ge3A_848, %lt3A_849 : vector<16xi1>
      %mul3A_850 = arith.constant 16 : i32
      %mul3A_851 = arith.muli %while3A_841, %mul3A_850 : i32
      %get3A_852 = arith.index_cast %mul3A_851 : i32 to index
      %get3A_853 = tpu.vector_load %arg7[%get3A_852] {strides = array<i32>} : memref<1024xf32, #tpu.memory_space<vmem>>, vector<16xf32>,
      %jit3A_854 = arith.constant 0.000000e+00 : f32
      %broadcast_in_dim3A_855 = vector.broadcast %jit3A_854 : f32 to vector<16xf32>
      %select_n3A_856 = arith.select %and3A, %get3A_853, %broadcast_in_dim3A_855 : vector<16xi1>, vector<16xf32>
      %add3A_857 = arith.addf %while3A_842, %select_n3A_856 : vector<16xf32>
      %mul3A_858 = arith.constant 16 : i32
      %mul3A_859 = arith.muli %while3A_841, %mul3A_858 : i32
      %get3A_860 = arith.index_cast %mul3A_859 : i32 to index
      %get3A_861 = tpu.vector_load %arg8[%get3A_860] {strides = array<i32>} : memref<1024xf32, #tpu.memory_space<vmem>>, vector<16xf32>,
      %jit3A_862 = arith.constant 0.000000e+00 : f32
      %broadcast_in_dim3A_863 = vector.broadcast %jit3A_862 : f32 to vector<16xf32>
      %select_n3A_864 = arith.select %and3A, %get3A_861, %broadcast_in_dim3A_863 : vector<16xi1>, vector<16xf32>
      %add3A_865 = arith.addf %while3A_843, %select_n3A_864 : vector<16xf32>
      scf.yield %add3A_857, %add3A_865 : vector<16xf32>, vector<16xf32>
    }
    %while3A_628 = arith.constant 1 : i32
    %while3A_629:2 = scf.for %while3A_841 = %while3A_625 to %while3A_621 step %while3A_628 iter_args(%while3A_842 = %while3A_627#0, %while3A_843 = %while3A_627#1) -> (vector<16xf32>, vector<16xf32>)  : i32 {
      %mul3A_844 = arith.constant 16 : i32
      %mul3A_845 = arith.muli %while3A_841, %mul3A_844 : i32
      %add3A_846 = vector.broadcast %mul3A_845 : i32 to vector<16xi32>
      %add3A_847 = arith.addi %add3A_846, %iota3A : vector<16xi32>
      %ge3A = vector.broadcast %min3A_608 : i32 to vector<16xi32>
      %ge3A_848 = arith.cmpi sge, %add3A_847, %ge3A : vector<16xi32>
      %lt3A = vector.broadcast %min3A_613 : i32 to vector<16xi32>
      %lt3A_849 = arith.cmpi slt, %add3A_847, %lt3A : vector<16xi32>
      %and3A = arith.andi %ge3A_848, %lt3A_849 : vector<16xi1>
      %mul3A_850 = arith.constant 16 : i32
      %mul3A_851 = arith.muli %while3A_841, %mul3A_850 : i32
      %get3A_852 = arith.index_cast %mul3A_851 : i32 to index
      %get3A_853 = tpu.vector_load %arg7[%get3A_852] {strides = array<i32>} : memref<1024xf32, #tpu.memory_space<vmem>>, vector<16xf32>,
      %jit3A_854 = arith.constant 0.000000e+00 : f32
      %broadcast_in_dim3A_855 = vector.broadcast %jit3A_854 : f32 to vector<16xf32>
      %select_n3A_856 = arith.select %and3A, %get3A_853, %broadcast_in_dim3A_855 : vector<16xi1>, vector<16xf32>
      %add3A_857 = arith.addf %while3A_842, %select_n3A_856 : vector<16xf32>
      %mul3A_858 = arith.constant 16 : i32
      %mul3A_859 = arith.muli %while3A_841, %mul3A_858 : i32
      %get3A_860 = arith.index_cast %mul3A_859 : i32 to index
      %get3A_861 = tpu.vector_load %arg8[%get3A_860] {strides = array<i32>} : memref<1024xf32, #tpu.memory_space<vmem>>, vector<16xf32>,
      %jit3A_862 = arith.constant 0.000000e+00 : f32
      %broadcast_in_dim3A_863 = vector.broadcast %jit3A_862 : f32 to vector<16xf32>
      %select_n3A_864 = arith.select %and3A, %get3A_861, %broadcast_in_dim3A_863 : vector<16xi1>, vector<16xf32>
      %add3A_865 = arith.addf %while3A_843, %select_n3A_864 : vector<16xf32>
      scf.yield %add3A_857, %add3A_865 : vector<16xf32>, vector<16xf32>
    }
    %eq3A_630 = arith.constant 11 : i32
    %eq3A_631 = vector.broadcast %eq3A_630 : i32 to vector<16xi32>
    %eq3A_632 = arith.cmpi eq, %iota3A, %eq3A_631 : vector<16xi32>
    %reduce_sum3A_633 = arith.constant true
    %reduce_sum3A_634 = vector.broadcast %reduce_sum3A_633 : i1 to vector<16xi1>
    %reduce_sum3A_635 = tpu.scan <sum>, %while3A_629#0 masked %reduce_sum3A_634 : vector<16xf32>, vector<16xi1> -> vector<16xf32>
    %reduce_sum3A_636 = vector.extract %reduce_sum3A_635[15] : f32 from vector<16xf32>
    %add3A_637 = vector.broadcast %reduce_sum3A_636 : f32 to vector<16xf32>
    %add3A_638 = arith.addf %select_n3A_592, %add3A_637 : vector<16xf32>
    %select_n3A_639 = arith.select %eq3A_632, %add3A_638, %select_n3A_592 : vector<16xi1>, vector<16xf32>
    %reduce_sum3A_640 = arith.constant true
    %reduce_sum3A_641 = vector.broadcast %reduce_sum3A_640 : i1 to vector<16xi1>
    %reduce_sum3A_642 = tpu.scan <sum>, %while3A_629#1 masked %reduce_sum3A_641 : vector<16xf32>, vector<16xi1> -> vector<16xf32>
    %reduce_sum3A_643 = vector.extract %reduce_sum3A_642[15] : f32 from vector<16xf32>
    %add3A_644 = vector.broadcast %reduce_sum3A_643 : f32 to vector<16xf32>
    %add3A_645 = arith.addf %select_n3A_599, %add3A_644 : vector<16xf32>
    %select_n3A_646 = arith.select %eq3A_632, %add3A_645, %select_n3A_599 : vector<16xi1>, vector<16xf32>
    %slice3A_647 = vector.extract_strided_slice %get3A_9 {offsets = [12], sizes = [1], strides = [1]} : vector<16xi32> to vector<1xi32>
    %squeeze3A_648 = vector.extract %slice3A_647[0] : i32 from vector<1xi32>
    %slice3A_649 = vector.extract_strided_slice %get3A_9 {offsets = [13], sizes = [1], strides = [1]} : vector<16xi32> to vector<1xi32>
    %squeeze3A_650 = vector.extract %slice3A_649[0] : i32 from vector<1xi32>
    %sub3A_651 = arith.subi %squeeze3A_648, %mul3A_93 : i32
    %jit3A_652 = arith.constant 0 : i32
    %jit3A_653 = arith.constant 1024 : i32
    %max3A_654 = arith.maxsi %jit3A_652, %sub3A_651 : i32
    %min3A_655 = arith.minsi %jit3A_653, %max3A_654 : i32
    %sub3A_656 = arith.subi %squeeze3A_650, %mul3A_93 : i32
    %jit3A_657 = arith.constant 0 : i32
    %jit3A_658 = arith.constant 1024 : i32
    %max3A_659 = arith.maxsi %jit3A_657, %sub3A_656 : i32
    %min3A_660 = arith.minsi %jit3A_658, %max3A_659 : i32
    %div3A_661 = arith.constant 16 : i32
    %div3A_662 = arith.divsi %min3A_655, %div3A_661 : i32
    %add3A_663 = arith.constant 15 : i32
    %add3A_664 = arith.addi %min3A_660, %add3A_663 : i32
    %div3A_665 = arith.constant 16 : i32
    %div3A_666 = arith.divsi %add3A_664, %div3A_665 : i32
    %while3A_667 = arith.subi %div3A_666, %div3A_662 : i32
    %while3A_668 = arith.addi %div3A_662, %while3A_667 : i32
    %while3A_669 = arith.constant 1 : i32
    %while3A_670 = arith.divsi %while3A_667, %while3A_669 : i32
    %while3A_671 = arith.muli %while3A_670, %while3A_669 : i32
    %while3A_672 = arith.addi %div3A_662, %while3A_671 : i32
    %while3A_673 = arith.constant 1 : i32
    %while3A_674:2 = scf.for %while3A_841 = %div3A_662 to %while3A_672 step %while3A_673 iter_args(%while3A_842 = %broadcast_in_dim3A_0, %while3A_843 = %broadcast_in_dim3A_0) -> (vector<16xf32>, vector<16xf32>)  : i32 {
      %mul3A_844 = arith.constant 16 : i32
      %mul3A_845 = arith.muli %while3A_841, %mul3A_844 : i32
      %add3A_846 = vector.broadcast %mul3A_845 : i32 to vector<16xi32>
      %add3A_847 = arith.addi %add3A_846, %iota3A : vector<16xi32>
      %ge3A = vector.broadcast %min3A_655 : i32 to vector<16xi32>
      %ge3A_848 = arith.cmpi sge, %add3A_847, %ge3A : vector<16xi32>
      %lt3A = vector.broadcast %min3A_660 : i32 to vector<16xi32>
      %lt3A_849 = arith.cmpi slt, %add3A_847, %lt3A : vector<16xi32>
      %and3A = arith.andi %ge3A_848, %lt3A_849 : vector<16xi1>
      %mul3A_850 = arith.constant 16 : i32
      %mul3A_851 = arith.muli %while3A_841, %mul3A_850 : i32
      %get3A_852 = arith.index_cast %mul3A_851 : i32 to index
      %get3A_853 = tpu.vector_load %arg7[%get3A_852] {strides = array<i32>} : memref<1024xf32, #tpu.memory_space<vmem>>, vector<16xf32>,
      %jit3A_854 = arith.constant 0.000000e+00 : f32
      %broadcast_in_dim3A_855 = vector.broadcast %jit3A_854 : f32 to vector<16xf32>
      %select_n3A_856 = arith.select %and3A, %get3A_853, %broadcast_in_dim3A_855 : vector<16xi1>, vector<16xf32>
      %add3A_857 = arith.addf %while3A_842, %select_n3A_856 : vector<16xf32>
      %mul3A_858 = arith.constant 16 : i32
      %mul3A_859 = arith.muli %while3A_841, %mul3A_858 : i32
      %get3A_860 = arith.index_cast %mul3A_859 : i32 to index
      %get3A_861 = tpu.vector_load %arg8[%get3A_860] {strides = array<i32>} : memref<1024xf32, #tpu.memory_space<vmem>>, vector<16xf32>,
      %jit3A_862 = arith.constant 0.000000e+00 : f32
      %broadcast_in_dim3A_863 = vector.broadcast %jit3A_862 : f32 to vector<16xf32>
      %select_n3A_864 = arith.select %and3A, %get3A_861, %broadcast_in_dim3A_863 : vector<16xi1>, vector<16xf32>
      %add3A_865 = arith.addf %while3A_843, %select_n3A_864 : vector<16xf32>
      scf.yield %add3A_857, %add3A_865 : vector<16xf32>, vector<16xf32>
    }
    %while3A_675 = arith.constant 1 : i32
    %while3A_676:2 = scf.for %while3A_841 = %while3A_672 to %while3A_668 step %while3A_675 iter_args(%while3A_842 = %while3A_674#0, %while3A_843 = %while3A_674#1) -> (vector<16xf32>, vector<16xf32>)  : i32 {
      %mul3A_844 = arith.constant 16 : i32
      %mul3A_845 = arith.muli %while3A_841, %mul3A_844 : i32
      %add3A_846 = vector.broadcast %mul3A_845 : i32 to vector<16xi32>
      %add3A_847 = arith.addi %add3A_846, %iota3A : vector<16xi32>
      %ge3A = vector.broadcast %min3A_655 : i32 to vector<16xi32>
      %ge3A_848 = arith.cmpi sge, %add3A_847, %ge3A : vector<16xi32>
      %lt3A = vector.broadcast %min3A_660 : i32 to vector<16xi32>
      %lt3A_849 = arith.cmpi slt, %add3A_847, %lt3A : vector<16xi32>
      %and3A = arith.andi %ge3A_848, %lt3A_849 : vector<16xi1>
      %mul3A_850 = arith.constant 16 : i32
      %mul3A_851 = arith.muli %while3A_841, %mul3A_850 : i32
      %get3A_852 = arith.index_cast %mul3A_851 : i32 to index
      %get3A_853 = tpu.vector_load %arg7[%get3A_852] {strides = array<i32>} : memref<1024xf32, #tpu.memory_space<vmem>>, vector<16xf32>,
      %jit3A_854 = arith.constant 0.000000e+00 : f32
      %broadcast_in_dim3A_855 = vector.broadcast %jit3A_854 : f32 to vector<16xf32>
      %select_n3A_856 = arith.select %and3A, %get3A_853, %broadcast_in_dim3A_855 : vector<16xi1>, vector<16xf32>
      %add3A_857 = arith.addf %while3A_842, %select_n3A_856 : vector<16xf32>
      %mul3A_858 = arith.constant 16 : i32
      %mul3A_859 = arith.muli %while3A_841, %mul3A_858 : i32
      %get3A_860 = arith.index_cast %mul3A_859 : i32 to index
      %get3A_861 = tpu.vector_load %arg8[%get3A_860] {strides = array<i32>} : memref<1024xf32, #tpu.memory_space<vmem>>, vector<16xf32>,
      %jit3A_862 = arith.constant 0.000000e+00 : f32
      %broadcast_in_dim3A_863 = vector.broadcast %jit3A_862 : f32 to vector<16xf32>
      %select_n3A_864 = arith.select %and3A, %get3A_861, %broadcast_in_dim3A_863 : vector<16xi1>, vector<16xf32>
      %add3A_865 = arith.addf %while3A_843, %select_n3A_864 : vector<16xf32>
      scf.yield %add3A_857, %add3A_865 : vector<16xf32>, vector<16xf32>
    }
    %eq3A_677 = arith.constant 12 : i32
    %eq3A_678 = vector.broadcast %eq3A_677 : i32 to vector<16xi32>
    %eq3A_679 = arith.cmpi eq, %iota3A, %eq3A_678 : vector<16xi32>
    %reduce_sum3A_680 = arith.constant true
    %reduce_sum3A_681 = vector.broadcast %reduce_sum3A_680 : i1 to vector<16xi1>
    %reduce_sum3A_682 = tpu.scan <sum>, %while3A_676#0 masked %reduce_sum3A_681 : vector<16xf32>, vector<16xi1> -> vector<16xf32>
    %reduce_sum3A_683 = vector.extract %reduce_sum3A_682[15] : f32 from vector<16xf32>
    %add3A_684 = vector.broadcast %reduce_sum3A_683 : f32 to vector<16xf32>
    %add3A_685 = arith.addf %select_n3A_639, %add3A_684 : vector<16xf32>
    %select_n3A_686 = arith.select %eq3A_679, %add3A_685, %select_n3A_639 : vector<16xi1>, vector<16xf32>
    %reduce_sum3A_687 = arith.constant true
    %reduce_sum3A_688 = vector.broadcast %reduce_sum3A_687 : i1 to vector<16xi1>
    %reduce_sum3A_689 = tpu.scan <sum>, %while3A_676#1 masked %reduce_sum3A_688 : vector<16xf32>, vector<16xi1> -> vector<16xf32>
    %reduce_sum3A_690 = vector.extract %reduce_sum3A_689[15] : f32 from vector<16xf32>
    %add3A_691 = vector.broadcast %reduce_sum3A_690 : f32 to vector<16xf32>
    %add3A_692 = arith.addf %select_n3A_646, %add3A_691 : vector<16xf32>
    %select_n3A_693 = arith.select %eq3A_679, %add3A_692, %select_n3A_646 : vector<16xi1>, vector<16xf32>
    %slice3A_694 = vector.extract_strided_slice %get3A_9 {offsets = [13], sizes = [1], strides = [1]} : vector<16xi32> to vector<1xi32>
    %squeeze3A_695 = vector.extract %slice3A_694[0] : i32 from vector<1xi32>
    %slice3A_696 = vector.extract_strided_slice %get3A_9 {offsets = [14], sizes = [1], strides = [1]} : vector<16xi32> to vector<1xi32>
    %squeeze3A_697 = vector.extract %slice3A_696[0] : i32 from vector<1xi32>
    %sub3A_698 = arith.subi %squeeze3A_695, %mul3A_93 : i32
    %jit3A_699 = arith.constant 0 : i32
    %jit3A_700 = arith.constant 1024 : i32
    %max3A_701 = arith.maxsi %jit3A_699, %sub3A_698 : i32
    %min3A_702 = arith.minsi %jit3A_700, %max3A_701 : i32
    %sub3A_703 = arith.subi %squeeze3A_697, %mul3A_93 : i32
    %jit3A_704 = arith.constant 0 : i32
    %jit3A_705 = arith.constant 1024 : i32
    %max3A_706 = arith.maxsi %jit3A_704, %sub3A_703 : i32
    %min3A_707 = arith.minsi %jit3A_705, %max3A_706 : i32
    %div3A_708 = arith.constant 16 : i32
    %div3A_709 = arith.divsi %min3A_702, %div3A_708 : i32
    %add3A_710 = arith.constant 15 : i32
    %add3A_711 = arith.addi %min3A_707, %add3A_710 : i32
    %div3A_712 = arith.constant 16 : i32
    %div3A_713 = arith.divsi %add3A_711, %div3A_712 : i32
    %while3A_714 = arith.subi %div3A_713, %div3A_709 : i32
    %while3A_715 = arith.addi %div3A_709, %while3A_714 : i32
    %while3A_716 = arith.constant 1 : i32
    %while3A_717 = arith.divsi %while3A_714, %while3A_716 : i32
    %while3A_718 = arith.muli %while3A_717, %while3A_716 : i32
    %while3A_719 = arith.addi %div3A_709, %while3A_718 : i32
    %while3A_720 = arith.constant 1 : i32
    %while3A_721:2 = scf.for %while3A_841 = %div3A_709 to %while3A_719 step %while3A_720 iter_args(%while3A_842 = %broadcast_in_dim3A_0, %while3A_843 = %broadcast_in_dim3A_0) -> (vector<16xf32>, vector<16xf32>)  : i32 {
      %mul3A_844 = arith.constant 16 : i32
      %mul3A_845 = arith.muli %while3A_841, %mul3A_844 : i32
      %add3A_846 = vector.broadcast %mul3A_845 : i32 to vector<16xi32>
      %add3A_847 = arith.addi %add3A_846, %iota3A : vector<16xi32>
      %ge3A = vector.broadcast %min3A_702 : i32 to vector<16xi32>
      %ge3A_848 = arith.cmpi sge, %add3A_847, %ge3A : vector<16xi32>
      %lt3A = vector.broadcast %min3A_707 : i32 to vector<16xi32>
      %lt3A_849 = arith.cmpi slt, %add3A_847, %lt3A : vector<16xi32>
      %and3A = arith.andi %ge3A_848, %lt3A_849 : vector<16xi1>
      %mul3A_850 = arith.constant 16 : i32
      %mul3A_851 = arith.muli %while3A_841, %mul3A_850 : i32
      %get3A_852 = arith.index_cast %mul3A_851 : i32 to index
      %get3A_853 = tpu.vector_load %arg7[%get3A_852] {strides = array<i32>} : memref<1024xf32, #tpu.memory_space<vmem>>, vector<16xf32>,
      %jit3A_854 = arith.constant 0.000000e+00 : f32
      %broadcast_in_dim3A_855 = vector.broadcast %jit3A_854 : f32 to vector<16xf32>
      %select_n3A_856 = arith.select %and3A, %get3A_853, %broadcast_in_dim3A_855 : vector<16xi1>, vector<16xf32>
      %add3A_857 = arith.addf %while3A_842, %select_n3A_856 : vector<16xf32>
      %mul3A_858 = arith.constant 16 : i32
      %mul3A_859 = arith.muli %while3A_841, %mul3A_858 : i32
      %get3A_860 = arith.index_cast %mul3A_859 : i32 to index
      %get3A_861 = tpu.vector_load %arg8[%get3A_860] {strides = array<i32>} : memref<1024xf32, #tpu.memory_space<vmem>>, vector<16xf32>,
      %jit3A_862 = arith.constant 0.000000e+00 : f32
      %broadcast_in_dim3A_863 = vector.broadcast %jit3A_862 : f32 to vector<16xf32>
      %select_n3A_864 = arith.select %and3A, %get3A_861, %broadcast_in_dim3A_863 : vector<16xi1>, vector<16xf32>
      %add3A_865 = arith.addf %while3A_843, %select_n3A_864 : vector<16xf32>
      scf.yield %add3A_857, %add3A_865 : vector<16xf32>, vector<16xf32>
    }
    %while3A_722 = arith.constant 1 : i32
    %while3A_723:2 = scf.for %while3A_841 = %while3A_719 to %while3A_715 step %while3A_722 iter_args(%while3A_842 = %while3A_721#0, %while3A_843 = %while3A_721#1) -> (vector<16xf32>, vector<16xf32>)  : i32 {
      %mul3A_844 = arith.constant 16 : i32
      %mul3A_845 = arith.muli %while3A_841, %mul3A_844 : i32
      %add3A_846 = vector.broadcast %mul3A_845 : i32 to vector<16xi32>
      %add3A_847 = arith.addi %add3A_846, %iota3A : vector<16xi32>
      %ge3A = vector.broadcast %min3A_702 : i32 to vector<16xi32>
      %ge3A_848 = arith.cmpi sge, %add3A_847, %ge3A : vector<16xi32>
      %lt3A = vector.broadcast %min3A_707 : i32 to vector<16xi32>
      %lt3A_849 = arith.cmpi slt, %add3A_847, %lt3A : vector<16xi32>
      %and3A = arith.andi %ge3A_848, %lt3A_849 : vector<16xi1>
      %mul3A_850 = arith.constant 16 : i32
      %mul3A_851 = arith.muli %while3A_841, %mul3A_850 : i32
      %get3A_852 = arith.index_cast %mul3A_851 : i32 to index
      %get3A_853 = tpu.vector_load %arg7[%get3A_852] {strides = array<i32>} : memref<1024xf32, #tpu.memory_space<vmem>>, vector<16xf32>,
      %jit3A_854 = arith.constant 0.000000e+00 : f32
      %broadcast_in_dim3A_855 = vector.broadcast %jit3A_854 : f32 to vector<16xf32>
      %select_n3A_856 = arith.select %and3A, %get3A_853, %broadcast_in_dim3A_855 : vector<16xi1>, vector<16xf32>
      %add3A_857 = arith.addf %while3A_842, %select_n3A_856 : vector<16xf32>
      %mul3A_858 = arith.constant 16 : i32
      %mul3A_859 = arith.muli %while3A_841, %mul3A_858 : i32
      %get3A_860 = arith.index_cast %mul3A_859 : i32 to index
      %get3A_861 = tpu.vector_load %arg8[%get3A_860] {strides = array<i32>} : memref<1024xf32, #tpu.memory_space<vmem>>, vector<16xf32>,
      %jit3A_862 = arith.constant 0.000000e+00 : f32
      %broadcast_in_dim3A_863 = vector.broadcast %jit3A_862 : f32 to vector<16xf32>
      %select_n3A_864 = arith.select %and3A, %get3A_861, %broadcast_in_dim3A_863 : vector<16xi1>, vector<16xf32>
      %add3A_865 = arith.addf %while3A_843, %select_n3A_864 : vector<16xf32>
      scf.yield %add3A_857, %add3A_865 : vector<16xf32>, vector<16xf32>
    }
    %eq3A_724 = arith.constant 13 : i32
    %eq3A_725 = vector.broadcast %eq3A_724 : i32 to vector<16xi32>
    %eq3A_726 = arith.cmpi eq, %iota3A, %eq3A_725 : vector<16xi32>
    %reduce_sum3A_727 = arith.constant true
    %reduce_sum3A_728 = vector.broadcast %reduce_sum3A_727 : i1 to vector<16xi1>
    %reduce_sum3A_729 = tpu.scan <sum>, %while3A_723#0 masked %reduce_sum3A_728 : vector<16xf32>, vector<16xi1> -> vector<16xf32>
    %reduce_sum3A_730 = vector.extract %reduce_sum3A_729[15] : f32 from vector<16xf32>
    %add3A_731 = vector.broadcast %reduce_sum3A_730 : f32 to vector<16xf32>
    %add3A_732 = arith.addf %select_n3A_686, %add3A_731 : vector<16xf32>
    %select_n3A_733 = arith.select %eq3A_726, %add3A_732, %select_n3A_686 : vector<16xi1>, vector<16xf32>
    %reduce_sum3A_734 = arith.constant true
    %reduce_sum3A_735 = vector.broadcast %reduce_sum3A_734 : i1 to vector<16xi1>
    %reduce_sum3A_736 = tpu.scan <sum>, %while3A_723#1 masked %reduce_sum3A_735 : vector<16xf32>, vector<16xi1> -> vector<16xf32>
    %reduce_sum3A_737 = vector.extract %reduce_sum3A_736[15] : f32 from vector<16xf32>
    %add3A_738 = vector.broadcast %reduce_sum3A_737 : f32 to vector<16xf32>
    %add3A_739 = arith.addf %select_n3A_693, %add3A_738 : vector<16xf32>
    %select_n3A_740 = arith.select %eq3A_726, %add3A_739, %select_n3A_693 : vector<16xi1>, vector<16xf32>
    %slice3A_741 = vector.extract_strided_slice %get3A_9 {offsets = [14], sizes = [1], strides = [1]} : vector<16xi32> to vector<1xi32>
    %squeeze3A_742 = vector.extract %slice3A_741[0] : i32 from vector<1xi32>
    %slice3A_743 = vector.extract_strided_slice %get3A_9 {offsets = [15], sizes = [1], strides = [1]} : vector<16xi32> to vector<1xi32>
    %squeeze3A_744 = vector.extract %slice3A_743[0] : i32 from vector<1xi32>
    %sub3A_745 = arith.subi %squeeze3A_742, %mul3A_93 : i32
    %jit3A_746 = arith.constant 0 : i32
    %jit3A_747 = arith.constant 1024 : i32
    %max3A_748 = arith.maxsi %jit3A_746, %sub3A_745 : i32
    %min3A_749 = arith.minsi %jit3A_747, %max3A_748 : i32
    %sub3A_750 = arith.subi %squeeze3A_744, %mul3A_93 : i32
    %jit3A_751 = arith.constant 0 : i32
    %jit3A_752 = arith.constant 1024 : i32
    %max3A_753 = arith.maxsi %jit3A_751, %sub3A_750 : i32
    %min3A_754 = arith.minsi %jit3A_752, %max3A_753 : i32
    %div3A_755 = arith.constant 16 : i32
    %div3A_756 = arith.divsi %min3A_749, %div3A_755 : i32
    %add3A_757 = arith.constant 15 : i32
    %add3A_758 = arith.addi %min3A_754, %add3A_757 : i32
    %div3A_759 = arith.constant 16 : i32
    %div3A_760 = arith.divsi %add3A_758, %div3A_759 : i32
    %while3A_761 = arith.subi %div3A_760, %div3A_756 : i32
    %while3A_762 = arith.addi %div3A_756, %while3A_761 : i32
    %while3A_763 = arith.constant 1 : i32
    %while3A_764 = arith.divsi %while3A_761, %while3A_763 : i32
    %while3A_765 = arith.muli %while3A_764, %while3A_763 : i32
    %while3A_766 = arith.addi %div3A_756, %while3A_765 : i32
    %while3A_767 = arith.constant 1 : i32
    %while3A_768:2 = scf.for %while3A_841 = %div3A_756 to %while3A_766 step %while3A_767 iter_args(%while3A_842 = %broadcast_in_dim3A_0, %while3A_843 = %broadcast_in_dim3A_0) -> (vector<16xf32>, vector<16xf32>)  : i32 {
      %mul3A_844 = arith.constant 16 : i32
      %mul3A_845 = arith.muli %while3A_841, %mul3A_844 : i32
      %add3A_846 = vector.broadcast %mul3A_845 : i32 to vector<16xi32>
      %add3A_847 = arith.addi %add3A_846, %iota3A : vector<16xi32>
      %ge3A = vector.broadcast %min3A_749 : i32 to vector<16xi32>
      %ge3A_848 = arith.cmpi sge, %add3A_847, %ge3A : vector<16xi32>
      %lt3A = vector.broadcast %min3A_754 : i32 to vector<16xi32>
      %lt3A_849 = arith.cmpi slt, %add3A_847, %lt3A : vector<16xi32>
      %and3A = arith.andi %ge3A_848, %lt3A_849 : vector<16xi1>
      %mul3A_850 = arith.constant 16 : i32
      %mul3A_851 = arith.muli %while3A_841, %mul3A_850 : i32
      %get3A_852 = arith.index_cast %mul3A_851 : i32 to index
      %get3A_853 = tpu.vector_load %arg7[%get3A_852] {strides = array<i32>} : memref<1024xf32, #tpu.memory_space<vmem>>, vector<16xf32>,
      %jit3A_854 = arith.constant 0.000000e+00 : f32
      %broadcast_in_dim3A_855 = vector.broadcast %jit3A_854 : f32 to vector<16xf32>
      %select_n3A_856 = arith.select %and3A, %get3A_853, %broadcast_in_dim3A_855 : vector<16xi1>, vector<16xf32>
      %add3A_857 = arith.addf %while3A_842, %select_n3A_856 : vector<16xf32>
      %mul3A_858 = arith.constant 16 : i32
      %mul3A_859 = arith.muli %while3A_841, %mul3A_858 : i32
      %get3A_860 = arith.index_cast %mul3A_859 : i32 to index
      %get3A_861 = tpu.vector_load %arg8[%get3A_860] {strides = array<i32>} : memref<1024xf32, #tpu.memory_space<vmem>>, vector<16xf32>,
      %jit3A_862 = arith.constant 0.000000e+00 : f32
      %broadcast_in_dim3A_863 = vector.broadcast %jit3A_862 : f32 to vector<16xf32>
      %select_n3A_864 = arith.select %and3A, %get3A_861, %broadcast_in_dim3A_863 : vector<16xi1>, vector<16xf32>
      %add3A_865 = arith.addf %while3A_843, %select_n3A_864 : vector<16xf32>
      scf.yield %add3A_857, %add3A_865 : vector<16xf32>, vector<16xf32>
    }
    %while3A_769 = arith.constant 1 : i32
    %while3A_770:2 = scf.for %while3A_841 = %while3A_766 to %while3A_762 step %while3A_769 iter_args(%while3A_842 = %while3A_768#0, %while3A_843 = %while3A_768#1) -> (vector<16xf32>, vector<16xf32>)  : i32 {
      %mul3A_844 = arith.constant 16 : i32
      %mul3A_845 = arith.muli %while3A_841, %mul3A_844 : i32
      %add3A_846 = vector.broadcast %mul3A_845 : i32 to vector<16xi32>
      %add3A_847 = arith.addi %add3A_846, %iota3A : vector<16xi32>
      %ge3A = vector.broadcast %min3A_749 : i32 to vector<16xi32>
      %ge3A_848 = arith.cmpi sge, %add3A_847, %ge3A : vector<16xi32>
      %lt3A = vector.broadcast %min3A_754 : i32 to vector<16xi32>
      %lt3A_849 = arith.cmpi slt, %add3A_847, %lt3A : vector<16xi32>
      %and3A = arith.andi %ge3A_848, %lt3A_849 : vector<16xi1>
      %mul3A_850 = arith.constant 16 : i32
      %mul3A_851 = arith.muli %while3A_841, %mul3A_850 : i32
      %get3A_852 = arith.index_cast %mul3A_851 : i32 to index
      %get3A_853 = tpu.vector_load %arg7[%get3A_852] {strides = array<i32>} : memref<1024xf32, #tpu.memory_space<vmem>>, vector<16xf32>,
      %jit3A_854 = arith.constant 0.000000e+00 : f32
      %broadcast_in_dim3A_855 = vector.broadcast %jit3A_854 : f32 to vector<16xf32>
      %select_n3A_856 = arith.select %and3A, %get3A_853, %broadcast_in_dim3A_855 : vector<16xi1>, vector<16xf32>
      %add3A_857 = arith.addf %while3A_842, %select_n3A_856 : vector<16xf32>
      %mul3A_858 = arith.constant 16 : i32
      %mul3A_859 = arith.muli %while3A_841, %mul3A_858 : i32
      %get3A_860 = arith.index_cast %mul3A_859 : i32 to index
      %get3A_861 = tpu.vector_load %arg8[%get3A_860] {strides = array<i32>} : memref<1024xf32, #tpu.memory_space<vmem>>, vector<16xf32>,
      %jit3A_862 = arith.constant 0.000000e+00 : f32
      %broadcast_in_dim3A_863 = vector.broadcast %jit3A_862 : f32 to vector<16xf32>
      %select_n3A_864 = arith.select %and3A, %get3A_861, %broadcast_in_dim3A_863 : vector<16xi1>, vector<16xf32>
      %add3A_865 = arith.addf %while3A_843, %select_n3A_864 : vector<16xf32>
      scf.yield %add3A_857, %add3A_865 : vector<16xf32>, vector<16xf32>
    }
    %eq3A_771 = arith.constant 14 : i32
    %eq3A_772 = vector.broadcast %eq3A_771 : i32 to vector<16xi32>
    %eq3A_773 = arith.cmpi eq, %iota3A, %eq3A_772 : vector<16xi32>
    %reduce_sum3A_774 = arith.constant true
    %reduce_sum3A_775 = vector.broadcast %reduce_sum3A_774 : i1 to vector<16xi1>
    %reduce_sum3A_776 = tpu.scan <sum>, %while3A_770#0 masked %reduce_sum3A_775 : vector<16xf32>, vector<16xi1> -> vector<16xf32>
    %reduce_sum3A_777 = vector.extract %reduce_sum3A_776[15] : f32 from vector<16xf32>
    %add3A_778 = vector.broadcast %reduce_sum3A_777 : f32 to vector<16xf32>
    %add3A_779 = arith.addf %select_n3A_733, %add3A_778 : vector<16xf32>
    %select_n3A_780 = arith.select %eq3A_773, %add3A_779, %select_n3A_733 : vector<16xi1>, vector<16xf32>
    %reduce_sum3A_781 = arith.constant true
    %reduce_sum3A_782 = vector.broadcast %reduce_sum3A_781 : i1 to vector<16xi1>
    %reduce_sum3A_783 = tpu.scan <sum>, %while3A_770#1 masked %reduce_sum3A_782 : vector<16xf32>, vector<16xi1> -> vector<16xf32>
    %reduce_sum3A_784 = vector.extract %reduce_sum3A_783[15] : f32 from vector<16xf32>
    %add3A_785 = vector.broadcast %reduce_sum3A_784 : f32 to vector<16xf32>
    %add3A_786 = arith.addf %select_n3A_740, %add3A_785 : vector<16xf32>
    %select_n3A_787 = arith.select %eq3A_773, %add3A_786, %select_n3A_740 : vector<16xi1>, vector<16xf32>
    %slice3A_788 = vector.extract_strided_slice %get3A_9 {offsets = [15], sizes = [1], strides = [1]} : vector<16xi32> to vector<1xi32>
    %squeeze3A_789 = vector.extract %slice3A_788[0] : i32 from vector<1xi32>
    %sub3A_790 = arith.subi %squeeze3A_789, %mul3A_93 : i32
    %jit3A_791 = arith.constant 0 : i32
    %jit3A_792 = arith.constant 1024 : i32
    %max3A_793 = arith.maxsi %jit3A_791, %sub3A_790 : i32
    %min3A_794 = arith.minsi %jit3A_792, %max3A_793 : i32
    %sub3A_795 = arith.constant 32768 : i32
    %sub3A_796 = arith.subi %sub3A_795, %mul3A_93 : i32
    %jit3A_797 = arith.constant 0 : i32
    %jit3A_798 = arith.constant 1024 : i32
    %max3A_799 = arith.maxsi %jit3A_797, %sub3A_796 : i32
    %min3A_800 = arith.minsi %jit3A_798, %max3A_799 : i32
    %div3A_801 = arith.constant 16 : i32
    %div3A_802 = arith.divsi %min3A_794, %div3A_801 : i32
    %add3A_803 = arith.constant 15 : i32
    %add3A_804 = arith.addi %min3A_800, %add3A_803 : i32
    %div3A_805 = arith.constant 16 : i32
    %div3A_806 = arith.divsi %add3A_804, %div3A_805 : i32
    %while3A_807 = arith.subi %div3A_806, %div3A_802 : i32
    %while3A_808 = arith.addi %div3A_802, %while3A_807 : i32
    %while3A_809 = arith.constant 1 : i32
    %while3A_810 = arith.divsi %while3A_807, %while3A_809 : i32
    %while3A_811 = arith.muli %while3A_810, %while3A_809 : i32
    %while3A_812 = arith.addi %div3A_802, %while3A_811 : i32
    %while3A_813 = arith.constant 1 : i32
    %while3A_814:2 = scf.for %while3A_841 = %div3A_802 to %while3A_812 step %while3A_813 iter_args(%while3A_842 = %broadcast_in_dim3A_0, %while3A_843 = %broadcast_in_dim3A_0) -> (vector<16xf32>, vector<16xf32>)  : i32 {
      %mul3A_844 = arith.constant 16 : i32
      %mul3A_845 = arith.muli %while3A_841, %mul3A_844 : i32
      %add3A_846 = vector.broadcast %mul3A_845 : i32 to vector<16xi32>
      %add3A_847 = arith.addi %add3A_846, %iota3A : vector<16xi32>
      %ge3A = vector.broadcast %min3A_794 : i32 to vector<16xi32>
      %ge3A_848 = arith.cmpi sge, %add3A_847, %ge3A : vector<16xi32>
      %lt3A = vector.broadcast %min3A_800 : i32 to vector<16xi32>
      %lt3A_849 = arith.cmpi slt, %add3A_847, %lt3A : vector<16xi32>
      %and3A = arith.andi %ge3A_848, %lt3A_849 : vector<16xi1>
      %mul3A_850 = arith.constant 16 : i32
      %mul3A_851 = arith.muli %while3A_841, %mul3A_850 : i32
      %get3A_852 = arith.index_cast %mul3A_851 : i32 to index
      %get3A_853 = tpu.vector_load %arg7[%get3A_852] {strides = array<i32>} : memref<1024xf32, #tpu.memory_space<vmem>>, vector<16xf32>,
      %jit3A_854 = arith.constant 0.000000e+00 : f32
      %broadcast_in_dim3A_855 = vector.broadcast %jit3A_854 : f32 to vector<16xf32>
      %select_n3A_856 = arith.select %and3A, %get3A_853, %broadcast_in_dim3A_855 : vector<16xi1>, vector<16xf32>
      %add3A_857 = arith.addf %while3A_842, %select_n3A_856 : vector<16xf32>
      %mul3A_858 = arith.constant 16 : i32
      %mul3A_859 = arith.muli %while3A_841, %mul3A_858 : i32
      %get3A_860 = arith.index_cast %mul3A_859 : i32 to index
      %get3A_861 = tpu.vector_load %arg8[%get3A_860] {strides = array<i32>} : memref<1024xf32, #tpu.memory_space<vmem>>, vector<16xf32>,
      %jit3A_862 = arith.constant 0.000000e+00 : f32
      %broadcast_in_dim3A_863 = vector.broadcast %jit3A_862 : f32 to vector<16xf32>
      %select_n3A_864 = arith.select %and3A, %get3A_861, %broadcast_in_dim3A_863 : vector<16xi1>, vector<16xf32>
      %add3A_865 = arith.addf %while3A_843, %select_n3A_864 : vector<16xf32>
      scf.yield %add3A_857, %add3A_865 : vector<16xf32>, vector<16xf32>
    }
    %while3A_815 = arith.constant 1 : i32
    %while3A_816:2 = scf.for %while3A_841 = %while3A_812 to %while3A_808 step %while3A_815 iter_args(%while3A_842 = %while3A_814#0, %while3A_843 = %while3A_814#1) -> (vector<16xf32>, vector<16xf32>)  : i32 {
      %mul3A_844 = arith.constant 16 : i32
      %mul3A_845 = arith.muli %while3A_841, %mul3A_844 : i32
      %add3A_846 = vector.broadcast %mul3A_845 : i32 to vector<16xi32>
      %add3A_847 = arith.addi %add3A_846, %iota3A : vector<16xi32>
      %ge3A = vector.broadcast %min3A_794 : i32 to vector<16xi32>
      %ge3A_848 = arith.cmpi sge, %add3A_847, %ge3A : vector<16xi32>
      %lt3A = vector.broadcast %min3A_800 : i32 to vector<16xi32>
      %lt3A_849 = arith.cmpi slt, %add3A_847, %lt3A : vector<16xi32>
      %and3A = arith.andi %ge3A_848, %lt3A_849 : vector<16xi1>
      %mul3A_850 = arith.constant 16 : i32
      %mul3A_851 = arith.muli %while3A_841, %mul3A_850 : i32
      %get3A_852 = arith.index_cast %mul3A_851 : i32 to index
      %get3A_853 = tpu.vector_load %arg7[%get3A_852] {strides = array<i32>} : memref<1024xf32, #tpu.memory_space<vmem>>, vector<16xf32>,
      %jit3A_854 = arith.constant 0.000000e+00 : f32
      %broadcast_in_dim3A_855 = vector.broadcast %jit3A_854 : f32 to vector<16xf32>
      %select_n3A_856 = arith.select %and3A, %get3A_853, %broadcast_in_dim3A_855 : vector<16xi1>, vector<16xf32>
      %add3A_857 = arith.addf %while3A_842, %select_n3A_856 : vector<16xf32>
      %mul3A_858 = arith.constant 16 : i32
      %mul3A_859 = arith.muli %while3A_841, %mul3A_858 : i32
      %get3A_860 = arith.index_cast %mul3A_859 : i32 to index
      %get3A_861 = tpu.vector_load %arg8[%get3A_860] {strides = array<i32>} : memref<1024xf32, #tpu.memory_space<vmem>>, vector<16xf32>,
      %jit3A_862 = arith.constant 0.000000e+00 : f32
      %broadcast_in_dim3A_863 = vector.broadcast %jit3A_862 : f32 to vector<16xf32>
      %select_n3A_864 = arith.select %and3A, %get3A_861, %broadcast_in_dim3A_863 : vector<16xi1>, vector<16xf32>
      %add3A_865 = arith.addf %while3A_843, %select_n3A_864 : vector<16xf32>
      scf.yield %add3A_857, %add3A_865 : vector<16xf32>, vector<16xf32>
    }
    %eq3A_817 = arith.constant 15 : i32
    %eq3A_818 = vector.broadcast %eq3A_817 : i32 to vector<16xi32>
    %eq3A_819 = arith.cmpi eq, %iota3A, %eq3A_818 : vector<16xi32>
    %reduce_sum3A_820 = arith.constant true
    %reduce_sum3A_821 = vector.broadcast %reduce_sum3A_820 : i1 to vector<16xi1>
    %reduce_sum3A_822 = tpu.scan <sum>, %while3A_816#0 masked %reduce_sum3A_821 : vector<16xf32>, vector<16xi1> -> vector<16xf32>
    %reduce_sum3A_823 = vector.extract %reduce_sum3A_822[15] : f32 from vector<16xf32>
    %add3A_824 = vector.broadcast %reduce_sum3A_823 : f32 to vector<16xf32>
    %add3A_825 = arith.addf %select_n3A_780, %add3A_824 : vector<16xf32>
    %select_n3A_826 = arith.select %eq3A_819, %add3A_825, %select_n3A_780 : vector<16xi1>, vector<16xf32>
    %reduce_sum3A_827 = arith.constant true
    %reduce_sum3A_828 = vector.broadcast %reduce_sum3A_827 : i1 to vector<16xi1>
    %reduce_sum3A_829 = tpu.scan <sum>, %while3A_816#1 masked %reduce_sum3A_828 : vector<16xf32>, vector<16xi1> -> vector<16xf32>
    %reduce_sum3A_830 = vector.extract %reduce_sum3A_829[15] : f32 from vector<16xf32>
    %add3A_831 = vector.broadcast %reduce_sum3A_830 : f32 to vector<16xf32>
    %add3A_832 = arith.addf %select_n3A_787, %add3A_831 : vector<16xf32>
    %select_n3A_833 = arith.select %eq3A_819, %add3A_832, %select_n3A_787 : vector<16xi1>, vector<16xf32>
    %swap3A = arith.constant 0 : index
    %swap3A_834 = tpu.vector_load %arg10[%swap3A] {strides = array<i32>} : memref<32xf32, #tpu.memory_space<vmem>>, vector<16xf32>,
    tpu.vector_store %arg10[%swap3A], %select_n3A_826 {strides = array<i32>} : memref<32xf32, #tpu.memory_space<vmem>>, vector<16xf32>,
    %swap3A_835 = arith.constant 16 : index
    %swap3A_836 = tpu.vector_load %arg10[%swap3A_835] {strides = array<i32>} : memref<32xf32, #tpu.memory_space<vmem>>, vector<16xf32>,
    tpu.vector_store %arg10[%swap3A_835], %select_n3A_833 {strides = array<i32>} : memref<32xf32, #tpu.memory_space<vmem>>, vector<16xf32>,
    %mul3A_837 = arith.constant 2 : i32
    %mul3A_838 = arith.muli %add3A, %mul3A_837 : i32
    %mul3A_839 = arith.constant 16 : i32
    %mul3A_840 = arith.muli %mul3A_838, %mul3A_839 : i32
    "tpu.region"() ({
      %run_scoped3A = tpu.sem_alloc : memref<!tpu.dma_semaphore, #tpu.memory_space<semaphore_mem>>
      %dma_start3A_841 = tpu.memref_slice %arg4[%mul3A_840] : memref<1024xf32, #tpu.memory_space<hbm>> -> memref<32xf32, #tpu.memory_space<hbm>>
      %dma_start3A_842 = tpu.memref_slice %arg4[%mul3A_840] : memref<1024xf32, #tpu.memory_space<hbm>> -> memref<32xf32, #tpu.memory_space<hbm>>
      tpu.enqueue_dma source(%arg10 : memref<32xf32, #tpu.memory_space<vmem>>) target(%dma_start3A_842 : memref<32xf32, #tpu.memory_space<hbm>>) target_semaphore(%run_scoped3A : memref<!tpu.dma_semaphore, #tpu.memory_space<semaphore_mem>>)
      %dma_wait3A_843 = tpu.memref_slice %arg4[%mul3A_840] : memref<1024xf32, #tpu.memory_space<hbm>> -> memref<32xf32, #tpu.memory_space<hbm>>
      %dma_wait3A_844 = tpu.memref_slice %arg4[%mul3A_840] : memref<1024xf32, #tpu.memory_space<hbm>> -> memref<32xf32, #tpu.memory_space<hbm>>
      tpu.wait_dma2 semaphore(%run_scoped3A : memref<!tpu.dma_semaphore, #tpu.memory_space<semaphore_mem>>) src(%arg10 : memref<32xf32, #tpu.memory_space<vmem>>) dst(%dma_wait3A_844 : memref<32xf32, #tpu.memory_space<hbm>>)
      tpu.yield
    }) : () -> ()
    return
  }
}

#map = affine_map<(d0, d1) -> (0, 0)>
#map1 = affine_map<(d0, d1) -> (0)>
module attributes {stable_mosaic.version = 14 : i64} {
  func.func @norm_k(%arg0: i32, %arg1: i32, %arg2: memref<64x32768xf32, #tpu.memory_space<hbm>>, %arg3: memref<17xi32, #tpu.memory_space<hbm>>, %arg4: memref<1024xf32, #tpu.memory_space<hbm>>, %arg5: memref<64x32768xf32, #tpu.memory_space<hbm>>, %arg6: memref<64x256xf32, #tpu.memory_space<vmem>>, %arg7: memref<64x256xf32, #tpu.memory_space<vmem>>, %arg8: memref<64x256xf32, #tpu.memory_space<vmem>>, %arg9: memref<16xi32, #tpu.memory_space<vmem>>, %arg10: memref<1024xf32, #tpu.memory_space<vmem>>, %arg11: memref<!tpu.dma_semaphore, #tpu.memory_space<semaphore_mem>>, %arg12: memref<!tpu.dma_semaphore, #tpu.memory_space<semaphore_mem>>, %arg13: memref<!tpu.dma_semaphore, #tpu.memory_space<semaphore_mem>>, %arg14: memref<!tpu.dma_semaphore, #tpu.memory_space<semaphore_mem>>, %arg15: memref<!tpu.dma_semaphore, #tpu.memory_space<semaphore_mem>>, %arg16: memref<!tpu.dma_semaphore, #tpu.memory_space<semaphore_mem>>) attributes {dimension_semantics = [#tpu.dimension_semantics<core_parallel>, #tpu.dimension_semantics<subcore_parallel>], iteration_bounds = array<i64: 2, 16>, scalar_prefetch = 0 : i64, scratch_operands = 11 : i64, tpu.core_type = #tpu.core_type<sc_vector_subcore>, window_params = [{transform_indices = #map}, {transform_indices = #map1}, {transform_indices = #map1}, {transform_indices = #map}]} {
    %broadcast_in_dim3A = arith.constant 0.000000e+00 : f32
    %broadcast_in_dim3A_0 = vector.broadcast %broadcast_in_dim3A : f32 to vector<16xf32>
    %iota3A = tpu.iota {dimensions = array<i32: 0>} : vector<16xi32>
    %mul3A = arith.constant 16 : i32
    %mul3A_1 = arith.muli %arg0, %mul3A : i32
    %add3A = arith.addi %mul3A_1, %arg1 : i32
    %mul3A_2 = arith.constant 1024 : i32
    %mul3A_3 = arith.muli %add3A, %mul3A_2 : i32
    %add3A_4 = arith.constant 0 : i32
    %add3A_5 = arith.addi %mul3A_3, %add3A_4 : i32
    %dma_start3A = arith.constant 0 : i32
    %dma_start3A_6 = tpu.memref_slice %arg2[%dma_start3A, %add3A_5] : memref<64x32768xf32, #tpu.memory_space<hbm>> -> memref<64x256xf32, #tpu.memory_space<hbm>>
    %dma_start3A_7 = arith.constant 0 : i32
    %dma_start3A_8 = tpu.memref_slice %arg2[%dma_start3A_7, %add3A_5] : memref<64x32768xf32, #tpu.memory_space<hbm>> -> memref<64x256xf32, #tpu.memory_space<hbm>>
    tpu.enqueue_dma source(%dma_start3A_8 : memref<64x256xf32, #tpu.memory_space<hbm>>) target(%arg6 : memref<64x256xf32, #tpu.memory_space<vmem>>) target_semaphore(%arg11 : memref<!tpu.dma_semaphore, #tpu.memory_space<semaphore_mem>>)
    %mul3A_9 = arith.constant 1024 : i32
    %mul3A_10 = arith.muli %add3A, %mul3A_9 : i32
    %add3A_11 = arith.constant 256 : i32
    %add3A_12 = arith.addi %mul3A_10, %add3A_11 : i32
    %dma_start3A_13 = arith.constant 0 : i32
    %dma_start3A_14 = tpu.memref_slice %arg2[%dma_start3A_13, %add3A_12] : memref<64x32768xf32, #tpu.memory_space<hbm>> -> memref<64x256xf32, #tpu.memory_space<hbm>>
    %dma_start3A_15 = arith.constant 0 : i32
    %dma_start3A_16 = tpu.memref_slice %arg2[%dma_start3A_15, %add3A_12] : memref<64x32768xf32, #tpu.memory_space<hbm>> -> memref<64x256xf32, #tpu.memory_space<hbm>>
    tpu.enqueue_dma source(%dma_start3A_16 : memref<64x256xf32, #tpu.memory_space<hbm>>) target(%arg7 : memref<64x256xf32, #tpu.memory_space<vmem>>) target_semaphore(%arg12 : memref<!tpu.dma_semaphore, #tpu.memory_space<semaphore_mem>>)
    "tpu.region"() ({
      %run_scoped3A = tpu.sem_alloc : memref<!tpu.dma_semaphore, #tpu.memory_space<semaphore_mem>>
      %dma_start3A_477 = arith.constant 0 : i32
      %dma_start3A_478 = tpu.memref_slice %arg3[%dma_start3A_477] : memref<17xi32, #tpu.memory_space<hbm>> -> memref<16xi32, #tpu.memory_space<hbm>>
      %dma_start3A_479 = arith.constant 0 : i32
      %dma_start3A_480 = tpu.memref_slice %arg3[%dma_start3A_479] : memref<17xi32, #tpu.memory_space<hbm>> -> memref<16xi32, #tpu.memory_space<hbm>>
      tpu.enqueue_dma source(%dma_start3A_480 : memref<16xi32, #tpu.memory_space<hbm>>) target(%arg9 : memref<16xi32, #tpu.memory_space<vmem>>) target_semaphore(%run_scoped3A : memref<!tpu.dma_semaphore, #tpu.memory_space<semaphore_mem>>)
      %dma_wait3A_481 = arith.constant 0 : i32
      %dma_wait3A_482 = tpu.memref_slice %arg3[%dma_wait3A_481] : memref<17xi32, #tpu.memory_space<hbm>> -> memref<16xi32, #tpu.memory_space<hbm>>
      %dma_wait3A_483 = arith.constant 0 : i32
      %dma_wait3A_484 = tpu.memref_slice %arg3[%dma_wait3A_483] : memref<17xi32, #tpu.memory_space<hbm>> -> memref<16xi32, #tpu.memory_space<hbm>>
      tpu.wait_dma2 semaphore(%run_scoped3A : memref<!tpu.dma_semaphore, #tpu.memory_space<semaphore_mem>>) src(%dma_wait3A_484 : memref<16xi32, #tpu.memory_space<hbm>>) dst(%arg9 : memref<16xi32, #tpu.memory_space<vmem>>)
      tpu.yield
    }) : () -> ()
    "tpu.region"() ({
      %run_scoped3A = tpu.sem_alloc : memref<!tpu.dma_semaphore, #tpu.memory_space<semaphore_mem>>
      tpu.enqueue_dma source(%arg4 : memref<1024xf32, #tpu.memory_space<hbm>>) target(%arg10 : memref<1024xf32, #tpu.memory_space<vmem>>) target_semaphore(%run_scoped3A : memref<!tpu.dma_semaphore, #tpu.memory_space<semaphore_mem>>)
      tpu.wait_dma2 semaphore(%run_scoped3A : memref<!tpu.dma_semaphore, #tpu.memory_space<semaphore_mem>>) src(%arg4 : memref<1024xf32, #tpu.memory_space<hbm>>) dst(%arg10 : memref<1024xf32, #tpu.memory_space<vmem>>)
      tpu.yield
    }) : () -> ()
    %get3A = arith.constant 0 : index
    %get3A_17 = tpu.vector_load %arg9[%get3A] {strides = array<i32>} : memref<16xi32, #tpu.memory_space<vmem>>, vector<16xi32>,
    %get3A_18 = arith.constant 0 : index
    %get3A_19 = tpu.vector_load %arg10[%get3A_18] {strides = array<i32>} : memref<1024xf32, #tpu.memory_space<vmem>>, vector<16xf32>,
    %add3A_20 = arith.addf %broadcast_in_dim3A_0, %get3A_19 : vector<16xf32>
    %get3A_21 = arith.constant 16 : index
    %get3A_22 = tpu.vector_load %arg10[%get3A_21] {strides = array<i32>} : memref<1024xf32, #tpu.memory_space<vmem>>, vector<16xf32>,
    %add3A_23 = arith.addf %broadcast_in_dim3A_0, %get3A_22 : vector<16xf32>
    %get3A_24 = arith.constant 32 : index
    %get3A_25 = tpu.vector_load %arg10[%get3A_24] {strides = array<i32>} : memref<1024xf32, #tpu.memory_space<vmem>>, vector<16xf32>,
    %add3A_26 = arith.addf %add3A_20, %get3A_25 : vector<16xf32>
    %get3A_27 = arith.constant 48 : index
    %get3A_28 = tpu.vector_load %arg10[%get3A_27] {strides = array<i32>} : memref<1024xf32, #tpu.memory_space<vmem>>, vector<16xf32>,
    %add3A_29 = arith.addf %add3A_23, %get3A_28 : vector<16xf32>
    %get3A_30 = arith.constant 64 : index
    %get3A_31 = tpu.vector_load %arg10[%get3A_30] {strides = array<i32>} : memref<1024xf32, #tpu.memory_space<vmem>>, vector<16xf32>,
    %add3A_32 = arith.addf %add3A_26, %get3A_31 : vector<16xf32>
    %get3A_33 = arith.constant 80 : index
    %get3A_34 = tpu.vector_load %arg10[%get3A_33] {strides = array<i32>} : memref<1024xf32, #tpu.memory_space<vmem>>, vector<16xf32>,
    %add3A_35 = arith.addf %add3A_29, %get3A_34 : vector<16xf32>
    %get3A_36 = arith.constant 96 : index
    %get3A_37 = tpu.vector_load %arg10[%get3A_36] {strides = array<i32>} : memref<1024xf32, #tpu.memory_space<vmem>>, vector<16xf32>,
    %add3A_38 = arith.addf %add3A_32, %get3A_37 : vector<16xf32>
    %get3A_39 = arith.constant 112 : index
    %get3A_40 = tpu.vector_load %arg10[%get3A_39] {strides = array<i32>} : memref<1024xf32, #tpu.memory_space<vmem>>, vector<16xf32>,
    %add3A_41 = arith.addf %add3A_35, %get3A_40 : vector<16xf32>
    %get3A_42 = arith.constant 128 : index
    %get3A_43 = tpu.vector_load %arg10[%get3A_42] {strides = array<i32>} : memref<1024xf32, #tpu.memory_space<vmem>>, vector<16xf32>,
    %add3A_44 = arith.addf %add3A_38, %get3A_43 : vector<16xf32>
    %get3A_45 = arith.constant 144 : index
    %get3A_46 = tpu.vector_load %arg10[%get3A_45] {strides = array<i32>} : memref<1024xf32, #tpu.memory_space<vmem>>, vector<16xf32>,
    %add3A_47 = arith.addf %add3A_41, %get3A_46 : vector<16xf32>
    %get3A_48 = arith.constant 160 : index
    %get3A_49 = tpu.vector_load %arg10[%get3A_48] {strides = array<i32>} : memref<1024xf32, #tpu.memory_space<vmem>>, vector<16xf32>,
    %add3A_50 = arith.addf %add3A_44, %get3A_49 : vector<16xf32>
    %get3A_51 = arith.constant 176 : index
    %get3A_52 = tpu.vector_load %arg10[%get3A_51] {strides = array<i32>} : memref<1024xf32, #tpu.memory_space<vmem>>, vector<16xf32>,
    %add3A_53 = arith.addf %add3A_47, %get3A_52 : vector<16xf32>
    %get3A_54 = arith.constant 192 : index
    %get3A_55 = tpu.vector_load %arg10[%get3A_54] {strides = array<i32>} : memref<1024xf32, #tpu.memory_space<vmem>>, vector<16xf32>,
    %add3A_56 = arith.addf %add3A_50, %get3A_55 : vector<16xf32>
    %get3A_57 = arith.constant 208 : index
    %get3A_58 = tpu.vector_load %arg10[%get3A_57] {strides = array<i32>} : memref<1024xf32, #tpu.memory_space<vmem>>, vector<16xf32>,
    %add3A_59 = arith.addf %add3A_53, %get3A_58 : vector<16xf32>
    %get3A_60 = arith.constant 224 : index
    %get3A_61 = tpu.vector_load %arg10[%get3A_60] {strides = array<i32>} : memref<1024xf32, #tpu.memory_space<vmem>>, vector<16xf32>,
    %add3A_62 = arith.addf %add3A_56, %get3A_61 : vector<16xf32>
    %get3A_63 = arith.constant 240 : index
    %get3A_64 = tpu.vector_load %arg10[%get3A_63] {strides = array<i32>} : memref<1024xf32, #tpu.memory_space<vmem>>, vector<16xf32>,
    %add3A_65 = arith.addf %add3A_59, %get3A_64 : vector<16xf32>
    %get3A_66 = arith.constant 256 : index
    %get3A_67 = tpu.vector_load %arg10[%get3A_66] {strides = array<i32>} : memref<1024xf32, #tpu.memory_space<vmem>>, vector<16xf32>,
    %add3A_68 = arith.addf %add3A_62, %get3A_67 : vector<16xf32>
    %get3A_69 = arith.constant 272 : index
    %get3A_70 = tpu.vector_load %arg10[%get3A_69] {strides = array<i32>} : memref<1024xf32, #tpu.memory_space<vmem>>, vector<16xf32>,
    %add3A_71 = arith.addf %add3A_65, %get3A_70 : vector<16xf32>
    %get3A_72 = arith.constant 288 : index
    %get3A_73 = tpu.vector_load %arg10[%get3A_72] {strides = array<i32>} : memref<1024xf32, #tpu.memory_space<vmem>>, vector<16xf32>,
    %add3A_74 = arith.addf %add3A_68, %get3A_73 : vector<16xf32>
    %get3A_75 = arith.constant 304 : index
    %get3A_76 = tpu.vector_load %arg10[%get3A_75] {strides = array<i32>} : memref<1024xf32, #tpu.memory_space<vmem>>, vector<16xf32>,
    %add3A_77 = arith.addf %add3A_71, %get3A_76 : vector<16xf32>
    %get3A_78 = arith.constant 320 : index
    %get3A_79 = tpu.vector_load %arg10[%get3A_78] {strides = array<i32>} : memref<1024xf32, #tpu.memory_space<vmem>>, vector<16xf32>,
    %add3A_80 = arith.addf %add3A_74, %get3A_79 : vector<16xf32>
    %get3A_81 = arith.constant 336 : index
    %get3A_82 = tpu.vector_load %arg10[%get3A_81] {strides = array<i32>} : memref<1024xf32, #tpu.memory_space<vmem>>, vector<16xf32>,
    %add3A_83 = arith.addf %add3A_77, %get3A_82 : vector<16xf32>
    %get3A_84 = arith.constant 352 : index
    %get3A_85 = tpu.vector_load %arg10[%get3A_84] {strides = array<i32>} : memref<1024xf32, #tpu.memory_space<vmem>>, vector<16xf32>,
    %add3A_86 = arith.addf %add3A_80, %get3A_85 : vector<16xf32>
    %get3A_87 = arith.constant 368 : index
    %get3A_88 = tpu.vector_load %arg10[%get3A_87] {strides = array<i32>} : memref<1024xf32, #tpu.memory_space<vmem>>, vector<16xf32>,
    %add3A_89 = arith.addf %add3A_83, %get3A_88 : vector<16xf32>
    %get3A_90 = arith.constant 384 : index
    %get3A_91 = tpu.vector_load %arg10[%get3A_90] {strides = array<i32>} : memref<1024xf32, #tpu.memory_space<vmem>>, vector<16xf32>,
    %add3A_92 = arith.addf %add3A_86, %get3A_91 : vector<16xf32>
    %get3A_93 = arith.constant 400 : index
    %get3A_94 = tpu.vector_load %arg10[%get3A_93] {strides = array<i32>} : memref<1024xf32, #tpu.memory_space<vmem>>, vector<16xf32>,
    %add3A_95 = arith.addf %add3A_89, %get3A_94 : vector<16xf32>
    %get3A_96 = arith.constant 416 : index
    %get3A_97 = tpu.vector_load %arg10[%get3A_96] {strides = array<i32>} : memref<1024xf32, #tpu.memory_space<vmem>>, vector<16xf32>,
    %add3A_98 = arith.addf %add3A_92, %get3A_97 : vector<16xf32>
    %get3A_99 = arith.constant 432 : index
    %get3A_100 = tpu.vector_load %arg10[%get3A_99] {strides = array<i32>} : memref<1024xf32, #tpu.memory_space<vmem>>, vector<16xf32>,
    %add3A_101 = arith.addf %add3A_95, %get3A_100 : vector<16xf32>
    %get3A_102 = arith.constant 448 : index
    %get3A_103 = tpu.vector_load %arg10[%get3A_102] {strides = array<i32>} : memref<1024xf32, #tpu.memory_space<vmem>>, vector<16xf32>,
    %add3A_104 = arith.addf %add3A_98, %get3A_103 : vector<16xf32>
    %get3A_105 = arith.constant 464 : index
    %get3A_106 = tpu.vector_load %arg10[%get3A_105] {strides = array<i32>} : memref<1024xf32, #tpu.memory_space<vmem>>, vector<16xf32>,
    %add3A_107 = arith.addf %add3A_101, %get3A_106 : vector<16xf32>
    %get3A_108 = arith.constant 480 : index
    %get3A_109 = tpu.vector_load %arg10[%get3A_108] {strides = array<i32>} : memref<1024xf32, #tpu.memory_space<vmem>>, vector<16xf32>,
    %add3A_110 = arith.addf %add3A_104, %get3A_109 : vector<16xf32>
    %get3A_111 = arith.constant 496 : index
    %get3A_112 = tpu.vector_load %arg10[%get3A_111] {strides = array<i32>} : memref<1024xf32, #tpu.memory_space<vmem>>, vector<16xf32>,
    %add3A_113 = arith.addf %add3A_107, %get3A_112 : vector<16xf32>
    %get3A_114 = arith.constant 512 : index
    %get3A_115 = tpu.vector_load %arg10[%get3A_114] {strides = array<i32>} : memref<1024xf32, #tpu.memory_space<vmem>>, vector<16xf32>,
    %add3A_116 = arith.addf %add3A_110, %get3A_115 : vector<16xf32>
    %get3A_117 = arith.constant 528 : index
    %get3A_118 = tpu.vector_load %arg10[%get3A_117] {strides = array<i32>} : memref<1024xf32, #tpu.memory_space<vmem>>, vector<16xf32>,
    %add3A_119 = arith.addf %add3A_113, %get3A_118 : vector<16xf32>
    %get3A_120 = arith.constant 544 : index
    %get3A_121 = tpu.vector_load %arg10[%get3A_120] {strides = array<i32>} : memref<1024xf32, #tpu.memory_space<vmem>>, vector<16xf32>,
    %add3A_122 = arith.addf %add3A_116, %get3A_121 : vector<16xf32>
    %get3A_123 = arith.constant 560 : index
    %get3A_124 = tpu.vector_load %arg10[%get3A_123] {strides = array<i32>} : memref<1024xf32, #tpu.memory_space<vmem>>, vector<16xf32>,
    %add3A_125 = arith.addf %add3A_119, %get3A_124 : vector<16xf32>
    %get3A_126 = arith.constant 576 : index
    %get3A_127 = tpu.vector_load %arg10[%get3A_126] {strides = array<i32>} : memref<1024xf32, #tpu.memory_space<vmem>>, vector<16xf32>,
    %add3A_128 = arith.addf %add3A_122, %get3A_127 : vector<16xf32>
    %get3A_129 = arith.constant 592 : index
    %get3A_130 = tpu.vector_load %arg10[%get3A_129] {strides = array<i32>} : memref<1024xf32, #tpu.memory_space<vmem>>, vector<16xf32>,
    %add3A_131 = arith.addf %add3A_125, %get3A_130 : vector<16xf32>
    %get3A_132 = arith.constant 608 : index
    %get3A_133 = tpu.vector_load %arg10[%get3A_132] {strides = array<i32>} : memref<1024xf32, #tpu.memory_space<vmem>>, vector<16xf32>,
    %add3A_134 = arith.addf %add3A_128, %get3A_133 : vector<16xf32>
    %get3A_135 = arith.constant 624 : index
    %get3A_136 = tpu.vector_load %arg10[%get3A_135] {strides = array<i32>} : memref<1024xf32, #tpu.memory_space<vmem>>, vector<16xf32>,
    %add3A_137 = arith.addf %add3A_131, %get3A_136 : vector<16xf32>
    %get3A_138 = arith.constant 640 : index
    %get3A_139 = tpu.vector_load %arg10[%get3A_138] {strides = array<i32>} : memref<1024xf32, #tpu.memory_space<vmem>>, vector<16xf32>,
    %add3A_140 = arith.addf %add3A_134, %get3A_139 : vector<16xf32>
    %get3A_141 = arith.constant 656 : index
    %get3A_142 = tpu.vector_load %arg10[%get3A_141] {strides = array<i32>} : memref<1024xf32, #tpu.memory_space<vmem>>, vector<16xf32>,
    %add3A_143 = arith.addf %add3A_137, %get3A_142 : vector<16xf32>
    %get3A_144 = arith.constant 672 : index
    %get3A_145 = tpu.vector_load %arg10[%get3A_144] {strides = array<i32>} : memref<1024xf32, #tpu.memory_space<vmem>>, vector<16xf32>,
    %add3A_146 = arith.addf %add3A_140, %get3A_145 : vector<16xf32>
    %get3A_147 = arith.constant 688 : index
    %get3A_148 = tpu.vector_load %arg10[%get3A_147] {strides = array<i32>} : memref<1024xf32, #tpu.memory_space<vmem>>, vector<16xf32>,
    %add3A_149 = arith.addf %add3A_143, %get3A_148 : vector<16xf32>
    %get3A_150 = arith.constant 704 : index
    %get3A_151 = tpu.vector_load %arg10[%get3A_150] {strides = array<i32>} : memref<1024xf32, #tpu.memory_space<vmem>>, vector<16xf32>,
    %add3A_152 = arith.addf %add3A_146, %get3A_151 : vector<16xf32>
    %get3A_153 = arith.constant 720 : index
    %get3A_154 = tpu.vector_load %arg10[%get3A_153] {strides = array<i32>} : memref<1024xf32, #tpu.memory_space<vmem>>, vector<16xf32>,
    %add3A_155 = arith.addf %add3A_149, %get3A_154 : vector<16xf32>
    %get3A_156 = arith.constant 736 : index
    %get3A_157 = tpu.vector_load %arg10[%get3A_156] {strides = array<i32>} : memref<1024xf32, #tpu.memory_space<vmem>>, vector<16xf32>,
    %add3A_158 = arith.addf %add3A_152, %get3A_157 : vector<16xf32>
    %get3A_159 = arith.constant 752 : index
    %get3A_160 = tpu.vector_load %arg10[%get3A_159] {strides = array<i32>} : memref<1024xf32, #tpu.memory_space<vmem>>, vector<16xf32>,
    %add3A_161 = arith.addf %add3A_155, %get3A_160 : vector<16xf32>
    %get3A_162 = arith.constant 768 : index
    %get3A_163 = tpu.vector_load %arg10[%get3A_162] {strides = array<i32>} : memref<1024xf32, #tpu.memory_space<vmem>>, vector<16xf32>,
    %add3A_164 = arith.addf %add3A_158, %get3A_163 : vector<16xf32>
    %get3A_165 = arith.constant 784 : index
    %get3A_166 = tpu.vector_load %arg10[%get3A_165] {strides = array<i32>} : memref<1024xf32, #tpu.memory_space<vmem>>, vector<16xf32>,
    %add3A_167 = arith.addf %add3A_161, %get3A_166 : vector<16xf32>
    %get3A_168 = arith.constant 800 : index
    %get3A_169 = tpu.vector_load %arg10[%get3A_168] {strides = array<i32>} : memref<1024xf32, #tpu.memory_space<vmem>>, vector<16xf32>,
    %add3A_170 = arith.addf %add3A_164, %get3A_169 : vector<16xf32>
    %get3A_171 = arith.constant 816 : index
    %get3A_172 = tpu.vector_load %arg10[%get3A_171] {strides = array<i32>} : memref<1024xf32, #tpu.memory_space<vmem>>, vector<16xf32>,
    %add3A_173 = arith.addf %add3A_167, %get3A_172 : vector<16xf32>
    %get3A_174 = arith.constant 832 : index
    %get3A_175 = tpu.vector_load %arg10[%get3A_174] {strides = array<i32>} : memref<1024xf32, #tpu.memory_space<vmem>>, vector<16xf32>,
    %add3A_176 = arith.addf %add3A_170, %get3A_175 : vector<16xf32>
    %get3A_177 = arith.constant 848 : index
    %get3A_178 = tpu.vector_load %arg10[%get3A_177] {strides = array<i32>} : memref<1024xf32, #tpu.memory_space<vmem>>, vector<16xf32>,
    %add3A_179 = arith.addf %add3A_173, %get3A_178 : vector<16xf32>
    %get3A_180 = arith.constant 864 : index
    %get3A_181 = tpu.vector_load %arg10[%get3A_180] {strides = array<i32>} : memref<1024xf32, #tpu.memory_space<vmem>>, vector<16xf32>,
    %add3A_182 = arith.addf %add3A_176, %get3A_181 : vector<16xf32>
    %get3A_183 = arith.constant 880 : index
    %get3A_184 = tpu.vector_load %arg10[%get3A_183] {strides = array<i32>} : memref<1024xf32, #tpu.memory_space<vmem>>, vector<16xf32>,
    %add3A_185 = arith.addf %add3A_179, %get3A_184 : vector<16xf32>
    %get3A_186 = arith.constant 896 : index
    %get3A_187 = tpu.vector_load %arg10[%get3A_186] {strides = array<i32>} : memref<1024xf32, #tpu.memory_space<vmem>>, vector<16xf32>,
    %add3A_188 = arith.addf %add3A_182, %get3A_187 : vector<16xf32>
    %get3A_189 = arith.constant 912 : index
    %get3A_190 = tpu.vector_load %arg10[%get3A_189] {strides = array<i32>} : memref<1024xf32, #tpu.memory_space<vmem>>, vector<16xf32>,
    %add3A_191 = arith.addf %add3A_185, %get3A_190 : vector<16xf32>
    %get3A_192 = arith.constant 928 : index
    %get3A_193 = tpu.vector_load %arg10[%get3A_192] {strides = array<i32>} : memref<1024xf32, #tpu.memory_space<vmem>>, vector<16xf32>,
    %add3A_194 = arith.addf %add3A_188, %get3A_193 : vector<16xf32>
    %get3A_195 = arith.constant 944 : index
    %get3A_196 = tpu.vector_load %arg10[%get3A_195] {strides = array<i32>} : memref<1024xf32, #tpu.memory_space<vmem>>, vector<16xf32>,
    %add3A_197 = arith.addf %add3A_191, %get3A_196 : vector<16xf32>
    %get3A_198 = arith.constant 960 : index
    %get3A_199 = tpu.vector_load %arg10[%get3A_198] {strides = array<i32>} : memref<1024xf32, #tpu.memory_space<vmem>>, vector<16xf32>,
    %add3A_200 = arith.addf %add3A_194, %get3A_199 : vector<16xf32>
    %get3A_201 = arith.constant 976 : index
    %get3A_202 = tpu.vector_load %arg10[%get3A_201] {strides = array<i32>} : memref<1024xf32, #tpu.memory_space<vmem>>, vector<16xf32>,
    %add3A_203 = arith.addf %add3A_197, %get3A_202 : vector<16xf32>
    %get3A_204 = arith.constant 992 : index
    %get3A_205 = tpu.vector_load %arg10[%get3A_204] {strides = array<i32>} : memref<1024xf32, #tpu.memory_space<vmem>>, vector<16xf32>,
    %add3A_206 = arith.addf %add3A_200, %get3A_205 : vector<16xf32>
    %get3A_207 = arith.constant 1008 : index
    %get3A_208 = tpu.vector_load %arg10[%get3A_207] {strides = array<i32>} : memref<1024xf32, #tpu.memory_space<vmem>>, vector<16xf32>,
    %add3A_209 = arith.addf %add3A_203, %get3A_208 : vector<16xf32>
    %broadcast_in_dim3A_210 = arith.constant 32768 : i32
    %broadcast_in_dim3A_211 = vector.broadcast %broadcast_in_dim3A_210 : i32 to vector<16xi32>
    %eq3A = arith.constant 0 : i32
    %eq3A_212 = vector.broadcast %eq3A : i32 to vector<16xi32>
    %eq3A_213 = arith.cmpi eq, %iota3A, %eq3A_212 : vector<16xi32>
    %slice3A = vector.extract_strided_slice %get3A_17 {offsets = [1], sizes = [1], strides = [1]} : vector<16xi32> to vector<1xi32>
    %squeeze3A = vector.extract %slice3A[0] : i32 from vector<1xi32>
    %broadcast_in_dim3A_214 = vector.broadcast %squeeze3A : i32 to vector<16xi32>
    %select_n3A = arith.select %eq3A_213, %broadcast_in_dim3A_214, %broadcast_in_dim3A_211 : vector<16xi1>, vector<16xi32>
    %eq3A_215 = arith.constant 1 : i32
    %eq3A_216 = vector.broadcast %eq3A_215 : i32 to vector<16xi32>
    %eq3A_217 = arith.cmpi eq, %iota3A, %eq3A_216 : vector<16xi32>
    %slice3A_218 = vector.extract_strided_slice %get3A_17 {offsets = [2], sizes = [1], strides = [1]} : vector<16xi32> to vector<1xi32>
    %squeeze3A_219 = vector.extract %slice3A_218[0] : i32 from vector<1xi32>
    %broadcast_in_dim3A_220 = vector.broadcast %squeeze3A_219 : i32 to vector<16xi32>
    %select_n3A_221 = arith.select %eq3A_217, %broadcast_in_dim3A_220, %select_n3A : vector<16xi1>, vector<16xi32>
    %eq3A_222 = arith.constant 2 : i32
    %eq3A_223 = vector.broadcast %eq3A_222 : i32 to vector<16xi32>
    %eq3A_224 = arith.cmpi eq, %iota3A, %eq3A_223 : vector<16xi32>
    %slice3A_225 = vector.extract_strided_slice %get3A_17 {offsets = [3], sizes = [1], strides = [1]} : vector<16xi32> to vector<1xi32>
    %squeeze3A_226 = vector.extract %slice3A_225[0] : i32 from vector<1xi32>
    %broadcast_in_dim3A_227 = vector.broadcast %squeeze3A_226 : i32 to vector<16xi32>
    %select_n3A_228 = arith.select %eq3A_224, %broadcast_in_dim3A_227, %select_n3A_221 : vector<16xi1>, vector<16xi32>
    %eq3A_229 = arith.constant 3 : i32
    %eq3A_230 = vector.broadcast %eq3A_229 : i32 to vector<16xi32>
    %eq3A_231 = arith.cmpi eq, %iota3A, %eq3A_230 : vector<16xi32>
    %slice3A_232 = vector.extract_strided_slice %get3A_17 {offsets = [4], sizes = [1], strides = [1]} : vector<16xi32> to vector<1xi32>
    %squeeze3A_233 = vector.extract %slice3A_232[0] : i32 from vector<1xi32>
    %broadcast_in_dim3A_234 = vector.broadcast %squeeze3A_233 : i32 to vector<16xi32>
    %select_n3A_235 = arith.select %eq3A_231, %broadcast_in_dim3A_234, %select_n3A_228 : vector<16xi1>, vector<16xi32>
    %eq3A_236 = arith.constant 4 : i32
    %eq3A_237 = vector.broadcast %eq3A_236 : i32 to vector<16xi32>
    %eq3A_238 = arith.cmpi eq, %iota3A, %eq3A_237 : vector<16xi32>
    %slice3A_239 = vector.extract_strided_slice %get3A_17 {offsets = [5], sizes = [1], strides = [1]} : vector<16xi32> to vector<1xi32>
    %squeeze3A_240 = vector.extract %slice3A_239[0] : i32 from vector<1xi32>
    %broadcast_in_dim3A_241 = vector.broadcast %squeeze3A_240 : i32 to vector<16xi32>
    %select_n3A_242 = arith.select %eq3A_238, %broadcast_in_dim3A_241, %select_n3A_235 : vector<16xi1>, vector<16xi32>
    %eq3A_243 = arith.constant 5 : i32
    %eq3A_244 = vector.broadcast %eq3A_243 : i32 to vector<16xi32>
    %eq3A_245 = arith.cmpi eq, %iota3A, %eq3A_244 : vector<16xi32>
    %slice3A_246 = vector.extract_strided_slice %get3A_17 {offsets = [6], sizes = [1], strides = [1]} : vector<16xi32> to vector<1xi32>
    %squeeze3A_247 = vector.extract %slice3A_246[0] : i32 from vector<1xi32>
    %broadcast_in_dim3A_248 = vector.broadcast %squeeze3A_247 : i32 to vector<16xi32>
    %select_n3A_249 = arith.select %eq3A_245, %broadcast_in_dim3A_248, %select_n3A_242 : vector<16xi1>, vector<16xi32>
    %eq3A_250 = arith.constant 6 : i32
    %eq3A_251 = vector.broadcast %eq3A_250 : i32 to vector<16xi32>
    %eq3A_252 = arith.cmpi eq, %iota3A, %eq3A_251 : vector<16xi32>
    %slice3A_253 = vector.extract_strided_slice %get3A_17 {offsets = [7], sizes = [1], strides = [1]} : vector<16xi32> to vector<1xi32>
    %squeeze3A_254 = vector.extract %slice3A_253[0] : i32 from vector<1xi32>
    %broadcast_in_dim3A_255 = vector.broadcast %squeeze3A_254 : i32 to vector<16xi32>
    %select_n3A_256 = arith.select %eq3A_252, %broadcast_in_dim3A_255, %select_n3A_249 : vector<16xi1>, vector<16xi32>
    %eq3A_257 = arith.constant 7 : i32
    %eq3A_258 = vector.broadcast %eq3A_257 : i32 to vector<16xi32>
    %eq3A_259 = arith.cmpi eq, %iota3A, %eq3A_258 : vector<16xi32>
    %slice3A_260 = vector.extract_strided_slice %get3A_17 {offsets = [8], sizes = [1], strides = [1]} : vector<16xi32> to vector<1xi32>
    %squeeze3A_261 = vector.extract %slice3A_260[0] : i32 from vector<1xi32>
    %broadcast_in_dim3A_262 = vector.broadcast %squeeze3A_261 : i32 to vector<16xi32>
    %select_n3A_263 = arith.select %eq3A_259, %broadcast_in_dim3A_262, %select_n3A_256 : vector<16xi1>, vector<16xi32>
    %eq3A_264 = arith.constant 8 : i32
    %eq3A_265 = vector.broadcast %eq3A_264 : i32 to vector<16xi32>
    %eq3A_266 = arith.cmpi eq, %iota3A, %eq3A_265 : vector<16xi32>
    %slice3A_267 = vector.extract_strided_slice %get3A_17 {offsets = [9], sizes = [1], strides = [1]} : vector<16xi32> to vector<1xi32>
    %squeeze3A_268 = vector.extract %slice3A_267[0] : i32 from vector<1xi32>
    %broadcast_in_dim3A_269 = vector.broadcast %squeeze3A_268 : i32 to vector<16xi32>
    %select_n3A_270 = arith.select %eq3A_266, %broadcast_in_dim3A_269, %select_n3A_263 : vector<16xi1>, vector<16xi32>
    %eq3A_271 = arith.constant 9 : i32
    %eq3A_272 = vector.broadcast %eq3A_271 : i32 to vector<16xi32>
    %eq3A_273 = arith.cmpi eq, %iota3A, %eq3A_272 : vector<16xi32>
    %slice3A_274 = vector.extract_strided_slice %get3A_17 {offsets = [10], sizes = [1], strides = [1]} : vector<16xi32> to vector<1xi32>
    %squeeze3A_275 = vector.extract %slice3A_274[0] : i32 from vector<1xi32>
    %broadcast_in_dim3A_276 = vector.broadcast %squeeze3A_275 : i32 to vector<16xi32>
    %select_n3A_277 = arith.select %eq3A_273, %broadcast_in_dim3A_276, %select_n3A_270 : vector<16xi1>, vector<16xi32>
    %eq3A_278 = arith.constant 10 : i32
    %eq3A_279 = vector.broadcast %eq3A_278 : i32 to vector<16xi32>
    %eq3A_280 = arith.cmpi eq, %iota3A, %eq3A_279 : vector<16xi32>
    %slice3A_281 = vector.extract_strided_slice %get3A_17 {offsets = [11], sizes = [1], strides = [1]} : vector<16xi32> to vector<1xi32>
    %squeeze3A_282 = vector.extract %slice3A_281[0] : i32 from vector<1xi32>
    %broadcast_in_dim3A_283 = vector.broadcast %squeeze3A_282 : i32 to vector<16xi32>
    %select_n3A_284 = arith.select %eq3A_280, %broadcast_in_dim3A_283, %select_n3A_277 : vector<16xi1>, vector<16xi32>
    %eq3A_285 = arith.constant 11 : i32
    %eq3A_286 = vector.broadcast %eq3A_285 : i32 to vector<16xi32>
    %eq3A_287 = arith.cmpi eq, %iota3A, %eq3A_286 : vector<16xi32>
    %slice3A_288 = vector.extract_strided_slice %get3A_17 {offsets = [12], sizes = [1], strides = [1]} : vector<16xi32> to vector<1xi32>
    %squeeze3A_289 = vector.extract %slice3A_288[0] : i32 from vector<1xi32>
    %broadcast_in_dim3A_290 = vector.broadcast %squeeze3A_289 : i32 to vector<16xi32>
    %select_n3A_291 = arith.select %eq3A_287, %broadcast_in_dim3A_290, %select_n3A_284 : vector<16xi1>, vector<16xi32>
    %eq3A_292 = arith.constant 12 : i32
    %eq3A_293 = vector.broadcast %eq3A_292 : i32 to vector<16xi32>
    %eq3A_294 = arith.cmpi eq, %iota3A, %eq3A_293 : vector<16xi32>
    %slice3A_295 = vector.extract_strided_slice %get3A_17 {offsets = [13], sizes = [1], strides = [1]} : vector<16xi32> to vector<1xi32>
    %squeeze3A_296 = vector.extract %slice3A_295[0] : i32 from vector<1xi32>
    %broadcast_in_dim3A_297 = vector.broadcast %squeeze3A_296 : i32 to vector<16xi32>
    %select_n3A_298 = arith.select %eq3A_294, %broadcast_in_dim3A_297, %select_n3A_291 : vector<16xi1>, vector<16xi32>
    %eq3A_299 = arith.constant 13 : i32
    %eq3A_300 = vector.broadcast %eq3A_299 : i32 to vector<16xi32>
    %eq3A_301 = arith.cmpi eq, %iota3A, %eq3A_300 : vector<16xi32>
    %slice3A_302 = vector.extract_strided_slice %get3A_17 {offsets = [14], sizes = [1], strides = [1]} : vector<16xi32> to vector<1xi32>
    %squeeze3A_303 = vector.extract %slice3A_302[0] : i32 from vector<1xi32>
    %broadcast_in_dim3A_304 = vector.broadcast %squeeze3A_303 : i32 to vector<16xi32>
    %select_n3A_305 = arith.select %eq3A_301, %broadcast_in_dim3A_304, %select_n3A_298 : vector<16xi1>, vector<16xi32>
    %eq3A_306 = arith.constant 14 : i32
    %eq3A_307 = vector.broadcast %eq3A_306 : i32 to vector<16xi32>
    %eq3A_308 = arith.cmpi eq, %iota3A, %eq3A_307 : vector<16xi32>
    %slice3A_309 = vector.extract_strided_slice %get3A_17 {offsets = [15], sizes = [1], strides = [1]} : vector<16xi32> to vector<1xi32>
    %squeeze3A_310 = vector.extract %slice3A_309[0] : i32 from vector<1xi32>
    %broadcast_in_dim3A_311 = vector.broadcast %squeeze3A_310 : i32 to vector<16xi32>
    %select_n3A_312 = arith.select %eq3A_308, %broadcast_in_dim3A_311, %select_n3A_305 : vector<16xi1>, vector<16xi32>
    %sub3A = arith.subi %select_n3A_312, %get3A_17 : vector<16xi32>
    %convert_element_type3A = arith.sitofp %sub3A : vector<16xi32> to vector<16xf32>
    %mul3A_313 = arith.constant 6.400000e+01 : f32
    %mul3A_314 = vector.broadcast %mul3A_313 : f32 to vector<16xf32>
    %mul3A_315 = arith.mulf %convert_element_type3A, %mul3A_314 : vector<16xf32>
    %div3A = arith.divf %add3A_206, %mul3A_315 : vector<16xf32>
    %div3A_316 = arith.divf %add3A_209, %mul3A_315 : vector<16xf32>
    %mul3A_317 = arith.mulf %div3A, %div3A : vector<16xf32>
    %sub3A_318 = arith.subf %div3A_316, %mul3A_317 : vector<16xf32>
    %add3A_319 = arith.constant 9.99999997E-7 : f32
    %add3A_320 = vector.broadcast %add3A_319 : f32 to vector<16xf32>
    %add3A_321 = arith.addf %sub3A_318, %add3A_320 : vector<16xf32>
    %bitcast3A = vector.bitcast %add3A_321 : vector<16xf32> to vector<16xi32>
    %broadcast_in_dim3A_322 = arith.constant 1597463007 : i32
    %broadcast_in_dim3A_323 = vector.broadcast %broadcast_in_dim3A_322 : i32 to vector<16xi32>
    %shift_right_logical3A = arith.constant 1 : i32
    %shift_right_logical3A_324 = vector.broadcast %shift_right_logical3A : i32 to vector<16xi32>
    %shift_right_logical3A_325 = arith.shrui %bitcast3A, %shift_right_logical3A_324 : vector<16xi32>
    %sub3A_326 = arith.subi %broadcast_in_dim3A_323, %shift_right_logical3A_325 : vector<16xi32>
    %bitcast3A_327 = vector.bitcast %sub3A_326 : vector<16xi32> to vector<16xf32>
    %mul3A_328 = arith.constant 5.000000e-01 : f32
    %mul3A_329 = vector.broadcast %mul3A_328 : f32 to vector<16xf32>
    %mul3A_330 = arith.mulf %mul3A_329, %add3A_321 : vector<16xf32>
    %mul3A_331 = arith.mulf %mul3A_330, %bitcast3A_327 : vector<16xf32>
    %mul3A_332 = arith.mulf %mul3A_331, %bitcast3A_327 : vector<16xf32>
    %sub3A_333 = arith.constant 1.500000e+00 : f32
    %sub3A_334 = vector.broadcast %sub3A_333 : f32 to vector<16xf32>
    %sub3A_335 = arith.subf %sub3A_334, %mul3A_332 : vector<16xf32>
    %mul3A_336 = arith.mulf %bitcast3A_327, %sub3A_335 : vector<16xf32>
    %mul3A_337 = arith.constant 5.000000e-01 : f32
    %mul3A_338 = vector.broadcast %mul3A_337 : f32 to vector<16xf32>
    %mul3A_339 = arith.mulf %mul3A_338, %add3A_321 : vector<16xf32>
    %mul3A_340 = arith.mulf %mul3A_339, %mul3A_336 : vector<16xf32>
    %mul3A_341 = arith.mulf %mul3A_340, %mul3A_336 : vector<16xf32>
    %sub3A_342 = arith.constant 1.500000e+00 : f32
    %sub3A_343 = vector.broadcast %sub3A_342 : f32 to vector<16xf32>
    %sub3A_344 = arith.subf %sub3A_343, %mul3A_341 : vector<16xf32>
    %mul3A_345 = arith.mulf %mul3A_336, %sub3A_344 : vector<16xf32>
    %mul3A_346 = arith.constant 5.000000e-01 : f32
    %mul3A_347 = vector.broadcast %mul3A_346 : f32 to vector<16xf32>
    %mul3A_348 = arith.mulf %mul3A_347, %add3A_321 : vector<16xf32>
    %mul3A_349 = arith.mulf %mul3A_348, %mul3A_345 : vector<16xf32>
    %mul3A_350 = arith.mulf %mul3A_349, %mul3A_345 : vector<16xf32>
    %sub3A_351 = arith.constant 1.500000e+00 : f32
    %sub3A_352 = vector.broadcast %sub3A_351 : f32 to vector<16xf32>
    %sub3A_353 = arith.subf %sub3A_352, %mul3A_350 : vector<16xf32>
    %mul3A_354 = arith.mulf %mul3A_345, %sub3A_353 : vector<16xf32>
    %mul3A_355 = arith.constant 1024 : i32
    %mul3A_356 = arith.muli %add3A, %mul3A_355 : i32
    %add3A_357 = arith.constant 512 : i32
    %add3A_358 = arith.addi %mul3A_356, %add3A_357 : i32
    %dma_start3A_359 = arith.constant 0 : i32
    %dma_start3A_360 = tpu.memref_slice %arg2[%dma_start3A_359, %add3A_358] : memref<64x32768xf32, #tpu.memory_space<hbm>> -> memref<64x256xf32, #tpu.memory_space<hbm>>
    %dma_start3A_361 = arith.constant 0 : i32
    %dma_start3A_362 = tpu.memref_slice %arg2[%dma_start3A_361, %add3A_358] : memref<64x32768xf32, #tpu.memory_space<hbm>> -> memref<64x256xf32, #tpu.memory_space<hbm>>
    tpu.enqueue_dma source(%dma_start3A_362 : memref<64x256xf32, #tpu.memory_space<hbm>>) target(%arg8 : memref<64x256xf32, #tpu.memory_space<vmem>>) target_semaphore(%arg13 : memref<!tpu.dma_semaphore, #tpu.memory_space<semaphore_mem>>)
    %dma_wait3A = arith.constant 0 : i32
    %dma_wait3A_363 = tpu.memref_slice %arg2[%dma_wait3A, %add3A_5] : memref<64x32768xf32, #tpu.memory_space<hbm>> -> memref<64x256xf32, #tpu.memory_space<hbm>>
    %dma_wait3A_364 = arith.constant 0 : i32
    %dma_wait3A_365 = tpu.memref_slice %arg2[%dma_wait3A_364, %add3A_5] : memref<64x32768xf32, #tpu.memory_space<hbm>> -> memref<64x256xf32, #tpu.memory_space<hbm>>
    tpu.wait_dma2 semaphore(%arg11 : memref<!tpu.dma_semaphore, #tpu.memory_space<semaphore_mem>>) src(%dma_wait3A_365 : memref<64x256xf32, #tpu.memory_space<hbm>>) dst(%arg6 : memref<64x256xf32, #tpu.memory_space<vmem>>)
    %mul3A_366 = arith.constant 1024 : i32
    %mul3A_367 = arith.muli %add3A, %mul3A_366 : i32
    %add3A_368 = arith.constant 0 : i32
    %add3A_369 = arith.addi %mul3A_367, %add3A_368 : i32
    %scan3A = arith.constant 0 : i32
    %scan3A_370 = arith.constant 0 : i32
    %scan3A_371 = arith.constant 8 : i32
    %scan3A_372 = arith.addi %scan3A_370, %scan3A_371 : i32
    %scan3A_373 = arith.constant 1 : i32
    %scan3A_374 = scf.for %scan3A_477 = %scan3A_370 to %scan3A_372 step %scan3A_373 iter_args(%scan3A_478 = %scan3A) -> (i32)  : i32 {
      %mul3A_479 = arith.constant 2 : i32
      %mul3A_480 = arith.muli %scan3A_477, %mul3A_479 : i32
      %add3A_481 = arith.constant 0 : i32
      %add3A_482 = arith.addi %mul3A_480, %add3A_481 : i32
      %mul3A_483 = arith.constant 16 : i32
      %mul3A_484 = arith.muli %add3A_482, %mul3A_483 : i32
      %add3A_485 = arith.addi %add3A_369, %mul3A_484 : i32
      %add3A_486 = vector.broadcast %add3A_485 : i32 to vector<16xi32>
      %add3A_487 = arith.addi %add3A_486, %iota3A : vector<16xi32>
      %broadcast_in_dim3A_488 = arith.constant 0 : i32
      %broadcast_in_dim3A_489 = vector.broadcast %broadcast_in_dim3A_488 : i32 to vector<16xi32>
      %slice3A_490 = vector.extract_strided_slice %get3A_17 {offsets = [1], sizes = [1], strides = [1]} : vector<16xi32> to vector<1xi32>
      %squeeze3A_491 = vector.extract %slice3A_490[0] : i32 from vector<1xi32>
      %ge3A = vector.broadcast %squeeze3A_491 : i32 to vector<16xi32>
      %ge3A_492 = arith.cmpi sge, %add3A_487, %ge3A : vector<16xi32>
      %convert_element_type3A_493 = arith.extui %ge3A_492 : vector<16xi1> to vector<16xi32>
      %add3A_494 = arith.addi %broadcast_in_dim3A_489, %convert_element_type3A_493 : vector<16xi32>
      %slice3A_495 = vector.extract_strided_slice %get3A_17 {offsets = [2], sizes = [1], strides = [1]} : vector<16xi32> to vector<1xi32>
      %squeeze3A_496 = vector.extract %slice3A_495[0] : i32 from vector<1xi32>
      %ge3A_497 = vector.broadcast %squeeze3A_496 : i32 to vector<16xi32>
      %ge3A_498 = arith.cmpi sge, %add3A_487, %ge3A_497 : vector<16xi32>
      %convert_element_type3A_499 = arith.extui %ge3A_498 : vector<16xi1> to vector<16xi32>
      %add3A_500 = arith.addi %add3A_494, %convert_element_type3A_499 : vector<16xi32>
      %slice3A_501 = vector.extract_strided_slice %get3A_17 {offsets = [3], sizes = [1], strides = [1]} : vector<16xi32> to vector<1xi32>
      %squeeze3A_502 = vector.extract %slice3A_501[0] : i32 from vector<1xi32>
      %ge3A_503 = vector.broadcast %squeeze3A_502 : i32 to vector<16xi32>
      %ge3A_504 = arith.cmpi sge, %add3A_487, %ge3A_503 : vector<16xi32>
      %convert_element_type3A_505 = arith.extui %ge3A_504 : vector<16xi1> to vector<16xi32>
      %add3A_506 = arith.addi %add3A_500, %convert_element_type3A_505 : vector<16xi32>
      %slice3A_507 = vector.extract_strided_slice %get3A_17 {offsets = [4], sizes = [1], strides = [1]} : vector<16xi32> to vector<1xi32>
      %squeeze3A_508 = vector.extract %slice3A_507[0] : i32 from vector<1xi32>
      %ge3A_509 = vector.broadcast %squeeze3A_508 : i32 to vector<16xi32>
      %ge3A_510 = arith.cmpi sge, %add3A_487, %ge3A_509 : vector<16xi32>
      %convert_element_type3A_511 = arith.extui %ge3A_510 : vector<16xi1> to vector<16xi32>
      %add3A_512 = arith.addi %add3A_506, %convert_element_type3A_511 : vector<16xi32>
      %slice3A_513 = vector.extract_strided_slice %get3A_17 {offsets = [5], sizes = [1], strides = [1]} : vector<16xi32> to vector<1xi32>
      %squeeze3A_514 = vector.extract %slice3A_513[0] : i32 from vector<1xi32>
      %ge3A_515 = vector.broadcast %squeeze3A_514 : i32 to vector<16xi32>
      %ge3A_516 = arith.cmpi sge, %add3A_487, %ge3A_515 : vector<16xi32>
      %convert_element_type3A_517 = arith.extui %ge3A_516 : vector<16xi1> to vector<16xi32>
      %add3A_518 = arith.addi %add3A_512, %convert_element_type3A_517 : vector<16xi32>
      %slice3A_519 = vector.extract_strided_slice %get3A_17 {offsets = [6], sizes = [1], strides = [1]} : vector<16xi32> to vector<1xi32>
      %squeeze3A_520 = vector.extract %slice3A_519[0] : i32 from vector<1xi32>
      %ge3A_521 = vector.broadcast %squeeze3A_520 : i32 to vector<16xi32>
      %ge3A_522 = arith.cmpi sge, %add3A_487, %ge3A_521 : vector<16xi32>
      %convert_element_type3A_523 = arith.extui %ge3A_522 : vector<16xi1> to vector<16xi32>
      %add3A_524 = arith.addi %add3A_518, %convert_element_type3A_523 : vector<16xi32>
      %slice3A_525 = vector.extract_strided_slice %get3A_17 {offsets = [7], sizes = [1], strides = [1]} : vector<16xi32> to vector<1xi32>
      %squeeze3A_526 = vector.extract %slice3A_525[0] : i32 from vector<1xi32>
      %ge3A_527 = vector.broadcast %squeeze3A_526 : i32 to vector<16xi32>
      %ge3A_528 = arith.cmpi sge, %add3A_487, %ge3A_527 : vector<16xi32>
      %convert_element_type3A_529 = arith.extui %ge3A_528 : vector<16xi1> to vector<16xi32>
      %add3A_530 = arith.addi %add3A_524, %convert_element_type3A_529 : vector<16xi32>
      %slice3A_531 = vector.extract_strided_slice %get3A_17 {offsets = [8], sizes = [1], strides = [1]} : vector<16xi32> to vector<1xi32>
      %squeeze3A_532 = vector.extract %slice3A_531[0] : i32 from vector<1xi32>
      %ge3A_533 = vector.broadcast %squeeze3A_532 : i32 to vector<16xi32>
      %ge3A_534 = arith.cmpi sge, %add3A_487, %ge3A_533 : vector<16xi32>
      %convert_element_type3A_535 = arith.extui %ge3A_534 : vector<16xi1> to vector<16xi32>
      %add3A_536 = arith.addi %add3A_530, %convert_element_type3A_535 : vector<16xi32>
      %slice3A_537 = vector.extract_strided_slice %get3A_17 {offsets = [9], sizes = [1], strides = [1]} : vector<16xi32> to vector<1xi32>
      %squeeze3A_538 = vector.extract %slice3A_537[0] : i32 from vector<1xi32>
      %ge3A_539 = vector.broadcast %squeeze3A_538 : i32 to vector<16xi32>
      %ge3A_540 = arith.cmpi sge, %add3A_487, %ge3A_539 : vector<16xi32>
      %convert_element_type3A_541 = arith.extui %ge3A_540 : vector<16xi1> to vector<16xi32>
      %add3A_542 = arith.addi %add3A_536, %convert_element_type3A_541 : vector<16xi32>
      %slice3A_543 = vector.extract_strided_slice %get3A_17 {offsets = [10], sizes = [1], strides = [1]} : vector<16xi32> to vector<1xi32>
      %squeeze3A_544 = vector.extract %slice3A_543[0] : i32 from vector<1xi32>
      %ge3A_545 = vector.broadcast %squeeze3A_544 : i32 to vector<16xi32>
      %ge3A_546 = arith.cmpi sge, %add3A_487, %ge3A_545 : vector<16xi32>
      %convert_element_type3A_547 = arith.extui %ge3A_546 : vector<16xi1> to vector<16xi32>
      %add3A_548 = arith.addi %add3A_542, %convert_element_type3A_547 : vector<16xi32>
      %slice3A_549 = vector.extract_strided_slice %get3A_17 {offsets = [11], sizes = [1], strides = [1]} : vector<16xi32> to vector<1xi32>
      %squeeze3A_550 = vector.extract %slice3A_549[0] : i32 from vector<1xi32>
      %ge3A_551 = vector.broadcast %squeeze3A_550 : i32 to vector<16xi32>
      %ge3A_552 = arith.cmpi sge, %add3A_487, %ge3A_551 : vector<16xi32>
      %convert_element_type3A_553 = arith.extui %ge3A_552 : vector<16xi1> to vector<16xi32>
      %add3A_554 = arith.addi %add3A_548, %convert_element_type3A_553 : vector<16xi32>
      %slice3A_555 = vector.extract_strided_slice %get3A_17 {offsets = [12], sizes = [1], strides = [1]} : vector<16xi32> to vector<1xi32>
      %squeeze3A_556 = vector.extract %slice3A_555[0] : i32 from vector<1xi32>
      %ge3A_557 = vector.broadcast %squeeze3A_556 : i32 to vector<16xi32>
      %ge3A_558 = arith.cmpi sge, %add3A_487, %ge3A_557 : vector<16xi32>
      %convert_element_type3A_559 = arith.extui %ge3A_558 : vector<16xi1> to vector<16xi32>
      %add3A_560 = arith.addi %add3A_554, %convert_element_type3A_559 : vector<16xi32>
      %slice3A_561 = vector.extract_strided_slice %get3A_17 {offsets = [13], sizes = [1], strides = [1]} : vector<16xi32> to vector<1xi32>
      %squeeze3A_562 = vector.extract %slice3A_561[0] : i32 from vector<1xi32>
      %ge3A_563 = vector.broadcast %squeeze3A_562 : i32 to vector<16xi32>
      %ge3A_564 = arith.cmpi sge, %add3A_487, %ge3A_563 : vector<16xi32>
      %convert_element_type3A_565 = arith.extui %ge3A_564 : vector<16xi1> to vector<16xi32>
      %add3A_566 = arith.addi %add3A_560, %convert_element_type3A_565 : vector<16xi32>
      %slice3A_567 = vector.extract_strided_slice %get3A_17 {offsets = [14], sizes = [1], strides = [1]} : vector<16xi32> to vector<1xi32>
      %squeeze3A_568 = vector.extract %slice3A_567[0] : i32 from vector<1xi32>
      %ge3A_569 = vector.broadcast %squeeze3A_568 : i32 to vector<16xi32>
      %ge3A_570 = arith.cmpi sge, %add3A_487, %ge3A_569 : vector<16xi32>
      %convert_element_type3A_571 = arith.extui %ge3A_570 : vector<16xi1> to vector<16xi32>
      %add3A_572 = arith.addi %add3A_566, %convert_element_type3A_571 : vector<16xi32>
      %slice3A_573 = vector.extract_strided_slice %get3A_17 {offsets = [15], sizes = [1], strides = [1]} : vector<16xi32> to vector<1xi32>
      %squeeze3A_574 = vector.extract %slice3A_573[0] : i32 from vector<1xi32>
      %ge3A_575 = vector.broadcast %squeeze3A_574 : i32 to vector<16xi32>
      %ge3A_576 = arith.cmpi sge, %add3A_487, %ge3A_575 : vector<16xi32>
      %convert_element_type3A_577 = arith.extui %ge3A_576 : vector<16xi1> to vector<16xi32>
      %add3A_578 = arith.addi %add3A_572, %convert_element_type3A_577 : vector<16xi32>
      %lt3A = arith.constant 0 : i32
      %lt3A_579 = vector.broadcast %lt3A : i32 to vector<16xi32>
      %lt3A_580 = arith.cmpi slt, %add3A_578, %lt3A_579 : vector<16xi32>
      %add3A_581 = arith.constant 16 : i32
      %add3A_582 = vector.broadcast %add3A_581 : i32 to vector<16xi32>
      %add3A_583 = arith.addi %add3A_578, %add3A_582 : vector<16xi32>
      %select_n3A_584 = arith.select %lt3A_580, %add3A_583, %add3A_578 : vector<16xi1>, vector<16xi32>
      %broadcast_in_dim3A_585 = vector.shape_cast %select_n3A_584 : vector<16xi32> to vector<16x1xi32>
      %gather3A = vector.shape_cast %broadcast_in_dim3A_585 : vector<16x1xi32> to vector<16xi32>
      %gather3A_586 = tpu.dynamic_gather %div3A[%gather3A] in [0] : vector<16xf32>, vector<16xi32> -> vector<16xf32>
      %lt3A_587 = arith.constant 0 : i32
      %lt3A_588 = vector.broadcast %lt3A_587 : i32 to vector<16xi32>
      %lt3A_589 = arith.cmpi slt, %add3A_578, %lt3A_588 : vector<16xi32>
      %add3A_590 = arith.constant 16 : i32
      %add3A_591 = vector.broadcast %add3A_590 : i32 to vector<16xi32>
      %add3A_592 = arith.addi %add3A_578, %add3A_591 : vector<16xi32>
      %select_n3A_593 = arith.select %lt3A_589, %add3A_592, %add3A_578 : vector<16xi1>, vector<16xi32>
      %broadcast_in_dim3A_594 = vector.shape_cast %select_n3A_593 : vector<16xi32> to vector<16x1xi32>
      %gather3A_595 = vector.shape_cast %broadcast_in_dim3A_594 : vector<16x1xi32> to vector<16xi32>
      %gather3A_596 = tpu.dynamic_gather %mul3A_354[%gather3A_595] in [0] : vector<16xf32>, vector<16xi32> -> vector<16xf32>
      %mul3A_597 = arith.constant 2 : i32
      %mul3A_598 = arith.muli %scan3A_477, %mul3A_597 : i32
      %add3A_599 = arith.constant 1 : i32
      %add3A_600 = arith.addi %mul3A_598, %add3A_599 : i32
      %mul3A_601 = arith.constant 16 : i32
      %mul3A_602 = arith.muli %add3A_600, %mul3A_601 : i32
      %add3A_603 = arith.addi %add3A_369, %mul3A_602 : i32
      %add3A_604 = vector.broadcast %add3A_603 : i32 to vector<16xi32>
      %add3A_605 = arith.addi %add3A_604, %iota3A : vector<16xi32>
      %broadcast_in_dim3A_606 = arith.constant 0 : i32
      %broadcast_in_dim3A_607 = vector.broadcast %broadcast_in_dim3A_606 : i32 to vector<16xi32>
      %slice3A_608 = vector.extract_strided_slice %get3A_17 {offsets = [1], sizes = [1], strides = [1]} : vector<16xi32> to vector<1xi32>
      %squeeze3A_609 = vector.extract %slice3A_608[0] : i32 from vector<1xi32>
      %ge3A_610 = vector.broadcast %squeeze3A_609 : i32 to vector<16xi32>
      %ge3A_611 = arith.cmpi sge, %add3A_605, %ge3A_610 : vector<16xi32>
      %convert_element_type3A_612 = arith.extui %ge3A_611 : vector<16xi1> to vector<16xi32>
      %add3A_613 = arith.addi %broadcast_in_dim3A_607, %convert_element_type3A_612 : vector<16xi32>
      %slice3A_614 = vector.extract_strided_slice %get3A_17 {offsets = [2], sizes = [1], strides = [1]} : vector<16xi32> to vector<1xi32>
      %squeeze3A_615 = vector.extract %slice3A_614[0] : i32 from vector<1xi32>
      %ge3A_616 = vector.broadcast %squeeze3A_615 : i32 to vector<16xi32>
      %ge3A_617 = arith.cmpi sge, %add3A_605, %ge3A_616 : vector<16xi32>
      %convert_element_type3A_618 = arith.extui %ge3A_617 : vector<16xi1> to vector<16xi32>
      %add3A_619 = arith.addi %add3A_613, %convert_element_type3A_618 : vector<16xi32>
      %slice3A_620 = vector.extract_strided_slice %get3A_17 {offsets = [3], sizes = [1], strides = [1]} : vector<16xi32> to vector<1xi32>
      %squeeze3A_621 = vector.extract %slice3A_620[0] : i32 from vector<1xi32>
      %ge3A_622 = vector.broadcast %squeeze3A_621 : i32 to vector<16xi32>
      %ge3A_623 = arith.cmpi sge, %add3A_605, %ge3A_622 : vector<16xi32>
      %convert_element_type3A_624 = arith.extui %ge3A_623 : vector<16xi1> to vector<16xi32>
      %add3A_625 = arith.addi %add3A_619, %convert_element_type3A_624 : vector<16xi32>
      %slice3A_626 = vector.extract_strided_slice %get3A_17 {offsets = [4], sizes = [1], strides = [1]} : vector<16xi32> to vector<1xi32>
      %squeeze3A_627 = vector.extract %slice3A_626[0] : i32 from vector<1xi32>
      %ge3A_628 = vector.broadcast %squeeze3A_627 : i32 to vector<16xi32>
      %ge3A_629 = arith.cmpi sge, %add3A_605, %ge3A_628 : vector<16xi32>
      %convert_element_type3A_630 = arith.extui %ge3A_629 : vector<16xi1> to vector<16xi32>
      %add3A_631 = arith.addi %add3A_625, %convert_element_type3A_630 : vector<16xi32>
      %slice3A_632 = vector.extract_strided_slice %get3A_17 {offsets = [5], sizes = [1], strides = [1]} : vector<16xi32> to vector<1xi32>
      %squeeze3A_633 = vector.extract %slice3A_632[0] : i32 from vector<1xi32>
      %ge3A_634 = vector.broadcast %squeeze3A_633 : i32 to vector<16xi32>
      %ge3A_635 = arith.cmpi sge, %add3A_605, %ge3A_634 : vector<16xi32>
      %convert_element_type3A_636 = arith.extui %ge3A_635 : vector<16xi1> to vector<16xi32>
      %add3A_637 = arith.addi %add3A_631, %convert_element_type3A_636 : vector<16xi32>
      %slice3A_638 = vector.extract_strided_slice %get3A_17 {offsets = [6], sizes = [1], strides = [1]} : vector<16xi32> to vector<1xi32>
      %squeeze3A_639 = vector.extract %slice3A_638[0] : i32 from vector<1xi32>
      %ge3A_640 = vector.broadcast %squeeze3A_639 : i32 to vector<16xi32>
      %ge3A_641 = arith.cmpi sge, %add3A_605, %ge3A_640 : vector<16xi32>
      %convert_element_type3A_642 = arith.extui %ge3A_641 : vector<16xi1> to vector<16xi32>
      %add3A_643 = arith.addi %add3A_637, %convert_element_type3A_642 : vector<16xi32>
      %slice3A_644 = vector.extract_strided_slice %get3A_17 {offsets = [7], sizes = [1], strides = [1]} : vector<16xi32> to vector<1xi32>
      %squeeze3A_645 = vector.extract %slice3A_644[0] : i32 from vector<1xi32>
      %ge3A_646 = vector.broadcast %squeeze3A_645 : i32 to vector<16xi32>
      %ge3A_647 = arith.cmpi sge, %add3A_605, %ge3A_646 : vector<16xi32>
      %convert_element_type3A_648 = arith.extui %ge3A_647 : vector<16xi1> to vector<16xi32>
      %add3A_649 = arith.addi %add3A_643, %convert_element_type3A_648 : vector<16xi32>
      %slice3A_650 = vector.extract_strided_slice %get3A_17 {offsets = [8], sizes = [1], strides = [1]} : vector<16xi32> to vector<1xi32>
      %squeeze3A_651 = vector.extract %slice3A_650[0] : i32 from vector<1xi32>
      %ge3A_652 = vector.broadcast %squeeze3A_651 : i32 to vector<16xi32>
      %ge3A_653 = arith.cmpi sge, %add3A_605, %ge3A_652 : vector<16xi32>
      %convert_element_type3A_654 = arith.extui %ge3A_653 : vector<16xi1> to vector<16xi32>
      %add3A_655 = arith.addi %add3A_649, %convert_element_type3A_654 : vector<16xi32>
      %slice3A_656 = vector.extract_strided_slice %get3A_17 {offsets = [9], sizes = [1], strides = [1]} : vector<16xi32> to vector<1xi32>
      %squeeze3A_657 = vector.extract %slice3A_656[0] : i32 from vector<1xi32>
      %ge3A_658 = vector.broadcast %squeeze3A_657 : i32 to vector<16xi32>
      %ge3A_659 = arith.cmpi sge, %add3A_605, %ge3A_658 : vector<16xi32>
      %convert_element_type3A_660 = arith.extui %ge3A_659 : vector<16xi1> to vector<16xi32>
      %add3A_661 = arith.addi %add3A_655, %convert_element_type3A_660 : vector<16xi32>
      %slice3A_662 = vector.extract_strided_slice %get3A_17 {offsets = [10], sizes = [1], strides = [1]} : vector<16xi32> to vector<1xi32>
      %squeeze3A_663 = vector.extract %slice3A_662[0] : i32 from vector<1xi32>
      %ge3A_664 = vector.broadcast %squeeze3A_663 : i32 to vector<16xi32>
      %ge3A_665 = arith.cmpi sge, %add3A_605, %ge3A_664 : vector<16xi32>
      %convert_element_type3A_666 = arith.extui %ge3A_665 : vector<16xi1> to vector<16xi32>
      %add3A_667 = arith.addi %add3A_661, %convert_element_type3A_666 : vector<16xi32>
      %slice3A_668 = vector.extract_strided_slice %get3A_17 {offsets = [11], sizes = [1], strides = [1]} : vector<16xi32> to vector<1xi32>
      %squeeze3A_669 = vector.extract %slice3A_668[0] : i32 from vector<1xi32>
      %ge3A_670 = vector.broadcast %squeeze3A_669 : i32 to vector<16xi32>
      %ge3A_671 = arith.cmpi sge, %add3A_605, %ge3A_670 : vector<16xi32>
      %convert_element_type3A_672 = arith.extui %ge3A_671 : vector<16xi1> to vector<16xi32>
      %add3A_673 = arith.addi %add3A_667, %convert_element_type3A_672 : vector<16xi32>
      %slice3A_674 = vector.extract_strided_slice %get3A_17 {offsets = [12], sizes = [1], strides = [1]} : vector<16xi32> to vector<1xi32>
      %squeeze3A_675 = vector.extract %slice3A_674[0] : i32 from vector<1xi32>
      %ge3A_676 = vector.broadcast %squeeze3A_675 : i32 to vector<16xi32>
      %ge3A_677 = arith.cmpi sge, %add3A_605, %ge3A_676 : vector<16xi32>
      %convert_element_type3A_678 = arith.extui %ge3A_677 : vector<16xi1> to vector<16xi32>
      %add3A_679 = arith.addi %add3A_673, %convert_element_type3A_678 : vector<16xi32>
      %slice3A_680 = vector.extract_strided_slice %get3A_17 {offsets = [13], sizes = [1], strides = [1]} : vector<16xi32> to vector<1xi32>
      %squeeze3A_681 = vector.extract %slice3A_680[0] : i32 from vector<1xi32>
      %ge3A_682 = vector.broadcast %squeeze3A_681 : i32 to vector<16xi32>
      %ge3A_683 = arith.cmpi sge, %add3A_605, %ge3A_682 : vector<16xi32>
      %convert_element_type3A_684 = arith.extui %ge3A_683 : vector<16xi1> to vector<16xi32>
      %add3A_685 = arith.addi %add3A_679, %convert_element_type3A_684 : vector<16xi32>
      %slice3A_686 = vector.extract_strided_slice %get3A_17 {offsets = [14], sizes = [1], strides = [1]} : vector<16xi32> to vector<1xi32>
      %squeeze3A_687 = vector.extract %slice3A_686[0] : i32 from vector<1xi32>
      %ge3A_688 = vector.broadcast %squeeze3A_687 : i32 to vector<16xi32>
      %ge3A_689 = arith.cmpi sge, %add3A_605, %ge3A_688 : vector<16xi32>
      %convert_element_type3A_690 = arith.extui %ge3A_689 : vector<16xi1> to vector<16xi32>
      %add3A_691 = arith.addi %add3A_685, %convert_element_type3A_690 : vector<16xi32>
      %slice3A_692 = vector.extract_strided_slice %get3A_17 {offsets = [15], sizes = [1], strides = [1]} : vector<16xi32> to vector<1xi32>
      %squeeze3A_693 = vector.extract %slice3A_692[0] : i32 from vector<1xi32>
      %ge3A_694 = vector.broadcast %squeeze3A_693 : i32 to vector<16xi32>
      %ge3A_695 = arith.cmpi sge, %add3A_605, %ge3A_694 : vector<16xi32>
      %convert_element_type3A_696 = arith.extui %ge3A_695 : vector<16xi1> to vector<16xi32>
      %add3A_697 = arith.addi %add3A_691, %convert_element_type3A_696 : vector<16xi32>
      %lt3A_698 = arith.constant 0 : i32
      %lt3A_699 = vector.broadcast %lt3A_698 : i32 to vector<16xi32>
      %lt3A_700 = arith.cmpi slt, %add3A_697, %lt3A_699 : vector<16xi32>
      %add3A_701 = arith.constant 16 : i32
      %add3A_702 = vector.broadcast %add3A_701 : i32 to vector<16xi32>
      %add3A_703 = arith.addi %add3A_697, %add3A_702 : vector<16xi32>
      %select_n3A_704 = arith.select %lt3A_700, %add3A_703, %add3A_697 : vector<16xi1>, vector<16xi32>
      %broadcast_in_dim3A_705 = vector.shape_cast %select_n3A_704 : vector<16xi32> to vector<16x1xi32>
      %gather3A_706 = vector.shape_cast %broadcast_in_dim3A_705 : vector<16x1xi32> to vector<16xi32>
      %gather3A_707 = tpu.dynamic_gather %div3A[%gather3A_706] in [0] : vector<16xf32>, vector<16xi32> -> vector<16xf32>
      %lt3A_708 = arith.constant 0 : i32
      %lt3A_709 = vector.broadcast %lt3A_708 : i32 to vector<16xi32>
      %lt3A_710 = arith.cmpi slt, %add3A_697, %lt3A_709 : vector<16xi32>
      %add3A_711 = arith.constant 16 : i32
      %add3A_712 = vector.broadcast %add3A_711 : i32 to vector<16xi32>
      %add3A_713 = arith.addi %add3A_697, %add3A_712 : vector<16xi32>
      %select_n3A_714 = arith.select %lt3A_710, %add3A_713, %add3A_697 : vector<16xi1>, vector<16xi32>
      %broadcast_in_dim3A_715 = vector.shape_cast %select_n3A_714 : vector<16xi32> to vector<16x1xi32>
      %gather3A_716 = vector.shape_cast %broadcast_in_dim3A_715 : vector<16x1xi32> to vector<16xi32>
      %gather3A_717 = tpu.dynamic_gather %mul3A_354[%gather3A_716] in [0] : vector<16xf32>, vector<16xi32> -> vector<16xf32>
      %parallel_loop3A = arith.constant 0 : i32
      %parallel_loop3A_718 = arith.constant 64 : i32
      %parallel_loop3A_719 = arith.constant 1 : i32
      scf.for %parallel_loop3A_721 = %parallel_loop3A to %parallel_loop3A_718 step %parallel_loop3A_719  : i32 {
        %parallel_loop3A_722 = arith.constant 2 : i32
        %parallel_loop3A_723 = arith.muli %scan3A_477, %parallel_loop3A_722 : i32
        %parallel_loop3A_724 = arith.constant 0 : i32
        %parallel_loop3A_725 = arith.addi %parallel_loop3A_723, %parallel_loop3A_724 : i32
        %parallel_loop3A_726 = arith.constant 16 : i32
        %parallel_loop3A_727 = arith.muli %parallel_loop3A_725, %parallel_loop3A_726 : i32
        %parallel_loop3A_728 = arith.index_cast %parallel_loop3A_721 : i32 to index
        %parallel_loop3A_729 = arith.index_cast %parallel_loop3A_727 : i32 to index
        %parallel_loop3A_730 = tpu.vector_load %arg6[%parallel_loop3A_728, %parallel_loop3A_729] {strides = array<i32>} : memref<64x256xf32, #tpu.memory_space<vmem>>, vector<16xf32>,
        %parallel_loop3A_731 = arith.subf %parallel_loop3A_730, %gather3A_586 : vector<16xf32>
        %parallel_loop3A_732 = arith.mulf %parallel_loop3A_731, %gather3A_596 : vector<16xf32>
        %parallel_loop3A_733 = arith.index_cast %parallel_loop3A_721 : i32 to index
        %parallel_loop3A_734 = arith.index_cast %parallel_loop3A_727 : i32 to index
        %parallel_loop3A_735 = tpu.vector_load %arg6[%parallel_loop3A_733, %parallel_loop3A_734] {strides = array<i32>} : memref<64x256xf32, #tpu.memory_space<vmem>>, vector<16xf32>,
        tpu.vector_store %arg6[%parallel_loop3A_733, %parallel_loop3A_734], %parallel_loop3A_732 {strides = array<i32>} : memref<64x256xf32, #tpu.memory_space<vmem>>, vector<16xf32>,
        %parallel_loop3A_736 = arith.constant 2 : i32
        %parallel_loop3A_737 = arith.muli %scan3A_477, %parallel_loop3A_736 : i32
        %parallel_loop3A_738 = arith.constant 1 : i32
        %parallel_loop3A_739 = arith.addi %parallel_loop3A_737, %parallel_loop3A_738 : i32
        %parallel_loop3A_740 = arith.constant 16 : i32
        %parallel_loop3A_741 = arith.muli %parallel_loop3A_739, %parallel_loop3A_740 : i32
        %parallel_loop3A_742 = arith.index_cast %parallel_loop3A_721 : i32 to index
        %parallel_loop3A_743 = arith.index_cast %parallel_loop3A_741 : i32 to index
        %parallel_loop3A_744 = tpu.vector_load %arg6[%parallel_loop3A_742, %parallel_loop3A_743] {strides = array<i32>} : memref<64x256xf32, #tpu.memory_space<vmem>>, vector<16xf32>,
        %parallel_loop3A_745 = arith.subf %parallel_loop3A_744, %gather3A_707 : vector<16xf32>
        %parallel_loop3A_746 = arith.mulf %parallel_loop3A_745, %gather3A_717 : vector<16xf32>
        %parallel_loop3A_747 = arith.index_cast %parallel_loop3A_721 : i32 to index
        %parallel_loop3A_748 = arith.index_cast %parallel_loop3A_741 : i32 to index
        %parallel_loop3A_749 = tpu.vector_load %arg6[%parallel_loop3A_747, %parallel_loop3A_748] {strides = array<i32>} : memref<64x256xf32, #tpu.memory_space<vmem>>, vector<16xf32>,
        tpu.vector_store %arg6[%parallel_loop3A_747, %parallel_loop3A_748], %parallel_loop3A_746 {strides = array<i32>} : memref<64x256xf32, #tpu.memory_space<vmem>>, vector<16xf32>,
      } {sc.loop_unroll_factor = 8 : i64, sc.parallel_access}
      %scan3A_720 = arith.constant 0 : i32
      scf.yield %scan3A_720 : i32
    }
    %scan3A_375 = arith.constant 8 : i32
    %mul3A_376 = arith.constant 1024 : i32
    %mul3A_377 = arith.muli %add3A, %mul3A_376 : i32
    %add3A_378 = arith.constant 0 : i32
    %add3A_379 = arith.addi %mul3A_377, %add3A_378 : i32
    %dma_start3A_380 = arith.constant 0 : i32
    %dma_start3A_381 = tpu.memref_slice %arg5[%dma_start3A_380, %add3A_379] : memref<64x32768xf32, #tpu.memory_space<hbm>> -> memref<64x256xf32, #tpu.memory_space<hbm>>
    %dma_start3A_382 = arith.constant 0 : i32
    %dma_start3A_383 = tpu.memref_slice %arg5[%dma_start3A_382, %add3A_379] : memref<64x32768xf32, #tpu.memory_space<hbm>> -> memref<64x256xf32, #tpu.memory_space<hbm>>
    tpu.enqueue_dma source(%arg6 : memref<64x256xf32, #tpu.memory_space<vmem>>) target(%dma_start3A_383 : memref<64x256xf32, #tpu.memory_space<hbm>>) target_semaphore(%arg14 : memref<!tpu.dma_semaphore, #tpu.memory_space<semaphore_mem>>)
    %dma_wait3A_384 = arith.constant 0 : i32
    %dma_wait3A_385 = tpu.memref_slice %arg5[%dma_wait3A_384, %add3A_379] : memref<64x32768xf32, #tpu.memory_space<hbm>> -> memref<64x256xf32, #tpu.memory_space<hbm>>
    %dma_wait3A_386 = arith.constant 0 : i32
    %dma_wait3A_387 = tpu.memref_slice %arg5[%dma_wait3A_386, %add3A_379] : memref<64x32768xf32, #tpu.memory_space<hbm>> -> memref<64x256xf32, #tpu.memory_space<hbm>>
    tpu.wait_dma2 semaphore(%arg14 : memref<!tpu.dma_semaphore, #tpu.memory_space<semaphore_mem>>) src(%arg6 : memref<64x256xf32, #tpu.memory_space<vmem>>) dst(%dma_wait3A_387 : memref<64x256xf32, #tpu.memory_space<hbm>>)
    %mul3A_388 = arith.constant 1024 : i32
    %mul3A_389 = arith.muli %add3A, %mul3A_388 : i32
    %add3A_390 = arith.constant 768 : i32
    %add3A_391 = arith.addi %mul3A_389, %add3A_390 : i32
    %dma_start3A_392 = arith.constant 0 : i32
    %dma_start3A_393 = tpu.memref_slice %arg2[%dma_start3A_392, %add3A_391] : memref<64x32768xf32, #tpu.memory_space<hbm>> -> memref<64x256xf32, #tpu.memory_space<hbm>>
    %dma_start3A_394 = arith.constant 0 : i32
    %dma_start3A_395 = tpu.memref_slice %arg2[%dma_start3A_394, %add3A_391] : memref<64x32768xf32, #tpu.memory_space<hbm>> -> memref<64x256xf32, #tpu.memory_space<hbm>>
    tpu.enqueue_dma source(%dma_start3A_395 : memref<64x256xf32, #tpu.memory_space<hbm>>) target(%arg6 : memref<64x256xf32, #tpu.memory_space<vmem>>) target_semaphore(%arg11 : memref<!tpu.dma_semaphore, #tpu.memory_space<semaphore_mem>>)
    %dma_wait3A_396 = arith.constant 0 : i32
    %dma_wait3A_397 = tpu.memref_slice %arg2[%dma_wait3A_396, %add3A_12] : memref<64x32768xf32, #tpu.memory_space<hbm>> -> memref<64x256xf32, #tpu.memory_space<hbm>>
    %dma_wait3A_398 = arith.constant 0 : i32
    %dma_wait3A_399 = tpu.memref_slice %arg2[%dma_wait3A_398, %add3A_12] : memref<64x32768xf32, #tpu.memory_space<hbm>> -> memref<64x256xf32, #tpu.memory_space<hbm>>
    tpu.wait_dma2 semaphore(%arg12 : memref<!tpu.dma_semaphore, #tpu.memory_space<semaphore_mem>>) src(%dma_wait3A_399 : memref<64x256xf32, #tpu.memory_space<hbm>>) dst(%arg7 : memref<64x256xf32, #tpu.memory_space<vmem>>)
    %mul3A_400 = arith.constant 1024 : i32
    %mul3A_401 = arith.muli %add3A, %mul3A_400 : i32
    %add3A_402 = arith.constant 256 : i32
    %add3A_403 = arith.addi %mul3A_401, %add3A_402 : i32
    %scan3A_404 = arith.constant 0 : i32
    %scan3A_405 = arith.constant 0 : i32
    %scan3A_406 = arith.constant 8 : i32
    %scan3A_407 = arith.addi %scan3A_405, %scan3A_406 : i32
    %scan3A_408 = arith.constant 1 : i32
    %scan3A_409 = scf.for %scan3A_477 = %scan3A_405 to %scan3A_407 step %scan3A_408 iter_args(%scan3A_478 = %scan3A_404) -> (i32)  : i32 {
      %mul3A_479 = arith.constant 2 : i32
      %mul3A_480 = arith.muli %scan3A_477, %mul3A_479 : i32
      %add3A_481 = arith.constant 0 : i32
      %add3A_482 = arith.addi %mul3A_480, %add3A_481 : i32
      %mul3A_483 = arith.constant 16 : i32
      %mul3A_484 = arith.muli %add3A_482, %mul3A_483 : i32
      %add3A_485 = arith.addi %add3A_403, %mul3A_484 : i32
      %add3A_486 = vector.broadcast %add3A_485 : i32 to vector<16xi32>
      %add3A_487 = arith.addi %add3A_486, %iota3A : vector<16xi32>
      %broadcast_in_dim3A_488 = arith.constant 0 : i32
      %broadcast_in_dim3A_489 = vector.broadcast %broadcast_in_dim3A_488 : i32 to vector<16xi32>
      %slice3A_490 = vector.extract_strided_slice %get3A_17 {offsets = [1], sizes = [1], strides = [1]} : vector<16xi32> to vector<1xi32>
      %squeeze3A_491 = vector.extract %slice3A_490[0] : i32 from vector<1xi32>
      %ge3A = vector.broadcast %squeeze3A_491 : i32 to vector<16xi32>
      %ge3A_492 = arith.cmpi sge, %add3A_487, %ge3A : vector<16xi32>
      %convert_element_type3A_493 = arith.extui %ge3A_492 : vector<16xi1> to vector<16xi32>
      %add3A_494 = arith.addi %broadcast_in_dim3A_489, %convert_element_type3A_493 : vector<16xi32>
      %slice3A_495 = vector.extract_strided_slice %get3A_17 {offsets = [2], sizes = [1], strides = [1]} : vector<16xi32> to vector<1xi32>
      %squeeze3A_496 = vector.extract %slice3A_495[0] : i32 from vector<1xi32>
      %ge3A_497 = vector.broadcast %squeeze3A_496 : i32 to vector<16xi32>
      %ge3A_498 = arith.cmpi sge, %add3A_487, %ge3A_497 : vector<16xi32>
      %convert_element_type3A_499 = arith.extui %ge3A_498 : vector<16xi1> to vector<16xi32>
      %add3A_500 = arith.addi %add3A_494, %convert_element_type3A_499 : vector<16xi32>
      %slice3A_501 = vector.extract_strided_slice %get3A_17 {offsets = [3], sizes = [1], strides = [1]} : vector<16xi32> to vector<1xi32>
      %squeeze3A_502 = vector.extract %slice3A_501[0] : i32 from vector<1xi32>
      %ge3A_503 = vector.broadcast %squeeze3A_502 : i32 to vector<16xi32>
      %ge3A_504 = arith.cmpi sge, %add3A_487, %ge3A_503 : vector<16xi32>
      %convert_element_type3A_505 = arith.extui %ge3A_504 : vector<16xi1> to vector<16xi32>
      %add3A_506 = arith.addi %add3A_500, %convert_element_type3A_505 : vector<16xi32>
      %slice3A_507 = vector.extract_strided_slice %get3A_17 {offsets = [4], sizes = [1], strides = [1]} : vector<16xi32> to vector<1xi32>
      %squeeze3A_508 = vector.extract %slice3A_507[0] : i32 from vector<1xi32>
      %ge3A_509 = vector.broadcast %squeeze3A_508 : i32 to vector<16xi32>
      %ge3A_510 = arith.cmpi sge, %add3A_487, %ge3A_509 : vector<16xi32>
      %convert_element_type3A_511 = arith.extui %ge3A_510 : vector<16xi1> to vector<16xi32>
      %add3A_512 = arith.addi %add3A_506, %convert_element_type3A_511 : vector<16xi32>
      %slice3A_513 = vector.extract_strided_slice %get3A_17 {offsets = [5], sizes = [1], strides = [1]} : vector<16xi32> to vector<1xi32>
      %squeeze3A_514 = vector.extract %slice3A_513[0] : i32 from vector<1xi32>
      %ge3A_515 = vector.broadcast %squeeze3A_514 : i32 to vector<16xi32>
      %ge3A_516 = arith.cmpi sge, %add3A_487, %ge3A_515 : vector<16xi32>
      %convert_element_type3A_517 = arith.extui %ge3A_516 : vector<16xi1> to vector<16xi32>
      %add3A_518 = arith.addi %add3A_512, %convert_element_type3A_517 : vector<16xi32>
      %slice3A_519 = vector.extract_strided_slice %get3A_17 {offsets = [6], sizes = [1], strides = [1]} : vector<16xi32> to vector<1xi32>
      %squeeze3A_520 = vector.extract %slice3A_519[0] : i32 from vector<1xi32>
      %ge3A_521 = vector.broadcast %squeeze3A_520 : i32 to vector<16xi32>
      %ge3A_522 = arith.cmpi sge, %add3A_487, %ge3A_521 : vector<16xi32>
      %convert_element_type3A_523 = arith.extui %ge3A_522 : vector<16xi1> to vector<16xi32>
      %add3A_524 = arith.addi %add3A_518, %convert_element_type3A_523 : vector<16xi32>
      %slice3A_525 = vector.extract_strided_slice %get3A_17 {offsets = [7], sizes = [1], strides = [1]} : vector<16xi32> to vector<1xi32>
      %squeeze3A_526 = vector.extract %slice3A_525[0] : i32 from vector<1xi32>
      %ge3A_527 = vector.broadcast %squeeze3A_526 : i32 to vector<16xi32>
      %ge3A_528 = arith.cmpi sge, %add3A_487, %ge3A_527 : vector<16xi32>
      %convert_element_type3A_529 = arith.extui %ge3A_528 : vector<16xi1> to vector<16xi32>
      %add3A_530 = arith.addi %add3A_524, %convert_element_type3A_529 : vector<16xi32>
      %slice3A_531 = vector.extract_strided_slice %get3A_17 {offsets = [8], sizes = [1], strides = [1]} : vector<16xi32> to vector<1xi32>
      %squeeze3A_532 = vector.extract %slice3A_531[0] : i32 from vector<1xi32>
      %ge3A_533 = vector.broadcast %squeeze3A_532 : i32 to vector<16xi32>
      %ge3A_534 = arith.cmpi sge, %add3A_487, %ge3A_533 : vector<16xi32>
      %convert_element_type3A_535 = arith.extui %ge3A_534 : vector<16xi1> to vector<16xi32>
      %add3A_536 = arith.addi %add3A_530, %convert_element_type3A_535 : vector<16xi32>
      %slice3A_537 = vector.extract_strided_slice %get3A_17 {offsets = [9], sizes = [1], strides = [1]} : vector<16xi32> to vector<1xi32>
      %squeeze3A_538 = vector.extract %slice3A_537[0] : i32 from vector<1xi32>
      %ge3A_539 = vector.broadcast %squeeze3A_538 : i32 to vector<16xi32>
      %ge3A_540 = arith.cmpi sge, %add3A_487, %ge3A_539 : vector<16xi32>
      %convert_element_type3A_541 = arith.extui %ge3A_540 : vector<16xi1> to vector<16xi32>
      %add3A_542 = arith.addi %add3A_536, %convert_element_type3A_541 : vector<16xi32>
      %slice3A_543 = vector.extract_strided_slice %get3A_17 {offsets = [10], sizes = [1], strides = [1]} : vector<16xi32> to vector<1xi32>
      %squeeze3A_544 = vector.extract %slice3A_543[0] : i32 from vector<1xi32>
      %ge3A_545 = vector.broadcast %squeeze3A_544 : i32 to vector<16xi32>
      %ge3A_546 = arith.cmpi sge, %add3A_487, %ge3A_545 : vector<16xi32>
      %convert_element_type3A_547 = arith.extui %ge3A_546 : vector<16xi1> to vector<16xi32>
      %add3A_548 = arith.addi %add3A_542, %convert_element_type3A_547 : vector<16xi32>
      %slice3A_549 = vector.extract_strided_slice %get3A_17 {offsets = [11], sizes = [1], strides = [1]} : vector<16xi32> to vector<1xi32>
      %squeeze3A_550 = vector.extract %slice3A_549[0] : i32 from vector<1xi32>
      %ge3A_551 = vector.broadcast %squeeze3A_550 : i32 to vector<16xi32>
      %ge3A_552 = arith.cmpi sge, %add3A_487, %ge3A_551 : vector<16xi32>
      %convert_element_type3A_553 = arith.extui %ge3A_552 : vector<16xi1> to vector<16xi32>
      %add3A_554 = arith.addi %add3A_548, %convert_element_type3A_553 : vector<16xi32>
      %slice3A_555 = vector.extract_strided_slice %get3A_17 {offsets = [12], sizes = [1], strides = [1]} : vector<16xi32> to vector<1xi32>
      %squeeze3A_556 = vector.extract %slice3A_555[0] : i32 from vector<1xi32>
      %ge3A_557 = vector.broadcast %squeeze3A_556 : i32 to vector<16xi32>
      %ge3A_558 = arith.cmpi sge, %add3A_487, %ge3A_557 : vector<16xi32>
      %convert_element_type3A_559 = arith.extui %ge3A_558 : vector<16xi1> to vector<16xi32>
      %add3A_560 = arith.addi %add3A_554, %convert_element_type3A_559 : vector<16xi32>
      %slice3A_561 = vector.extract_strided_slice %get3A_17 {offsets = [13], sizes = [1], strides = [1]} : vector<16xi32> to vector<1xi32>
      %squeeze3A_562 = vector.extract %slice3A_561[0] : i32 from vector<1xi32>
      %ge3A_563 = vector.broadcast %squeeze3A_562 : i32 to vector<16xi32>
      %ge3A_564 = arith.cmpi sge, %add3A_487, %ge3A_563 : vector<16xi32>
      %convert_element_type3A_565 = arith.extui %ge3A_564 : vector<16xi1> to vector<16xi32>
      %add3A_566 = arith.addi %add3A_560, %convert_element_type3A_565 : vector<16xi32>
      %slice3A_567 = vector.extract_strided_slice %get3A_17 {offsets = [14], sizes = [1], strides = [1]} : vector<16xi32> to vector<1xi32>
      %squeeze3A_568 = vector.extract %slice3A_567[0] : i32 from vector<1xi32>
      %ge3A_569 = vector.broadcast %squeeze3A_568 : i32 to vector<16xi32>
      %ge3A_570 = arith.cmpi sge, %add3A_487, %ge3A_569 : vector<16xi32>
      %convert_element_type3A_571 = arith.extui %ge3A_570 : vector<16xi1> to vector<16xi32>
      %add3A_572 = arith.addi %add3A_566, %convert_element_type3A_571 : vector<16xi32>
      %slice3A_573 = vector.extract_strided_slice %get3A_17 {offsets = [15], sizes = [1], strides = [1]} : vector<16xi32> to vector<1xi32>
      %squeeze3A_574 = vector.extract %slice3A_573[0] : i32 from vector<1xi32>
      %ge3A_575 = vector.broadcast %squeeze3A_574 : i32 to vector<16xi32>
      %ge3A_576 = arith.cmpi sge, %add3A_487, %ge3A_575 : vector<16xi32>
      %convert_element_type3A_577 = arith.extui %ge3A_576 : vector<16xi1> to vector<16xi32>
      %add3A_578 = arith.addi %add3A_572, %convert_element_type3A_577 : vector<16xi32>
      %lt3A = arith.constant 0 : i32
      %lt3A_579 = vector.broadcast %lt3A : i32 to vector<16xi32>
      %lt3A_580 = arith.cmpi slt, %add3A_578, %lt3A_579 : vector<16xi32>
      %add3A_581 = arith.constant 16 : i32
      %add3A_582 = vector.broadcast %add3A_581 : i32 to vector<16xi32>
      %add3A_583 = arith.addi %add3A_578, %add3A_582 : vector<16xi32>
      %select_n3A_584 = arith.select %lt3A_580, %add3A_583, %add3A_578 : vector<16xi1>, vector<16xi32>
      %broadcast_in_dim3A_585 = vector.shape_cast %select_n3A_584 : vector<16xi32> to vector<16x1xi32>
      %gather3A = vector.shape_cast %broadcast_in_dim3A_585 : vector<16x1xi32> to vector<16xi32>
      %gather3A_586 = tpu.dynamic_gather %div3A[%gather3A] in [0] : vector<16xf32>, vector<16xi32> -> vector<16xf32>
      %lt3A_587 = arith.constant 0 : i32
      %lt3A_588 = vector.broadcast %lt3A_587 : i32 to vector<16xi32>
      %lt3A_589 = arith.cmpi slt, %add3A_578, %lt3A_588 : vector<16xi32>
      %add3A_590 = arith.constant 16 : i32
      %add3A_591 = vector.broadcast %add3A_590 : i32 to vector<16xi32>
      %add3A_592 = arith.addi %add3A_578, %add3A_591 : vector<16xi32>
      %select_n3A_593 = arith.select %lt3A_589, %add3A_592, %add3A_578 : vector<16xi1>, vector<16xi32>
      %broadcast_in_dim3A_594 = vector.shape_cast %select_n3A_593 : vector<16xi32> to vector<16x1xi32>
      %gather3A_595 = vector.shape_cast %broadcast_in_dim3A_594 : vector<16x1xi32> to vector<16xi32>
      %gather3A_596 = tpu.dynamic_gather %mul3A_354[%gather3A_595] in [0] : vector<16xf32>, vector<16xi32> -> vector<16xf32>
      %mul3A_597 = arith.constant 2 : i32
      %mul3A_598 = arith.muli %scan3A_477, %mul3A_597 : i32
      %add3A_599 = arith.constant 1 : i32
      %add3A_600 = arith.addi %mul3A_598, %add3A_599 : i32
      %mul3A_601 = arith.constant 16 : i32
      %mul3A_602 = arith.muli %add3A_600, %mul3A_601 : i32
      %add3A_603 = arith.addi %add3A_403, %mul3A_602 : i32
      %add3A_604 = vector.broadcast %add3A_603 : i32 to vector<16xi32>
      %add3A_605 = arith.addi %add3A_604, %iota3A : vector<16xi32>
      %broadcast_in_dim3A_606 = arith.constant 0 : i32
      %broadcast_in_dim3A_607 = vector.broadcast %broadcast_in_dim3A_606 : i32 to vector<16xi32>
      %slice3A_608 = vector.extract_strided_slice %get3A_17 {offsets = [1], sizes = [1], strides = [1]} : vector<16xi32> to vector<1xi32>
      %squeeze3A_609 = vector.extract %slice3A_608[0] : i32 from vector<1xi32>
      %ge3A_610 = vector.broadcast %squeeze3A_609 : i32 to vector<16xi32>
      %ge3A_611 = arith.cmpi sge, %add3A_605, %ge3A_610 : vector<16xi32>
      %convert_element_type3A_612 = arith.extui %ge3A_611 : vector<16xi1> to vector<16xi32>
      %add3A_613 = arith.addi %broadcast_in_dim3A_607, %convert_element_type3A_612 : vector<16xi32>
      %slice3A_614 = vector.extract_strided_slice %get3A_17 {offsets = [2], sizes = [1], strides = [1]} : vector<16xi32> to vector<1xi32>
      %squeeze3A_615 = vector.extract %slice3A_614[0] : i32 from vector<1xi32>
      %ge3A_616 = vector.broadcast %squeeze3A_615 : i32 to vector<16xi32>
      %ge3A_617 = arith.cmpi sge, %add3A_605, %ge3A_616 : vector<16xi32>
      %convert_element_type3A_618 = arith.extui %ge3A_617 : vector<16xi1> to vector<16xi32>
      %add3A_619 = arith.addi %add3A_613, %convert_element_type3A_618 : vector<16xi32>
      %slice3A_620 = vector.extract_strided_slice %get3A_17 {offsets = [3], sizes = [1], strides = [1]} : vector<16xi32> to vector<1xi32>
      %squeeze3A_621 = vector.extract %slice3A_620[0] : i32 from vector<1xi32>
      %ge3A_622 = vector.broadcast %squeeze3A_621 : i32 to vector<16xi32>
      %ge3A_623 = arith.cmpi sge, %add3A_605, %ge3A_622 : vector<16xi32>
      %convert_element_type3A_624 = arith.extui %ge3A_623 : vector<16xi1> to vector<16xi32>
      %add3A_625 = arith.addi %add3A_619, %convert_element_type3A_624 : vector<16xi32>
      %slice3A_626 = vector.extract_strided_slice %get3A_17 {offsets = [4], sizes = [1], strides = [1]} : vector<16xi32> to vector<1xi32>
      %squeeze3A_627 = vector.extract %slice3A_626[0] : i32 from vector<1xi32>
      %ge3A_628 = vector.broadcast %squeeze3A_627 : i32 to vector<16xi32>
      %ge3A_629 = arith.cmpi sge, %add3A_605, %ge3A_628 : vector<16xi32>
      %convert_element_type3A_630 = arith.extui %ge3A_629 : vector<16xi1> to vector<16xi32>
      %add3A_631 = arith.addi %add3A_625, %convert_element_type3A_630 : vector<16xi32>
      %slice3A_632 = vector.extract_strided_slice %get3A_17 {offsets = [5], sizes = [1], strides = [1]} : vector<16xi32> to vector<1xi32>
      %squeeze3A_633 = vector.extract %slice3A_632[0] : i32 from vector<1xi32>
      %ge3A_634 = vector.broadcast %squeeze3A_633 : i32 to vector<16xi32>
      %ge3A_635 = arith.cmpi sge, %add3A_605, %ge3A_634 : vector<16xi32>
      %convert_element_type3A_636 = arith.extui %ge3A_635 : vector<16xi1> to vector<16xi32>
      %add3A_637 = arith.addi %add3A_631, %convert_element_type3A_636 : vector<16xi32>
      %slice3A_638 = vector.extract_strided_slice %get3A_17 {offsets = [6], sizes = [1], strides = [1]} : vector<16xi32> to vector<1xi32>
      %squeeze3A_639 = vector.extract %slice3A_638[0] : i32 from vector<1xi32>
      %ge3A_640 = vector.broadcast %squeeze3A_639 : i32 to vector<16xi32>
      %ge3A_641 = arith.cmpi sge, %add3A_605, %ge3A_640 : vector<16xi32>
      %convert_element_type3A_642 = arith.extui %ge3A_641 : vector<16xi1> to vector<16xi32>
      %add3A_643 = arith.addi %add3A_637, %convert_element_type3A_642 : vector<16xi32>
      %slice3A_644 = vector.extract_strided_slice %get3A_17 {offsets = [7], sizes = [1], strides = [1]} : vector<16xi32> to vector<1xi32>
      %squeeze3A_645 = vector.extract %slice3A_644[0] : i32 from vector<1xi32>
      %ge3A_646 = vector.broadcast %squeeze3A_645 : i32 to vector<16xi32>
      %ge3A_647 = arith.cmpi sge, %add3A_605, %ge3A_646 : vector<16xi32>
      %convert_element_type3A_648 = arith.extui %ge3A_647 : vector<16xi1> to vector<16xi32>
      %add3A_649 = arith.addi %add3A_643, %convert_element_type3A_648 : vector<16xi32>
      %slice3A_650 = vector.extract_strided_slice %get3A_17 {offsets = [8], sizes = [1], strides = [1]} : vector<16xi32> to vector<1xi32>
      %squeeze3A_651 = vector.extract %slice3A_650[0] : i32 from vector<1xi32>
      %ge3A_652 = vector.broadcast %squeeze3A_651 : i32 to vector<16xi32>
      %ge3A_653 = arith.cmpi sge, %add3A_605, %ge3A_652 : vector<16xi32>
      %convert_element_type3A_654 = arith.extui %ge3A_653 : vector<16xi1> to vector<16xi32>
      %add3A_655 = arith.addi %add3A_649, %convert_element_type3A_654 : vector<16xi32>
      %slice3A_656 = vector.extract_strided_slice %get3A_17 {offsets = [9], sizes = [1], strides = [1]} : vector<16xi32> to vector<1xi32>
      %squeeze3A_657 = vector.extract %slice3A_656[0] : i32 from vector<1xi32>
      %ge3A_658 = vector.broadcast %squeeze3A_657 : i32 to vector<16xi32>
      %ge3A_659 = arith.cmpi sge, %add3A_605, %ge3A_658 : vector<16xi32>
      %convert_element_type3A_660 = arith.extui %ge3A_659 : vector<16xi1> to vector<16xi32>
      %add3A_661 = arith.addi %add3A_655, %convert_element_type3A_660 : vector<16xi32>
      %slice3A_662 = vector.extract_strided_slice %get3A_17 {offsets = [10], sizes = [1], strides = [1]} : vector<16xi32> to vector<1xi32>
      %squeeze3A_663 = vector.extract %slice3A_662[0] : i32 from vector<1xi32>
      %ge3A_664 = vector.broadcast %squeeze3A_663 : i32 to vector<16xi32>
      %ge3A_665 = arith.cmpi sge, %add3A_605, %ge3A_664 : vector<16xi32>
      %convert_element_type3A_666 = arith.extui %ge3A_665 : vector<16xi1> to vector<16xi32>
      %add3A_667 = arith.addi %add3A_661, %convert_element_type3A_666 : vector<16xi32>
      %slice3A_668 = vector.extract_strided_slice %get3A_17 {offsets = [11], sizes = [1], strides = [1]} : vector<16xi32> to vector<1xi32>
      %squeeze3A_669 = vector.extract %slice3A_668[0] : i32 from vector<1xi32>
      %ge3A_670 = vector.broadcast %squeeze3A_669 : i32 to vector<16xi32>
      %ge3A_671 = arith.cmpi sge, %add3A_605, %ge3A_670 : vector<16xi32>
      %convert_element_type3A_672 = arith.extui %ge3A_671 : vector<16xi1> to vector<16xi32>
      %add3A_673 = arith.addi %add3A_667, %convert_element_type3A_672 : vector<16xi32>
      %slice3A_674 = vector.extract_strided_slice %get3A_17 {offsets = [12], sizes = [1], strides = [1]} : vector<16xi32> to vector<1xi32>
      %squeeze3A_675 = vector.extract %slice3A_674[0] : i32 from vector<1xi32>
      %ge3A_676 = vector.broadcast %squeeze3A_675 : i32 to vector<16xi32>
      %ge3A_677 = arith.cmpi sge, %add3A_605, %ge3A_676 : vector<16xi32>
      %convert_element_type3A_678 = arith.extui %ge3A_677 : vector<16xi1> to vector<16xi32>
      %add3A_679 = arith.addi %add3A_673, %convert_element_type3A_678 : vector<16xi32>
      %slice3A_680 = vector.extract_strided_slice %get3A_17 {offsets = [13], sizes = [1], strides = [1]} : vector<16xi32> to vector<1xi32>
      %squeeze3A_681 = vector.extract %slice3A_680[0] : i32 from vector<1xi32>
      %ge3A_682 = vector.broadcast %squeeze3A_681 : i32 to vector<16xi32>
      %ge3A_683 = arith.cmpi sge, %add3A_605, %ge3A_682 : vector<16xi32>
      %convert_element_type3A_684 = arith.extui %ge3A_683 : vector<16xi1> to vector<16xi32>
      %add3A_685 = arith.addi %add3A_679, %convert_element_type3A_684 : vector<16xi32>
      %slice3A_686 = vector.extract_strided_slice %get3A_17 {offsets = [14], sizes = [1], strides = [1]} : vector<16xi32> to vector<1xi32>
      %squeeze3A_687 = vector.extract %slice3A_686[0] : i32 from vector<1xi32>
      %ge3A_688 = vector.broadcast %squeeze3A_687 : i32 to vector<16xi32>
      %ge3A_689 = arith.cmpi sge, %add3A_605, %ge3A_688 : vector<16xi32>
      %convert_element_type3A_690 = arith.extui %ge3A_689 : vector<16xi1> to vector<16xi32>
      %add3A_691 = arith.addi %add3A_685, %convert_element_type3A_690 : vector<16xi32>
      %slice3A_692 = vector.extract_strided_slice %get3A_17 {offsets = [15], sizes = [1], strides = [1]} : vector<16xi32> to vector<1xi32>
      %squeeze3A_693 = vector.extract %slice3A_692[0] : i32 from vector<1xi32>
      %ge3A_694 = vector.broadcast %squeeze3A_693 : i32 to vector<16xi32>
      %ge3A_695 = arith.cmpi sge, %add3A_605, %ge3A_694 : vector<16xi32>
      %convert_element_type3A_696 = arith.extui %ge3A_695 : vector<16xi1> to vector<16xi32>
      %add3A_697 = arith.addi %add3A_691, %convert_element_type3A_696 : vector<16xi32>
      %lt3A_698 = arith.constant 0 : i32
      %lt3A_699 = vector.broadcast %lt3A_698 : i32 to vector<16xi32>
      %lt3A_700 = arith.cmpi slt, %add3A_697, %lt3A_699 : vector<16xi32>
      %add3A_701 = arith.constant 16 : i32
      %add3A_702 = vector.broadcast %add3A_701 : i32 to vector<16xi32>
      %add3A_703 = arith.addi %add3A_697, %add3A_702 : vector<16xi32>
      %select_n3A_704 = arith.select %lt3A_700, %add3A_703, %add3A_697 : vector<16xi1>, vector<16xi32>
      %broadcast_in_dim3A_705 = vector.shape_cast %select_n3A_704 : vector<16xi32> to vector<16x1xi32>
      %gather3A_706 = vector.shape_cast %broadcast_in_dim3A_705 : vector<16x1xi32> to vector<16xi32>
      %gather3A_707 = tpu.dynamic_gather %div3A[%gather3A_706] in [0] : vector<16xf32>, vector<16xi32> -> vector<16xf32>
      %lt3A_708 = arith.constant 0 : i32
      %lt3A_709 = vector.broadcast %lt3A_708 : i32 to vector<16xi32>
      %lt3A_710 = arith.cmpi slt, %add3A_697, %lt3A_709 : vector<16xi32>
      %add3A_711 = arith.constant 16 : i32
      %add3A_712 = vector.broadcast %add3A_711 : i32 to vector<16xi32>
      %add3A_713 = arith.addi %add3A_697, %add3A_712 : vector<16xi32>
      %select_n3A_714 = arith.select %lt3A_710, %add3A_713, %add3A_697 : vector<16xi1>, vector<16xi32>
      %broadcast_in_dim3A_715 = vector.shape_cast %select_n3A_714 : vector<16xi32> to vector<16x1xi32>
      %gather3A_716 = vector.shape_cast %broadcast_in_dim3A_715 : vector<16x1xi32> to vector<16xi32>
      %gather3A_717 = tpu.dynamic_gather %mul3A_354[%gather3A_716] in [0] : vector<16xf32>, vector<16xi32> -> vector<16xf32>
      %parallel_loop3A = arith.constant 0 : i32
      %parallel_loop3A_718 = arith.constant 64 : i32
      %parallel_loop3A_719 = arith.constant 1 : i32
      scf.for %parallel_loop3A_721 = %parallel_loop3A to %parallel_loop3A_718 step %parallel_loop3A_719  : i32 {
        %parallel_loop3A_722 = arith.constant 2 : i32
        %parallel_loop3A_723 = arith.muli %scan3A_477, %parallel_loop3A_722 : i32
        %parallel_loop3A_724 = arith.constant 0 : i32
        %parallel_loop3A_725 = arith.addi %parallel_loop3A_723, %parallel_loop3A_724 : i32
        %parallel_loop3A_726 = arith.constant 16 : i32
        %parallel_loop3A_727 = arith.muli %parallel_loop3A_725, %parallel_loop3A_726 : i32
        %parallel_loop3A_728 = arith.index_cast %parallel_loop3A_721 : i32 to index
        %parallel_loop3A_729 = arith.index_cast %parallel_loop3A_727 : i32 to index
        %parallel_loop3A_730 = tpu.vector_load %arg7[%parallel_loop3A_728, %parallel_loop3A_729] {strides = array<i32>} : memref<64x256xf32, #tpu.memory_space<vmem>>, vector<16xf32>,
        %parallel_loop3A_731 = arith.subf %parallel_loop3A_730, %gather3A_586 : vector<16xf32>
        %parallel_loop3A_732 = arith.mulf %parallel_loop3A_731, %gather3A_596 : vector<16xf32>
        %parallel_loop3A_733 = arith.index_cast %parallel_loop3A_721 : i32 to index
        %parallel_loop3A_734 = arith.index_cast %parallel_loop3A_727 : i32 to index
        %parallel_loop3A_735 = tpu.vector_load %arg7[%parallel_loop3A_733, %parallel_loop3A_734] {strides = array<i32>} : memref<64x256xf32, #tpu.memory_space<vmem>>, vector<16xf32>,
        tpu.vector_store %arg7[%parallel_loop3A_733, %parallel_loop3A_734], %parallel_loop3A_732 {strides = array<i32>} : memref<64x256xf32, #tpu.memory_space<vmem>>, vector<16xf32>,
        %parallel_loop3A_736 = arith.constant 2 : i32
        %parallel_loop3A_737 = arith.muli %scan3A_477, %parallel_loop3A_736 : i32
        %parallel_loop3A_738 = arith.constant 1 : i32
        %parallel_loop3A_739 = arith.addi %parallel_loop3A_737, %parallel_loop3A_738 : i32
        %parallel_loop3A_740 = arith.constant 16 : i32
        %parallel_loop3A_741 = arith.muli %parallel_loop3A_739, %parallel_loop3A_740 : i32
        %parallel_loop3A_742 = arith.index_cast %parallel_loop3A_721 : i32 to index
        %parallel_loop3A_743 = arith.index_cast %parallel_loop3A_741 : i32 to index
        %parallel_loop3A_744 = tpu.vector_load %arg7[%parallel_loop3A_742, %parallel_loop3A_743] {strides = array<i32>} : memref<64x256xf32, #tpu.memory_space<vmem>>, vector<16xf32>,
        %parallel_loop3A_745 = arith.subf %parallel_loop3A_744, %gather3A_707 : vector<16xf32>
        %parallel_loop3A_746 = arith.mulf %parallel_loop3A_745, %gather3A_717 : vector<16xf32>
        %parallel_loop3A_747 = arith.index_cast %parallel_loop3A_721 : i32 to index
        %parallel_loop3A_748 = arith.index_cast %parallel_loop3A_741 : i32 to index
        %parallel_loop3A_749 = tpu.vector_load %arg7[%parallel_loop3A_747, %parallel_loop3A_748] {strides = array<i32>} : memref<64x256xf32, #tpu.memory_space<vmem>>, vector<16xf32>,
        tpu.vector_store %arg7[%parallel_loop3A_747, %parallel_loop3A_748], %parallel_loop3A_746 {strides = array<i32>} : memref<64x256xf32, #tpu.memory_space<vmem>>, vector<16xf32>,
      } {sc.loop_unroll_factor = 8 : i64, sc.parallel_access}
      %scan3A_720 = arith.constant 0 : i32
      scf.yield %scan3A_720 : i32
    }
    %scan3A_410 = arith.constant 8 : i32
    %mul3A_411 = arith.constant 1024 : i32
    %mul3A_412 = arith.muli %add3A, %mul3A_411 : i32
    %add3A_413 = arith.constant 256 : i32
    %add3A_414 = arith.addi %mul3A_412, %add3A_413 : i32
    %dma_start3A_415 = arith.constant 0 : i32
    %dma_start3A_416 = tpu.memref_slice %arg5[%dma_start3A_415, %add3A_414] : memref<64x32768xf32, #tpu.memory_space<hbm>> -> memref<64x256xf32, #tpu.memory_space<hbm>>
    %dma_start3A_417 = arith.constant 0 : i32
    %dma_start3A_418 = tpu.memref_slice %arg5[%dma_start3A_417, %add3A_414] : memref<64x32768xf32, #tpu.memory_space<hbm>> -> memref<64x256xf32, #tpu.memory_space<hbm>>
    tpu.enqueue_dma source(%arg7 : memref<64x256xf32, #tpu.memory_space<vmem>>) target(%dma_start3A_418 : memref<64x256xf32, #tpu.memory_space<hbm>>) target_semaphore(%arg15 : memref<!tpu.dma_semaphore, #tpu.memory_space<semaphore_mem>>)
    %dma_wait3A_419 = arith.constant 0 : i32
    %dma_wait3A_420 = tpu.memref_slice %arg2[%dma_wait3A_419, %add3A_358] : memref<64x32768xf32, #tpu.memory_space<hbm>> -> memref<64x256xf32, #tpu.memory_space<hbm>>
    %dma_wait3A_421 = arith.constant 0 : i32
    %dma_wait3A_422 = tpu.memref_slice %arg2[%dma_wait3A_421, %add3A_358] : memref<64x32768xf32, #tpu.memory_space<hbm>> -> memref<64x256xf32, #tpu.memory_space<hbm>>
    tpu.wait_dma2 semaphore(%arg13 : memref<!tpu.dma_semaphore, #tpu.memory_space<semaphore_mem>>) src(%dma_wait3A_422 : memref<64x256xf32, #tpu.memory_space<hbm>>) dst(%arg8 : memref<64x256xf32, #tpu.memory_space<vmem>>)
    %mul3A_423 = arith.constant 1024 : i32
    %mul3A_424 = arith.muli %add3A, %mul3A_423 : i32
    %add3A_425 = arith.constant 512 : i32
    %add3A_426 = arith.addi %mul3A_424, %add3A_425 : i32
    %scan3A_427 = arith.constant 0 : i32
    %scan3A_428 = arith.constant 0 : i32
    %scan3A_429 = arith.constant 8 : i32
    %scan3A_430 = arith.addi %scan3A_428, %scan3A_429 : i32
    %scan3A_431 = arith.constant 1 : i32
    %scan3A_432 = scf.for %scan3A_477 = %scan3A_428 to %scan3A_430 step %scan3A_431 iter_args(%scan3A_478 = %scan3A_427) -> (i32)  : i32 {
      %mul3A_479 = arith.constant 2 : i32
      %mul3A_480 = arith.muli %scan3A_477, %mul3A_479 : i32
      %add3A_481 = arith.constant 0 : i32
      %add3A_482 = arith.addi %mul3A_480, %add3A_481 : i32
      %mul3A_483 = arith.constant 16 : i32
      %mul3A_484 = arith.muli %add3A_482, %mul3A_483 : i32
      %add3A_485 = arith.addi %add3A_426, %mul3A_484 : i32
      %add3A_486 = vector.broadcast %add3A_485 : i32 to vector<16xi32>
      %add3A_487 = arith.addi %add3A_486, %iota3A : vector<16xi32>
      %broadcast_in_dim3A_488 = arith.constant 0 : i32
      %broadcast_in_dim3A_489 = vector.broadcast %broadcast_in_dim3A_488 : i32 to vector<16xi32>
      %slice3A_490 = vector.extract_strided_slice %get3A_17 {offsets = [1], sizes = [1], strides = [1]} : vector<16xi32> to vector<1xi32>
      %squeeze3A_491 = vector.extract %slice3A_490[0] : i32 from vector<1xi32>
      %ge3A = vector.broadcast %squeeze3A_491 : i32 to vector<16xi32>
      %ge3A_492 = arith.cmpi sge, %add3A_487, %ge3A : vector<16xi32>
      %convert_element_type3A_493 = arith.extui %ge3A_492 : vector<16xi1> to vector<16xi32>
      %add3A_494 = arith.addi %broadcast_in_dim3A_489, %convert_element_type3A_493 : vector<16xi32>
      %slice3A_495 = vector.extract_strided_slice %get3A_17 {offsets = [2], sizes = [1], strides = [1]} : vector<16xi32> to vector<1xi32>
      %squeeze3A_496 = vector.extract %slice3A_495[0] : i32 from vector<1xi32>
      %ge3A_497 = vector.broadcast %squeeze3A_496 : i32 to vector<16xi32>
      %ge3A_498 = arith.cmpi sge, %add3A_487, %ge3A_497 : vector<16xi32>
      %convert_element_type3A_499 = arith.extui %ge3A_498 : vector<16xi1> to vector<16xi32>
      %add3A_500 = arith.addi %add3A_494, %convert_element_type3A_499 : vector<16xi32>
      %slice3A_501 = vector.extract_strided_slice %get3A_17 {offsets = [3], sizes = [1], strides = [1]} : vector<16xi32> to vector<1xi32>
      %squeeze3A_502 = vector.extract %slice3A_501[0] : i32 from vector<1xi32>
      %ge3A_503 = vector.broadcast %squeeze3A_502 : i32 to vector<16xi32>
      %ge3A_504 = arith.cmpi sge, %add3A_487, %ge3A_503 : vector<16xi32>
      %convert_element_type3A_505 = arith.extui %ge3A_504 : vector<16xi1> to vector<16xi32>
      %add3A_506 = arith.addi %add3A_500, %convert_element_type3A_505 : vector<16xi32>
      %slice3A_507 = vector.extract_strided_slice %get3A_17 {offsets = [4], sizes = [1], strides = [1]} : vector<16xi32> to vector<1xi32>
      %squeeze3A_508 = vector.extract %slice3A_507[0] : i32 from vector<1xi32>
      %ge3A_509 = vector.broadcast %squeeze3A_508 : i32 to vector<16xi32>
      %ge3A_510 = arith.cmpi sge, %add3A_487, %ge3A_509 : vector<16xi32>
      %convert_element_type3A_511 = arith.extui %ge3A_510 : vector<16xi1> to vector<16xi32>
      %add3A_512 = arith.addi %add3A_506, %convert_element_type3A_511 : vector<16xi32>
      %slice3A_513 = vector.extract_strided_slice %get3A_17 {offsets = [5], sizes = [1], strides = [1]} : vector<16xi32> to vector<1xi32>
      %squeeze3A_514 = vector.extract %slice3A_513[0] : i32 from vector<1xi32>
      %ge3A_515 = vector.broadcast %squeeze3A_514 : i32 to vector<16xi32>
      %ge3A_516 = arith.cmpi sge, %add3A_487, %ge3A_515 : vector<16xi32>
      %convert_element_type3A_517 = arith.extui %ge3A_516 : vector<16xi1> to vector<16xi32>
      %add3A_518 = arith.addi %add3A_512, %convert_element_type3A_517 : vector<16xi32>
      %slice3A_519 = vector.extract_strided_slice %get3A_17 {offsets = [6], sizes = [1], strides = [1]} : vector<16xi32> to vector<1xi32>
      %squeeze3A_520 = vector.extract %slice3A_519[0] : i32 from vector<1xi32>
      %ge3A_521 = vector.broadcast %squeeze3A_520 : i32 to vector<16xi32>
      %ge3A_522 = arith.cmpi sge, %add3A_487, %ge3A_521 : vector<16xi32>
      %convert_element_type3A_523 = arith.extui %ge3A_522 : vector<16xi1> to vector<16xi32>
      %add3A_524 = arith.addi %add3A_518, %convert_element_type3A_523 : vector<16xi32>
      %slice3A_525 = vector.extract_strided_slice %get3A_17 {offsets = [7], sizes = [1], strides = [1]} : vector<16xi32> to vector<1xi32>
      %squeeze3A_526 = vector.extract %slice3A_525[0] : i32 from vector<1xi32>
      %ge3A_527 = vector.broadcast %squeeze3A_526 : i32 to vector<16xi32>
      %ge3A_528 = arith.cmpi sge, %add3A_487, %ge3A_527 : vector<16xi32>
      %convert_element_type3A_529 = arith.extui %ge3A_528 : vector<16xi1> to vector<16xi32>
      %add3A_530 = arith.addi %add3A_524, %convert_element_type3A_529 : vector<16xi32>
      %slice3A_531 = vector.extract_strided_slice %get3A_17 {offsets = [8], sizes = [1], strides = [1]} : vector<16xi32> to vector<1xi32>
      %squeeze3A_532 = vector.extract %slice3A_531[0] : i32 from vector<1xi32>
      %ge3A_533 = vector.broadcast %squeeze3A_532 : i32 to vector<16xi32>
      %ge3A_534 = arith.cmpi sge, %add3A_487, %ge3A_533 : vector<16xi32>
      %convert_element_type3A_535 = arith.extui %ge3A_534 : vector<16xi1> to vector<16xi32>
      %add3A_536 = arith.addi %add3A_530, %convert_element_type3A_535 : vector<16xi32>
      %slice3A_537 = vector.extract_strided_slice %get3A_17 {offsets = [9], sizes = [1], strides = [1]} : vector<16xi32> to vector<1xi32>
      %squeeze3A_538 = vector.extract %slice3A_537[0] : i32 from vector<1xi32>
      %ge3A_539 = vector.broadcast %squeeze3A_538 : i32 to vector<16xi32>
      %ge3A_540 = arith.cmpi sge, %add3A_487, %ge3A_539 : vector<16xi32>
      %convert_element_type3A_541 = arith.extui %ge3A_540 : vector<16xi1> to vector<16xi32>
      %add3A_542 = arith.addi %add3A_536, %convert_element_type3A_541 : vector<16xi32>
      %slice3A_543 = vector.extract_strided_slice %get3A_17 {offsets = [10], sizes = [1], strides = [1]} : vector<16xi32> to vector<1xi32>
      %squeeze3A_544 = vector.extract %slice3A_543[0] : i32 from vector<1xi32>
      %ge3A_545 = vector.broadcast %squeeze3A_544 : i32 to vector<16xi32>
      %ge3A_546 = arith.cmpi sge, %add3A_487, %ge3A_545 : vector<16xi32>
      %convert_element_type3A_547 = arith.extui %ge3A_546 : vector<16xi1> to vector<16xi32>
      %add3A_548 = arith.addi %add3A_542, %convert_element_type3A_547 : vector<16xi32>
      %slice3A_549 = vector.extract_strided_slice %get3A_17 {offsets = [11], sizes = [1], strides = [1]} : vector<16xi32> to vector<1xi32>
      %squeeze3A_550 = vector.extract %slice3A_549[0] : i32 from vector<1xi32>
      %ge3A_551 = vector.broadcast %squeeze3A_550 : i32 to vector<16xi32>
      %ge3A_552 = arith.cmpi sge, %add3A_487, %ge3A_551 : vector<16xi32>
      %convert_element_type3A_553 = arith.extui %ge3A_552 : vector<16xi1> to vector<16xi32>
      %add3A_554 = arith.addi %add3A_548, %convert_element_type3A_553 : vector<16xi32>
      %slice3A_555 = vector.extract_strided_slice %get3A_17 {offsets = [12], sizes = [1], strides = [1]} : vector<16xi32> to vector<1xi32>
      %squeeze3A_556 = vector.extract %slice3A_555[0] : i32 from vector<1xi32>
      %ge3A_557 = vector.broadcast %squeeze3A_556 : i32 to vector<16xi32>
      %ge3A_558 = arith.cmpi sge, %add3A_487, %ge3A_557 : vector<16xi32>
      %convert_element_type3A_559 = arith.extui %ge3A_558 : vector<16xi1> to vector<16xi32>
      %add3A_560 = arith.addi %add3A_554, %convert_element_type3A_559 : vector<16xi32>
      %slice3A_561 = vector.extract_strided_slice %get3A_17 {offsets = [13], sizes = [1], strides = [1]} : vector<16xi32> to vector<1xi32>
      %squeeze3A_562 = vector.extract %slice3A_561[0] : i32 from vector<1xi32>
      %ge3A_563 = vector.broadcast %squeeze3A_562 : i32 to vector<16xi32>
      %ge3A_564 = arith.cmpi sge, %add3A_487, %ge3A_563 : vector<16xi32>
      %convert_element_type3A_565 = arith.extui %ge3A_564 : vector<16xi1> to vector<16xi32>
      %add3A_566 = arith.addi %add3A_560, %convert_element_type3A_565 : vector<16xi32>
      %slice3A_567 = vector.extract_strided_slice %get3A_17 {offsets = [14], sizes = [1], strides = [1]} : vector<16xi32> to vector<1xi32>
      %squeeze3A_568 = vector.extract %slice3A_567[0] : i32 from vector<1xi32>
      %ge3A_569 = vector.broadcast %squeeze3A_568 : i32 to vector<16xi32>
      %ge3A_570 = arith.cmpi sge, %add3A_487, %ge3A_569 : vector<16xi32>
      %convert_element_type3A_571 = arith.extui %ge3A_570 : vector<16xi1> to vector<16xi32>
      %add3A_572 = arith.addi %add3A_566, %convert_element_type3A_571 : vector<16xi32>
      %slice3A_573 = vector.extract_strided_slice %get3A_17 {offsets = [15], sizes = [1], strides = [1]} : vector<16xi32> to vector<1xi32>
      %squeeze3A_574 = vector.extract %slice3A_573[0] : i32 from vector<1xi32>
      %ge3A_575 = vector.broadcast %squeeze3A_574 : i32 to vector<16xi32>
      %ge3A_576 = arith.cmpi sge, %add3A_487, %ge3A_575 : vector<16xi32>
      %convert_element_type3A_577 = arith.extui %ge3A_576 : vector<16xi1> to vector<16xi32>
      %add3A_578 = arith.addi %add3A_572, %convert_element_type3A_577 : vector<16xi32>
      %lt3A = arith.constant 0 : i32
      %lt3A_579 = vector.broadcast %lt3A : i32 to vector<16xi32>
      %lt3A_580 = arith.cmpi slt, %add3A_578, %lt3A_579 : vector<16xi32>
      %add3A_581 = arith.constant 16 : i32
      %add3A_582 = vector.broadcast %add3A_581 : i32 to vector<16xi32>
      %add3A_583 = arith.addi %add3A_578, %add3A_582 : vector<16xi32>
      %select_n3A_584 = arith.select %lt3A_580, %add3A_583, %add3A_578 : vector<16xi1>, vector<16xi32>
      %broadcast_in_dim3A_585 = vector.shape_cast %select_n3A_584 : vector<16xi32> to vector<16x1xi32>
      %gather3A = vector.shape_cast %broadcast_in_dim3A_585 : vector<16x1xi32> to vector<16xi32>
      %gather3A_586 = tpu.dynamic_gather %div3A[%gather3A] in [0] : vector<16xf32>, vector<16xi32> -> vector<16xf32>
      %lt3A_587 = arith.constant 0 : i32
      %lt3A_588 = vector.broadcast %lt3A_587 : i32 to vector<16xi32>
      %lt3A_589 = arith.cmpi slt, %add3A_578, %lt3A_588 : vector<16xi32>
      %add3A_590 = arith.constant 16 : i32
      %add3A_591 = vector.broadcast %add3A_590 : i32 to vector<16xi32>
      %add3A_592 = arith.addi %add3A_578, %add3A_591 : vector<16xi32>
      %select_n3A_593 = arith.select %lt3A_589, %add3A_592, %add3A_578 : vector<16xi1>, vector<16xi32>
      %broadcast_in_dim3A_594 = vector.shape_cast %select_n3A_593 : vector<16xi32> to vector<16x1xi32>
      %gather3A_595 = vector.shape_cast %broadcast_in_dim3A_594 : vector<16x1xi32> to vector<16xi32>
      %gather3A_596 = tpu.dynamic_gather %mul3A_354[%gather3A_595] in [0] : vector<16xf32>, vector<16xi32> -> vector<16xf32>
      %mul3A_597 = arith.constant 2 : i32
      %mul3A_598 = arith.muli %scan3A_477, %mul3A_597 : i32
      %add3A_599 = arith.constant 1 : i32
      %add3A_600 = arith.addi %mul3A_598, %add3A_599 : i32
      %mul3A_601 = arith.constant 16 : i32
      %mul3A_602 = arith.muli %add3A_600, %mul3A_601 : i32
      %add3A_603 = arith.addi %add3A_426, %mul3A_602 : i32
      %add3A_604 = vector.broadcast %add3A_603 : i32 to vector<16xi32>
      %add3A_605 = arith.addi %add3A_604, %iota3A : vector<16xi32>
      %broadcast_in_dim3A_606 = arith.constant 0 : i32
      %broadcast_in_dim3A_607 = vector.broadcast %broadcast_in_dim3A_606 : i32 to vector<16xi32>
      %slice3A_608 = vector.extract_strided_slice %get3A_17 {offsets = [1], sizes = [1], strides = [1]} : vector<16xi32> to vector<1xi32>
      %squeeze3A_609 = vector.extract %slice3A_608[0] : i32 from vector<1xi32>
      %ge3A_610 = vector.broadcast %squeeze3A_609 : i32 to vector<16xi32>
      %ge3A_611 = arith.cmpi sge, %add3A_605, %ge3A_610 : vector<16xi32>
      %convert_element_type3A_612 = arith.extui %ge3A_611 : vector<16xi1> to vector<16xi32>
      %add3A_613 = arith.addi %broadcast_in_dim3A_607, %convert_element_type3A_612 : vector<16xi32>
      %slice3A_614 = vector.extract_strided_slice %get3A_17 {offsets = [2], sizes = [1], strides = [1]} : vector<16xi32> to vector<1xi32>
      %squeeze3A_615 = vector.extract %slice3A_614[0] : i32 from vector<1xi32>
      %ge3A_616 = vector.broadcast %squeeze3A_615 : i32 to vector<16xi32>
      %ge3A_617 = arith.cmpi sge, %add3A_605, %ge3A_616 : vector<16xi32>
      %convert_element_type3A_618 = arith.extui %ge3A_617 : vector<16xi1> to vector<16xi32>
      %add3A_619 = arith.addi %add3A_613, %convert_element_type3A_618 : vector<16xi32>
      %slice3A_620 = vector.extract_strided_slice %get3A_17 {offsets = [3], sizes = [1], strides = [1]} : vector<16xi32> to vector<1xi32>
      %squeeze3A_621 = vector.extract %slice3A_620[0] : i32 from vector<1xi32>
      %ge3A_622 = vector.broadcast %squeeze3A_621 : i32 to vector<16xi32>
      %ge3A_623 = arith.cmpi sge, %add3A_605, %ge3A_622 : vector<16xi32>
      %convert_element_type3A_624 = arith.extui %ge3A_623 : vector<16xi1> to vector<16xi32>
      %add3A_625 = arith.addi %add3A_619, %convert_element_type3A_624 : vector<16xi32>
      %slice3A_626 = vector.extract_strided_slice %get3A_17 {offsets = [4], sizes = [1], strides = [1]} : vector<16xi32> to vector<1xi32>
      %squeeze3A_627 = vector.extract %slice3A_626[0] : i32 from vector<1xi32>
      %ge3A_628 = vector.broadcast %squeeze3A_627 : i32 to vector<16xi32>
      %ge3A_629 = arith.cmpi sge, %add3A_605, %ge3A_628 : vector<16xi32>
      %convert_element_type3A_630 = arith.extui %ge3A_629 : vector<16xi1> to vector<16xi32>
      %add3A_631 = arith.addi %add3A_625, %convert_element_type3A_630 : vector<16xi32>
      %slice3A_632 = vector.extract_strided_slice %get3A_17 {offsets = [5], sizes = [1], strides = [1]} : vector<16xi32> to vector<1xi32>
      %squeeze3A_633 = vector.extract %slice3A_632[0] : i32 from vector<1xi32>
      %ge3A_634 = vector.broadcast %squeeze3A_633 : i32 to vector<16xi32>
      %ge3A_635 = arith.cmpi sge, %add3A_605, %ge3A_634 : vector<16xi32>
      %convert_element_type3A_636 = arith.extui %ge3A_635 : vector<16xi1> to vector<16xi32>
      %add3A_637 = arith.addi %add3A_631, %convert_element_type3A_636 : vector<16xi32>
      %slice3A_638 = vector.extract_strided_slice %get3A_17 {offsets = [6], sizes = [1], strides = [1]} : vector<16xi32> to vector<1xi32>
      %squeeze3A_639 = vector.extract %slice3A_638[0] : i32 from vector<1xi32>
      %ge3A_640 = vector.broadcast %squeeze3A_639 : i32 to vector<16xi32>
      %ge3A_641 = arith.cmpi sge, %add3A_605, %ge3A_640 : vector<16xi32>
      %convert_element_type3A_642 = arith.extui %ge3A_641 : vector<16xi1> to vector<16xi32>
      %add3A_643 = arith.addi %add3A_637, %convert_element_type3A_642 : vector<16xi32>
      %slice3A_644 = vector.extract_strided_slice %get3A_17 {offsets = [7], sizes = [1], strides = [1]} : vector<16xi32> to vector<1xi32>
      %squeeze3A_645 = vector.extract %slice3A_644[0] : i32 from vector<1xi32>
      %ge3A_646 = vector.broadcast %squeeze3A_645 : i32 to vector<16xi32>
      %ge3A_647 = arith.cmpi sge, %add3A_605, %ge3A_646 : vector<16xi32>
      %convert_element_type3A_648 = arith.extui %ge3A_647 : vector<16xi1> to vector<16xi32>
      %add3A_649 = arith.addi %add3A_643, %convert_element_type3A_648 : vector<16xi32>
      %slice3A_650 = vector.extract_strided_slice %get3A_17 {offsets = [8], sizes = [1], strides = [1]} : vector<16xi32> to vector<1xi32>
      %squeeze3A_651 = vector.extract %slice3A_650[0] : i32 from vector<1xi32>
      %ge3A_652 = vector.broadcast %squeeze3A_651 : i32 to vector<16xi32>
      %ge3A_653 = arith.cmpi sge, %add3A_605, %ge3A_652 : vector<16xi32>
      %convert_element_type3A_654 = arith.extui %ge3A_653 : vector<16xi1> to vector<16xi32>
      %add3A_655 = arith.addi %add3A_649, %convert_element_type3A_654 : vector<16xi32>
      %slice3A_656 = vector.extract_strided_slice %get3A_17 {offsets = [9], sizes = [1], strides = [1]} : vector<16xi32> to vector<1xi32>
      %squeeze3A_657 = vector.extract %slice3A_656[0] : i32 from vector<1xi32>
      %ge3A_658 = vector.broadcast %squeeze3A_657 : i32 to vector<16xi32>
      %ge3A_659 = arith.cmpi sge, %add3A_605, %ge3A_658 : vector<16xi32>
      %convert_element_type3A_660 = arith.extui %ge3A_659 : vector<16xi1> to vector<16xi32>
      %add3A_661 = arith.addi %add3A_655, %convert_element_type3A_660 : vector<16xi32>
      %slice3A_662 = vector.extract_strided_slice %get3A_17 {offsets = [10], sizes = [1], strides = [1]} : vector<16xi32> to vector<1xi32>
      %squeeze3A_663 = vector.extract %slice3A_662[0] : i32 from vector<1xi32>
      %ge3A_664 = vector.broadcast %squeeze3A_663 : i32 to vector<16xi32>
      %ge3A_665 = arith.cmpi sge, %add3A_605, %ge3A_664 : vector<16xi32>
      %convert_element_type3A_666 = arith.extui %ge3A_665 : vector<16xi1> to vector<16xi32>
      %add3A_667 = arith.addi %add3A_661, %convert_element_type3A_666 : vector<16xi32>
      %slice3A_668 = vector.extract_strided_slice %get3A_17 {offsets = [11], sizes = [1], strides = [1]} : vector<16xi32> to vector<1xi32>
      %squeeze3A_669 = vector.extract %slice3A_668[0] : i32 from vector<1xi32>
      %ge3A_670 = vector.broadcast %squeeze3A_669 : i32 to vector<16xi32>
      %ge3A_671 = arith.cmpi sge, %add3A_605, %ge3A_670 : vector<16xi32>
      %convert_element_type3A_672 = arith.extui %ge3A_671 : vector<16xi1> to vector<16xi32>
      %add3A_673 = arith.addi %add3A_667, %convert_element_type3A_672 : vector<16xi32>
      %slice3A_674 = vector.extract_strided_slice %get3A_17 {offsets = [12], sizes = [1], strides = [1]} : vector<16xi32> to vector<1xi32>
      %squeeze3A_675 = vector.extract %slice3A_674[0] : i32 from vector<1xi32>
      %ge3A_676 = vector.broadcast %squeeze3A_675 : i32 to vector<16xi32>
      %ge3A_677 = arith.cmpi sge, %add3A_605, %ge3A_676 : vector<16xi32>
      %convert_element_type3A_678 = arith.extui %ge3A_677 : vector<16xi1> to vector<16xi32>
      %add3A_679 = arith.addi %add3A_673, %convert_element_type3A_678 : vector<16xi32>
      %slice3A_680 = vector.extract_strided_slice %get3A_17 {offsets = [13], sizes = [1], strides = [1]} : vector<16xi32> to vector<1xi32>
      %squeeze3A_681 = vector.extract %slice3A_680[0] : i32 from vector<1xi32>
      %ge3A_682 = vector.broadcast %squeeze3A_681 : i32 to vector<16xi32>
      %ge3A_683 = arith.cmpi sge, %add3A_605, %ge3A_682 : vector<16xi32>
      %convert_element_type3A_684 = arith.extui %ge3A_683 : vector<16xi1> to vector<16xi32>
      %add3A_685 = arith.addi %add3A_679, %convert_element_type3A_684 : vector<16xi32>
      %slice3A_686 = vector.extract_strided_slice %get3A_17 {offsets = [14], sizes = [1], strides = [1]} : vector<16xi32> to vector<1xi32>
      %squeeze3A_687 = vector.extract %slice3A_686[0] : i32 from vector<1xi32>
      %ge3A_688 = vector.broadcast %squeeze3A_687 : i32 to vector<16xi32>
      %ge3A_689 = arith.cmpi sge, %add3A_605, %ge3A_688 : vector<16xi32>
      %convert_element_type3A_690 = arith.extui %ge3A_689 : vector<16xi1> to vector<16xi32>
      %add3A_691 = arith.addi %add3A_685, %convert_element_type3A_690 : vector<16xi32>
      %slice3A_692 = vector.extract_strided_slice %get3A_17 {offsets = [15], sizes = [1], strides = [1]} : vector<16xi32> to vector<1xi32>
      %squeeze3A_693 = vector.extract %slice3A_692[0] : i32 from vector<1xi32>
      %ge3A_694 = vector.broadcast %squeeze3A_693 : i32 to vector<16xi32>
      %ge3A_695 = arith.cmpi sge, %add3A_605, %ge3A_694 : vector<16xi32>
      %convert_element_type3A_696 = arith.extui %ge3A_695 : vector<16xi1> to vector<16xi32>
      %add3A_697 = arith.addi %add3A_691, %convert_element_type3A_696 : vector<16xi32>
      %lt3A_698 = arith.constant 0 : i32
      %lt3A_699 = vector.broadcast %lt3A_698 : i32 to vector<16xi32>
      %lt3A_700 = arith.cmpi slt, %add3A_697, %lt3A_699 : vector<16xi32>
      %add3A_701 = arith.constant 16 : i32
      %add3A_702 = vector.broadcast %add3A_701 : i32 to vector<16xi32>
      %add3A_703 = arith.addi %add3A_697, %add3A_702 : vector<16xi32>
      %select_n3A_704 = arith.select %lt3A_700, %add3A_703, %add3A_697 : vector<16xi1>, vector<16xi32>
      %broadcast_in_dim3A_705 = vector.shape_cast %select_n3A_704 : vector<16xi32> to vector<16x1xi32>
      %gather3A_706 = vector.shape_cast %broadcast_in_dim3A_705 : vector<16x1xi32> to vector<16xi32>
      %gather3A_707 = tpu.dynamic_gather %div3A[%gather3A_706] in [0] : vector<16xf32>, vector<16xi32> -> vector<16xf32>
      %lt3A_708 = arith.constant 0 : i32
      %lt3A_709 = vector.broadcast %lt3A_708 : i32 to vector<16xi32>
      %lt3A_710 = arith.cmpi slt, %add3A_697, %lt3A_709 : vector<16xi32>
      %add3A_711 = arith.constant 16 : i32
      %add3A_712 = vector.broadcast %add3A_711 : i32 to vector<16xi32>
      %add3A_713 = arith.addi %add3A_697, %add3A_712 : vector<16xi32>
      %select_n3A_714 = arith.select %lt3A_710, %add3A_713, %add3A_697 : vector<16xi1>, vector<16xi32>
      %broadcast_in_dim3A_715 = vector.shape_cast %select_n3A_714 : vector<16xi32> to vector<16x1xi32>
      %gather3A_716 = vector.shape_cast %broadcast_in_dim3A_715 : vector<16x1xi32> to vector<16xi32>
      %gather3A_717 = tpu.dynamic_gather %mul3A_354[%gather3A_716] in [0] : vector<16xf32>, vector<16xi32> -> vector<16xf32>
      %parallel_loop3A = arith.constant 0 : i32
      %parallel_loop3A_718 = arith.constant 64 : i32
      %parallel_loop3A_719 = arith.constant 1 : i32
      scf.for %parallel_loop3A_721 = %parallel_loop3A to %parallel_loop3A_718 step %parallel_loop3A_719  : i32 {
        %parallel_loop3A_722 = arith.constant 2 : i32
        %parallel_loop3A_723 = arith.muli %scan3A_477, %parallel_loop3A_722 : i32
        %parallel_loop3A_724 = arith.constant 0 : i32
        %parallel_loop3A_725 = arith.addi %parallel_loop3A_723, %parallel_loop3A_724 : i32
        %parallel_loop3A_726 = arith.constant 16 : i32
        %parallel_loop3A_727 = arith.muli %parallel_loop3A_725, %parallel_loop3A_726 : i32
        %parallel_loop3A_728 = arith.index_cast %parallel_loop3A_721 : i32 to index
        %parallel_loop3A_729 = arith.index_cast %parallel_loop3A_727 : i32 to index
        %parallel_loop3A_730 = tpu.vector_load %arg8[%parallel_loop3A_728, %parallel_loop3A_729] {strides = array<i32>} : memref<64x256xf32, #tpu.memory_space<vmem>>, vector<16xf32>,
        %parallel_loop3A_731 = arith.subf %parallel_loop3A_730, %gather3A_586 : vector<16xf32>
        %parallel_loop3A_732 = arith.mulf %parallel_loop3A_731, %gather3A_596 : vector<16xf32>
        %parallel_loop3A_733 = arith.index_cast %parallel_loop3A_721 : i32 to index
        %parallel_loop3A_734 = arith.index_cast %parallel_loop3A_727 : i32 to index
        %parallel_loop3A_735 = tpu.vector_load %arg8[%parallel_loop3A_733, %parallel_loop3A_734] {strides = array<i32>} : memref<64x256xf32, #tpu.memory_space<vmem>>, vector<16xf32>,
        tpu.vector_store %arg8[%parallel_loop3A_733, %parallel_loop3A_734], %parallel_loop3A_732 {strides = array<i32>} : memref<64x256xf32, #tpu.memory_space<vmem>>, vector<16xf32>,
        %parallel_loop3A_736 = arith.constant 2 : i32
        %parallel_loop3A_737 = arith.muli %scan3A_477, %parallel_loop3A_736 : i32
        %parallel_loop3A_738 = arith.constant 1 : i32
        %parallel_loop3A_739 = arith.addi %parallel_loop3A_737, %parallel_loop3A_738 : i32
        %parallel_loop3A_740 = arith.constant 16 : i32
        %parallel_loop3A_741 = arith.muli %parallel_loop3A_739, %parallel_loop3A_740 : i32
        %parallel_loop3A_742 = arith.index_cast %parallel_loop3A_721 : i32 to index
        %parallel_loop3A_743 = arith.index_cast %parallel_loop3A_741 : i32 to index
        %parallel_loop3A_744 = tpu.vector_load %arg8[%parallel_loop3A_742, %parallel_loop3A_743] {strides = array<i32>} : memref<64x256xf32, #tpu.memory_space<vmem>>, vector<16xf32>,
        %parallel_loop3A_745 = arith.subf %parallel_loop3A_744, %gather3A_707 : vector<16xf32>
        %parallel_loop3A_746 = arith.mulf %parallel_loop3A_745, %gather3A_717 : vector<16xf32>
        %parallel_loop3A_747 = arith.index_cast %parallel_loop3A_721 : i32 to index
        %parallel_loop3A_748 = arith.index_cast %parallel_loop3A_741 : i32 to index
        %parallel_loop3A_749 = tpu.vector_load %arg8[%parallel_loop3A_747, %parallel_loop3A_748] {strides = array<i32>} : memref<64x256xf32, #tpu.memory_space<vmem>>, vector<16xf32>,
        tpu.vector_store %arg8[%parallel_loop3A_747, %parallel_loop3A_748], %parallel_loop3A_746 {strides = array<i32>} : memref<64x256xf32, #tpu.memory_space<vmem>>, vector<16xf32>,
      } {sc.loop_unroll_factor = 8 : i64, sc.parallel_access}
      %scan3A_720 = arith.constant 0 : i32
      scf.yield %scan3A_720 : i32
    }
    %scan3A_433 = arith.constant 8 : i32
    %mul3A_434 = arith.constant 1024 : i32
    %mul3A_435 = arith.muli %add3A, %mul3A_434 : i32
    %add3A_436 = arith.constant 512 : i32
    %add3A_437 = arith.addi %mul3A_435, %add3A_436 : i32
    %dma_start3A_438 = arith.constant 0 : i32
    %dma_start3A_439 = tpu.memref_slice %arg5[%dma_start3A_438, %add3A_437] : memref<64x32768xf32, #tpu.memory_space<hbm>> -> memref<64x256xf32, #tpu.memory_space<hbm>>
    %dma_start3A_440 = arith.constant 0 : i32
    %dma_start3A_441 = tpu.memref_slice %arg5[%dma_start3A_440, %add3A_437] : memref<64x32768xf32, #tpu.memory_space<hbm>> -> memref<64x256xf32, #tpu.memory_space<hbm>>
    tpu.enqueue_dma source(%arg8 : memref<64x256xf32, #tpu.memory_space<vmem>>) target(%dma_start3A_441 : memref<64x256xf32, #tpu.memory_space<hbm>>) target_semaphore(%arg16 : memref<!tpu.dma_semaphore, #tpu.memory_space<semaphore_mem>>)
    %dma_wait3A_442 = arith.constant 0 : i32
    %dma_wait3A_443 = tpu.memref_slice %arg2[%dma_wait3A_442, %add3A_391] : memref<64x32768xf32, #tpu.memory_space<hbm>> -> memref<64x256xf32, #tpu.memory_space<hbm>>
    %dma_wait3A_444 = arith.constant 0 : i32
    %dma_wait3A_445 = tpu.memref_slice %arg2[%dma_wait3A_444, %add3A_391] : memref<64x32768xf32, #tpu.memory_space<hbm>> -> memref<64x256xf32, #tpu.memory_space<hbm>>
    tpu.wait_dma2 semaphore(%arg11 : memref<!tpu.dma_semaphore, #tpu.memory_space<semaphore_mem>>) src(%dma_wait3A_445 : memref<64x256xf32, #tpu.memory_space<hbm>>) dst(%arg6 : memref<64x256xf32, #tpu.memory_space<vmem>>)
    %mul3A_446 = arith.constant 1024 : i32
    %mul3A_447 = arith.muli %add3A, %mul3A_446 : i32
    %add3A_448 = arith.constant 768 : i32
    %add3A_449 = arith.addi %mul3A_447, %add3A_448 : i32
    %scan3A_450 = arith.constant 0 : i32
    %scan3A_451 = arith.constant 0 : i32
    %scan3A_452 = arith.constant 8 : i32
    %scan3A_453 = arith.addi %scan3A_451, %scan3A_452 : i32
    %scan3A_454 = arith.constant 1 : i32
    %scan3A_455 = scf.for %scan3A_477 = %scan3A_451 to %scan3A_453 step %scan3A_454 iter_args(%scan3A_478 = %scan3A_450) -> (i32)  : i32 {
      %mul3A_479 = arith.constant 2 : i32
      %mul3A_480 = arith.muli %scan3A_477, %mul3A_479 : i32
      %add3A_481 = arith.constant 0 : i32
      %add3A_482 = arith.addi %mul3A_480, %add3A_481 : i32
      %mul3A_483 = arith.constant 16 : i32
      %mul3A_484 = arith.muli %add3A_482, %mul3A_483 : i32
      %add3A_485 = arith.addi %add3A_449, %mul3A_484 : i32
      %add3A_486 = vector.broadcast %add3A_485 : i32 to vector<16xi32>
      %add3A_487 = arith.addi %add3A_486, %iota3A : vector<16xi32>
      %broadcast_in_dim3A_488 = arith.constant 0 : i32
      %broadcast_in_dim3A_489 = vector.broadcast %broadcast_in_dim3A_488 : i32 to vector<16xi32>
      %slice3A_490 = vector.extract_strided_slice %get3A_17 {offsets = [1], sizes = [1], strides = [1]} : vector<16xi32> to vector<1xi32>
      %squeeze3A_491 = vector.extract %slice3A_490[0] : i32 from vector<1xi32>
      %ge3A = vector.broadcast %squeeze3A_491 : i32 to vector<16xi32>
      %ge3A_492 = arith.cmpi sge, %add3A_487, %ge3A : vector<16xi32>
      %convert_element_type3A_493 = arith.extui %ge3A_492 : vector<16xi1> to vector<16xi32>
      %add3A_494 = arith.addi %broadcast_in_dim3A_489, %convert_element_type3A_493 : vector<16xi32>
      %slice3A_495 = vector.extract_strided_slice %get3A_17 {offsets = [2], sizes = [1], strides = [1]} : vector<16xi32> to vector<1xi32>
      %squeeze3A_496 = vector.extract %slice3A_495[0] : i32 from vector<1xi32>
      %ge3A_497 = vector.broadcast %squeeze3A_496 : i32 to vector<16xi32>
      %ge3A_498 = arith.cmpi sge, %add3A_487, %ge3A_497 : vector<16xi32>
      %convert_element_type3A_499 = arith.extui %ge3A_498 : vector<16xi1> to vector<16xi32>
      %add3A_500 = arith.addi %add3A_494, %convert_element_type3A_499 : vector<16xi32>
      %slice3A_501 = vector.extract_strided_slice %get3A_17 {offsets = [3], sizes = [1], strides = [1]} : vector<16xi32> to vector<1xi32>
      %squeeze3A_502 = vector.extract %slice3A_501[0] : i32 from vector<1xi32>
      %ge3A_503 = vector.broadcast %squeeze3A_502 : i32 to vector<16xi32>
      %ge3A_504 = arith.cmpi sge, %add3A_487, %ge3A_503 : vector<16xi32>
      %convert_element_type3A_505 = arith.extui %ge3A_504 : vector<16xi1> to vector<16xi32>
      %add3A_506 = arith.addi %add3A_500, %convert_element_type3A_505 : vector<16xi32>
      %slice3A_507 = vector.extract_strided_slice %get3A_17 {offsets = [4], sizes = [1], strides = [1]} : vector<16xi32> to vector<1xi32>
      %squeeze3A_508 = vector.extract %slice3A_507[0] : i32 from vector<1xi32>
      %ge3A_509 = vector.broadcast %squeeze3A_508 : i32 to vector<16xi32>
      %ge3A_510 = arith.cmpi sge, %add3A_487, %ge3A_509 : vector<16xi32>
      %convert_element_type3A_511 = arith.extui %ge3A_510 : vector<16xi1> to vector<16xi32>
      %add3A_512 = arith.addi %add3A_506, %convert_element_type3A_511 : vector<16xi32>
      %slice3A_513 = vector.extract_strided_slice %get3A_17 {offsets = [5], sizes = [1], strides = [1]} : vector<16xi32> to vector<1xi32>
      %squeeze3A_514 = vector.extract %slice3A_513[0] : i32 from vector<1xi32>
      %ge3A_515 = vector.broadcast %squeeze3A_514 : i32 to vector<16xi32>
      %ge3A_516 = arith.cmpi sge, %add3A_487, %ge3A_515 : vector<16xi32>
      %convert_element_type3A_517 = arith.extui %ge3A_516 : vector<16xi1> to vector<16xi32>
      %add3A_518 = arith.addi %add3A_512, %convert_element_type3A_517 : vector<16xi32>
      %slice3A_519 = vector.extract_strided_slice %get3A_17 {offsets = [6], sizes = [1], strides = [1]} : vector<16xi32> to vector<1xi32>
      %squeeze3A_520 = vector.extract %slice3A_519[0] : i32 from vector<1xi32>
      %ge3A_521 = vector.broadcast %squeeze3A_520 : i32 to vector<16xi32>
      %ge3A_522 = arith.cmpi sge, %add3A_487, %ge3A_521 : vector<16xi32>
      %convert_element_type3A_523 = arith.extui %ge3A_522 : vector<16xi1> to vector<16xi32>
      %add3A_524 = arith.addi %add3A_518, %convert_element_type3A_523 : vector<16xi32>
      %slice3A_525 = vector.extract_strided_slice %get3A_17 {offsets = [7], sizes = [1], strides = [1]} : vector<16xi32> to vector<1xi32>
      %squeeze3A_526 = vector.extract %slice3A_525[0] : i32 from vector<1xi32>
      %ge3A_527 = vector.broadcast %squeeze3A_526 : i32 to vector<16xi32>
      %ge3A_528 = arith.cmpi sge, %add3A_487, %ge3A_527 : vector<16xi32>
      %convert_element_type3A_529 = arith.extui %ge3A_528 : vector<16xi1> to vector<16xi32>
      %add3A_530 = arith.addi %add3A_524, %convert_element_type3A_529 : vector<16xi32>
      %slice3A_531 = vector.extract_strided_slice %get3A_17 {offsets = [8], sizes = [1], strides = [1]} : vector<16xi32> to vector<1xi32>
      %squeeze3A_532 = vector.extract %slice3A_531[0] : i32 from vector<1xi32>
      %ge3A_533 = vector.broadcast %squeeze3A_532 : i32 to vector<16xi32>
      %ge3A_534 = arith.cmpi sge, %add3A_487, %ge3A_533 : vector<16xi32>
      %convert_element_type3A_535 = arith.extui %ge3A_534 : vector<16xi1> to vector<16xi32>
      %add3A_536 = arith.addi %add3A_530, %convert_element_type3A_535 : vector<16xi32>
      %slice3A_537 = vector.extract_strided_slice %get3A_17 {offsets = [9], sizes = [1], strides = [1]} : vector<16xi32> to vector<1xi32>
      %squeeze3A_538 = vector.extract %slice3A_537[0] : i32 from vector<1xi32>
      %ge3A_539 = vector.broadcast %squeeze3A_538 : i32 to vector<16xi32>
      %ge3A_540 = arith.cmpi sge, %add3A_487, %ge3A_539 : vector<16xi32>
      %convert_element_type3A_541 = arith.extui %ge3A_540 : vector<16xi1> to vector<16xi32>
      %add3A_542 = arith.addi %add3A_536, %convert_element_type3A_541 : vector<16xi32>
      %slice3A_543 = vector.extract_strided_slice %get3A_17 {offsets = [10], sizes = [1], strides = [1]} : vector<16xi32> to vector<1xi32>
      %squeeze3A_544 = vector.extract %slice3A_543[0] : i32 from vector<1xi32>
      %ge3A_545 = vector.broadcast %squeeze3A_544 : i32 to vector<16xi32>
      %ge3A_546 = arith.cmpi sge, %add3A_487, %ge3A_545 : vector<16xi32>
      %convert_element_type3A_547 = arith.extui %ge3A_546 : vector<16xi1> to vector<16xi32>
      %add3A_548 = arith.addi %add3A_542, %convert_element_type3A_547 : vector<16xi32>
      %slice3A_549 = vector.extract_strided_slice %get3A_17 {offsets = [11], sizes = [1], strides = [1]} : vector<16xi32> to vector<1xi32>
      %squeeze3A_550 = vector.extract %slice3A_549[0] : i32 from vector<1xi32>
      %ge3A_551 = vector.broadcast %squeeze3A_550 : i32 to vector<16xi32>
      %ge3A_552 = arith.cmpi sge, %add3A_487, %ge3A_551 : vector<16xi32>
      %convert_element_type3A_553 = arith.extui %ge3A_552 : vector<16xi1> to vector<16xi32>
      %add3A_554 = arith.addi %add3A_548, %convert_element_type3A_553 : vector<16xi32>
      %slice3A_555 = vector.extract_strided_slice %get3A_17 {offsets = [12], sizes = [1], strides = [1]} : vector<16xi32> to vector<1xi32>
      %squeeze3A_556 = vector.extract %slice3A_555[0] : i32 from vector<1xi32>
      %ge3A_557 = vector.broadcast %squeeze3A_556 : i32 to vector<16xi32>
      %ge3A_558 = arith.cmpi sge, %add3A_487, %ge3A_557 : vector<16xi32>
      %convert_element_type3A_559 = arith.extui %ge3A_558 : vector<16xi1> to vector<16xi32>
      %add3A_560 = arith.addi %add3A_554, %convert_element_type3A_559 : vector<16xi32>
      %slice3A_561 = vector.extract_strided_slice %get3A_17 {offsets = [13], sizes = [1], strides = [1]} : vector<16xi32> to vector<1xi32>
      %squeeze3A_562 = vector.extract %slice3A_561[0] : i32 from vector<1xi32>
      %ge3A_563 = vector.broadcast %squeeze3A_562 : i32 to vector<16xi32>
      %ge3A_564 = arith.cmpi sge, %add3A_487, %ge3A_563 : vector<16xi32>
      %convert_element_type3A_565 = arith.extui %ge3A_564 : vector<16xi1> to vector<16xi32>
      %add3A_566 = arith.addi %add3A_560, %convert_element_type3A_565 : vector<16xi32>
      %slice3A_567 = vector.extract_strided_slice %get3A_17 {offsets = [14], sizes = [1], strides = [1]} : vector<16xi32> to vector<1xi32>
      %squeeze3A_568 = vector.extract %slice3A_567[0] : i32 from vector<1xi32>
      %ge3A_569 = vector.broadcast %squeeze3A_568 : i32 to vector<16xi32>
      %ge3A_570 = arith.cmpi sge, %add3A_487, %ge3A_569 : vector<16xi32>
      %convert_element_type3A_571 = arith.extui %ge3A_570 : vector<16xi1> to vector<16xi32>
      %add3A_572 = arith.addi %add3A_566, %convert_element_type3A_571 : vector<16xi32>
      %slice3A_573 = vector.extract_strided_slice %get3A_17 {offsets = [15], sizes = [1], strides = [1]} : vector<16xi32> to vector<1xi32>
      %squeeze3A_574 = vector.extract %slice3A_573[0] : i32 from vector<1xi32>
      %ge3A_575 = vector.broadcast %squeeze3A_574 : i32 to vector<16xi32>
      %ge3A_576 = arith.cmpi sge, %add3A_487, %ge3A_575 : vector<16xi32>
      %convert_element_type3A_577 = arith.extui %ge3A_576 : vector<16xi1> to vector<16xi32>
      %add3A_578 = arith.addi %add3A_572, %convert_element_type3A_577 : vector<16xi32>
      %lt3A = arith.constant 0 : i32
      %lt3A_579 = vector.broadcast %lt3A : i32 to vector<16xi32>
      %lt3A_580 = arith.cmpi slt, %add3A_578, %lt3A_579 : vector<16xi32>
      %add3A_581 = arith.constant 16 : i32
      %add3A_582 = vector.broadcast %add3A_581 : i32 to vector<16xi32>
      %add3A_583 = arith.addi %add3A_578, %add3A_582 : vector<16xi32>
      %select_n3A_584 = arith.select %lt3A_580, %add3A_583, %add3A_578 : vector<16xi1>, vector<16xi32>
      %broadcast_in_dim3A_585 = vector.shape_cast %select_n3A_584 : vector<16xi32> to vector<16x1xi32>
      %gather3A = vector.shape_cast %broadcast_in_dim3A_585 : vector<16x1xi32> to vector<16xi32>
      %gather3A_586 = tpu.dynamic_gather %div3A[%gather3A] in [0] : vector<16xf32>, vector<16xi32> -> vector<16xf32>
      %lt3A_587 = arith.constant 0 : i32
      %lt3A_588 = vector.broadcast %lt3A_587 : i32 to vector<16xi32>
      %lt3A_589 = arith.cmpi slt, %add3A_578, %lt3A_588 : vector<16xi32>
      %add3A_590 = arith.constant 16 : i32
      %add3A_591 = vector.broadcast %add3A_590 : i32 to vector<16xi32>
      %add3A_592 = arith.addi %add3A_578, %add3A_591 : vector<16xi32>
      %select_n3A_593 = arith.select %lt3A_589, %add3A_592, %add3A_578 : vector<16xi1>, vector<16xi32>
      %broadcast_in_dim3A_594 = vector.shape_cast %select_n3A_593 : vector<16xi32> to vector<16x1xi32>
      %gather3A_595 = vector.shape_cast %broadcast_in_dim3A_594 : vector<16x1xi32> to vector<16xi32>
      %gather3A_596 = tpu.dynamic_gather %mul3A_354[%gather3A_595] in [0] : vector<16xf32>, vector<16xi32> -> vector<16xf32>
      %mul3A_597 = arith.constant 2 : i32
      %mul3A_598 = arith.muli %scan3A_477, %mul3A_597 : i32
      %add3A_599 = arith.constant 1 : i32
      %add3A_600 = arith.addi %mul3A_598, %add3A_599 : i32
      %mul3A_601 = arith.constant 16 : i32
      %mul3A_602 = arith.muli %add3A_600, %mul3A_601 : i32
      %add3A_603 = arith.addi %add3A_449, %mul3A_602 : i32
      %add3A_604 = vector.broadcast %add3A_603 : i32 to vector<16xi32>
      %add3A_605 = arith.addi %add3A_604, %iota3A : vector<16xi32>
      %broadcast_in_dim3A_606 = arith.constant 0 : i32
      %broadcast_in_dim3A_607 = vector.broadcast %broadcast_in_dim3A_606 : i32 to vector<16xi32>
      %slice3A_608 = vector.extract_strided_slice %get3A_17 {offsets = [1], sizes = [1], strides = [1]} : vector<16xi32> to vector<1xi32>
      %squeeze3A_609 = vector.extract %slice3A_608[0] : i32 from vector<1xi32>
      %ge3A_610 = vector.broadcast %squeeze3A_609 : i32 to vector<16xi32>
      %ge3A_611 = arith.cmpi sge, %add3A_605, %ge3A_610 : vector<16xi32>
      %convert_element_type3A_612 = arith.extui %ge3A_611 : vector<16xi1> to vector<16xi32>
      %add3A_613 = arith.addi %broadcast_in_dim3A_607, %convert_element_type3A_612 : vector<16xi32>
      %slice3A_614 = vector.extract_strided_slice %get3A_17 {offsets = [2], sizes = [1], strides = [1]} : vector<16xi32> to vector<1xi32>
      %squeeze3A_615 = vector.extract %slice3A_614[0] : i32 from vector<1xi32>
      %ge3A_616 = vector.broadcast %squeeze3A_615 : i32 to vector<16xi32>
      %ge3A_617 = arith.cmpi sge, %add3A_605, %ge3A_616 : vector<16xi32>
      %convert_element_type3A_618 = arith.extui %ge3A_617 : vector<16xi1> to vector<16xi32>
      %add3A_619 = arith.addi %add3A_613, %convert_element_type3A_618 : vector<16xi32>
      %slice3A_620 = vector.extract_strided_slice %get3A_17 {offsets = [3], sizes = [1], strides = [1]} : vector<16xi32> to vector<1xi32>
      %squeeze3A_621 = vector.extract %slice3A_620[0] : i32 from vector<1xi32>
      %ge3A_622 = vector.broadcast %squeeze3A_621 : i32 to vector<16xi32>
      %ge3A_623 = arith.cmpi sge, %add3A_605, %ge3A_622 : vector<16xi32>
      %convert_element_type3A_624 = arith.extui %ge3A_623 : vector<16xi1> to vector<16xi32>
      %add3A_625 = arith.addi %add3A_619, %convert_element_type3A_624 : vector<16xi32>
      %slice3A_626 = vector.extract_strided_slice %get3A_17 {offsets = [4], sizes = [1], strides = [1]} : vector<16xi32> to vector<1xi32>
      %squeeze3A_627 = vector.extract %slice3A_626[0] : i32 from vector<1xi32>
      %ge3A_628 = vector.broadcast %squeeze3A_627 : i32 to vector<16xi32>
      %ge3A_629 = arith.cmpi sge, %add3A_605, %ge3A_628 : vector<16xi32>
      %convert_element_type3A_630 = arith.extui %ge3A_629 : vector<16xi1> to vector<16xi32>
      %add3A_631 = arith.addi %add3A_625, %convert_element_type3A_630 : vector<16xi32>
      %slice3A_632 = vector.extract_strided_slice %get3A_17 {offsets = [5], sizes = [1], strides = [1]} : vector<16xi32> to vector<1xi32>
      %squeeze3A_633 = vector.extract %slice3A_632[0] : i32 from vector<1xi32>
      %ge3A_634 = vector.broadcast %squeeze3A_633 : i32 to vector<16xi32>
      %ge3A_635 = arith.cmpi sge, %add3A_605, %ge3A_634 : vector<16xi32>
      %convert_element_type3A_636 = arith.extui %ge3A_635 : vector<16xi1> to vector<16xi32>
      %add3A_637 = arith.addi %add3A_631, %convert_element_type3A_636 : vector<16xi32>
      %slice3A_638 = vector.extract_strided_slice %get3A_17 {offsets = [6], sizes = [1], strides = [1]} : vector<16xi32> to vector<1xi32>
      %squeeze3A_639 = vector.extract %slice3A_638[0] : i32 from vector<1xi32>
      %ge3A_640 = vector.broadcast %squeeze3A_639 : i32 to vector<16xi32>
      %ge3A_641 = arith.cmpi sge, %add3A_605, %ge3A_640 : vector<16xi32>
      %convert_element_type3A_642 = arith.extui %ge3A_641 : vector<16xi1> to vector<16xi32>
      %add3A_643 = arith.addi %add3A_637, %convert_element_type3A_642 : vector<16xi32>
      %slice3A_644 = vector.extract_strided_slice %get3A_17 {offsets = [7], sizes = [1], strides = [1]} : vector<16xi32> to vector<1xi32>
      %squeeze3A_645 = vector.extract %slice3A_644[0] : i32 from vector<1xi32>
      %ge3A_646 = vector.broadcast %squeeze3A_645 : i32 to vector<16xi32>
      %ge3A_647 = arith.cmpi sge, %add3A_605, %ge3A_646 : vector<16xi32>
      %convert_element_type3A_648 = arith.extui %ge3A_647 : vector<16xi1> to vector<16xi32>
      %add3A_649 = arith.addi %add3A_643, %convert_element_type3A_648 : vector<16xi32>
      %slice3A_650 = vector.extract_strided_slice %get3A_17 {offsets = [8], sizes = [1], strides = [1]} : vector<16xi32> to vector<1xi32>
      %squeeze3A_651 = vector.extract %slice3A_650[0] : i32 from vector<1xi32>
      %ge3A_652 = vector.broadcast %squeeze3A_651 : i32 to vector<16xi32>
      %ge3A_653 = arith.cmpi sge, %add3A_605, %ge3A_652 : vector<16xi32>
      %convert_element_type3A_654 = arith.extui %ge3A_653 : vector<16xi1> to vector<16xi32>
      %add3A_655 = arith.addi %add3A_649, %convert_element_type3A_654 : vector<16xi32>
      %slice3A_656 = vector.extract_strided_slice %get3A_17 {offsets = [9], sizes = [1], strides = [1]} : vector<16xi32> to vector<1xi32>
      %squeeze3A_657 = vector.extract %slice3A_656[0] : i32 from vector<1xi32>
      %ge3A_658 = vector.broadcast %squeeze3A_657 : i32 to vector<16xi32>
      %ge3A_659 = arith.cmpi sge, %add3A_605, %ge3A_658 : vector<16xi32>
      %convert_element_type3A_660 = arith.extui %ge3A_659 : vector<16xi1> to vector<16xi32>
      %add3A_661 = arith.addi %add3A_655, %convert_element_type3A_660 : vector<16xi32>
      %slice3A_662 = vector.extract_strided_slice %get3A_17 {offsets = [10], sizes = [1], strides = [1]} : vector<16xi32> to vector<1xi32>
      %squeeze3A_663 = vector.extract %slice3A_662[0] : i32 from vector<1xi32>
      %ge3A_664 = vector.broadcast %squeeze3A_663 : i32 to vector<16xi32>
      %ge3A_665 = arith.cmpi sge, %add3A_605, %ge3A_664 : vector<16xi32>
      %convert_element_type3A_666 = arith.extui %ge3A_665 : vector<16xi1> to vector<16xi32>
      %add3A_667 = arith.addi %add3A_661, %convert_element_type3A_666 : vector<16xi32>
      %slice3A_668 = vector.extract_strided_slice %get3A_17 {offsets = [11], sizes = [1], strides = [1]} : vector<16xi32> to vector<1xi32>
      %squeeze3A_669 = vector.extract %slice3A_668[0] : i32 from vector<1xi32>
      %ge3A_670 = vector.broadcast %squeeze3A_669 : i32 to vector<16xi32>
      %ge3A_671 = arith.cmpi sge, %add3A_605, %ge3A_670 : vector<16xi32>
      %convert_element_type3A_672 = arith.extui %ge3A_671 : vector<16xi1> to vector<16xi32>
      %add3A_673 = arith.addi %add3A_667, %convert_element_type3A_672 : vector<16xi32>
      %slice3A_674 = vector.extract_strided_slice %get3A_17 {offsets = [12], sizes = [1], strides = [1]} : vector<16xi32> to vector<1xi32>
      %squeeze3A_675 = vector.extract %slice3A_674[0] : i32 from vector<1xi32>
      %ge3A_676 = vector.broadcast %squeeze3A_675 : i32 to vector<16xi32>
      %ge3A_677 = arith.cmpi sge, %add3A_605, %ge3A_676 : vector<16xi32>
      %convert_element_type3A_678 = arith.extui %ge3A_677 : vector<16xi1> to vector<16xi32>
      %add3A_679 = arith.addi %add3A_673, %convert_element_type3A_678 : vector<16xi32>
      %slice3A_680 = vector.extract_strided_slice %get3A_17 {offsets = [13], sizes = [1], strides = [1]} : vector<16xi32> to vector<1xi32>
      %squeeze3A_681 = vector.extract %slice3A_680[0] : i32 from vector<1xi32>
      %ge3A_682 = vector.broadcast %squeeze3A_681 : i32 to vector<16xi32>
      %ge3A_683 = arith.cmpi sge, %add3A_605, %ge3A_682 : vector<16xi32>
      %convert_element_type3A_684 = arith.extui %ge3A_683 : vector<16xi1> to vector<16xi32>
      %add3A_685 = arith.addi %add3A_679, %convert_element_type3A_684 : vector<16xi32>
      %slice3A_686 = vector.extract_strided_slice %get3A_17 {offsets = [14], sizes = [1], strides = [1]} : vector<16xi32> to vector<1xi32>
      %squeeze3A_687 = vector.extract %slice3A_686[0] : i32 from vector<1xi32>
      %ge3A_688 = vector.broadcast %squeeze3A_687 : i32 to vector<16xi32>
      %ge3A_689 = arith.cmpi sge, %add3A_605, %ge3A_688 : vector<16xi32>
      %convert_element_type3A_690 = arith.extui %ge3A_689 : vector<16xi1> to vector<16xi32>
      %add3A_691 = arith.addi %add3A_685, %convert_element_type3A_690 : vector<16xi32>
      %slice3A_692 = vector.extract_strided_slice %get3A_17 {offsets = [15], sizes = [1], strides = [1]} : vector<16xi32> to vector<1xi32>
      %squeeze3A_693 = vector.extract %slice3A_692[0] : i32 from vector<1xi32>
      %ge3A_694 = vector.broadcast %squeeze3A_693 : i32 to vector<16xi32>
      %ge3A_695 = arith.cmpi sge, %add3A_605, %ge3A_694 : vector<16xi32>
      %convert_element_type3A_696 = arith.extui %ge3A_695 : vector<16xi1> to vector<16xi32>
      %add3A_697 = arith.addi %add3A_691, %convert_element_type3A_696 : vector<16xi32>
      %lt3A_698 = arith.constant 0 : i32
      %lt3A_699 = vector.broadcast %lt3A_698 : i32 to vector<16xi32>
      %lt3A_700 = arith.cmpi slt, %add3A_697, %lt3A_699 : vector<16xi32>
      %add3A_701 = arith.constant 16 : i32
      %add3A_702 = vector.broadcast %add3A_701 : i32 to vector<16xi32>
      %add3A_703 = arith.addi %add3A_697, %add3A_702 : vector<16xi32>
      %select_n3A_704 = arith.select %lt3A_700, %add3A_703, %add3A_697 : vector<16xi1>, vector<16xi32>
      %broadcast_in_dim3A_705 = vector.shape_cast %select_n3A_704 : vector<16xi32> to vector<16x1xi32>
      %gather3A_706 = vector.shape_cast %broadcast_in_dim3A_705 : vector<16x1xi32> to vector<16xi32>
      %gather3A_707 = tpu.dynamic_gather %div3A[%gather3A_706] in [0] : vector<16xf32>, vector<16xi32> -> vector<16xf32>
      %lt3A_708 = arith.constant 0 : i32
      %lt3A_709 = vector.broadcast %lt3A_708 : i32 to vector<16xi32>
      %lt3A_710 = arith.cmpi slt, %add3A_697, %lt3A_709 : vector<16xi32>
      %add3A_711 = arith.constant 16 : i32
      %add3A_712 = vector.broadcast %add3A_711 : i32 to vector<16xi32>
      %add3A_713 = arith.addi %add3A_697, %add3A_712 : vector<16xi32>
      %select_n3A_714 = arith.select %lt3A_710, %add3A_713, %add3A_697 : vector<16xi1>, vector<16xi32>
      %broadcast_in_dim3A_715 = vector.shape_cast %select_n3A_714 : vector<16xi32> to vector<16x1xi32>
      %gather3A_716 = vector.shape_cast %broadcast_in_dim3A_715 : vector<16x1xi32> to vector<16xi32>
      %gather3A_717 = tpu.dynamic_gather %mul3A_354[%gather3A_716] in [0] : vector<16xf32>, vector<16xi32> -> vector<16xf32>
      %parallel_loop3A = arith.constant 0 : i32
      %parallel_loop3A_718 = arith.constant 64 : i32
      %parallel_loop3A_719 = arith.constant 1 : i32
      scf.for %parallel_loop3A_721 = %parallel_loop3A to %parallel_loop3A_718 step %parallel_loop3A_719  : i32 {
        %parallel_loop3A_722 = arith.constant 2 : i32
        %parallel_loop3A_723 = arith.muli %scan3A_477, %parallel_loop3A_722 : i32
        %parallel_loop3A_724 = arith.constant 0 : i32
        %parallel_loop3A_725 = arith.addi %parallel_loop3A_723, %parallel_loop3A_724 : i32
        %parallel_loop3A_726 = arith.constant 16 : i32
        %parallel_loop3A_727 = arith.muli %parallel_loop3A_725, %parallel_loop3A_726 : i32
        %parallel_loop3A_728 = arith.index_cast %parallel_loop3A_721 : i32 to index
        %parallel_loop3A_729 = arith.index_cast %parallel_loop3A_727 : i32 to index
        %parallel_loop3A_730 = tpu.vector_load %arg6[%parallel_loop3A_728, %parallel_loop3A_729] {strides = array<i32>} : memref<64x256xf32, #tpu.memory_space<vmem>>, vector<16xf32>,
        %parallel_loop3A_731 = arith.subf %parallel_loop3A_730, %gather3A_586 : vector<16xf32>
        %parallel_loop3A_732 = arith.mulf %parallel_loop3A_731, %gather3A_596 : vector<16xf32>
        %parallel_loop3A_733 = arith.index_cast %parallel_loop3A_721 : i32 to index
        %parallel_loop3A_734 = arith.index_cast %parallel_loop3A_727 : i32 to index
        %parallel_loop3A_735 = tpu.vector_load %arg6[%parallel_loop3A_733, %parallel_loop3A_734] {strides = array<i32>} : memref<64x256xf32, #tpu.memory_space<vmem>>, vector<16xf32>,
        tpu.vector_store %arg6[%parallel_loop3A_733, %parallel_loop3A_734], %parallel_loop3A_732 {strides = array<i32>} : memref<64x256xf32, #tpu.memory_space<vmem>>, vector<16xf32>,
        %parallel_loop3A_736 = arith.constant 2 : i32
        %parallel_loop3A_737 = arith.muli %scan3A_477, %parallel_loop3A_736 : i32
        %parallel_loop3A_738 = arith.constant 1 : i32
        %parallel_loop3A_739 = arith.addi %parallel_loop3A_737, %parallel_loop3A_738 : i32
        %parallel_loop3A_740 = arith.constant 16 : i32
        %parallel_loop3A_741 = arith.muli %parallel_loop3A_739, %parallel_loop3A_740 : i32
        %parallel_loop3A_742 = arith.index_cast %parallel_loop3A_721 : i32 to index
        %parallel_loop3A_743 = arith.index_cast %parallel_loop3A_741 : i32 to index
        %parallel_loop3A_744 = tpu.vector_load %arg6[%parallel_loop3A_742, %parallel_loop3A_743] {strides = array<i32>} : memref<64x256xf32, #tpu.memory_space<vmem>>, vector<16xf32>,
        %parallel_loop3A_745 = arith.subf %parallel_loop3A_744, %gather3A_707 : vector<16xf32>
        %parallel_loop3A_746 = arith.mulf %parallel_loop3A_745, %gather3A_717 : vector<16xf32>
        %parallel_loop3A_747 = arith.index_cast %parallel_loop3A_721 : i32 to index
        %parallel_loop3A_748 = arith.index_cast %parallel_loop3A_741 : i32 to index
        %parallel_loop3A_749 = tpu.vector_load %arg6[%parallel_loop3A_747, %parallel_loop3A_748] {strides = array<i32>} : memref<64x256xf32, #tpu.memory_space<vmem>>, vector<16xf32>,
        tpu.vector_store %arg6[%parallel_loop3A_747, %parallel_loop3A_748], %parallel_loop3A_746 {strides = array<i32>} : memref<64x256xf32, #tpu.memory_space<vmem>>, vector<16xf32>,
      } {sc.loop_unroll_factor = 8 : i64, sc.parallel_access}
      %scan3A_720 = arith.constant 0 : i32
      scf.yield %scan3A_720 : i32
    }
    %scan3A_456 = arith.constant 8 : i32
    %mul3A_457 = arith.constant 1024 : i32
    %mul3A_458 = arith.muli %add3A, %mul3A_457 : i32
    %add3A_459 = arith.constant 768 : i32
    %add3A_460 = arith.addi %mul3A_458, %add3A_459 : i32
    %dma_start3A_461 = arith.constant 0 : i32
    %dma_start3A_462 = tpu.memref_slice %arg5[%dma_start3A_461, %add3A_460] : memref<64x32768xf32, #tpu.memory_space<hbm>> -> memref<64x256xf32, #tpu.memory_space<hbm>>
    %dma_start3A_463 = arith.constant 0 : i32
    %dma_start3A_464 = tpu.memref_slice %arg5[%dma_start3A_463, %add3A_460] : memref<64x32768xf32, #tpu.memory_space<hbm>> -> memref<64x256xf32, #tpu.memory_space<hbm>>
    tpu.enqueue_dma source(%arg6 : memref<64x256xf32, #tpu.memory_space<vmem>>) target(%dma_start3A_464 : memref<64x256xf32, #tpu.memory_space<hbm>>) target_semaphore(%arg14 : memref<!tpu.dma_semaphore, #tpu.memory_space<semaphore_mem>>)
    %dma_wait3A_465 = arith.constant 0 : i32
    %dma_wait3A_466 = tpu.memref_slice %arg5[%dma_wait3A_465, %add3A_414] : memref<64x32768xf32, #tpu.memory_space<hbm>> -> memref<64x256xf32, #tpu.memory_space<hbm>>
    %dma_wait3A_467 = arith.constant 0 : i32
    %dma_wait3A_468 = tpu.memref_slice %arg5[%dma_wait3A_467, %add3A_414] : memref<64x32768xf32, #tpu.memory_space<hbm>> -> memref<64x256xf32, #tpu.memory_space<hbm>>
    tpu.wait_dma2 semaphore(%arg15 : memref<!tpu.dma_semaphore, #tpu.memory_space<semaphore_mem>>) src(%arg7 : memref<64x256xf32, #tpu.memory_space<vmem>>) dst(%dma_wait3A_468 : memref<64x256xf32, #tpu.memory_space<hbm>>)
    %dma_wait3A_469 = arith.constant 0 : i32
    %dma_wait3A_470 = tpu.memref_slice %arg5[%dma_wait3A_469, %add3A_437] : memref<64x32768xf32, #tpu.memory_space<hbm>> -> memref<64x256xf32, #tpu.memory_space<hbm>>
    %dma_wait3A_471 = arith.constant 0 : i32
    %dma_wait3A_472 = tpu.memref_slice %arg5[%dma_wait3A_471, %add3A_437] : memref<64x32768xf32, #tpu.memory_space<hbm>> -> memref<64x256xf32, #tpu.memory_space<hbm>>
    tpu.wait_dma2 semaphore(%arg16 : memref<!tpu.dma_semaphore, #tpu.memory_space<semaphore_mem>>) src(%arg8 : memref<64x256xf32, #tpu.memory_space<vmem>>) dst(%dma_wait3A_472 : memref<64x256xf32, #tpu.memory_space<hbm>>)
    %dma_wait3A_473 = arith.constant 0 : i32
    %dma_wait3A_474 = tpu.memref_slice %arg5[%dma_wait3A_473, %add3A_460] : memref<64x32768xf32, #tpu.memory_space<hbm>> -> memref<64x256xf32, #tpu.memory_space<hbm>>
    %dma_wait3A_475 = arith.constant 0 : i32
    %dma_wait3A_476 = tpu.memref_slice %arg5[%dma_wait3A_475, %add3A_460] : memref<64x32768xf32, #tpu.memory_space<hbm>> -> memref<64x256xf32, #tpu.memory_space<hbm>>
    tpu.wait_dma2 semaphore(%arg14 : memref<!tpu.dma_semaphore, #tpu.memory_space<semaphore_mem>>) src(%arg6 : memref<64x256xf32, #tpu.memory_space<vmem>>) dst(%dma_wait3A_476 : memref<64x256xf32, #tpu.memory_space<hbm>>)
    return
  }
}

</mosaic_0001>

<sc_bundles>
// kernel: kernel.4.cloned.1.call-start
scs
__scs_entry_jumppad:
0x0: {  	(pc) =	sbr.rel $0x88, $3  }
0x1: {  	(tag) =	ssettag $0x0;
	lr =	simm.s32 $0x1  }
0x2: {  	[smem:$0x3F9F] =	sst lr;
	_ =	strace $0xD0000000  }
0x3: {  	_ = 	snop  }
0x4: {  	_ = 	snop  }
0x5: {  	_ = 	snop  }
0x6: {  	_ = 	snop  }
0x7: {  	_ = 	snop  }
__scs_overlays_trampoline_lowered:
0x8: {  	[smem:$0x3FAE] =	sst s0  }
0x9: {  	[smem:$0x3FAF] =	sst s1  }
0xa: {  	[smem:$0x3FB0] =	sst s2  }
0xb: {  	[smem:$0x3FB1] =	sst s3  }
0xc: {  	[smem:$0x3FB2] =	sst s4  }
0xd: {  	[smem:$0x3FB3] =	sst s5  }
0xe: {  	[smem:$0x3FB4] =	sst s6  }
0xf: {  	[smem:$0x3FB5] =	sst s7  }
0x10: {  	[smem:$0x3FB6] =	sst s8  }
0x11: {  	[smem:$0x3FB7] =	sst s9;
	s0 =	simm.s32 @!p0 $0x0  }
0x12: {  	s1 =	sld [smem:$0x3F9D];
	s0 =	simm.s32 @p0 $0x1  }
0x13: {  	[smem:$0x3FB8] =	sst s0;
	s0 =	simm.s32 @!p1 $0x0  }
0x14: {  	s2 =	sld [smem:$0x3F9C];
	s0 =	simm.s32 @p1 $0x1  }
0x15: {  	[smem:$0x3FB9] =	sst s0;
	s0 =	simm.s32 @!p2 $0x0  }
0x16: {  	s3 =	sld [smem:$0x3FDB];
	s0 =	simm.s32 @p2 $0x1  }
0x17: {  	s4 =	simm.s32 $0x1BF5;
	[smem:$0x3FBB] =	sst s0  }
0x18: {  	s0 =	sld [smem:$0x3F9E];
	_ =	swait.ge [sflag:s4], $0x0  }
0x19: {  	s7 =	sld [smem:$0x3F9F]  }
0x1a: {  	s8 =	sadd.s32 $0xFFFFE003, lr  }
0x1b: {  	s9 =	sadd.s32 $0xFFFFFEF7, lr;
	s5 =	simm.s32 $0xFFFFFFFF;
	p2 =	slt.u32 s8, $0xFFFFF086  }
0x1c: {  	p1 =	slt.u32 s9, $0xF7A;
	s5 =	simm.s32 @!p2 $0x0  }
0x1d: {  	s5 =	simm.s32 @p1 $0x1;
	p0 =	seq.s32 s7, s2  }
0x1e: {  	s7 =	smul.u32 @!p0 $0xF7A, s2;
	p2 =	seq.s32 @!p0 s5, $0x0  }
0x1f: {  	s9 =	smul.u32 $0xF7A, s1;
	s8 =	simm.s32 @!p0 $0x1BF5;
	p2 =	por !p2, p0  }
0x20: {  	[sflag:s8] =	ssyncset.s32 @!p0 $0xFFFFF086;
	s6 =	sadd.s32 @!p0 s3, s7;
	s7 =	simm.s32 @!p0 $0x108  }
0x21: {  	s3 =	sadd.s32 s3, s9;
	s6 =	sadd.s32 @!p0 $0x88, s6;
	s7 =	simm.s32 @p2 $0x1082  }
0x22: {  	[simem:s7], [sflag:s8] =	dma.local @!p0 [hbm:s6], $0xF7A  }
0x23: {  	s9 =	sor.u32 $0xD0000000, s2;
	s6 =	simm.s32 $0x108;
	_ =	swait.ge @!p0 [sflag:s8], $0x0  }
0x24: {  	s3 =	sadd.s32 $0x88, s3;
	s6 =	simm.s32 @!p1 $0x1082;
	[sflag:s4] =	ssyncset.s32 $0xFFFFF086  }
0x25: {  	[simem:s6], [sflag:s4] =	dma.local [hbm:s3], $0xF7A  }
0x26: {  	[smem:$0x3F9F] =	sst s1;
	(tag) =	ssettag s2;
	_ =	strace s9  }
0x27: {  	s1 =	sld [smem:$0x3FAF]  }
0x28: {  	s2 =	sld [smem:$0x3FB0]  }
0x29: {  	s4 =	sld [smem:$0x3FB2]  }
0x2a: {  	p0 =	seq.s32 s5, $0x0;
	s5 =	sld [smem:$0x3FB3]  }
0x2b: {  	s6 =	sld [smem:$0x3FB4]  }
0x2c: {  	s7 =	sld [smem:$0x3FB5]  }
0x2d: {  	s3 =	simm.s32 $0x108;
	s8 =	sld [smem:$0x3FB6]  }
0x2e: {  	s3 =	simm.s32 @!p0 $0x1082;
	s9 =	sld [smem:$0x3FB7]  }
0x2f: {  	lr =	sadd.s32 s0, s3;
	s0 =	sld [smem:$0x3FAE]  }
0x30: {  	s3 =	sld [smem:$0x3FB1]  }
0x31: {  	[smem:$0x3FBA] =	sst s10  }
0x32: {  	s10 =	sld [smem:$0x3FB8];
	_ =	sdelay $0x3  }
0x33: {  	p0 =	seq.s32 s10, $0x1;
	s10 =	sld [smem:$0x3FBA];
	_ =	sdelay $0x3  }
0x34: {  	[smem:$0x3FBA] =	sst s10  }
0x35: {  	s10 =	sld [smem:$0x3FB9];
	_ =	sdelay $0x3  }
0x36: {  	p1 =	seq.s32 s10, $0x1;
	s10 =	sld [smem:$0x3FBA];
	_ =	sdelay $0x3  }
0x37: {  	[smem:$0x3FBA] =	sst s10  }
0x38: {  	s10 =	sld [smem:$0x3FBB]  }
0x39: {  	_ = 	snop;
	(pc) =	sbr.ind lr, $3  }
0x3a: {  	_ = 	snop  }
0x3b: {  	_ = 	snop  }
0x3c: {  	p2 =	seq.s32 s10, $0x1;
	s10 =	sld [smem:$0x3FBA]  }
0x3d: {  	_ =	shalt  }
0x3e: {  	_ =	shalt  }
0x3f: {  	_ =	shalt  }
0x40: {  	_ =	shalt  }
0x41: {  	_ =	shalt  }
0x42: {  	_ =	shalt  }
0x43: {  	_ =	shalt  }
0x44: {  	_ =	shalt  }
0x45: {  	_ =	shalt  }
0x46: {  	_ =	shalt  }
0x47: {  	_ =	shalt  }
0x48: {  	_ =	shalt  }
0x49: {  	_ =	shalt  }
0x4a: {  	_ =	shalt  }
0x4b: {  	_ =	shalt  }
0x4c: {  	_ =	shalt  }
0x4d: {  	_ =	shalt  }
0x4e: {  	_ =	shalt  }
0x4f: {  	_ =	shalt  }
0x50: {  	_ =	shalt  }
0x51: {  	_ =	shalt  }
0x52: {  	_ =	shalt  }
0x53: {  	_ =	shalt  }
0x54: {  	_ =	shalt  }
0x55: {  	_ =	shalt  }
0x56: {  	_ =	shalt  }
0x57: {  	_ =	shalt  }
0x58: {  	_ =	shalt  }
0x59: {  	_ =	shalt  }
0x5a: {  	_ =	shalt  }
0x5b: {  	_ =	shalt  }
0x5c: {  	_ =	shalt  }
0x5d: {  	_ =	shalt  }
0x5e: {  	_ =	shalt  }
0x5f: {  	_ =	shalt  }
0x60: {  	_ =	shalt  }
0x61: {  	_ =	shalt  }
0x62: {  	_ =	shalt  }
0x63: {  	_ =	shalt  }
0x64: {  	_ =	shalt  }
0x65: {  	_ =	shalt  }
0x66: {  	_ =	shalt  }
0x67: {  	_ =	shalt  }
0x68: {  	_ =	shalt  }
0x69: {  	_ =	shalt  }
0x6a: {  	_ =	shalt  }
0x6b: {  	_ =	shalt  }
0x6c: {  	_ =	shalt  }
0x6d: {  	_ =	shalt  }
0x6e: {  	_ =	shalt  }
0x6f: {  	_ =	shalt  }
0x70: {  	_ =	shalt  }
0x71: {  	_ =	shalt  }
0x72: {  	_ =	shalt  }
0x73: {  	_ =	shalt  }
0x74: {  	_ =	shalt  }
0x75: {  	_ =	shalt  }
0x76: {  	_ =	shalt  }
0x77: {  	_ =	shalt  }
0x78: {  	_ =	shalt  }
0x79: {  	_ =	shalt  }
0x7a: {  	_ =	shalt  }
0x7b: {  	_ =	shalt  }
0x7c: {  	_ =	shalt  }
0x7d: {  	_ =	shalt  }
0x7e: {  	_ =	shalt  }
0x7f: {  	_ =	shalt  }
0x80: {  	_ =	shalt  }
0x81: {  	_ =	shalt  }
0x82: {  	_ =	shalt  }
0x83: {  	_ =	shalt  }
0x84: {  	_ =	shalt  }
0x85: {  	_ =	shalt  }
0x86: {  	_ =	shalt  }
0x87: {  	_ =	shalt  }
.Lfunc_end0:
.L_simem_size_0:
called_computation_lowered:
.L_overlay_start_0:
0x88: {  	s2 =	sld [smem:$0x3FD9]  }
0x89: {  	s3 =	sld [smem:$0x3FFE];
	_ =	sdelay $0x1  }
0x8a: {  	s1 =	srdreg.scid  }
0x8b: {  	s0 =	sand.u32 $0x1, s1  }
0x8c: {  	s17 =	sshll.u32 s0, $0xA;
	s2 =	sadd.s32 s3, s2  }
0x8d: {  	s2 =	sadd.s32 s2, s17  }
0x8e: {  	[smem:$0x3FC6] =	sst s2  }
0x8f: {  	_ = 	snop  }
0x90: {  	s2 =	sld [smem:$0x3FC9]  }
0x91: {  	s18 =	sld [smem:$0x3FC8];
	(tm) =	ssettm $0x1  }
0x92: {  	s4 =	sld [smem:$0x3FFB];
	_ =	sdelay $0x3  }
0x93: {  	_ =	strace s4  }
0x94: {  	s4 =	sld [smem:$0x3FFC];
	_ =	sdelay $0x3  }
0x95: {  	_ =	strace s4  }
0x96: {  	s4 =	sld [smem:$0x3FFD];
	_ =	sdelay $0x3  }
0x97: {  	_ =	strace s4  }
0x98: {  	_ =	strace $0x8FFFFFFF  }
0x99: {  	s19 =	sld [smem:$0x3FDB];
	_ =	sdelay $0x1  }
0x9a: {  	s5 =	simm.s32 $_scs_section_size  }
0x9b: {  	s6 =	simm.s32 $_size__tile_overlayer_lowered;
	s7 =	simm.s32 $_tile_overlayer_lowered  }
0x9c: {  	s22 =	simm.s32 $0x1BFF;
	s21 =	sshll.u32 s7, $0x1;
	s4 =	sadd.s32 s5, s19  }
0x9d: {  	s8 =	simm.s32 $0x0;
	s20 =	sshll.u32 s6, $0x1;
	s6 =	sadd.s32 s21, s4  }
0x9e: {  	[timem:s8], [sflag:s22] =	dma.local [hbm:s6], s20  }
0x9f: {  	_ =	swait.ge [sflag:s22], s20  }
0xa0: {  	s5 =	ssub.s32 $0x0, s20;
	[sflag:s22] =	ssyncset.done $0x0  }
0xa1: {  	[sflag:s22] =	ssyncadd.s32 s5;
	_ =	sdelay $0x1  }
0xa2: {  	s23 =	simm.s32 $0x1B8B  }
0xa3: {  	_ =	swait.ge [sflag:s23], $0x1  }
0xa4: {  	[sflag:s23] =	ssyncset.done $0x0  }
0xa5: {  	s25 =	simm.s32 $0x1B8E;
	s24 =	sld [smem:$0x3FFE];
	[sflag:s23] =	ssyncadd.s32 $0xFFFFFFFF  }
0xa6: {  	s26 =	simm.s32 $execute0_lowered;
	[smem:$0x3FD2] =	sst s25  }
0xa7: {  	s6 =	sshll.u32 s26, $0x1;
	_ =	strace $0x80000046;
	[dreg:$0x1] =	wrdreg $0xFFFFFFFF  }
0xa8: {  	s28 =	simm.s32 $_size_execute0_lowered;
	s4 =	sadd.s32 s4, s6;
	[dreg:$0x0] =	wrdreg $0x0  }
0xa9: {  	s6 =	sshll.u32 s28, $0x1;
	[dreg:$0x2] =	wrdreg s4  }
0xaa: {  	[dreg:$0x3] =	wrdreg s6  }
0xab: {  	[dreg:$0x4] =	wrdreg $0xC0  }
0xac: {  	_ =	task [dreg:s8], $0x5FFFF  }
0xad: {  	[dreg:$0x1] =	wrdreg $0xFFFFFFFF  }
0xae: {  	[dreg:$0x0] =	wrdreg $0x60  }
0xaf: {  	[dreg:$0x2] =	wrdreg s2  }
0xb0: {  	[dreg:$0x3] =	wrdreg s18  }
0xb1: {  	[dreg:$0x4] =	wrdreg s24  }
0xb2: {  	[dreg:$0x5] =	wrdreg $0x9  }
0xb3: {  	_ =	task.clear_ibuf [dreg:s8], $0x6FFFF;
	_ =	strace $0x90000046  }
0xb4: {  	s29 =	simm.s32 $0x9;
	_ =	strace $0x80000048  }
0xb5: {  	_ =	swait.ge [sflag:s29], $0x1  }
0xb6: {  	[sflag:s29] =	ssyncadd.s32 $0xFFFFFFFF  }
0xb7: {  	_ =	strace $0x90000048  }
0xb8: {  	_ =	sfence  }
0xb9: {  	s30 =	sld [smem:$0x0];
	_ =	sdelay $0x2  }
0xba: {  	s31 =	sshll.u32 s1, $0xD;
	s1 =	sshrl.u32 s1, $0x2  }
0xbb: {  	s3 =	sand.u32 $0x4000, s31;
	s1 =	sadd.s32 s1, s30  }
0xbc: {  	s0 =	sor.u32 s3, s0;
	s1 =	sshll.u32 s1, $0x11  }
0xbd: {  	s0 =	sor.u32 s1, s0  }
0xbe: {  	s0 =	sadd.s32 $0x8F2B, s0  }
0xbf: {  	[sflag:s0] =	ssyncadd.remote.s32 $0x1  }
0xc0: {  	_ =	sfence.sel $0xFFFF  }
0xc1: {  	[dreg:$0x0] =	wrdreg $0xFFFFFFFF;
	(pc) =	sbr.abs _section_cstart, $3  }
0xc2: {  	[dreg:$0x1] =	wrdreg $0xFFFFFFFF  }
0xc3: {  	_ =	task.clear_ibuf [dreg:s8], $0x2FFFF;
	_ =	strace $0x9FFFFFFF  }
0xc4: {  	(tm) =	ssettm $0x7FFFFFFF  }
0xc5: {  	_ =	shalt  }
tec
execute0_lowered:
.L_overlay_start_1:
0x0: {  	(tag) =	ssettag $0x1  }
0x1: {  	s5 =	rddreg [dreg:$0x0]  }
0x2: {  	s1 =	rddreg [dreg:$0x1]  }
0x3: {  	s6 =	rddreg [dreg:$0x2];
	s2 =	srdreg.scid  }
0x4: {  	s0 =	rddreg [dreg:$0x3];
	s3 =	simm.s32 $0x0;
	s12 =	simm.s32 $0x40000  }
0x5: {  	s13 =	simm.s32 $0x8800;
	s14 =	simm.s32 $0x3;
	s15 =	simm.s32 $0x4000  }
0x6: {  	s16 =	simm.s32 $0x1;
	s17 =	simm.s32 $0x2;
	s18 =	simm.s32 $0x8880  }
0x7: {  	s19 =	simm.s32 $0x0;
	s4 =	sand.u32 $0x1, s2;
	[smem:$0x7FF] =	sst s3  }
0x8: {  	s2 =	stileid.u32;
	s7 =	sshll.u32 s4, $0x4;
	_ =	strace $0x80000047  }
.Ltmp0:
0x9: {  	v0 =	vlaneseq.u32;
	vm0 =	vmmov $0x1;
	vm2 =	vcmask $0x70C;
	s9 =	ssub.s32 $0x2, s4;
	s7 =	sor.u32 s2, s7;
	(pc) =	sbr.rel .LBB2_1-.Ltmp0, $4  }
0xa: {  	vm3 =	vcmask $0xB10;
	vm4 =	vcmask $0xF14;
	vm5 =	vcmask $0x1318;
	s31 =	sshrl.u32 s9, $0x1;
	s8 =	sshll.u32 s7, $0x2;
	s4 =	sshll.u32 s7, $0xA  }
0xb: {  	vm6 =	vcmask $0x171C;
	vm7 =	vcmask $0x1B20;
	vm8 =	vcmask $0x1F24;
	s11 =	ssub.s32 s9, s31;
	s10 =	sadd.s32 s8, s6;
	s5 =	sadd.s32 s5, s4  }
0xc: {  	vm9 =	vcmask $0x2328;
	vm10 =	vcmask $0x272C;
	vm11 =	vcmask $0x2B30;
	s6 =	sadd.s32 $0x100, s5;
	s7 =	sadd.s32 $0x200, s5;
	s8 =	sadd.s32 $0x300, s5  }
0xd: {  	vm12 =	vcmask $0x2F34;
	vm13 =	vcmask $0x3338;
	vm14 =	vcmask $0x373C;
	s9 =	sadd.s32 $0x800, s10;
	s10 =	smax.u32 s11, $0x1;
	s11 =	simm.s32 $0x800  }
.LBB2_80:
0xe: {  	v31 =	vnsel vm15, $0x0, v31;
	v32 =	vnsel vm15, $0x0, v35  }
0xf: {  	v31 =	vadd.f32 v31, v33;
	v33 =	vadd.f32 v32, v34  }
.LBB2_81:
0x10: {  	v2 =	vadd.f32 $0.0e+00, v2  }
0x11: {  	v3 =	vadd.f32 $0.0e+00, v3  }
0x12: {  	v2 =	vbroadcast v2, $0xF  }
0x13: {  	v4 =	vbroadcast v4, $0xF;
	v3 =	vbroadcast v3, $0xF  }
0x14: {  	v5 =	vbroadcast v5, $0xF;
	v2 =	vnsel vm0, $0x0, v2  }
0x15: {  	v3 =	vnsel vm0, $0x0, v3;
	v4 =	vadd.f32 v4, v2  }
0x16: {  	v6 =	vbroadcast v6, $0xF;
	vm1 =	vcmask $0x308;
	v5 =	vadd.f32 v5, v3  }
0x17: {  	v61 =	vbroadcast v7, $0xF;
	v2 =	vsel vm1, v2, v4  }
0x18: {  	v3 =	vsel vm1, v3, v5;
	v62 =	vadd.f32 v6, v2  }
0x19: {  	v63 =	vbroadcast v8, $0xF;
	v4 =	vadd.f32 v61, v3  }
0x1a: {  	v8 =	vbroadcast v9, $0xF;
	v2 =	vsel vm2, v2, v62  }
0x1b: {  	v3 =	vsel vm2, v3, v4;
	v9 =	vadd.f32 v63, v2  }
0x1c: {  	v10 =	vbroadcast v10, $0xF;
	v5 =	vadd.f32 v8, v3  }
0x1d: {  	v32 =	vbroadcast v11, $0xF;
	v2 =	vsel vm3, v2, v9  }
0x1e: {  	v3 =	vsel vm3, v3, v5;
	v34 =	vadd.f32 v10, v2  }
0x1f: {  	v35 =	vbroadcast v12, $0xF;
	v4 =	vadd.f32 v32, v3  }
0x20: {  	v36 =	vbroadcast v13, $0xF;
	v2 =	vsel vm4, v2, v34  }
0x21: {  	v3 =	vsel vm4, v3, v4;
	v37 =	vadd.f32 v35, v2  }
0x22: {  	v38 =	vbroadcast v14, $0xF;
	v5 =	vadd.f32 v36, v3  }
0x23: {  	v39 =	vbroadcast v15, $0xF;
	v2 =	vsel vm5, v2, v37  }
0x24: {  	v3 =	vsel vm5, v3, v5;
	v40 =	vadd.f32 v38, v2  }
0x25: {  	v41 =	vbroadcast v16, $0xF;
	v4 =	vadd.f32 v39, v3  }
0x26: {  	v42 =	vbroadcast v17, $0xF;
	v2 =	vsel vm6, v2, v40  }
0x27: {  	v3 =	vsel vm6, v3, v4;
	v43 =	vadd.f32 v41, v2  }
0x28: {  	v44 =	vbroadcast v18, $0xF;
	v5 =	vadd.f32 v42, v3  }
0x29: {  	v45 =	vbroadcast v19, $0xF;
	v2 =	vsel vm7, v2, v43  }
0x2a: {  	v3 =	vsel vm7, v3, v5;
	v46 =	vadd.f32 v44, v2  }
0x2b: {  	v47 =	vbroadcast v20, $0xF;
	v4 =	vadd.f32 v45, v3  }
0x2c: {  	v48 =	vbroadcast v21, $0xF;
	v2 =	vsel vm8, v2, v46  }
0x2d: {  	v3 =	vsel vm8, v3, v4;
	v49 =	vadd.f32 v47, v2  }
0x2e: {  	v50 =	vbroadcast v22, $0xF;
	v5 =	vadd.f32 v48, v3  }
0x2f: {  	v51 =	vbroadcast v23, $0xF;
	v2 =	vsel vm9, v2, v49  }
0x30: {  	v3 =	vsel vm9, v3, v5;
	v52 =	vadd.f32 v50, v2  }
0x31: {  	v53 =	vbroadcast v24, $0xF;
	v4 =	vadd.f32 v51, v3  }
0x32: {  	v54 =	vbroadcast v25, $0xF;
	v2 =	vsel vm10, v2, v52  }
0x33: {  	v3 =	vsel vm10, v3, v4;
	v55 =	vadd.f32 v53, v2  }
0x34: {  	v56 =	vbroadcast v27, $0xF;
	(xrf2) =	vadd.scan.msk.f32 $0xffff, v31;
	v5 =	vadd.f32 v54, v3  }
0x35: {  	v57 =	vbroadcast v26, $0xF;
	(xrf2) =	vadd.scan.msk.f32 $0xffff, v33;
	v2 =	vsel vm11, v2, v55  }
0x36: {  	v3 =	vsel vm11, v3, v5;
	v58 =	vadd.f32 v56, v2  }
0x37: {  	v1 =	vbroadcast v1, $0xF;
	v4 =	vadd.f32 v57, v3  }
0x38: {  	v59 =	vbroadcast v28, $0xF;
	v2 =	vsel vm12, v2, v58  }
0x39: {  	v3 =	vsel vm12, v3, v4;
	v1 =	vadd.f32 v1, v2  }
0x3a: {  	v60 =	vbroadcast v29, $0xF;
	v4 =	vadd.f32 v59, v3  }
0x3b: {  	v1 =	vsel vm13, v2, v1;
	v2 =	vbroadcast v30, $0xF  }
0x3c: {  	v3 =	vsel vm13, v3, v4;
	v61 =	vadd.f32 v60, v1  }
0x3d: {  	v2 =	vadd.f32 v2, v3  }
0x3e: {  	v62, _, _ =	vpop (xrf2);
	v1 =	vsel vm14, v1, v61  }
0x3f: {  	v63, _, _ =	vpop (xrf2);
	v2 =	vsel vm14, v3, v2;
	v3 =	vadd.f32 v62, v1  }
0x40: {  	vm1 =	vmmov $0x7fff;
	v4 =	vadd.f32 v63, v2  }
0x41: {  	s19 =	sadd.s32 $0x1, s19;
	v1 =	vsel vm1, v1, v3  }
0x42: {  	p0 =	sne.s32 s19, s10;
	v2 =	vsel vm1, v2, v4;
	[tilespmem:$0x8880] =	vst v1  }
.Ltmp1:
0x43: {  	[tilespmem:$0x8890] =	vst v2;
	(pc) =	sbr.rel @!p0 .LBB2_82-.Ltmp1, $4  }
0x44: {  	[hbm4b:s9+s3] =	stream.linear.scatter [tilespmem:s18], [sflag:$0x3], $0x20, $0x38;
	[tilespmem:$0x8900] =	vst v63  }
0x45: {  	_ =	swait.ge [sflag:s14], $0x20  }
0x46: {  	[sflag:s14] =	ssyncset.done $0x0  }
0x47: {  	[sflag:s14] =	ssyncadd.s32 $0xFFFFFFE0  }
.LBB2_1:
0x48: {  	[tilespmem:s3], [sflag:$0x1] =	stream.strided.gather [hbm4b:s5+s11], $0x4000, s12, s11, $0x38;
	[tilespmem:$0x8900] =	vst v63  }
0x49: {  	_ = 	snop  }
0x4a: {  	[tilespmem:s13], [sflag:$0x3] =	stream.linear.gather [hbm4b:s1+s3], $0x10, $0x38;
	[tilespmem:$0x8900] =	vst v63  }
0x4b: {  	_ =	swait.ge [sflag:s14], $0x10  }
0x4c: {  	[sflag:s14] =	ssyncset.done $0x0  }
0x4d: {  	[sflag:s14] =	ssyncadd.s32 $0xFFFFFFF0  }
0x4e: {  	v1 =	vld [tilespmem:$0x8800];
	[tilespmem:s15], [sflag:$0x2] =	stream.strided.gather [hbm4b:s6+s11], $0x4000, s12, s11, $0x38  }
0x4f: {  	_ =	swait.ge [sflag:s16], $0x4000  }
0x50: {  	s20 =	simm.s32 $0x0;
	[sflag:s16] =	ssyncset.done $0x0  }
0x51: {  	s21 =	simm.s32 $0x0;
	s22 =	simm.s32 $0x0;
	[sflag:s16] =	ssyncadd.s32 $0xFFFFC000  }
.LBB2_2:
0x52: {  	s23 =	sshll.u32 s21, $0x2;
	s24 =	sand.u32 $0x3, s20  }
0x53: {  	s23 =	sand.u32 $0xFFFFF000, s23;
	s24 =	sshll.u32 s24, $0x7  }
0x54: {  	s23 =	sor.u32 s24, s23  }
0x55: {  	s23 =	sshrl.u32 s23, $0x2  }
0x56: {  	s25 =	sor.u32 $0x200, s23  }
0x57: {  	v2 =	vld [tilespmem:s25+$0xFFFFFE00]  }
0x58: {  	v3 =	vld [tilespmem:s25+$0xFFFFFE10]  }
0x59: {  	v4 =	vld [tilespmem:s25+$0xFFFFFE80]  }
0x5a: {  	v5 =	vld [tilespmem:s25+$0xFFFFFE90]  }
0x5b: {  	v6 =	vld [tilespmem:s25+$0xFFFFFF00]  }
0x5c: {  	v8 =	vld [tilespmem:s25+$0xFFFFFF10];
	v7 =	vmul.f32 v2, v2  }
0x5d: {  	v9 =	vimm.f32 $0.0e+00;
	v11 =	vld [tilespmem:s25+$0xFFFFFF80];
	v10 =	vmul.f32 v3, v3  }
0x5e: {  	v13 =	vld [tilespmem:s25+$0xFFFFFF90];
	v2 =	vadd.f32 v2, v9;
	v12 =	vmul.f32 v4, v4;
	v7 =	vadd.f32 v7, v9  }
0x5f: {  	v14 =	vld [tilespmem:s25+$0x0];
	v3 =	vadd.f32 v3, v9;
	v9 =	vadd.f32 v10, v9;
	v10 =	vmul.f32 v5, v5  }
0x60: {  	v15 =	vadd.f32 v4, v2;
	v2 =	vld [tilespmem:s25+$0x10];
	v7 =	vadd.f32 v12, v7;
	v12 =	vmul.f32 v6, v6  }
0x61: {  	v5 =	vadd.f32 v5, v3;
	v4 =	vld [tilespmem:s25+$0x80];
	v9 =	vadd.f32 v10, v9;
	v10 =	vmul.f32 v8, v8  }
0x62: {  	v3 =	vld [tilespmem:s25+$0x90];
	v6 =	vadd.f32 v6, v15;
	v7 =	vadd.f32 v12, v7;
	v12 =	vmul.f32 v11, v11  }
0x63: {  	v8 =	vadd.f32 v8, v5;
	v15 =	vmul.f32 v13, v13;
	v5 =	vld [tilespmem:s25+$0x100];
	v10 =	vadd.f32 v10, v9  }
0x64: {  	v18 =	vmul.f32 v14, v14;
	v16 =	vadd.f32 v11, v6;
	v6 =	vld [tilespmem:s25+$0x110];
	v17 =	vadd.f32 v12, v7  }
0x65: {  	v9 =	vadd.f32 v13, v8;
	v11 =	vmul.f32 v2, v2;
	v10 =	vadd.f32 v15, v10;
	v7 =	vld [tilespmem:s25+$0x180]  }
0x66: {  	s24 =	simm.s32 $0x0;
	s23 =	sshll.u32 s22, $0x5;
	v8 =	vld [tilespmem:s25+$0x190];
	v12 =	vadd.f32 v14, v16;
	v14 =	vmul.f32 v4, v4;
	s25 =	sadd.s32 $0x800, s25;
	v13 =	vadd.f32 v18, v17  }
.LBB2_3:
0x67: {  	v15 =	vld [tilespmem:s25+$0xFFFFFE00];
	v2 =	vadd.f32 v2, v9;
	v9 =	vadd.f32 v11, v10;
	v10 =	vmul.f32 v3, v3  }
0x68: {  	s24 =	sadd.s32 $0x8, s24;
	v11 =	vld [tilespmem:s25+$0xFFFFFE10];
	v4 =	vadd.f32 v4, v12;
	v12 =	vadd.f32 v14, v13;
	v13 =	vmul.f32 v5, v5  }
0x69: {  	p0 =	slt.u32 s24, $0x38;
	v14 =	vld [tilespmem:s25+$0xFFFFFE80];
	v2 =	vadd.f32 v3, v2;
	v3 =	vadd.f32 v10, v9;
	v9 =	vmul.f32 v6, v6  }
0x6a: {  	v10 =	vld [tilespmem:s25+$0xFFFFFE90];
	v4 =	vadd.f32 v5, v4;
	v5 =	vadd.f32 v13, v12;
	v12 =	vmul.f32 v7, v7  }
0x6b: {  	v13 =	vld [tilespmem:s25+$0xFFFFFF00];
	v2 =	vadd.f32 v6, v2;
	v3 =	vadd.f32 v9, v3;
	v6 =	vmul.f32 v8, v8  }
0x6c: {  	v9 =	vmul.f32 v15, v15;
	v16 =	vld [tilespmem:s25+$0xFFFFFF10];
	v4 =	vadd.f32 v7, v4;
	v5 =	vadd.f32 v12, v5  }
0x6d: {  	v7 =	vmul.f32 v11, v11;
	v12 =	vld [tilespmem:s25+$0xFFFFFF80];
	v2 =	vadd.f32 v8, v2;
	v3 =	vadd.f32 v6, v3  }
0x6e: {  	v4 =	vadd.f32 v15, v4;
	v5 =	vadd.f32 v9, v5;
	v6 =	vmul.f32 v14, v14;
	v8 =	vld [tilespmem:s25+$0xFFFFFF90]  }
0x6f: {  	v9 =	vadd.f32 v11, v2;
	v3 =	vadd.f32 v7, v3;
	v7 =	vmul.f32 v10, v10;
	v15 =	vld [tilespmem:s25+$0x0]  }
0x70: {  	v11 =	vadd.f32 v14, v4;
	v5 =	vadd.f32 v6, v5;
	v6 =	vmul.f32 v13, v13;
	v2 =	vld [tilespmem:s25+$0x10]  }
0x71: {  	v9 =	vadd.f32 v10, v9;
	v7 =	vadd.f32 v7, v3;
	v10 =	vmul.f32 v16, v16;
	v4 =	vld [tilespmem:s25+$0x80]  }
.Ltmp2:
0x72: {  	v11 =	vadd.f32 v13, v11;
	v6 =	vadd.f32 v6, v5;
	v13 =	vmul.f32 v12, v12;
	v3 =	vld [tilespmem:s25+$0x90];
	(pc) =	sbr.rel @p0 .LBB2_3-.Ltmp2, $4  }
0x73: {  	v9 =	vadd.f32 v16, v9;
	v7 =	vadd.f32 v10, v7;
	v10 =	vmul.f32 v8, v8;
	v5 =	vld [tilespmem:s25+$0x100]  }
0x74: {  	v12 =	vadd.f32 v12, v11;
	v13 =	vadd.f32 v13, v6;
	v14 =	vmul.f32 v15, v15;
	v6 =	vld [tilespmem:s25+$0x110]  }
0x75: {  	v9 =	vadd.f32 v8, v9;
	v10 =	vadd.f32 v10, v7;
	v11 =	vmul.f32 v2, v2;
	v7 =	vld [tilespmem:s25+$0x180]  }
0x76: {  	v12 =	vadd.f32 v15, v12;
	v13 =	vadd.f32 v14, v13;
	v14 =	vmul.f32 v4, v4;
	v8 =	vld [tilespmem:s25+$0x190];
	s25 =	sadd.s32 $0x800, s25  }
0x77: {  	v2 =	vadd.f32 v2, v9  }
0x78: {  	v55 =	vadd.f32 v11, v10;
	v56 =	vmul.f32 v3, v3;
	v4 =	vadd.f32 v4, v12  }
0x79: {  	v57 =	vadd.f32 v14, v13;
	v58 =	vmul.f32 v5, v5;
	v2 =	vadd.f32 v3, v2  }
0x7a: {  	v3 =	vadd.f32 v56, v55;
	v4 =	vadd.f32 v5, v4  }
0x7b: {  	s22 =	sadd.s32 $0x1, s22;
	v59 =	vmul.f32 v6, v6;
	v60 =	vadd.f32 v58, v57;
	v61 =	vmul.f32 v7, v7  }
0x7c: {  	p0 =	sne.s32 s22, $0x8;
	v2 =	vadd.f32 v6, v2;
	v4 =	vadd.f32 v7, v4  }
.Ltmp3:
0x7d: {  	v3 =	vadd.f32 v59, v3;
	v62 =	vmul.f32 v8, v8;
	v63 =	vadd.f32 v61, v60;
	(pc) =	sbr.rel @p0 .LBB2_2-.Ltmp3, $4  }
0x7e: {  	v2 =	vadd.f32 v8, v2;
	[tilespmem:s23+$0x8000] =	vst v4  }
0x7f: {  	v3 =	vadd.f32 v62, v3;
	[tilespmem:s23+$0x8400] =	vst v63  }
0x80: {  	[tilespmem:s23+$0x8010] =	vst v2  }
0x81: {  	s21 =	sadd.s32 $0x100, s21;
	s20 =	sadd.s32 $0x1, s20;
	[tilespmem:s23+$0x8410] =	vst v3  }
0x82: {  	s20 =	simm.s32 $0x0  }
0x83: {  	[tilespmem:s20], [sflag:$0x1] =	stream.strided.gather [hbm4b:s7+s11], $0x4000, s12, s11, $0x38;
	[tilespmem:$0x8900] =	vst v63  }
0x84: {  	_ =	swait.ge [sflag:s17], $0x4000  }
0x85: {  	[sflag:s17] =	ssyncset.done $0x0  }
0x86: {  	s21 =	simm.s32 $0x0;
	s22 =	simm.s32 $0x0;
	[sflag:s17] =	ssyncadd.s32 $0xFFFFC000  }
.LBB2_6:
0x87: {  	s23 =	sshll.u32 s21, $0x2;
	s24 =	sand.u32 $0x3, s20  }
0x88: {  	s23 =	sand.u32 $0xFFFFF000, s23;
	s24 =	sshll.u32 s24, $0x7  }
0x89: {  	s23 =	sor.u32 s24, s23  }
0x8a: {  	s23 =	sshrl.u32 s23, $0x2  }
0x8b: {  	s25 =	sadd.s32 $0x4200, s23  }
0x8c: {  	v2 =	vld [tilespmem:s25+$0xFFFFFE00]  }
0x8d: {  	v3 =	vld [tilespmem:s25+$0xFFFFFE10]  }
0x8e: {  	v4 =	vld [tilespmem:s25+$0xFFFFFE80]  }
0x8f: {  	v5 =	vld [tilespmem:s25+$0xFFFFFE90]  }
0x90: {  	v6 =	vld [tilespmem:s25+$0xFFFFFF00]  }
0x91: {  	v8 =	vld [tilespmem:s25+$0xFFFFFF10];
	v7 =	vmul.f32 v2, v2  }
0x92: {  	v9 =	vimm.f32 $0.0e+00;
	v11 =	vld [tilespmem:s25+$0xFFFFFF80];
	v10 =	vmul.f32 v3, v3  }
0x93: {  	v13 =	vld [tilespmem:s25+$0xFFFFFF90];
	v2 =	vadd.f32 v2, v9;
	v12 =	vmul.f32 v4, v4;
	v7 =	vadd.f32 v7, v9  }
0x94: {  	v14 =	vld [tilespmem:s25+$0x0];
	v3 =	vadd.f32 v3, v9;
	v9 =	vadd.f32 v10, v9;
	v10 =	vmul.f32 v5, v5  }
0x95: {  	v15 =	vadd.f32 v4, v2;
	v2 =	vld [tilespmem:s25+$0x10];
	v7 =	vadd.f32 v12, v7;
	v12 =	vmul.f32 v6, v6  }
0x96: {  	v5 =	vadd.f32 v5, v3;
	v4 =	vld [tilespmem:s25+$0x80];
	v9 =	vadd.f32 v10, v9;
	v10 =	vmul.f32 v8, v8  }
0x97: {  	v3 =	vld [tilespmem:s25+$0x90];
	v6 =	vadd.f32 v6, v15;
	v7 =	vadd.f32 v12, v7;
	v12 =	vmul.f32 v11, v11  }
0x98: {  	v8 =	vadd.f32 v8, v5;
	v15 =	vmul.f32 v13, v13;
	v5 =	vld [tilespmem:s25+$0x100];
	v10 =	vadd.f32 v10, v9  }
0x99: {  	v18 =	vmul.f32 v14, v14;
	v16 =	vadd.f32 v11, v6;
	v6 =	vld [tilespmem:s25+$0x110];
	v17 =	vadd.f32 v12, v7  }
0x9a: {  	v9 =	vadd.f32 v13, v8;
	v11 =	vmul.f32 v2, v2;
	v10 =	vadd.f32 v15, v10;
	v7 =	vld [tilespmem:s25+$0x180]  }
0x9b: {  	s24 =	simm.s32 $0x0;
	s23 =	sshll.u32 s22, $0x5;
	v8 =	vld [tilespmem:s25+$0x190];
	v12 =	vadd.f32 v14, v16;
	v14 =	vmul.f32 v4, v4;
	s25 =	sadd.s32 $0x800, s25;
	v13 =	vadd.f32 v18, v17  }
.LBB2_7:
0x9c: {  	v15 =	vld [tilespmem:s25+$0xFFFFFE00];
	v2 =	vadd.f32 v2, v9;
	v9 =	vadd.f32 v11, v10;
	v10 =	vmul.f32 v3, v3  }
0x9d: {  	s24 =	sadd.s32 $0x8, s24;
	v11 =	vld [tilespmem:s25+$0xFFFFFE10];
	v4 =	vadd.f32 v4, v12;
	v12 =	vadd.f32 v14, v13;
	v13 =	vmul.f32 v5, v5  }
0x9e: {  	p0 =	slt.u32 s24, $0x38;
	v14 =	vld [tilespmem:s25+$0xFFFFFE80];
	v2 =	vadd.f32 v3, v2;
	v3 =	vadd.f32 v10, v9;
	v9 =	vmul.f32 v6, v6  }
0x9f: {  	v10 =	vld [tilespmem:s25+$0xFFFFFE90];
	v4 =	vadd.f32 v5, v4;
	v5 =	vadd.f32 v13, v12;
	v12 =	vmul.f32 v7, v7  }
0xa0: {  	v13 =	vld [tilespmem:s25+$0xFFFFFF00];
	v2 =	vadd.f32 v6, v2;
	v3 =	vadd.f32 v9, v3;
	v6 =	vmul.f32 v8, v8  }
0xa1: {  	v9 =	vmul.f32 v15, v15;
	v16 =	vld [tilespmem:s25+$0xFFFFFF10];
	v4 =	vadd.f32 v7, v4;
	v5 =	vadd.f32 v12, v5  }
0xa2: {  	v7 =	vmul.f32 v11, v11;
	v12 =	vld [tilespmem:s25+$0xFFFFFF80];
	v2 =	vadd.f32 v8, v2;
	v3 =	vadd.f32 v6, v3  }
0xa3: {  	v4 =	vadd.f32 v15, v4;
	v5 =	vadd.f32 v9, v5;
	v6 =	vmul.f32 v14, v14;
	v8 =	vld [tilespmem:s25+$0xFFFFFF90]  }
0xa4: {  	v9 =	vadd.f32 v11, v2;
	v3 =	vadd.f32 v7, v3;
	v7 =	vmul.f32 v10, v10;
	v15 =	vld [tilespmem:s25+$0x0]  }
0xa5: {  	v11 =	vadd.f32 v14, v4;
	v5 =	vadd.f32 v6, v5;
	v6 =	vmul.f32 v13, v13;
	v2 =	vld [tilespmem:s25+$0x10]  }
0xa6: {  	v9 =	vadd.f32 v10, v9;
	v7 =	vadd.f32 v7, v3;
	v10 =	vmul.f32 v16, v16;
	v4 =	vld [tilespmem:s25+$0x80]  }
.Ltmp4:
0xa7: {  	v11 =	vadd.f32 v13, v11;
	v6 =	vadd.f32 v6, v5;
	v13 =	vmul.f32 v12, v12;
	v3 =	vld [tilespmem:s25+$0x90];
	(pc) =	sbr.rel @p0 .LBB2_7-.Ltmp4, $4  }
0xa8: {  	v9 =	vadd.f32 v16, v9;
	v7 =	vadd.f32 v10, v7;
	v10 =	vmul.f32 v8, v8;
	v5 =	vld [tilespmem:s25+$0x100]  }
0xa9: {  	v12 =	vadd.f32 v12, v11;
	v13 =	vadd.f32 v13, v6;
	v14 =	vmul.f32 v15, v15;
	v6 =	vld [tilespmem:s25+$0x110]  }
0xaa: {  	v9 =	vadd.f32 v8, v9;
	v10 =	vadd.f32 v10, v7;
	v11 =	vmul.f32 v2, v2;
	v7 =	vld [tilespmem:s25+$0x180]  }
0xab: {  	v12 =	vadd.f32 v15, v12;
	v13 =	vadd.f32 v14, v13;
	v14 =	vmul.f32 v4, v4;
	v8 =	vld [tilespmem:s25+$0x190];
	s25 =	sadd.s32 $0x800, s25  }
0xac: {  	v2 =	vadd.f32 v2, v9  }
0xad: {  	v55 =	vadd.f32 v11, v10;
	v56 =	vmul.f32 v3, v3;
	v4 =	vadd.f32 v4, v12  }
0xae: {  	v57 =	vadd.f32 v14, v13;
	v58 =	vmul.f32 v5, v5;
	v2 =	vadd.f32 v3, v2  }
0xaf: {  	v3 =	vadd.f32 v56, v55;
	v4 =	vadd.f32 v5, v4  }
0xb0: {  	s22 =	sadd.s32 $0x1, s22;
	v59 =	vmul.f32 v6, v6;
	v60 =	vadd.f32 v58, v57;
	v61 =	vmul.f32 v7, v7  }
0xb1: {  	p0 =	sne.s32 s22, $0x8;
	v2 =	vadd.f32 v6, v2;
	v4 =	vadd.f32 v7, v4  }
.Ltmp5:
0xb2: {  	v3 =	vadd.f32 v59, v3;
	v62 =	vmul.f32 v8, v8;
	v63 =	vadd.f32 v61, v60;
	(pc) =	sbr.rel @p0 .LBB2_6-.Ltmp5, $4  }
0xb3: {  	v2 =	vadd.f32 v8, v2;
	[tilespmem:s23+$0x8100] =	vst v4  }
0xb4: {  	v3 =	vadd.f32 v62, v3;
	[tilespmem:s23+$0x8500] =	vst v63  }
0xb5: {  	[tilespmem:s23+$0x8110] =	vst v2  }
0xb6: {  	s21 =	sadd.s32 $0x100, s21;
	s20 =	sadd.s32 $0x1, s20;
	[tilespmem:s23+$0x8510] =	vst v3  }
0xb7: {  	[tilespmem:s15], [sflag:$0x2] =	stream.strided.gather [hbm4b:s8+s11], $0x4000, s12, s11, $0x38;
	[tilespmem:$0x8900] =	vst v63  }
0xb8: {  	_ =	swait.ge [sflag:s16], $0x4000  }
0xb9: {  	s20 =	simm.s32 $0x0;
	[sflag:s16] =	ssyncset.done $0x0  }
0xba: {  	s21 =	simm.s32 $0x0;
	s22 =	simm.s32 $0x0;
	[sflag:s16] =	ssyncadd.s32 $0xFFFFC000  }
.LBB2_10:
0xbb: {  	s23 =	sshll.u32 s21, $0x2;
	s24 =	sand.u32 $0x3, s20  }
0xbc: {  	s23 =	sand.u32 $0xFFFFF000, s23;
	s24 =	sshll.u32 s24, $0x7  }
0xbd: {  	s23 =	sor.u32 s24, s23  }
0xbe: {  	s23 =	sshrl.u32 s23, $0x2  }
0xbf: {  	s25 =	sor.u32 $0x200, s23  }
0xc0: {  	v2 =	vld [tilespmem:s25+$0xFFFFFE00]  }
0xc1: {  	v3 =	vld [tilespmem:s25+$0xFFFFFE10]  }
0xc2: {  	v4 =	vld [tilespmem:s25+$0xFFFFFE80]  }
0xc3: {  	v5 =	vld [tilespmem:s25+$0xFFFFFE90]  }
0xc4: {  	v6 =	vld [tilespmem:s25+$0xFFFFFF00]  }
0xc5: {  	v8 =	vld [tilespmem:s25+$0xFFFFFF10];
	v7 =	vmul.f32 v2, v2  }
0xc6: {  	v9 =	vimm.f32 $0.0e+00;
	v11 =	vld [tilespmem:s25+$0xFFFFFF80];
	v10 =	vmul.f32 v3, v3  }
0xc7: {  	v13 =	vld [tilespmem:s25+$0xFFFFFF90];
	v2 =	vadd.f32 v2, v9;
	v12 =	vmul.f32 v4, v4;
	v7 =	vadd.f32 v7, v9  }
0xc8: {  	v14 =	vld [tilespmem:s25+$0x0];
	v3 =	vadd.f32 v3, v9;
	v9 =	vadd.f32 v10, v9;
	v10 =	vmul.f32 v5, v5  }
0xc9: {  	v15 =	vadd.f32 v4, v2;
	v2 =	vld [tilespmem:s25+$0x10];
	v7 =	vadd.f32 v12, v7;
	v12 =	vmul.f32 v6, v6  }
0xca: {  	v5 =	vadd.f32 v5, v3;
	v4 =	vld [tilespmem:s25+$0x80];
	v9 =	vadd.f32 v10, v9;
	v10 =	vmul.f32 v8, v8  }
0xcb: {  	v3 =	vld [tilespmem:s25+$0x90];
	v6 =	vadd.f32 v6, v15;
	v7 =	vadd.f32 v12, v7;
	v12 =	vmul.f32 v11, v11  }
0xcc: {  	v8 =	vadd.f32 v8, v5;
	v15 =	vmul.f32 v13, v13;
	v5 =	vld [tilespmem:s25+$0x100];
	v10 =	vadd.f32 v10, v9  }
0xcd: {  	v18 =	vmul.f32 v14, v14;
	v16 =	vadd.f32 v11, v6;
	v6 =	vld [tilespmem:s25+$0x110];
	v17 =	vadd.f32 v12, v7  }
0xce: {  	v9 =	vadd.f32 v13, v8;
	v11 =	vmul.f32 v2, v2;
	v10 =	vadd.f32 v15, v10;
	v7 =	vld [tilespmem:s25+$0x180]  }
0xcf: {  	s24 =	simm.s32 $0x0;
	s23 =	sshll.u32 s22, $0x5;
	v8 =	vld [tilespmem:s25+$0x190];
	v12 =	vadd.f32 v14, v16;
	v14 =	vmul.f32 v4, v4;
	s25 =	sadd.s32 $0x800, s25;
	v13 =	vadd.f32 v18, v17  }
.LBB2_11:
0xd0: {  	v15 =	vld [tilespmem:s25+$0xFFFFFE00];
	v2 =	vadd.f32 v2, v9;
	v9 =	vadd.f32 v11, v10;
	v10 =	vmul.f32 v3, v3  }
0xd1: {  	s24 =	sadd.s32 $0x8, s24;
	v11 =	vld [tilespmem:s25+$0xFFFFFE10];
	v4 =	vadd.f32 v4, v12;
	v12 =	vadd.f32 v14, v13;
	v13 =	vmul.f32 v5, v5  }
0xd2: {  	p0 =	slt.u32 s24, $0x38;
	v14 =	vld [tilespmem:s25+$0xFFFFFE80];
	v2 =	vadd.f32 v3, v2;
	v3 =	vadd.f32 v10, v9;
	v9 =	vmul.f32 v6, v6  }
0xd3: {  	v10 =	vld [tilespmem:s25+$0xFFFFFE90];
	v4 =	vadd.f32 v5, v4;
	v5 =	vadd.f32 v13, v12;
	v12 =	vmul.f32 v7, v7  }
0xd4: {  	v13 =	vld [tilespmem:s25+$0xFFFFFF00];
	v2 =	vadd.f32 v6, v2;
	v3 =	vadd.f32 v9, v3;
	v6 =	vmul.f32 v8, v8  }
0xd5: {  	v9 =	vmul.f32 v15, v15;
	v16 =	vld [tilespmem:s25+$0xFFFFFF10];
	v4 =	vadd.f32 v7, v4;
	v5 =	vadd.f32 v12, v5  }
0xd6: {  	v7 =	vmul.f32 v11, v11;
	v12 =	vld [tilespmem:s25+$0xFFFFFF80];
	v2 =	vadd.f32 v8, v2;
	v3 =	vadd.f32 v6, v3  }
0xd7: {  	v4 =	vadd.f32 v15, v4;
	v5 =	vadd.f32 v9, v5;
	v6 =	vmul.f32 v14, v14;
	v8 =	vld [tilespmem:s25+$0xFFFFFF90]  }
0xd8: {  	v9 =	vadd.f32 v11, v2;
	v3 =	vadd.f32 v7, v3;
	v7 =	vmul.f32 v10, v10;
	v15 =	vld [tilespmem:s25+$0x0]  }
0xd9: {  	v11 =	vadd.f32 v14, v4;
	v5 =	vadd.f32 v6, v5;
	v6 =	vmul.f32 v13, v13;
	v2 =	vld [tilespmem:s25+$0x10]  }
0xda: {  	v9 =	vadd.f32 v10, v9;
	v7 =	vadd.f32 v7, v3;
	v10 =	vmul.f32 v16, v16;
	v4 =	vld [tilespmem:s25+$0x80]  }
.Ltmp6:
0xdb: {  	v11 =	vadd.f32 v13, v11;
	v6 =	vadd.f32 v6, v5;
	v13 =	vmul.f32 v12, v12;
	v3 =	vld [tilespmem:s25+$0x90];
	(pc) =	sbr.rel @p0 .LBB2_11-.Ltmp6, $4  }
0xdc: {  	v9 =	vadd.f32 v16, v9;
	v7 =	vadd.f32 v10, v7;
	v10 =	vmul.f32 v8, v8;
	v5 =	vld [tilespmem:s25+$0x100]  }
0xdd: {  	v12 =	vadd.f32 v12, v11;
	v13 =	vadd.f32 v13, v6;
	v14 =	vmul.f32 v15, v15;
	v6 =	vld [tilespmem:s25+$0x110]  }
0xde: {  	v9 =	vadd.f32 v8, v9;
	v10 =	vadd.f32 v10, v7;
	v11 =	vmul.f32 v2, v2;
	v7 =	vld [tilespmem:s25+$0x180]  }
0xdf: {  	v12 =	vadd.f32 v15, v12;
	v13 =	vadd.f32 v14, v13;
	v14 =	vmul.f32 v4, v4;
	v8 =	vld [tilespmem:s25+$0x190];
	s25 =	sadd.s32 $0x800, s25  }
0xe0: {  	v2 =	vadd.f32 v2, v9  }
0xe1: {  	v55 =	vadd.f32 v11, v10;
	v56 =	vmul.f32 v3, v3;
	v4 =	vadd.f32 v4, v12  }
0xe2: {  	v57 =	vadd.f32 v14, v13;
	v58 =	vmul.f32 v5, v5;
	v2 =	vadd.f32 v3, v2  }
0xe3: {  	v3 =	vadd.f32 v56, v55;
	v4 =	vadd.f32 v5, v4  }
0xe4: {  	s22 =	sadd.s32 $0x1, s22;
	v59 =	vmul.f32 v6, v6;
	v60 =	vadd.f32 v58, v57;
	v61 =	vmul.f32 v7, v7  }
0xe5: {  	p0 =	sne.s32 s22, $0x8;
	v2 =	vadd.f32 v6, v2;
	v4 =	vadd.f32 v7, v4  }
.Ltmp7:
0xe6: {  	v3 =	vadd.f32 v59, v3;
	v62 =	vmul.f32 v8, v8;
	v63 =	vadd.f32 v61, v60;
	(pc) =	sbr.rel @p0 .LBB2_10-.Ltmp7, $4  }
0xe7: {  	v2 =	vadd.f32 v8, v2;
	[tilespmem:s23+$0x8200] =	vst v4  }
0xe8: {  	v3 =	vadd.f32 v62, v3;
	[tilespmem:s23+$0x8600] =	vst v63  }
0xe9: {  	[tilespmem:s23+$0x8210] =	vst v2  }
0xea: {  	s21 =	sadd.s32 $0x100, s21;
	s20 =	sadd.s32 $0x1, s20;
	[tilespmem:s23+$0x8610] =	vst v3  }
0xeb: {  	_ =	swait.ge [sflag:s17], $0x4000  }
0xec: {  	s20 =	simm.s32 $0x0;
	[sflag:s17] =	ssyncset.done $0x0  }
0xed: {  	s21 =	simm.s32 $0x0;
	s22 =	simm.s32 $0x0;
	[sflag:s17] =	ssyncadd.s32 $0xFFFFC000  }
.LBB2_14:
0xee: {  	s23 =	sshll.u32 s21, $0x2;
	s24 =	sand.u32 $0x3, s20  }
0xef: {  	s23 =	sand.u32 $0xFFFFF000, s23;
	s24 =	sshll.u32 s24, $0x7  }
0xf0: {  	s23 =	sor.u32 s24, s23  }
0xf1: {  	s23 =	sshrl.u32 s23, $0x2  }
0xf2: {  	s25 =	sadd.s32 $0x4200, s23  }
0xf3: {  	v2 =	vld [tilespmem:s25+$0xFFFFFE00]  }
0xf4: {  	v3 =	vld [tilespmem:s25+$0xFFFFFE10]  }
0xf5: {  	v4 =	vld [tilespmem:s25+$0xFFFFFE80]  }
0xf6: {  	v5 =	vld [tilespmem:s25+$0xFFFFFE90]  }
0xf7: {  	v6 =	vld [tilespmem:s25+$0xFFFFFF00]  }
0xf8: {  	v8 =	vld [tilespmem:s25+$0xFFFFFF10];
	v7 =	vmul.f32 v2, v2  }
0xf9: {  	v9 =	vimm.f32 $0.0e+00;
	v11 =	vld [tilespmem:s25+$0xFFFFFF80];
	v10 =	vmul.f32 v3, v3  }
0xfa: {  	v13 =	vld [tilespmem:s25+$0xFFFFFF90];
	v2 =	vadd.f32 v2, v9;
	v12 =	vmul.f32 v4, v4;
	v7 =	vadd.f32 v7, v9  }
0xfb: {  	v14 =	vld [tilespmem:s25+$0x0];
	v3 =	vadd.f32 v3, v9;
	v9 =	vadd.f32 v10, v9;
	v10 =	vmul.f32 v5, v5  }
0xfc: {  	v15 =	vadd.f32 v4, v2;
	v2 =	vld [tilespmem:s25+$0x10];
	v7 =	vadd.f32 v12, v7;
	v12 =	vmul.f32 v6, v6  }
0xfd: {  	v5 =	vadd.f32 v5, v3;
	v4 =	vld [tilespmem:s25+$0x80];
	v9 =	vadd.f32 v10, v9;
	v10 =	vmul.f32 v8, v8  }
0xfe: {  	v3 =	vld [tilespmem:s25+$0x90];
	v6 =	vadd.f32 v6, v15;
	v7 =	vadd.f32 v12, v7;
	v12 =	vmul.f32 v11, v11  }
0xff: {  	v8 =	vadd.f32 v8, v5;
	v15 =	vmul.f32 v13, v13;
	v5 =	vld [tilespmem:s25+$0x100];
	v10 =	vadd.f32 v10, v9  }
0x100: {  	v18 =	vmul.f32 v14, v14;
	v16 =	vadd.f32 v11, v6;
	v6 =	vld [tilespmem:s25+$0x110];
	v17 =	vadd.f32 v12, v7  }
0x101: {  	v9 =	vadd.f32 v13, v8;
	v11 =	vmul.f32 v2, v2;
	v10 =	vadd.f32 v15, v10;
	v7 =	vld [tilespmem:s25+$0x180]  }
0x102: {  	s24 =	simm.s32 $0x0;
	s23 =	sshll.u32 s22, $0x5;
	v8 =	vld [tilespmem:s25+$0x190];
	v12 =	vadd.f32 v14, v16;
	v14 =	vmul.f32 v4, v4;
	s25 =	sadd.s32 $0x800, s25;
	v13 =	vadd.f32 v18, v17  }
.LBB2_15:
0x103: {  	v15 =	vld [tilespmem:s25+$0xFFFFFE00];
	v2 =	vadd.f32 v2, v9;
	v9 =	vadd.f32 v11, v10;
	v10 =	vmul.f32 v3, v3  }
0x104: {  	s24 =	sadd.s32 $0x8, s24;
	v11 =	vld [tilespmem:s25+$0xFFFFFE10];
	v4 =	vadd.f32 v4, v12;
	v12 =	vadd.f32 v14, v13;
	v13 =	vmul.f32 v5, v5  }
0x105: {  	p0 =	slt.u32 s24, $0x38;
	v14 =	vld [tilespmem:s25+$0xFFFFFE80];
	v2 =	vadd.f32 v3, v2;
	v3 =	vadd.f32 v10, v9;
	v9 =	vmul.f32 v6, v6  }
0x106: {  	v10 =	vld [tilespmem:s25+$0xFFFFFE90];
	v4 =	vadd.f32 v5, v4;
	v5 =	vadd.f32 v13, v12;
	v12 =	vmul.f32 v7, v7  }
0x107: {  	v13 =	vld [tilespmem:s25+$0xFFFFFF00];
	v2 =	vadd.f32 v6, v2;
	v3 =	vadd.f32 v9, v3;
	v6 =	vmul.f32 v8, v8  }
0x108: {  	v9 =	vmul.f32 v15, v15;
	v16 =	vld [tilespmem:s25+$0xFFFFFF10];
	v4 =	vadd.f32 v7, v4;
	v5 =	vadd.f32 v12, v5  }
0x109: {  	v7 =	vmul.f32 v11, v11;
	v12 =	vld [tilespmem:s25+$0xFFFFFF80];
	v2 =	vadd.f32 v8, v2;
	v3 =	vadd.f32 v6, v3  }
0x10a: {  	v4 =	vadd.f32 v15, v4;
	v5 =	vadd.f32 v9, v5;
	v6 =	vmul.f32 v14, v14;
	v8 =	vld [tilespmem:s25+$0xFFFFFF90]  }
0x10b: {  	v9 =	vadd.f32 v11, v2;
	v3 =	vadd.f32 v7, v3;
	v7 =	vmul.f32 v10, v10;
	v15 =	vld [tilespmem:s25+$0x0]  }
0x10c: {  	v11 =	vadd.f32 v14, v4;
	v5 =	vadd.f32 v6, v5;
	v6 =	vmul.f32 v13, v13;
	v2 =	vld [tilespmem:s25+$0x10]  }
0x10d: {  	v9 =	vadd.f32 v10, v9;
	v7 =	vadd.f32 v7, v3;
	v10 =	vmul.f32 v16, v16;
	v4 =	vld [tilespmem:s25+$0x80]  }
.Ltmp8:
0x10e: {  	v11 =	vadd.f32 v13, v11;
	v6 =	vadd.f32 v6, v5;
	v13 =	vmul.f32 v12, v12;
	v3 =	vld [tilespmem:s25+$0x90];
	(pc) =	sbr.rel @p0 .LBB2_15-.Ltmp8, $4  }
0x10f: {  	v9 =	vadd.f32 v16, v9;
	v7 =	vadd.f32 v10, v7;
	v10 =	vmul.f32 v8, v8;
	v5 =	vld [tilespmem:s25+$0x100]  }
0x110: {  	v12 =	vadd.f32 v12, v11;
	v13 =	vadd.f32 v13, v6;
	v14 =	vmul.f32 v15, v15;
	v6 =	vld [tilespmem:s25+$0x110]  }
0x111: {  	v9 =	vadd.f32 v8, v9;
	v10 =	vadd.f32 v10, v7;
	v11 =	vmul.f32 v2, v2;
	v7 =	vld [tilespmem:s25+$0x180]  }
0x112: {  	v12 =	vadd.f32 v15, v12;
	v13 =	vadd.f32 v14, v13;
	v14 =	vmul.f32 v4, v4;
	v8 =	vld [tilespmem:s25+$0x190];
	s25 =	sadd.s32 $0x800, s25  }
0x113: {  	v2 =	vadd.f32 v2, v9  }
0x114: {  	v55 =	vadd.f32 v11, v10;
	v56 =	vmul.f32 v3, v3;
	v4 =	vadd.f32 v4, v12  }
0x115: {  	v57 =	vadd.f32 v14, v13;
	v58 =	vmul.f32 v5, v5;
	v2 =	vadd.f32 v3, v2  }
0x116: {  	v3 =	vadd.f32 v56, v55;
	v4 =	vadd.f32 v5, v4  }
0x117: {  	s22 =	sadd.s32 $0x1, s22;
	v59 =	vmul.f32 v6, v6;
	v60 =	vadd.f32 v58, v57;
	v61 =	vmul.f32 v7, v7  }
0x118: {  	p0 =	sne.s32 s22, $0x8;
	v2 =	vadd.f32 v6, v2;
	v4 =	vadd.f32 v7, v4  }
.Ltmp9:
0x119: {  	v3 =	vadd.f32 v59, v3;
	v62 =	vmul.f32 v8, v8;
	v63 =	vadd.f32 v61, v60;
	(pc) =	sbr.rel @p0 .LBB2_14-.Ltmp9, $4  }
0x11a: {  	v2 =	vadd.f32 v8, v2;
	[tilespmem:s23+$0x8300] =	vst v4  }
0x11b: {  	v3 =	vadd.f32 v62, v3;
	[tilespmem:s23+$0x8700] =	vst v63  }
0x11c: {  	[tilespmem:s23+$0x8310] =	vst v2  }
0x11d: {  	s21 =	sadd.s32 $0x100, s21;
	s20 =	sadd.s32 $0x1, s20;
	[tilespmem:s23+$0x8710] =	vst v3  }
0x11e: {  	v2 =	vmov s4  }
0x11f: {  	v2 =	vsub.s32 v1, v2  }
0x120: {  	(v2sf) =	vpush v2, $0x0  }
0x121: {  	(v2sf) =	vpush v2, $0x1;
	_ =	sdelay $0xd  }
0x122: {  	s21 =	spop (v2sf)  }
0x123: {  	s20 =	spop (v2sf)  }
0x124: {  	p0 =	sgt.s32 s20, $0x0  }
0x125: {  	s20 =	simm.s32 @!p0 $0x0;
	p0 =	sgt.s32 s21, $0x0  }
0x126: {  	s21 =	simm.s32 @!p0 $0x0;
	s20 =	smin.u32 s20, $0x400  }
0x127: {  	s22 =	smin.u32 s21, $0x400;
	s31 =	sadd.s32 $0xF, s20  }
0x128: {  	s23 =	sshrl.u32 s22, $0x4;
	s24 =	sshrl.u32 s31, $0x4  }
0x129: {  	p0 =	sle.u32 s24, s23  }
.Ltmp10:
0x12a: {  	_ = 	snop;
	(pc) =	sbr.rel @p0 .LBB2_21-.Ltmp10, $3  }
0x12b: {  	_ =	sdelay $0x1  }
0x12c: {  	v5 =	vimm.f32 $0.0e+00  }
0x12d: {  	v3 =	vimm.f32 $0.0e+00;
	v2 =	vimm.f32 $0.0e+00;
	v4 =	vmov s20  }
0x12e: {  	s21 =	sshll.u32 s23, $0x4  }
0x12f: {  	s30 =	ssub.s32 s24, s23;
	s31 =	sor.u32 $0x8000, s21  }
0x130: {  	v2 =	vmov s22;
	s22 =	sadd.s32 $0x8400, s21;
	p0 =	sne.s32 s30, $0x1;
	v3 =	vld [tilespmem:s31+$0x0]  }
.Ltmp11:
0x131: {  	v8 =	vld [tilespmem:s22+$0x0];
	(pc) =	sbr.rel @!p0 .LBB2_20-.Ltmp11, $4  }
0x132: {  	_ = 	snop  }
0x133: {  	v6 =	vor.u32 s21, v0  }
0x134: {  	vm15 =	vge.u32 v6, v2;
	vm1 =	vlt.u32 v6, v4  }
0x135: {  	v7 =	vimm.f32 $0.0e+00;
	s23 =	sadd.s32 $0xFFFFFFFF, s30;
	v6 =	vimm.f32 $0.0e+00;
	s24 =	sadd.s32 $0x10, s31;
	vm15 =	vmand vm15, vm1  }
.LBB2_19:
0x136: {  	v9 =	vnsel vm15, $0x0, v3;
	v3 =	vld [tilespmem:s24+$0x0];
	v10 =	vnsel vm15, $0x0, v8;
	s22 =	sadd.s32 $0x10, s22;
	p0 =	sne.s32 s23, $0x1  }
.Ltmp12:
0x137: {  	s23 =	sadd.s32 $0xFFFFFFFF, s23;
	v8 =	vld [tilespmem:s22+$0x0];
	v6 =	vadd.f32 v9, v6;
	v7 =	vadd.f32 v10, v7;
	(pc) =	sbr.rel @p0 .LBB2_19-.Ltmp12, $4  }
0x138: {  	s21 =	sadd.s32 $0x10, s21  }
0x139: {  	v9 =	vor.u32 s21, v0  }
0x13a: {  	vm1 =	vge.u32 v9, v2;
	vm15 =	vlt.u32 v9, v4  }
0x13b: {  	s24 =	sadd.s32 $0x10, s24;
	vm15 =	vmand vm1, vm15  }
.LBB2_20:
0x13c: {  	v2 =	vnsel vm15, $0x0, v3;
	v3 =	vnsel vm15, $0x0, v8  }
0x13d: {  	v2 =	vadd.f32 v2, v6;
	v3 =	vadd.f32 v3, v7  }
.LBB2_21:
0x13e: {  	(v2sf) =	vpush v1, $0x2;
	_ =	sdelay $0xe  }
0x13f: {  	s21 =	spop (v2sf)  }
0x140: {  	(xrf2) =	vadd.scan.msk.f32 $0xffff, v2;
	s21 =	ssub.s32 s21, s4  }
0x141: {  	(xrf2) =	vadd.scan.msk.f32 $0xffff, v3;
	p0 =	sgt.s32 s21, $0x0  }
0x142: {  	s21 =	simm.s32 @!p0 $0x0  }
0x143: {  	s21 =	smin.u32 s21, $0x400  }
0x144: {  	s23 =	sadd.s32 $0xF, s21  }
0x145: {  	s22 =	sshrl.u32 s20, $0x4;
	s23 =	sshrl.u32 s23, $0x4  }
0x146: {  	p0 =	sle.u32 s23, s22  }
.Ltmp13:
0x147: {  	_ = 	snop;
	(pc) =	sbr.rel @p0 .LBB2_25-.Ltmp13, $3  }
0x148: {  	_ =	sdelay $0x1  }
0x149: {  	v2, _, _ =	vpop (xrf2)  }
0x14a: {  	v7 =	vimm.f32 $0.0e+00;
	v3, _, _ =	vpop (xrf2);
	v6 =	vmov s21  }
0x14b: {  	s20 =	sshll.u32 s22, $0x4  }
0x14c: {  	s23 =	ssub.s32 s23, s22;
	s24 =	sor.u32 $0x8000, s20  }
0x14d: {  	s22 =	sadd.s32 $0x8400, s20;
	p0 =	sne.s32 s23, $0x1;
	v5 =	vld [tilespmem:s24+$0x0]  }
.Ltmp14:
0x14e: {  	v9 =	vld [tilespmem:s22+$0x0];
	(pc) =	sbr.rel @!p0 .LBB2_24-.Ltmp14, $4  }
0x14f: {  	_ = 	snop  }
0x150: {  	v7 =	vor.u32 s20, v0  }
0x151: {  	vm1 =	vge.u32 v7, v4;
	vm15 =	vlt.u32 v7, v6  }
0x152: {  	v8 =	vimm.f32 $0.0e+00;
	s23 =	sadd.s32 $0xFFFFFFFF, s23;
	v7 =	vimm.f32 $0.0e+00;
	s24 =	sadd.s32 $0x10, s24;
	vm15 =	vmand vm1, vm15  }
.LBB2_23:
0x153: {  	v10 =	vnsel vm15, $0x0, v5;
	v5 =	vld [tilespmem:s24+$0x0];
	v11 =	vnsel vm15, $0x0, v9;
	s22 =	sadd.s32 $0x10, s22;
	p0 =	sne.s32 s23, $0x1  }
.Ltmp15:
0x154: {  	s23 =	sadd.s32 $0xFFFFFFFF, s23;
	v9 =	vld [tilespmem:s22+$0x0];
	v7 =	vadd.f32 v10, v7;
	v8 =	vadd.f32 v11, v8;
	(pc) =	sbr.rel @p0 .LBB2_23-.Ltmp15, $4  }
0x155: {  	s20 =	sadd.s32 $0x10, s20  }
0x156: {  	v10 =	vor.u32 s20, v0  }
0x157: {  	vm1 =	vge.u32 v10, v4;
	vm15 =	vlt.u32 v10, v6  }
0x158: {  	s24 =	sadd.s32 $0x10, s24;
	vm15 =	vmand vm1, vm15  }
.LBB2_24:
0x159: {  	v4 =	vnsel vm15, $0x0, v5;
	v9 =	vnsel vm15, $0x0, v9  }
0x15a: {  	v5 =	vadd.f32 v4, v7;
	v7 =	vadd.f32 v9, v8  }
.LBB2_25:
0x15b: {  	(v2sf) =	vpush v1, $0x3;
	_ =	sdelay $0xe  }
0x15c: {  	s20 =	spop (v2sf)  }
0x15d: {  	(xrf2) =	vadd.scan.msk.f32 $0xffff, v5;
	s20 =	ssub.s32 s20, s4  }
0x15e: {  	(xrf2) =	vadd.scan.msk.f32 $0xffff, v7;
	p0 =	sgt.s32 s20, $0x0  }
0x15f: {  	s20 =	simm.s32 @!p0 $0x0  }
0x160: {  	s20 =	smin.u32 s20, $0x400  }
0x161: {  	s23 =	sadd.s32 $0xF, s20  }
0x162: {  	s22 =	sshrl.u32 s21, $0x4;
	s23 =	sshrl.u32 s23, $0x4  }
0x163: {  	p0 =	sle.u32 s23, s22  }
.Ltmp16:
0x164: {  	_ = 	snop;
	(pc) =	sbr.rel @p0 .LBB2_29-.Ltmp16, $3  }
0x165: {  	_ =	sdelay $0x1  }
0x166: {  	v9 =	vimm.f32 $0.0e+00;
	v4, _, _ =	vpop (xrf2)  }
0x167: {  	v10 =	vimm.f32 $0.0e+00;
	v7 =	vimm.f32 $0.0e+00;
	v5, _, _ =	vpop (xrf2);
	v8 =	vmov s20  }
0x168: {  	s21 =	sshll.u32 s22, $0x4  }
0x169: {  	s23 =	ssub.s32 s23, s22;
	s24 =	sor.u32 $0x8000, s21  }
0x16a: {  	s22 =	sadd.s32 $0x8400, s21;
	p0 =	sne.s32 s23, $0x1;
	v7 =	vld [tilespmem:s24+$0x0]  }
.Ltmp17:
0x16b: {  	v12 =	vld [tilespmem:s22+$0x0];
	(pc) =	sbr.rel @!p0 .LBB2_28-.Ltmp17, $4  }
0x16c: {  	_ = 	snop  }
0x16d: {  	v10 =	vor.u32 s21, v0  }
0x16e: {  	vm1 =	vge.u32 v10, v6;
	vm15 =	vlt.u32 v10, v8  }
0x16f: {  	v11 =	vimm.f32 $0.0e+00;
	s23 =	sadd.s32 $0xFFFFFFFF, s23;
	v10 =	vimm.f32 $0.0e+00;
	s24 =	sadd.s32 $0x10, s24;
	vm15 =	vmand vm1, vm15  }
.LBB2_27:
0x170: {  	v13 =	vnsel vm15, $0x0, v7;
	v7 =	vld [tilespmem:s24+$0x0];
	v14 =	vnsel vm15, $0x0, v12;
	s22 =	sadd.s32 $0x10, s22;
	p0 =	sne.s32 s23, $0x1  }
.Ltmp18:
0x171: {  	s23 =	sadd.s32 $0xFFFFFFFF, s23;
	v12 =	vld [tilespmem:s22+$0x0];
	v10 =	vadd.f32 v13, v10;
	v11 =	vadd.f32 v14, v11;
	(pc) =	sbr.rel @p0 .LBB2_27-.Ltmp18, $4  }
0x172: {  	s21 =	sadd.s32 $0x10, s21  }
0x173: {  	v13 =	vor.u32 s21, v0  }
0x174: {  	vm1 =	vge.u32 v13, v6;
	vm15 =	vlt.u32 v13, v8  }
0x175: {  	s24 =	sadd.s32 $0x10, s24;
	vm15 =	vmand vm1, vm15  }
.LBB2_28:
0x176: {  	v6 =	vnsel vm15, $0x0, v7;
	v12 =	vnsel vm15, $0x0, v12  }
0x177: {  	v7 =	vadd.f32 v6, v10;
	v10 =	vadd.f32 v12, v11  }
.LBB2_29:
0x178: {  	(v2sf) =	vpush v1, $0x4;
	_ =	sdelay $0xe  }
0x179: {  	s21 =	spop (v2sf)  }
0x17a: {  	(xrf2) =	vadd.scan.msk.f32 $0xffff, v7;
	s21 =	ssub.s32 s21, s4  }
0x17b: {  	(xrf2) =	vadd.scan.msk.f32 $0xffff, v10;
	p0 =	sgt.s32 s21, $0x0  }
0x17c: {  	s21 =	simm.s32 @!p0 $0x0  }
0x17d: {  	s21 =	smin.u32 s21, $0x400  }
0x17e: {  	s23 =	sadd.s32 $0xF, s21  }
0x17f: {  	s22 =	sshrl.u32 s20, $0x4;
	s23 =	sshrl.u32 s23, $0x4  }
0x180: {  	p0 =	sle.u32 s23, s22  }
.Ltmp19:
0x181: {  	_ = 	snop;
	(pc) =	sbr.rel @p0 .LBB2_33-.Ltmp19, $3  }
0x182: {  	_ =	sdelay $0x1  }
0x183: {  	v6, _, _ =	vpop (xrf2)  }
0x184: {  	v11 =	vimm.f32 $0.0e+00;
	v7, _, _ =	vpop (xrf2);
	v10 =	vmov s21  }
0x185: {  	s20 =	sshll.u32 s22, $0x4  }
0x186: {  	s23 =	ssub.s32 s23, s22;
	s24 =	sor.u32 $0x8000, s20  }
0x187: {  	s22 =	sadd.s32 $0x8400, s20;
	p0 =	sne.s32 s23, $0x1;
	v9 =	vld [tilespmem:s24+$0x0]  }
.Ltmp20:
0x188: {  	v13 =	vld [tilespmem:s22+$0x0];
	(pc) =	sbr.rel @!p0 .LBB2_32-.Ltmp20, $4  }
0x189: {  	_ = 	snop  }
0x18a: {  	v11 =	vor.u32 s20, v0  }
0x18b: {  	vm1 =	vge.u32 v11, v8;
	vm15 =	vlt.u32 v11, v10  }
0x18c: {  	v12 =	vimm.f32 $0.0e+00;
	s23 =	sadd.s32 $0xFFFFFFFF, s23;
	v11 =	vimm.f32 $0.0e+00;
	s24 =	sadd.s32 $0x10, s24;
	vm15 =	vmand vm1, vm15  }
.LBB2_31:
0x18d: {  	v14 =	vnsel vm15, $0x0, v9;
	v9 =	vld [tilespmem:s24+$0x0];
	v15 =	vnsel vm15, $0x0, v13;
	s22 =	sadd.s32 $0x10, s22;
	p0 =	sne.s32 s23, $0x1  }
.Ltmp21:
0x18e: {  	s23 =	sadd.s32 $0xFFFFFFFF, s23;
	v13 =	vld [tilespmem:s22+$0x0];
	v11 =	vadd.f32 v14, v11;
	v12 =	vadd.f32 v15, v12;
	(pc) =	sbr.rel @p0 .LBB2_31-.Ltmp21, $4  }
0x18f: {  	s20 =	sadd.s32 $0x10, s20  }
0x190: {  	v14 =	vor.u32 s20, v0  }
0x191: {  	vm1 =	vge.u32 v14, v8;
	vm15 =	vlt.u32 v14, v10  }
0x192: {  	s24 =	sadd.s32 $0x10, s24;
	vm15 =	vmand vm1, vm15  }
.LBB2_32:
0x193: {  	v8 =	vnsel vm15, $0x0, v9;
	v13 =	vnsel vm15, $0x0, v13  }
0x194: {  	v9 =	vadd.f32 v8, v11;
	v11 =	vadd.f32 v13, v12  }
.LBB2_33:
0x195: {  	(v2sf) =	vpush v1, $0x5;
	_ =	sdelay $0xe  }
0x196: {  	s20 =	spop (v2sf)  }
0x197: {  	(xrf2) =	vadd.scan.msk.f32 $0xffff, v9;
	s20 =	ssub.s32 s20, s4  }
0x198: {  	(xrf2) =	vadd.scan.msk.f32 $0xffff, v11;
	p0 =	sgt.s32 s20, $0x0  }
0x199: {  	s20 =	simm.s32 @!p0 $0x0  }
0x19a: {  	s20 =	smin.u32 s20, $0x400  }
0x19b: {  	s23 =	sadd.s32 $0xF, s20  }
0x19c: {  	s22 =	sshrl.u32 s21, $0x4;
	s23 =	sshrl.u32 s23, $0x4  }
0x19d: {  	p0 =	sle.u32 s23, s22  }
.Ltmp22:
0x19e: {  	_ = 	snop;
	(pc) =	sbr.rel @p0 .LBB2_37-.Ltmp22, $3  }
0x19f: {  	_ =	sdelay $0x1  }
0x1a0: {  	v13 =	vimm.f32 $0.0e+00;
	v8, _, _ =	vpop (xrf2)  }
0x1a1: {  	v14 =	vimm.f32 $0.0e+00;
	v11 =	vimm.f32 $0.0e+00;
	v9, _, _ =	vpop (xrf2);
	v12 =	vmov s20  }
0x1a2: {  	s21 =	sshll.u32 s22, $0x4  }
0x1a3: {  	s23 =	ssub.s32 s23, s22;
	s24 =	sor.u32 $0x8000, s21  }
0x1a4: {  	s22 =	sadd.s32 $0x8400, s21;
	p0 =	sne.s32 s23, $0x1;
	v11 =	vld [tilespmem:s24+$0x0]  }
.Ltmp23:
0x1a5: {  	v16 =	vld [tilespmem:s22+$0x0];
	(pc) =	sbr.rel @!p0 .LBB2_36-.Ltmp23, $4  }
0x1a6: {  	_ = 	snop  }
0x1a7: {  	v14 =	vor.u32 s21, v0  }
0x1a8: {  	vm1 =	vge.u32 v14, v10;
	vm15 =	vlt.u32 v14, v12  }
0x1a9: {  	v15 =	vimm.f32 $0.0e+00;
	s23 =	sadd.s32 $0xFFFFFFFF, s23;
	v14 =	vimm.f32 $0.0e+00;
	s24 =	sadd.s32 $0x10, s24;
	vm15 =	vmand vm1, vm15  }
.LBB2_35:
0x1aa: {  	v17 =	vnsel vm15, $0x0, v11;
	v11 =	vld [tilespmem:s24+$0x0];
	v18 =	vnsel vm15, $0x0, v16;
	s22 =	sadd.s32 $0x10, s22;
	p0 =	sne.s32 s23, $0x1  }
.Ltmp24:
0x1ab: {  	s23 =	sadd.s32 $0xFFFFFFFF, s23;
	v16 =	vld [tilespmem:s22+$0x0];
	v14 =	vadd.f32 v17, v14;
	v15 =	vadd.f32 v18, v15;
	(pc) =	sbr.rel @p0 .LBB2_35-.Ltmp24, $4  }
0x1ac: {  	s21 =	sadd.s32 $0x10, s21  }
0x1ad: {  	v17 =	vor.u32 s21, v0  }
0x1ae: {  	vm1 =	vge.u32 v17, v10;
	vm15 =	vlt.u32 v17, v12  }
0x1af: {  	s24 =	sadd.s32 $0x10, s24;
	vm15 =	vmand vm1, vm15  }
.LBB2_36:
0x1b0: {  	v10 =	vnsel vm15, $0x0, v11;
	v16 =	vnsel vm15, $0x0, v16  }
0x1b1: {  	v11 =	vadd.f32 v10, v14;
	v14 =	vadd.f32 v16, v15  }
.LBB2_37:
0x1b2: {  	(v2sf) =	vpush v1, $0x6;
	_ =	sdelay $0xe  }
0x1b3: {  	s21 =	spop (v2sf)  }
0x1b4: {  	(xrf2) =	vadd.scan.msk.f32 $0xffff, v11;
	s21 =	ssub.s32 s21, s4  }
0x1b5: {  	(xrf2) =	vadd.scan.msk.f32 $0xffff, v14;
	p0 =	sgt.s32 s21, $0x0  }
0x1b6: {  	s21 =	simm.s32 @!p0 $0x0  }
0x1b7: {  	s21 =	smin.u32 s21, $0x400  }
0x1b8: {  	s23 =	sadd.s32 $0xF, s21  }
0x1b9: {  	s22 =	sshrl.u32 s20, $0x4;
	s23 =	sshrl.u32 s23, $0x4  }
0x1ba: {  	p0 =	sle.u32 s23, s22  }
.Ltmp25:
0x1bb: {  	_ = 	snop;
	(pc) =	sbr.rel @p0 .LBB2_41-.Ltmp25, $3  }
0x1bc: {  	_ =	sdelay $0x1  }
0x1bd: {  	v10, _, _ =	vpop (xrf2)  }
0x1be: {  	v15 =	vimm.f32 $0.0e+00;
	v11, _, _ =	vpop (xrf2);
	v14 =	vmov s21  }
0x1bf: {  	s20 =	sshll.u32 s22, $0x4  }
0x1c0: {  	s23 =	ssub.s32 s23, s22;
	s24 =	sor.u32 $0x8000, s20  }
0x1c1: {  	s22 =	sadd.s32 $0x8400, s20;
	p0 =	sne.s32 s23, $0x1;
	v13 =	vld [tilespmem:s24+$0x0]  }
.Ltmp26:
0x1c2: {  	v17 =	vld [tilespmem:s22+$0x0];
	(pc) =	sbr.rel @!p0 .LBB2_40-.Ltmp26, $4  }
0x1c3: {  	_ = 	snop  }
0x1c4: {  	v15 =	vor.u32 s20, v0  }
0x1c5: {  	vm1 =	vge.u32 v15, v12;
	vm15 =	vlt.u32 v15, v14  }
0x1c6: {  	v16 =	vimm.f32 $0.0e+00;
	s23 =	sadd.s32 $0xFFFFFFFF, s23;
	v15 =	vimm.f32 $0.0e+00;
	s24 =	sadd.s32 $0x10, s24;
	vm15 =	vmand vm1, vm15  }
.LBB2_39:
0x1c7: {  	v18 =	vnsel vm15, $0x0, v13;
	v13 =	vld [tilespmem:s24+$0x0];
	v19 =	vnsel vm15, $0x0, v17;
	s22 =	sadd.s32 $0x10, s22;
	p0 =	sne.s32 s23, $0x1  }
.Ltmp27:
0x1c8: {  	s23 =	sadd.s32 $0xFFFFFFFF, s23;
	v17 =	vld [tilespmem:s22+$0x0];
	v15 =	vadd.f32 v18, v15;
	v16 =	vadd.f32 v19, v16;
	(pc) =	sbr.rel @p0 .LBB2_39-.Ltmp27, $4  }
0x1c9: {  	s20 =	sadd.s32 $0x10, s20  }
0x1ca: {  	v18 =	vor.u32 s20, v0  }
0x1cb: {  	vm1 =	vge.u32 v18, v12;
	vm15 =	vlt.u32 v18, v14  }
0x1cc: {  	s24 =	sadd.s32 $0x10, s24;
	vm15 =	vmand vm1, vm15  }
.LBB2_40:
0x1cd: {  	v12 =	vnsel vm15, $0x0, v13;
	v17 =	vnsel vm15, $0x0, v17  }
0x1ce: {  	v13 =	vadd.f32 v12, v15;
	v15 =	vadd.f32 v17, v16  }
.LBB2_41:
0x1cf: {  	(v2sf) =	vpush v1, $0x7;
	_ =	sdelay $0xe  }
0x1d0: {  	s20 =	spop (v2sf)  }
0x1d1: {  	(xrf2) =	vadd.scan.msk.f32 $0xffff, v13;
	s20 =	ssub.s32 s20, s4  }
0x1d2: {  	(xrf2) =	vadd.scan.msk.f32 $0xffff, v15;
	p0 =	sgt.s32 s20, $0x0  }
0x1d3: {  	s20 =	simm.s32 @!p0 $0x0  }
0x1d4: {  	s20 =	smin.u32 s20, $0x400  }
0x1d5: {  	s23 =	sadd.s32 $0xF, s20  }
0x1d6: {  	s22 =	sshrl.u32 s21, $0x4;
	s23 =	sshrl.u32 s23, $0x4  }
0x1d7: {  	p0 =	sle.u32 s23, s22  }
.Ltmp28:
0x1d8: {  	_ = 	snop;
	(pc) =	sbr.rel @p0 .LBB2_45-.Ltmp28, $3  }
0x1d9: {  	_ =	sdelay $0x1  }
0x1da: {  	v17 =	vimm.f32 $0.0e+00;
	v12, _, _ =	vpop (xrf2)  }
0x1db: {  	v18 =	vimm.f32 $0.0e+00;
	v15 =	vimm.f32 $0.0e+00;
	v13, _, _ =	vpop (xrf2);
	v16 =	vmov s20  }
0x1dc: {  	s21 =	sshll.u32 s22, $0x4  }
0x1dd: {  	s23 =	ssub.s32 s23, s22;
	s24 =	sor.u32 $0x8000, s21  }
0x1de: {  	s22 =	sadd.s32 $0x8400, s21;
	p0 =	sne.s32 s23, $0x1;
	v15 =	vld [tilespmem:s24+$0x0]  }
.Ltmp29:
0x1df: {  	v20 =	vld [tilespmem:s22+$0x0];
	(pc) =	sbr.rel @!p0 .LBB2_44-.Ltmp29, $4  }
0x1e0: {  	_ = 	snop  }
0x1e1: {  	v18 =	vor.u32 s21, v0  }
0x1e2: {  	vm1 =	vge.u32 v18, v14;
	vm15 =	vlt.u32 v18, v16  }
0x1e3: {  	v19 =	vimm.f32 $0.0e+00;
	s23 =	sadd.s32 $0xFFFFFFFF, s23;
	v18 =	vimm.f32 $0.0e+00;
	s24 =	sadd.s32 $0x10, s24;
	vm15 =	vmand vm1, vm15  }
.LBB2_43:
0x1e4: {  	v21 =	vnsel vm15, $0x0, v15;
	v15 =	vld [tilespmem:s24+$0x0];
	v22 =	vnsel vm15, $0x0, v20;
	s22 =	sadd.s32 $0x10, s22;
	p0 =	sne.s32 s23, $0x1  }
.Ltmp30:
0x1e5: {  	s23 =	sadd.s32 $0xFFFFFFFF, s23;
	v20 =	vld [tilespmem:s22+$0x0];
	v18 =	vadd.f32 v21, v18;
	v19 =	vadd.f32 v22, v19;
	(pc) =	sbr.rel @p0 .LBB2_43-.Ltmp30, $4  }
0x1e6: {  	s21 =	sadd.s32 $0x10, s21  }
0x1e7: {  	v21 =	vor.u32 s21, v0  }
0x1e8: {  	vm1 =	vge.u32 v21, v14;
	vm15 =	vlt.u32 v21, v16  }
0x1e9: {  	s24 =	sadd.s32 $0x10, s24;
	vm15 =	vmand vm1, vm15  }
.LBB2_44:
0x1ea: {  	v14 =	vnsel vm15, $0x0, v15;
	v20 =	vnsel vm15, $0x0, v20  }
0x1eb: {  	v15 =	vadd.f32 v14, v18;
	v18 =	vadd.f32 v20, v19  }
.LBB2_45:
0x1ec: {  	(v2sf) =	vpush v1, $0x8;
	_ =	sdelay $0xe  }
0x1ed: {  	s21 =	spop (v2sf)  }
0x1ee: {  	(xrf2) =	vadd.scan.msk.f32 $0xffff, v15;
	s21 =	ssub.s32 s21, s4  }
0x1ef: {  	(xrf2) =	vadd.scan.msk.f32 $0xffff, v18;
	p0 =	sgt.s32 s21, $0x0  }
0x1f0: {  	s21 =	simm.s32 @!p0 $0x0  }
0x1f1: {  	s21 =	smin.u32 s21, $0x400  }
0x1f2: {  	s23 =	sadd.s32 $0xF, s21  }
0x1f3: {  	s22 =	sshrl.u32 s20, $0x4;
	s23 =	sshrl.u32 s23, $0x4  }
0x1f4: {  	p0 =	sle.u32 s23, s22  }
.Ltmp31:
0x1f5: {  	_ = 	snop;
	(pc) =	sbr.rel @p0 .LBB2_49-.Ltmp31, $3  }
0x1f6: {  	_ =	sdelay $0x1  }
0x1f7: {  	v14, _, _ =	vpop (xrf2)  }
0x1f8: {  	v19 =	vimm.f32 $0.0e+00;
	v15, _, _ =	vpop (xrf2);
	v18 =	vmov s21  }
0x1f9: {  	s20 =	sshll.u32 s22, $0x4  }
0x1fa: {  	s23 =	ssub.s32 s23, s22;
	s24 =	sor.u32 $0x8000, s20  }
0x1fb: {  	s22 =	sadd.s32 $0x8400, s20;
	p0 =	sne.s32 s23, $0x1;
	v17 =	vld [tilespmem:s24+$0x0]  }
.Ltmp32:
0x1fc: {  	v21 =	vld [tilespmem:s22+$0x0];
	(pc) =	sbr.rel @!p0 .LBB2_48-.Ltmp32, $4  }
0x1fd: {  	_ = 	snop  }
0x1fe: {  	v19 =	vor.u32 s20, v0  }
0x1ff: {  	vm1 =	vge.u32 v19, v16;
	vm15 =	vlt.u32 v19, v18  }
0x200: {  	v20 =	vimm.f32 $0.0e+00;
	s23 =	sadd.s32 $0xFFFFFFFF, s23;
	v19 =	vimm.f32 $0.0e+00;
	s24 =	sadd.s32 $0x10, s24;
	vm15 =	vmand vm1, vm15  }
.LBB2_47:
0x201: {  	v22 =	vnsel vm15, $0x0, v17;
	v17 =	vld [tilespmem:s24+$0x0];
	v23 =	vnsel vm15, $0x0, v21;
	s22 =	sadd.s32 $0x10, s22;
	p0 =	sne.s32 s23, $0x1  }
.Ltmp33:
0x202: {  	s23 =	sadd.s32 $0xFFFFFFFF, s23;
	v21 =	vld [tilespmem:s22+$0x0];
	v19 =	vadd.f32 v22, v19;
	v20 =	vadd.f32 v23, v20;
	(pc) =	sbr.rel @p0 .LBB2_47-.Ltmp33, $4  }
0x203: {  	s20 =	sadd.s32 $0x10, s20  }
0x204: {  	v22 =	vor.u32 s20, v0  }
0x205: {  	vm1 =	vge.u32 v22, v16;
	vm15 =	vlt.u32 v22, v18  }
0x206: {  	s24 =	sadd.s32 $0x10, s24;
	vm15 =	vmand vm1, vm15  }
.LBB2_48:
0x207: {  	v16 =	vnsel vm15, $0x0, v17;
	v21 =	vnsel vm15, $0x0, v21  }
0x208: {  	v17 =	vadd.f32 v16, v19;
	v19 =	vadd.f32 v21, v20  }
.LBB2_49:
0x209: {  	(v2sf) =	vpush v1, $0x9;
	_ =	sdelay $0xe  }
0x20a: {  	s20 =	spop (v2sf)  }
0x20b: {  	(xrf2) =	vadd.scan.msk.f32 $0xffff, v17;
	s20 =	ssub.s32 s20, s4  }
0x20c: {  	(xrf2) =	vadd.scan.msk.f32 $0xffff, v19;
	p0 =	sgt.s32 s20, $0x0  }
0x20d: {  	s20 =	simm.s32 @!p0 $0x0  }
0x20e: {  	s20 =	smin.u32 s20, $0x400  }
0x20f: {  	s23 =	sadd.s32 $0xF, s20  }
0x210: {  	s22 =	sshrl.u32 s21, $0x4;
	s23 =	sshrl.u32 s23, $0x4  }
0x211: {  	p0 =	sle.u32 s23, s22  }
.Ltmp34:
0x212: {  	_ = 	snop;
	(pc) =	sbr.rel @p0 .LBB2_53-.Ltmp34, $3  }
0x213: {  	_ =	sdelay $0x1  }
0x214: {  	v21 =	vimm.f32 $0.0e+00;
	v16, _, _ =	vpop (xrf2)  }
0x215: {  	v22 =	vimm.f32 $0.0e+00;
	v19 =	vimm.f32 $0.0e+00;
	v17, _, _ =	vpop (xrf2);
	v20 =	vmov s20  }
0x216: {  	s21 =	sshll.u32 s22, $0x4  }
0x217: {  	s23 =	ssub.s32 s23, s22;
	s24 =	sor.u32 $0x8000, s21  }
0x218: {  	s22 =	sadd.s32 $0x8400, s21;
	p0 =	sne.s32 s23, $0x1;
	v19 =	vld [tilespmem:s24+$0x0]  }
.Ltmp35:
0x219: {  	v24 =	vld [tilespmem:s22+$0x0];
	(pc) =	sbr.rel @!p0 .LBB2_52-.Ltmp35, $4  }
0x21a: {  	_ = 	snop  }
0x21b: {  	v22 =	vor.u32 s21, v0  }
0x21c: {  	vm1 =	vge.u32 v22, v18;
	vm15 =	vlt.u32 v22, v20  }
0x21d: {  	v23 =	vimm.f32 $0.0e+00;
	s23 =	sadd.s32 $0xFFFFFFFF, s23;
	v22 =	vimm.f32 $0.0e+00;
	s24 =	sadd.s32 $0x10, s24;
	vm15 =	vmand vm1, vm15  }
.LBB2_51:
0x21e: {  	v25 =	vnsel vm15, $0x0, v19;
	v19 =	vld [tilespmem:s24+$0x0];
	v26 =	vnsel vm15, $0x0, v24;
	s22 =	sadd.s32 $0x10, s22;
	p0 =	sne.s32 s23, $0x1  }
.Ltmp36:
0x21f: {  	s23 =	sadd.s32 $0xFFFFFFFF, s23;
	v24 =	vld [tilespmem:s22+$0x0];
	v22 =	vadd.f32 v25, v22;
	v23 =	vadd.f32 v26, v23;
	(pc) =	sbr.rel @p0 .LBB2_51-.Ltmp36, $4  }
0x220: {  	s21 =	sadd.s32 $0x10, s21  }
0x221: {  	v25 =	vor.u32 s21, v0  }
0x222: {  	vm1 =	vge.u32 v25, v18;
	vm15 =	vlt.u32 v25, v20  }
0x223: {  	s24 =	sadd.s32 $0x10, s24;
	vm15 =	vmand vm1, vm15  }
.LBB2_52:
0x224: {  	v18 =	vnsel vm15, $0x0, v19;
	v24 =	vnsel vm15, $0x0, v24  }
0x225: {  	v19 =	vadd.f32 v18, v22;
	v22 =	vadd.f32 v24, v23  }
.LBB2_53:
0x226: {  	(v2sf) =	vpush v1, $0xA;
	_ =	sdelay $0xe  }
0x227: {  	s21 =	spop (v2sf)  }
0x228: {  	(xrf2) =	vadd.scan.msk.f32 $0xffff, v19;
	s21 =	ssub.s32 s21, s4  }
0x229: {  	(xrf2) =	vadd.scan.msk.f32 $0xffff, v22;
	p0 =	sgt.s32 s21, $0x0  }
0x22a: {  	s21 =	simm.s32 @!p0 $0x0  }
0x22b: {  	s21 =	smin.u32 s21, $0x400  }
0x22c: {  	s23 =	sadd.s32 $0xF, s21  }
0x22d: {  	s22 =	sshrl.u32 s20, $0x4;
	s23 =	sshrl.u32 s23, $0x4  }
0x22e: {  	p0 =	sle.u32 s23, s22  }
.Ltmp37:
0x22f: {  	_ = 	snop;
	(pc) =	sbr.rel @p0 .LBB2_57-.Ltmp37, $3  }
0x230: {  	_ =	sdelay $0x1  }
0x231: {  	v18, _, _ =	vpop (xrf2)  }
0x232: {  	v23 =	vimm.f32 $0.0e+00;
	v19, _, _ =	vpop (xrf2);
	v22 =	vmov s21  }
0x233: {  	s20 =	sshll.u32 s22, $0x4  }
0x234: {  	s23 =	ssub.s32 s23, s22;
	s24 =	sor.u32 $0x8000, s20  }
0x235: {  	s22 =	sadd.s32 $0x8400, s20;
	p0 =	sne.s32 s23, $0x1;
	v21 =	vld [tilespmem:s24+$0x0]  }
.Ltmp38:
0x236: {  	v25 =	vld [tilespmem:s22+$0x0];
	(pc) =	sbr.rel @!p0 .LBB2_56-.Ltmp38, $4  }
0x237: {  	_ = 	snop  }
0x238: {  	v23 =	vor.u32 s20, v0  }
0x239: {  	vm1 =	vge.u32 v23, v20;
	vm15 =	vlt.u32 v23, v22  }
0x23a: {  	v24 =	vimm.f32 $0.0e+00;
	s23 =	sadd.s32 $0xFFFFFFFF, s23;
	v23 =	vimm.f32 $0.0e+00;
	s24 =	sadd.s32 $0x10, s24;
	vm15 =	vmand vm1, vm15  }
.LBB2_55:
0x23b: {  	v26 =	vnsel vm15, $0x0, v21;
	v21 =	vld [tilespmem:s24+$0x0];
	v27 =	vnsel vm15, $0x0, v25;
	s22 =	sadd.s32 $0x10, s22;
	p0 =	sne.s32 s23, $0x1  }
.Ltmp39:
0x23c: {  	s23 =	sadd.s32 $0xFFFFFFFF, s23;
	v25 =	vld [tilespmem:s22+$0x0];
	v23 =	vadd.f32 v26, v23;
	v24 =	vadd.f32 v27, v24;
	(pc) =	sbr.rel @p0 .LBB2_55-.Ltmp39, $4  }
0x23d: {  	s20 =	sadd.s32 $0x10, s20  }
0x23e: {  	v26 =	vor.u32 s20, v0  }
0x23f: {  	vm1 =	vge.u32 v26, v20;
	vm15 =	vlt.u32 v26, v22  }
0x240: {  	s24 =	sadd.s32 $0x10, s24;
	vm15 =	vmand vm1, vm15  }
.LBB2_56:
0x241: {  	v20 =	vnsel vm15, $0x0, v21;
	v25 =	vnsel vm15, $0x0, v25  }
0x242: {  	v21 =	vadd.f32 v20, v23;
	v23 =	vadd.f32 v25, v24  }
.LBB2_57:
0x243: {  	(v2sf) =	vpush v1, $0xB;
	_ =	sdelay $0xe  }
0x244: {  	s20 =	spop (v2sf)  }
0x245: {  	(xrf2) =	vadd.scan.msk.f32 $0xffff, v21;
	s20 =	ssub.s32 s20, s4  }
0x246: {  	(xrf2) =	vadd.scan.msk.f32 $0xffff, v23;
	p0 =	sgt.s32 s20, $0x0  }
0x247: {  	s20 =	simm.s32 @!p0 $0x0  }
0x248: {  	s20 =	smin.u32 s20, $0x400  }
0x249: {  	s23 =	sadd.s32 $0xF, s20  }
0x24a: {  	s22 =	sshrl.u32 s21, $0x4;
	s23 =	sshrl.u32 s23, $0x4  }
0x24b: {  	p0 =	sle.u32 s23, s22  }
.Ltmp40:
0x24c: {  	_ = 	snop;
	(pc) =	sbr.rel @p0 .LBB2_61-.Ltmp40, $3  }
0x24d: {  	_ =	sdelay $0x1  }
0x24e: {  	v25 =	vimm.f32 $0.0e+00;
	v20, _, _ =	vpop (xrf2)  }
0x24f: {  	v26 =	vimm.f32 $0.0e+00;
	v23 =	vimm.f32 $0.0e+00;
	v21, _, _ =	vpop (xrf2);
	v24 =	vmov s20  }
0x250: {  	s21 =	sshll.u32 s22, $0x4  }
0x251: {  	s23 =	ssub.s32 s23, s22;
	s24 =	sor.u32 $0x8000, s21  }
0x252: {  	s22 =	sadd.s32 $0x8400, s21;
	p0 =	sne.s32 s23, $0x1;
	v23 =	vld [tilespmem:s24+$0x0]  }
.Ltmp41:
0x253: {  	v28 =	vld [tilespmem:s22+$0x0];
	(pc) =	sbr.rel @!p0 .LBB2_60-.Ltmp41, $4  }
0x254: {  	_ = 	snop  }
0x255: {  	v26 =	vor.u32 s21, v0  }
0x256: {  	vm1 =	vge.u32 v26, v22;
	vm15 =	vlt.u32 v26, v24  }
0x257: {  	v27 =	vimm.f32 $0.0e+00;
	s23 =	sadd.s32 $0xFFFFFFFF, s23;
	v26 =	vimm.f32 $0.0e+00;
	s24 =	sadd.s32 $0x10, s24;
	vm15 =	vmand vm1, vm15  }
.LBB2_59:
0x258: {  	v29 =	vnsel vm15, $0x0, v23;
	v23 =	vld [tilespmem:s24+$0x0];
	v30 =	vnsel vm15, $0x0, v28;
	s22 =	sadd.s32 $0x10, s22;
	p0 =	sne.s32 s23, $0x1  }
.Ltmp42:
0x259: {  	s23 =	sadd.s32 $0xFFFFFFFF, s23;
	v28 =	vld [tilespmem:s22+$0x0];
	v26 =	vadd.f32 v29, v26;
	v27 =	vadd.f32 v30, v27;
	(pc) =	sbr.rel @p0 .LBB2_59-.Ltmp42, $4  }
0x25a: {  	s21 =	sadd.s32 $0x10, s21  }
0x25b: {  	v29 =	vor.u32 s21, v0  }
0x25c: {  	vm1 =	vge.u32 v29, v22;
	vm15 =	vlt.u32 v29, v24  }
0x25d: {  	s24 =	sadd.s32 $0x10, s24;
	vm15 =	vmand vm1, vm15  }
.LBB2_60:
0x25e: {  	v22 =	vnsel vm15, $0x0, v23;
	v28 =	vnsel vm15, $0x0, v28  }
0x25f: {  	v23 =	vadd.f32 v22, v26;
	v26 =	vadd.f32 v28, v27  }
.LBB2_61:
0x260: {  	(v2sf) =	vpush v1, $0xC;
	_ =	sdelay $0xe  }
0x261: {  	s21 =	spop (v2sf)  }
0x262: {  	(xrf2) =	vadd.scan.msk.f32 $0xffff, v23;
	s21 =	ssub.s32 s21, s4  }
0x263: {  	(xrf2) =	vadd.scan.msk.f32 $0xffff, v26;
	p0 =	sgt.s32 s21, $0x0  }
0x264: {  	s21 =	simm.s32 @!p0 $0x0  }
0x265: {  	s21 =	smin.u32 s21, $0x400  }
0x266: {  	s23 =	sadd.s32 $0xF, s21  }
0x267: {  	s22 =	sshrl.u32 s20, $0x4;
	s23 =	sshrl.u32 s23, $0x4  }
0x268: {  	p0 =	sle.u32 s23, s22  }
.Ltmp43:
0x269: {  	_ = 	snop;
	(pc) =	sbr.rel @p0 .LBB2_65-.Ltmp43, $3  }
0x26a: {  	_ =	sdelay $0x1  }
0x26b: {  	v22, _, _ =	vpop (xrf2)  }
0x26c: {  	v27 =	vimm.f32 $0.0e+00;
	v23, _, _ =	vpop (xrf2);
	v26 =	vmov s21  }
0x26d: {  	s20 =	sshll.u32 s22, $0x4  }
0x26e: {  	s23 =	ssub.s32 s23, s22;
	s24 =	sor.u32 $0x8000, s20  }
0x26f: {  	s22 =	sadd.s32 $0x8400, s20;
	p0 =	sne.s32 s23, $0x1;
	v25 =	vld [tilespmem:s24+$0x0]  }
.Ltmp44:
0x270: {  	v29 =	vld [tilespmem:s22+$0x0];
	(pc) =	sbr.rel @!p0 .LBB2_64-.Ltmp44, $4  }
0x271: {  	_ = 	snop  }
0x272: {  	v27 =	vor.u32 s20, v0  }
0x273: {  	vm1 =	vge.u32 v27, v24;
	vm15 =	vlt.u32 v27, v26  }
0x274: {  	v28 =	vimm.f32 $0.0e+00;
	s23 =	sadd.s32 $0xFFFFFFFF, s23;
	v27 =	vimm.f32 $0.0e+00;
	s24 =	sadd.s32 $0x10, s24;
	vm15 =	vmand vm1, vm15  }
.LBB2_63:
0x275: {  	v30 =	vnsel vm15, $0x0, v25;
	v25 =	vld [tilespmem:s24+$0x0];
	v31 =	vnsel vm15, $0x0, v29;
	s22 =	sadd.s32 $0x10, s22;
	p0 =	sne.s32 s23, $0x1  }
.Ltmp45:
0x276: {  	s23 =	sadd.s32 $0xFFFFFFFF, s23;
	v29 =	vld [tilespmem:s22+$0x0];
	v27 =	vadd.f32 v30, v27;
	v28 =	vadd.f32 v31, v28;
	(pc) =	sbr.rel @p0 .LBB2_63-.Ltmp45, $4  }
0x277: {  	s20 =	sadd.s32 $0x10, s20  }
0x278: {  	v30 =	vor.u32 s20, v0  }
0x279: {  	vm1 =	vge.u32 v30, v24;
	vm15 =	vlt.u32 v30, v26  }
0x27a: {  	s24 =	sadd.s32 $0x10, s24;
	vm15 =	vmand vm1, vm15  }
.LBB2_64:
0x27b: {  	v24 =	vnsel vm15, $0x0, v25;
	v29 =	vnsel vm15, $0x0, v29  }
0x27c: {  	v25 =	vadd.f32 v24, v27;
	v27 =	vadd.f32 v29, v28  }
.LBB2_65:
0x27d: {  	(v2sf) =	vpush v1, $0xD;
	_ =	sdelay $0xe  }
0x27e: {  	s20 =	spop (v2sf)  }
0x27f: {  	(xrf2) =	vadd.scan.msk.f32 $0xffff, v25;
	s20 =	ssub.s32 s20, s4  }
0x280: {  	(xrf2) =	vadd.scan.msk.f32 $0xffff, v27;
	p0 =	sgt.s32 s20, $0x0  }
0x281: {  	s20 =	simm.s32 @!p0 $0x0  }
0x282: {  	s20 =	smin.u32 s20, $0x400  }
0x283: {  	s23 =	sadd.s32 $0xF, s20  }
0x284: {  	s22 =	sshrl.u32 s21, $0x4;
	s23 =	sshrl.u32 s23, $0x4  }
0x285: {  	p0 =	sle.u32 s23, s22  }
.Ltmp46:
0x286: {  	_ = 	snop;
	(pc) =	sbr.rel @p0 .LBB2_69-.Ltmp46, $3  }
0x287: {  	_ =	sdelay $0x1  }
0x288: {  	v30 =	vimm.f32 $0.0e+00;
	v24, _, _ =	vpop (xrf2)  }
0x289: {  	v29 =	vimm.f32 $0.0e+00;
	v27 =	vimm.f32 $0.0e+00;
	v25, _, _ =	vpop (xrf2);
	v28 =	vmov s20  }
0x28a: {  	s21 =	sshll.u32 s22, $0x4  }
0x28b: {  	s23 =	ssub.s32 s23, s22;
	s24 =	sor.u32 $0x8000, s21  }
0x28c: {  	s22 =	sadd.s32 $0x8400, s21;
	p0 =	sne.s32 s23, $0x1;
	v27 =	vld [tilespmem:s24+$0x0]  }
.Ltmp47:
0x28d: {  	v32 =	vld [tilespmem:s22+$0x0];
	(pc) =	sbr.rel @!p0 .LBB2_68-.Ltmp47, $4  }
0x28e: {  	_ = 	snop  }
0x28f: {  	v29 =	vor.u32 s21, v0  }
0x290: {  	vm1 =	vge.u32 v29, v26;
	vm15 =	vlt.u32 v29, v28  }
0x291: {  	v31 =	vimm.f32 $0.0e+00;
	s23 =	sadd.s32 $0xFFFFFFFF, s23;
	v29 =	vimm.f32 $0.0e+00;
	s24 =	sadd.s32 $0x10, s24;
	vm15 =	vmand vm1, vm15  }
.LBB2_67:
0x292: {  	v33 =	vnsel vm15, $0x0, v27;
	v27 =	vld [tilespmem:s24+$0x0];
	v34 =	vnsel vm15, $0x0, v32;
	s22 =	sadd.s32 $0x10, s22;
	p0 =	sne.s32 s23, $0x1  }
.Ltmp48:
0x293: {  	s23 =	sadd.s32 $0xFFFFFFFF, s23;
	v32 =	vld [tilespmem:s22+$0x0];
	v29 =	vadd.f32 v33, v29;
	v31 =	vadd.f32 v34, v31;
	(pc) =	sbr.rel @p0 .LBB2_67-.Ltmp48, $4  }
0x294: {  	s21 =	sadd.s32 $0x10, s21  }
0x295: {  	v33 =	vor.u32 s21, v0  }
0x296: {  	vm1 =	vge.u32 v33, v26;
	vm15 =	vlt.u32 v33, v28  }
0x297: {  	s24 =	sadd.s32 $0x10, s24;
	vm15 =	vmand vm1, vm15  }
.LBB2_68:
0x298: {  	v26 =	vnsel vm15, $0x0, v27;
	v32 =	vnsel vm15, $0x0, v32  }
0x299: {  	v27 =	vadd.f32 v26, v29;
	v29 =	vadd.f32 v32, v31  }
.LBB2_69:
0x29a: {  	(v2sf) =	vpush v1, $0xE;
	_ =	sdelay $0xe  }
0x29b: {  	s21 =	spop (v2sf)  }
0x29c: {  	(xrf2) =	vadd.scan.msk.f32 $0xffff, v27;
	s21 =	ssub.s32 s21, s4  }
0x29d: {  	(xrf2) =	vadd.scan.msk.f32 $0xffff, v29;
	p0 =	sgt.s32 s21, $0x0  }
0x29e: {  	s21 =	simm.s32 @!p0 $0x0  }
0x29f: {  	s21 =	smin.u32 s21, $0x400  }
0x2a0: {  	s23 =	sadd.s32 $0xF, s21  }
0x2a1: {  	s22 =	sshrl.u32 s20, $0x4;
	s23 =	sshrl.u32 s23, $0x4  }
0x2a2: {  	p0 =	sle.u32 s23, s22  }
.Ltmp49:
0x2a3: {  	_ = 	snop;
	(pc) =	sbr.rel @p0 .LBB2_73-.Ltmp49, $3  }
0x2a4: {  	_ =	sdelay $0x1  }
0x2a5: {  	v27, _, _ =	vpop (xrf2)  }
0x2a6: {  	v31 =	vimm.f32 $0.0e+00;
	v26, _, _ =	vpop (xrf2);
	v29 =	vmov s21  }
0x2a7: {  	s20 =	sshll.u32 s22, $0x4  }
0x2a8: {  	s23 =	ssub.s32 s23, s22;
	s24 =	sor.u32 $0x8000, s20  }
0x2a9: {  	s22 =	sadd.s32 $0x8400, s20;
	p0 =	sne.s32 s23, $0x1;
	v30 =	vld [tilespmem:s24+$0x0]  }
.Ltmp50:
0x2aa: {  	v33 =	vld [tilespmem:s22+$0x0];
	(pc) =	sbr.rel @!p0 .LBB2_72-.Ltmp50, $4  }
0x2ab: {  	_ = 	snop  }
0x2ac: {  	v31 =	vor.u32 s20, v0  }
0x2ad: {  	vm1 =	vge.u32 v31, v28;
	vm15 =	vlt.u32 v31, v29  }
0x2ae: {  	v32 =	vimm.f32 $0.0e+00;
	s23 =	sadd.s32 $0xFFFFFFFF, s23;
	v31 =	vimm.f32 $0.0e+00;
	s24 =	sadd.s32 $0x10, s24;
	vm15 =	vmand vm1, vm15  }
.LBB2_71:
0x2af: {  	v34 =	vnsel vm15, $0x0, v30;
	v30 =	vld [tilespmem:s24+$0x0];
	v35 =	vnsel vm15, $0x0, v33;
	s22 =	sadd.s32 $0x10, s22;
	p0 =	sne.s32 s23, $0x1  }
.Ltmp51:
0x2b0: {  	s23 =	sadd.s32 $0xFFFFFFFF, s23;
	v33 =	vld [tilespmem:s22+$0x0];
	v31 =	vadd.f32 v34, v31;
	v32 =	vadd.f32 v35, v32;
	(pc) =	sbr.rel @p0 .LBB2_71-.Ltmp51, $4  }
0x2b1: {  	s20 =	sadd.s32 $0x10, s20  }
0x2b2: {  	v34 =	vor.u32 s20, v0  }
0x2b3: {  	vm1 =	vge.u32 v34, v28;
	vm15 =	vlt.u32 v34, v29  }
0x2b4: {  	s24 =	sadd.s32 $0x10, s24;
	vm15 =	vmand vm1, vm15  }
.LBB2_72:
0x2b5: {  	v28 =	vnsel vm15, $0x0, v30;
	v33 =	vnsel vm15, $0x0, v33  }
0x2b6: {  	v30 =	vadd.f32 v28, v31;
	v31 =	vadd.f32 v33, v32  }
.LBB2_73:
0x2b7: {  	(v2sf) =	vpush v1, $0xF;
	_ =	sdelay $0xe  }
0x2b8: {  	s20 =	spop (v2sf)  }
0x2b9: {  	(xrf2) =	vadd.scan.msk.f32 $0xffff, v30;
	s22 =	ssub.s32 s20, s4  }
0x2ba: {  	(xrf2) =	vadd.scan.msk.f32 $0xffff, v31;
	p0 =	sgt.s32 s22, $0x0;
	s20 =	smov.u32 s22  }
0x2bb: {  	s20 =	simm.s32 @!p0 $0x0  }
0x2bc: {  	s20 =	smin.u32 s20, $0x400  }
0x2bd: {  	s24 =	sadd.s32 $0xF, s20  }
0x2be: {  	s23 =	sshrl.u32 s21, $0x4;
	s24 =	sshrl.u32 s24, $0x4  }
0x2bf: {  	p0 =	sle.u32 s24, s23  }
.Ltmp52:
0x2c0: {  	_ = 	snop;
	(pc) =	sbr.rel @p0 .LBB2_77-.Ltmp52, $3  }
0x2c1: {  	_ =	sdelay $0x1  }
0x2c2: {  	v33 =	vimm.f32 $0.0e+00;
	v1, _, _ =	vpop (xrf2)  }
0x2c3: {  	v30 =	vimm.f32 $0.0e+00;
	v31 =	vimm.f32 $0.0e+00;
	v28, _, _ =	vpop (xrf2);
	v32 =	vmov s20  }
0x2c4: {  	s21 =	sshll.u32 s23, $0x4  }
0x2c5: {  	s24 =	ssub.s32 s24, s23;
	s25 =	sor.u32 $0x8000, s21  }
0x2c6: {  	s23 =	sadd.s32 $0x8400, s21;
	p0 =	sne.s32 s24, $0x1;
	v30 =	vld [tilespmem:s25+$0x0]  }
.Ltmp53:
0x2c7: {  	v35 =	vld [tilespmem:s23+$0x0];
	(pc) =	sbr.rel @!p0 .LBB2_76-.Ltmp53, $4  }
0x2c8: {  	_ = 	snop  }
0x2c9: {  	v33 =	vor.u32 s21, v0  }
0x2ca: {  	vm1 =	vge.u32 v33, v29;
	vm15 =	vlt.u32 v33, v32  }
0x2cb: {  	v34 =	vimm.f32 $0.0e+00;
	s24 =	sadd.s32 $0xFFFFFFFF, s24;
	v33 =	vimm.f32 $0.0e+00;
	s25 =	sadd.s32 $0x10, s25;
	vm15 =	vmand vm1, vm15  }
.LBB2_75:
0x2cc: {  	v36 =	vnsel vm15, $0x0, v30;
	v30 =	vld [tilespmem:s25+$0x0];
	v37 =	vnsel vm15, $0x0, v35;
	s23 =	sadd.s32 $0x10, s23;
	p0 =	sne.s32 s24, $0x1  }
.Ltmp54:
0x2cd: {  	s24 =	sadd.s32 $0xFFFFFFFF, s24;
	v35 =	vld [tilespmem:s23+$0x0];
	v33 =	vadd.f32 v36, v33;
	v34 =	vadd.f32 v37, v34;
	(pc) =	sbr.rel @p0 .LBB2_75-.Ltmp54, $4  }
0x2ce: {  	s21 =	sadd.s32 $0x10, s21  }
0x2cf: {  	v36 =	vor.u32 s21, v0  }
0x2d0: {  	vm1 =	vge.u32 v36, v29;
	vm15 =	vlt.u32 v36, v32  }
0x2d1: {  	s25 =	sadd.s32 $0x10, s25;
	vm15 =	vmand vm1, vm15  }
.LBB2_76:
0x2d2: {  	v29 =	vnsel vm15, $0x0, v30;
	v35 =	vnsel vm15, $0x0, v35  }
0x2d3: {  	v30 =	vadd.f32 v29, v33;
	v33 =	vadd.f32 v35, v34  }
.LBB2_77:
0x2d4: {  	_ = 	snop  }
0x2d5: {  	(xrf2) =	vadd.scan.msk.f32 $0xffff, v30  }
0x2d6: {  	(xrf2) =	vadd.scan.msk.f32 $0xffff, v33;
	_ =	sdelay $0x4  }
0x2d7: {  	p0 =	sgt.s32 s22, $0x3FF  }
.Ltmp55:
0x2d8: {  	_ = 	snop;
	(pc) =	sbr.rel @p0 .LBB2_81-.Ltmp55, $3  }
0x2d9: {  	_ =	sdelay $0x1  }
0x2da: {  	v29, _, _ =	vpop (xrf2)  }
0x2db: {  	v33 =	vimm.f32 $0.0e+00;
	v30, _, _ =	vpop (xrf2)  }
0x2dc: {  	s21 =	sshrl.u32 s20, $0x4  }
0x2dd: {  	s22 =	smax.u32 s21, $0x3F  }
0x2de: {  	s20 =	sand.u32 $0x7F0, s20;
	s21 =	ssub.s32 s22, s21  }
0x2df: {  	s23 =	sor.u32 $0x8000, s20;
	s22 =	sadd.s32 $0x1, s21  }
0x2e0: {  	v31 =	vld [tilespmem:s23+$0x0];
	s21 =	sadd.s32 $0x8400, s20;
	p0 =	sne.s32 s22, $0x1  }
.Ltmp56:
0x2e1: {  	v35 =	vld [tilespmem:s21+$0x0];
	(pc) =	sbr.rel @!p0 .LBB2_80-.Ltmp56, $4  }
0x2e2: {  	_ = 	snop  }
0x2e3: {  	v33 =	vmov s20;
	v34 =	vor.u32 s20, v0  }
0x2e4: {  	vm1 =	vge.u32 v34, v32;
	vm15 =	vlt.u32 v33, $0x400  }
0x2e5: {  	v33 =	vimm.f32 $0.0e+00;
	s23 =	sadd.s32 $0x10, s23;
	v34 =	vimm.f32 $0.0e+00;
	vm15 =	vmand vm15, vm1;
	s22 =	sadd.s32 $0xFFFFFFFF, s22  }
.LBB2_79:
0x2e6: {  	v36 =	vnsel vm15, $0x0, v31;
	v31 =	vld [tilespmem:s23+$0x0];
	v37 =	vnsel vm15, $0x0, v35;
	s21 =	sadd.s32 $0x10, s21;
	p0 =	sne.s32 s22, $0x1  }
.Ltmp57:
0x2e7: {  	s22 =	sadd.s32 $0xFFFFFFFF, s22;
	v35 =	vld [tilespmem:s21+$0x0];
	v33 =	vadd.f32 v36, v33;
	v34 =	vadd.f32 v37, v34;
	(pc) =	sbr.rel @p0 .LBB2_79-.Ltmp57, $4  }
0x2e8: {  	s20 =	sadd.s32 $0x10, s20  }
0x2e9: {  	v36 =	vmov s20;
	v37 =	vor.u32 s20, v0  }
0x2ea: {  	vm1 =	vge.u32 v37, v32;
	vm15 =	vlt.u32 v36, $0x400  }
0x2eb: {  	s23 =	sadd.s32 $0x10, s23;
	vm15 =	vmand vm15, vm1  }
.Ltmp58:
0x2ec: {  	_ = 	snop;
	(pc) =	sbr.rel .LBB2_80-.Ltmp58, $1  }
0x2ed: {  	_ =	sdelay $0x3  }
.LBB2_82:
0x2ee: {  	_ =	sfence.sel $0x180000  }
0x2ef: {  	[bflag:$0x0] =	sbarrier.arrive $0xFFFF  }
0x2f0: {  	p0 =	sne.s32 s2, $0x0;
	_ =	strace $0x90000047  }
0x2f1: {  	s0 =	sadd.s32 @!p0 $0x100000, s0;
	[bflag:$0x2] =	sbarrier.arrive $0xFFFF  }
0x2f2: {  	[sflag:s0] =	ssyncadd.tile.s32 @!p0 $0x1;
	_ =	shalt  }
.Lfunc_end2:
_tile_overlayer_lowered:
.L_overlay_start_2:
0x2f3: {  	(tag) =	ssettag $0x2  }
0x2f4: {  	s0 =	rddreg [dreg:$0x0];
	s2 =	stileid.u32  }
0x2f5: {  	s1 =	rddreg [dreg:$0x1];
	p0 =	sne.s32 s2, $0x0  }
0x2f6: {  	s3 =	rddreg [dreg:$0x2];
	[bflag:$0x3] =	sbarrier.arrive $0xFFFF;
	s2 =	simm.s32 @!p0 $0x1C03  }
0x2f7: {  	[timem:s3], [sflag:s2] =	dma.local @!p0 [hbm:s0], s1  }
0x2f8: {  	s0 =	simm.s32 @!p0 $0x3  }
0x2f9: {  	_ =	swait.ge @!p0 [sflag:s0], s1  }
0x2fa: {  	s1 =	ssub.s32 @!p0 $0x0, s1;
	[sflag:s0] =	ssyncset.done @!p0 $0x0  }
0x2fb: {  	[sflag:s0] =	ssyncadd.s32 @!p0 s1  }
0x2fc: {  	[bflag:$0x3] =	sbarrier.arrive $0xFFFF  }
0x2fd: {  	_ =	shalt  }

// kernel: kernel.7.cloned.1.call-start
scs
__scs_entry_jumppad:
0x0: {  	(pc) =	sbr.rel $0x88, $3  }
0x1: {  	(tag) =	ssettag $0x0;
	lr =	simm.s32 $0x1  }
0x2: {  	[smem:$0x3F9F] =	sst lr;
	_ =	strace $0xD0000000  }
0x3: {  	_ = 	snop  }
0x4: {  	_ = 	snop  }
0x5: {  	_ = 	snop  }
0x6: {  	_ = 	snop  }
0x7: {  	_ = 	snop  }
__scs_overlays_trampoline_lowered:
0x8: {  	[smem:$0x3FAE] =	sst s0  }
0x9: {  	[smem:$0x3FAF] =	sst s1  }
0xa: {  	[smem:$0x3FB0] =	sst s2  }
0xb: {  	[smem:$0x3FB1] =	sst s3  }
0xc: {  	[smem:$0x3FB2] =	sst s4  }
0xd: {  	[smem:$0x3FB3] =	sst s5  }
0xe: {  	[smem:$0x3FB4] =	sst s6  }
0xf: {  	[smem:$0x3FB5] =	sst s7  }
0x10: {  	[smem:$0x3FB6] =	sst s8  }
0x11: {  	[smem:$0x3FB7] =	sst s9;
	s0 =	simm.s32 @!p0 $0x0  }
0x12: {  	s1 =	sld [smem:$0x3F9D];
	s0 =	simm.s32 @p0 $0x1  }
0x13: {  	[smem:$0x3FB8] =	sst s0;
	s0 =	simm.s32 @!p1 $0x0  }
0x14: {  	s2 =	sld [smem:$0x3F9C];
	s0 =	simm.s32 @p1 $0x1  }
0x15: {  	[smem:$0x3FB9] =	sst s0;
	s0 =	simm.s32 @!p2 $0x0  }
0x16: {  	s3 =	sld [smem:$0x3FDB];
	s0 =	simm.s32 @p2 $0x1  }
0x17: {  	s4 =	simm.s32 $0x1BF5;
	[smem:$0x3FBB] =	sst s0  }
0x18: {  	s0 =	sld [smem:$0x3F9E];
	_ =	swait.ge [sflag:s4], $0x0  }
0x19: {  	s7 =	sld [smem:$0x3F9F]  }
0x1a: {  	s8 =	sadd.s32 $0xFFFFE003, lr  }
0x1b: {  	s9 =	sadd.s32 $0xFFFFFEF7, lr;
	s5 =	simm.s32 $0xFFFFFFFF;
	p2 =	slt.u32 s8, $0xFFFFF086  }
0x1c: {  	p1 =	slt.u32 s9, $0xF7A;
	s5 =	simm.s32 @!p2 $0x0  }
0x1d: {  	s5 =	simm.s32 @p1 $0x1;
	p0 =	seq.s32 s7, s2  }
0x1e: {  	s7 =	smul.u32 @!p0 $0xF7A, s2;
	p2 =	seq.s32 @!p0 s5, $0x0  }
0x1f: {  	s9 =	smul.u32 $0xF7A, s1;
	s8 =	simm.s32 @!p0 $0x1BF5;
	p2 =	por !p2, p0  }
0x20: {  	[sflag:s8] =	ssyncset.s32 @!p0 $0xFFFFF086;
	s6 =	sadd.s32 @!p0 s3, s7;
	s7 =	simm.s32 @!p0 $0x108  }
0x21: {  	s3 =	sadd.s32 s3, s9;
	s6 =	sadd.s32 @!p0 $0x88, s6;
	s7 =	simm.s32 @p2 $0x1082  }
0x22: {  	[simem:s7], [sflag:s8] =	dma.local @!p0 [hbm:s6], $0xF7A  }
0x23: {  	s9 =	sor.u32 $0xD0000000, s2;
	s6 =	simm.s32 $0x108;
	_ =	swait.ge @!p0 [sflag:s8], $0x0  }
0x24: {  	s3 =	sadd.s32 $0x88, s3;
	s6 =	simm.s32 @!p1 $0x1082;
	[sflag:s4] =	ssyncset.s32 $0xFFFFF086  }
0x25: {  	[simem:s6], [sflag:s4] =	dma.local [hbm:s3], $0xF7A  }
0x26: {  	[smem:$0x3F9F] =	sst s1;
	(tag) =	ssettag s2;
	_ =	strace s9  }
0x27: {  	s1 =	sld [smem:$0x3FAF]  }
0x28: {  	s2 =	sld [smem:$0x3FB0]  }
0x29: {  	s4 =	sld [smem:$0x3FB2]  }
0x2a: {  	p0 =	seq.s32 s5, $0x0;
	s5 =	sld [smem:$0x3FB3]  }
0x2b: {  	s6 =	sld [smem:$0x3FB4]  }
0x2c: {  	s7 =	sld [smem:$0x3FB5]  }
0x2d: {  	s3 =	simm.s32 $0x108;
	s8 =	sld [smem:$0x3FB6]  }
0x2e: {  	s3 =	simm.s32 @!p0 $0x1082;
	s9 =	sld [smem:$0x3FB7]  }
0x2f: {  	lr =	sadd.s32 s0, s3;
	s0 =	sld [smem:$0x3FAE]  }
0x30: {  	s3 =	sld [smem:$0x3FB1]  }
0x31: {  	[smem:$0x3FBA] =	sst s10  }
0x32: {  	s10 =	sld [smem:$0x3FB8];
	_ =	sdelay $0x3  }
0x33: {  	p0 =	seq.s32 s10, $0x1;
	s10 =	sld [smem:$0x3FBA];
	_ =	sdelay $0x3  }
0x34: {  	[smem:$0x3FBA] =	sst s10  }
0x35: {  	s10 =	sld [smem:$0x3FB9];
	_ =	sdelay $0x3  }
0x36: {  	p1 =	seq.s32 s10, $0x1;
	s10 =	sld [smem:$0x3FBA];
	_ =	sdelay $0x3  }
0x37: {  	[smem:$0x3FBA] =	sst s10  }
0x38: {  	s10 =	sld [smem:$0x3FBB]  }
0x39: {  	_ = 	snop;
	(pc) =	sbr.ind lr, $3  }
0x3a: {  	_ = 	snop  }
0x3b: {  	_ = 	snop  }
0x3c: {  	p2 =	seq.s32 s10, $0x1;
	s10 =	sld [smem:$0x3FBA]  }
0x3d: {  	_ =	shalt  }
0x3e: {  	_ =	shalt  }
0x3f: {  	_ =	shalt  }
0x40: {  	_ =	shalt  }
0x41: {  	_ =	shalt  }
0x42: {  	_ =	shalt  }
0x43: {  	_ =	shalt  }
0x44: {  	_ =	shalt  }
0x45: {  	_ =	shalt  }
0x46: {  	_ =	shalt  }
0x47: {  	_ =	shalt  }
0x48: {  	_ =	shalt  }
0x49: {  	_ =	shalt  }
0x4a: {  	_ =	shalt  }
0x4b: {  	_ =	shalt  }
0x4c: {  	_ =	shalt  }
0x4d: {  	_ =	shalt  }
0x4e: {  	_ =	shalt  }
0x4f: {  	_ =	shalt  }
0x50: {  	_ =	shalt  }
0x51: {  	_ =	shalt  }
0x52: {  	_ =	shalt  }
0x53: {  	_ =	shalt  }
0x54: {  	_ =	shalt  }
0x55: {  	_ =	shalt  }
0x56: {  	_ =	shalt  }
0x57: {  	_ =	shalt  }
0x58: {  	_ =	shalt  }
0x59: {  	_ =	shalt  }
0x5a: {  	_ =	shalt  }
0x5b: {  	_ =	shalt  }
0x5c: {  	_ =	shalt  }
0x5d: {  	_ =	shalt  }
0x5e: {  	_ =	shalt  }
0x5f: {  	_ =	shalt  }
0x60: {  	_ =	shalt  }
0x61: {  	_ =	shalt  }
0x62: {  	_ =	shalt  }
0x63: {  	_ =	shalt  }
0x64: {  	_ =	shalt  }
0x65: {  	_ =	shalt  }
0x66: {  	_ =	shalt  }
0x67: {  	_ =	shalt  }
0x68: {  	_ =	shalt  }
0x69: {  	_ =	shalt  }
0x6a: {  	_ =	shalt  }
0x6b: {  	_ =	shalt  }
0x6c: {  	_ =	shalt  }
0x6d: {  	_ =	shalt  }
0x6e: {  	_ =	shalt  }
0x6f: {  	_ =	shalt  }
0x70: {  	_ =	shalt  }
0x71: {  	_ =	shalt  }
0x72: {  	_ =	shalt  }
0x73: {  	_ =	shalt  }
0x74: {  	_ =	shalt  }
0x75: {  	_ =	shalt  }
0x76: {  	_ =	shalt  }
0x77: {  	_ =	shalt  }
0x78: {  	_ =	shalt  }
0x79: {  	_ =	shalt  }
0x7a: {  	_ =	shalt  }
0x7b: {  	_ =	shalt  }
0x7c: {  	_ =	shalt  }
0x7d: {  	_ =	shalt  }
0x7e: {  	_ =	shalt  }
0x7f: {  	_ =	shalt  }
0x80: {  	_ =	shalt  }
0x81: {  	_ =	shalt  }
0x82: {  	_ =	shalt  }
0x83: {  	_ =	shalt  }
0x84: {  	_ =	shalt  }
0x85: {  	_ =	shalt  }
0x86: {  	_ =	shalt  }
0x87: {  	_ =	shalt  }
.Lfunc_end0:
.L_simem_size_0:
called_computation.1_lowered:
.L_overlay_start_0:
0x88: {  	s2 =	sld [smem:$0x3FD9]  }
0x89: {  	s3 =	sld [smem:$0x3FFE];
	_ =	sdelay $0x1  }
0x8a: {  	s1 =	srdreg.scid  }
0x8b: {  	s0 =	sand.u32 $0x1, s1  }
0x8c: {  	s17 =	sshll.u32 s0, $0xA;
	s2 =	sadd.s32 s3, s2  }
0x8d: {  	s2 =	sadd.s32 s2, s17  }
0x8e: {  	[smem:$0x3FC6] =	sst s2  }
0x8f: {  	_ = 	snop  }
0x90: {  	s2 =	sld [smem:$0x3FC9]  }
0x91: {  	s18 =	sld [smem:$0x3FC8]  }
0x92: {  	s4 =	sld [smem:$0x3FD0];
	(tm) =	ssettm $0x1  }
0x93: {  	s5 =	sld [smem:$0x3FFB];
	_ =	sdelay $0x3  }
0x94: {  	_ =	strace s5  }
0x95: {  	s5 =	sld [smem:$0x3FFC];
	_ =	sdelay $0x3  }
0x96: {  	_ =	strace s5  }
0x97: {  	s5 =	sld [smem:$0x3FFD];
	_ =	sdelay $0x3  }
0x98: {  	_ =	strace s5  }
0x99: {  	_ =	strace $0x8FFFFFFF  }
0x9a: {  	s19 =	sld [smem:$0x3FDB];
	_ =	sdelay $0x1  }
0x9b: {  	s6 =	simm.s32 $_scs_section_size  }
0x9c: {  	s7 =	simm.s32 $_size__tile_overlayer_lowered;
	s8 =	simm.s32 $_tile_overlayer_lowered  }
0x9d: {  	s22 =	simm.s32 $0x1BFF;
	s21 =	sshll.u32 s8, $0x1;
	s5 =	sadd.s32 s6, s19  }
0x9e: {  	s9 =	simm.s32 $0x0;
	s20 =	sshll.u32 s7, $0x1;
	s7 =	sadd.s32 s21, s5  }
0x9f: {  	[timem:s9], [sflag:s22] =	dma.local [hbm:s7], s20  }
0xa0: {  	_ =	swait.ge [sflag:s22], s20  }
0xa1: {  	s6 =	ssub.s32 $0x0, s20;
	[sflag:s22] =	ssyncset.done $0x0  }
0xa2: {  	[sflag:s22] =	ssyncadd.s32 s6;
	_ =	sdelay $0x1  }
0xa3: {  	s23 =	simm.s32 $0x1B8B  }
0xa4: {  	_ =	swait.ge [sflag:s23], $0x1  }
0xa5: {  	[sflag:s23] =	ssyncset.done $0x0  }
0xa6: {  	s25 =	simm.s32 $0x1B8E;
	s24 =	sld [smem:$0x3FFE];
	[sflag:s23] =	ssyncadd.s32 $0xFFFFFFFF  }
0xa7: {  	s26 =	simm.s32 $execute0_lowered;
	[smem:$0x3FD2] =	sst s25  }
0xa8: {  	s7 =	sshll.u32 s26, $0x1;
	_ =	strace $0x80000049;
	[dreg:$0x1] =	wrdreg $0xFFFFFFFF  }
0xa9: {  	s28 =	simm.s32 $_size_execute0_lowered;
	s5 =	sadd.s32 s5, s7;
	[dreg:$0x0] =	wrdreg $0x0  }
0xaa: {  	s7 =	sshll.u32 s28, $0x1;
	[dreg:$0x2] =	wrdreg s5  }
0xab: {  	[dreg:$0x3] =	wrdreg s7  }
0xac: {  	[dreg:$0x4] =	wrdreg $0xC0  }
0xad: {  	_ =	task [dreg:s9], $0x5FFFF  }
0xae: {  	[dreg:$0x1] =	wrdreg $0xFFFFFFFF  }
0xaf: {  	[dreg:$0x0] =	wrdreg $0x60  }
0xb0: {  	[dreg:$0x2] =	wrdreg s2  }
0xb1: {  	[dreg:$0x3] =	wrdreg s18  }
0xb2: {  	[dreg:$0x4] =	wrdreg s24  }
0xb3: {  	[dreg:$0x5] =	wrdreg s4  }
0xb4: {  	[dreg:$0x6] =	wrdreg $0x9  }
0xb5: {  	_ =	task.clear_ibuf [dreg:s9], $0x7FFFF;
	_ =	strace $0x90000049  }
0xb6: {  	s29 =	simm.s32 $0x9;
	_ =	strace $0x8000004B  }
0xb7: {  	_ =	swait.ge [sflag:s29], $0x1  }
0xb8: {  	[sflag:s29] =	ssyncadd.s32 $0xFFFFFFFF  }
0xb9: {  	_ =	strace $0x9000004B  }
0xba: {  	_ =	sfence  }
0xbb: {  	s30 =	sld [smem:$0x0];
	_ =	sdelay $0x2  }
0xbc: {  	s31 =	sshll.u32 s1, $0xD;
	s1 =	sshrl.u32 s1, $0x2  }
0xbd: {  	s3 =	sand.u32 $0x4000, s31;
	s1 =	sadd.s32 s1, s30  }
0xbe: {  	s0 =	sor.u32 s3, s0;
	s1 =	sshll.u32 s1, $0x11  }
0xbf: {  	s0 =	sor.u32 s1, s0  }
0xc0: {  	s0 =	sadd.s32 $0x8F2B, s0  }
0xc1: {  	[sflag:s0] =	ssyncadd.remote.s32 $0x1  }
0xc2: {  	_ =	sfence.sel $0xFFFF  }
0xc3: {  	[dreg:$0x0] =	wrdreg $0xFFFFFFFF;
	(pc) =	sbr.abs _section_cstart, $3  }
0xc4: {  	[dreg:$0x1] =	wrdreg $0xFFFFFFFF  }
0xc5: {  	_ =	task.clear_ibuf [dreg:s9], $0x2FFFF;
	_ =	strace $0x9FFFFFFF  }
0xc6: {  	(tm) =	ssettm $0x7FFFFFFF  }
0xc7: {  	_ =	shalt  }
tec
execute0_lowered:
.L_overlay_start_1:
0x0: {  	(tag) =	ssettag $0x1  }
0x1: {  	s0 =	rddreg [dreg:$0x0]  }
0x2: {  	s1 =	rddreg [dreg:$0x2]  }
0x3: {  	s2 =	rddreg [dreg:$0x3];
	s3 =	simm.s32 $0x0;
	s4 =	srdreg.scid  }
0x4: {  	s5 =	stileid.u32;
	s18 =	simm.s32 $0x800;
	s19 =	simm.s32 $0x40000  }
0x5: {  	s22 =	simm.s32 $0x7;
	s28 =	simm.s32 $0x2;
	s29 =	simm.s32 $0x3  }
0x6: {  	s30 =	simm.s32 $0x5;
	s31 =	simm.s32 $0x6;
	[smem:$0x7FF] =	sst s3  }
0x7: {  	s4 =	sand.u32 $0x1, s4;
	s5 =	sshll.u32 s5, $0xA;
	s1 =	sadd.s32 $0x800, s1  }
0x8: {  	_ =	strace $0x8000004A;
	s6 =	ssub.s32 $0x2, s4;
	s4 =	sshll.u32 s4, $0xE  }
0x9: {  	[dreg:$0x5] =	wrdreg s1;
	s25 =	sshrl.u32 s6, $0x1;
	s5 =	sor.u32 s5, s4  }
0xa: {  	v0 =	vlaneseq.u32;
	s1 =	ssub.s32 s6, s25;
	s4 =	sadd.s32 s0, s5;
	s7 =	sor.u32 $0x100, s5  }
0xb: {  	vm0 =	vcmask $0x704;
	vm1 =	vcmask $0x73C;
	vm2 =	vcmask $0xB3C;
	s9 =	sor.u32 $0x200, s5;
	s10 =	sor.u32 $0x300, s5;
	s12 =	sadd.s32 s2, s5  }
0xc: {  	vm3 =	vcmask $0xF3C;
	vm4 =	vcmask $0x133C;
	vm5 =	vcmask $0x173C;
	s25 =	simm.s32 $0x1;
	[dreg:$0x6] =	wrdreg s4;
	s26 =	sadd.s32 s0, s7  }
0xd: {  	vm6 =	vcmask $0x1B3C;
	vm7 =	vcmask $0x1F3C;
	vm8 =	vcmask $0x233C;
	s11 =	sadd.s32 s0, s9;
	s13 =	sadd.s32 s0, s10;
	s14 =	sadd.s32 s2, s7  }
0xe: {  	vm9 =	vcmask $0x273C;
	vm10 =	vcmask $0x2B3C;
	vm11 =	vcmask $0x2F3C;
	s15 =	sadd.s32 s2, s9;
	s16 =	sadd.s32 s2, s10;
	s17 =	smax.u32 s1, $0x1  }
0xf: {  	vm12 =	vcmask $0x333C;
	vm13 =	vcmask $0x373C;
	v1 =	vimm.s32 $0x0;
	s0 =	simm.s32 $0x0;
	[dreg:$0x7] =	wrdreg s26;
	s26 =	simm.s32 $0x4  }
.LBB2_1:
0x10: {  	s1 =	rddreg [dreg:$0x6]  }
0x11: {  	[tilespmem:s3], [sflag:$0x1] =	stream.strided.gather [hbm4b:s1+s18], $0x4000, s19, s18, $0x38;
	[tilespmem:$0xC480] =	vst v63  }
0x12: {  	s6 =	rddreg [dreg:$0x7];
	s2 =	simm.s32 $0x4000  }
0x13: {  	[tilespmem:s2], [sflag:$0x2] =	stream.strided.gather [hbm4b:s6+s18], $0x4000, s19, s18, $0x38;
	[tilespmem:$0xC480] =	vst v63  }
0x14: {  	s8 =	rddreg [dreg:$0x1];
	s20 =	simm.s32 $0xC000  }
0x15: {  	[tilespmem:s20], [sflag:$0x7] =	stream.linear.gather [hbm4b:s8+s3], $0x10, $0x38;
	[tilespmem:$0xC480] =	vst v63  }
0x16: {  	_ =	swait.ge [sflag:s22], $0x10  }
0x17: {  	[sflag:s22] =	ssyncset.done $0x0  }
0x18: {  	s23 =	simm.s32 $0xC080;
	s21 =	rddreg [dreg:$0x5];
	[sflag:s22] =	ssyncadd.s32 $0xFFFFFFF0  }
0x19: {  	[tilespmem:s23], [sflag:$0x7] =	stream.linear.gather [hbm4b:s21+s3], $0x400, $0x38;
	[tilespmem:$0xC480] =	vst v63  }
0x1a: {  	_ =	swait.ge [sflag:s22], $0x400  }
0x1b: {  	[sflag:s22] =	ssyncset.done $0x0  }
0x1c: {  	[sflag:s22] =	ssyncadd.s32 $0xFFFFFC00  }
0x1d: {  	v17 =	vld [tilespmem:$0xC000]  }
0x1e: {  	v2 =	vld [tilespmem:$0xC080]  }
0x1f: {  	v3 =	vld [tilespmem:$0xC090]  }
0x20: {  	v4 =	vld [tilespmem:$0xC0A0]  }
0x21: {  	v5 =	vld [tilespmem:$0xC0B0]  }
0x22: {  	v6 =	vld [tilespmem:$0xC0C0]  }
0x23: {  	v7 =	vld [tilespmem:$0xC0D0];
	v2 =	vadd.f32 $0.0e+00, v2  }
0x24: {  	v8 =	vld [tilespmem:$0xC0E0];
	v3 =	vadd.f32 $0.0e+00, v3  }
0x25: {  	v2 =	vadd.f32 v4, v2;
	v4 =	vld [tilespmem:$0xC0F0]  }
0x26: {  	v3 =	vadd.f32 v5, v3;
	v5 =	vld [tilespmem:$0xC100]  }
0x27: {  	v2 =	vadd.f32 v6, v2;
	v6 =	vld [tilespmem:$0xC110]  }
0x28: {  	v3 =	vadd.f32 v7, v3;
	v7 =	vld [tilespmem:$0xC120]  }
0x29: {  	v2 =	vadd.f32 v8, v2;
	v8 =	vld [tilespmem:$0xC130]  }
0x2a: {  	v3 =	vadd.f32 v4, v3;
	v4 =	vld [tilespmem:$0xC140]  }
0x2b: {  	v2 =	vadd.f32 v5, v2;
	v5 =	vld [tilespmem:$0xC150]  }
0x2c: {  	v3 =	vadd.f32 v6, v3;
	v6 =	vld [tilespmem:$0xC160]  }
0x2d: {  	v2 =	vadd.f32 v7, v2;
	v7 =	vld [tilespmem:$0xC170]  }
0x2e: {  	v3 =	vadd.f32 v8, v3;
	v8 =	vld [tilespmem:$0xC180]  }
0x2f: {  	v2 =	vadd.f32 v4, v2;
	v4 =	vld [tilespmem:$0xC190]  }
0x30: {  	v3 =	vadd.f32 v5, v3;
	v5 =	vld [tilespmem:$0xC1A0]  }
0x31: {  	v2 =	vadd.f32 v6, v2;
	v6 =	vld [tilespmem:$0xC1B0]  }
0x32: {  	v3 =	vadd.f32 v7, v3;
	v7 =	vld [tilespmem:$0xC1C0]  }
0x33: {  	v2 =	vadd.f32 v8, v2;
	v8 =	vld [tilespmem:$0xC1D0]  }
0x34: {  	v3 =	vadd.f32 v4, v3;
	v4 =	vld [tilespmem:$0xC1E0]  }
0x35: {  	v2 =	vadd.f32 v5, v2;
	v5 =	vld [tilespmem:$0xC1F0]  }
0x36: {  	v3 =	vadd.f32 v6, v3;
	v6 =	vld [tilespmem:$0xC200]  }
0x37: {  	v2 =	vadd.f32 v7, v2;
	v7 =	vld [tilespmem:$0xC210]  }
0x38: {  	v3 =	vadd.f32 v8, v3;
	v8 =	vld [tilespmem:$0xC220]  }
0x39: {  	v2 =	vadd.f32 v4, v2;
	v4 =	vld [tilespmem:$0xC230]  }
0x3a: {  	v3 =	vadd.f32 v5, v3;
	v5 =	vld [tilespmem:$0xC240]  }
0x3b: {  	v2 =	vadd.f32 v6, v2;
	v6 =	vld [tilespmem:$0xC250]  }
0x3c: {  	v3 =	vadd.f32 v7, v3;
	v7 =	vld [tilespmem:$0xC260]  }
0x3d: {  	v2 =	vadd.f32 v8, v2;
	v8 =	vld [tilespmem:$0xC270]  }
0x3e: {  	v3 =	vadd.f32 v4, v3;
	v4 =	vld [tilespmem:$0xC280]  }
0x3f: {  	v2 =	vadd.f32 v5, v2;
	v5 =	vld [tilespmem:$0xC290]  }
0x40: {  	v3 =	vadd.f32 v6, v3;
	v6 =	vld [tilespmem:$0xC2A0]  }
0x41: {  	v2 =	vadd.f32 v7, v2;
	v7 =	vld [tilespmem:$0xC2B0]  }
0x42: {  	v3 =	vadd.f32 v8, v3;
	v8 =	vld [tilespmem:$0xC2C0]  }
0x43: {  	v9 =	vld [tilespmem:$0xC2D0];
	v4 =	vadd.f32 v4, v2;
	v2 =	vbroadcast v17, $0x1  }
0x44: {  	vm14 =	veq.s32 v0, $0xF;
	v10 =	vld [tilespmem:$0xC2E0];
	v5 =	vadd.f32 v5, v3;
	v3 =	vbroadcast v17, $0x2  }
0x45: {  	v11 =	vld [tilespmem:$0xC2F0];
	v6 =	vadd.f32 v6, v4;
	v12 =	vsel vm14, $0x8000, v2;
	v4 =	vbroadcast v17, $0x3  }
0x46: {  	v13 =	vld [tilespmem:$0xC300];
	v7 =	vadd.f32 v7, v5;
	v12 =	vsel vm0, v3, v12;
	v5 =	vbroadcast v17, $0x4  }
0x47: {  	v14 =	vld [tilespmem:$0xC310];
	v8 =	vadd.f32 v8, v6;
	v12 =	vsel vm1, v12, v4;
	v6 =	vbroadcast v17, $0x5  }
0x48: {  	v15 =	vld [tilespmem:$0xC320];
	v9 =	vadd.f32 v9, v7;
	v12 =	vsel vm2, v12, v5;
	v7 =	vbroadcast v17, $0x6  }
0x49: {  	v16 =	vld [tilespmem:$0xC330];
	v10 =	vadd.f32 v10, v8;
	v12 =	vsel vm3, v12, v6;
	v8 =	vbroadcast v17, $0x7  }
0x4a: {  	v18 =	vld [tilespmem:$0xC340];
	v11 =	vadd.f32 v11, v9;
	v12 =	vsel vm4, v12, v7;
	v9 =	vbroadcast v17, $0x8  }
0x4b: {  	v19 =	vld [tilespmem:$0xC350];
	v13 =	vadd.f32 v13, v10;
	v12 =	vsel vm5, v12, v8;
	v10 =	vbroadcast v17, $0x9  }
0x4c: {  	v20 =	vld [tilespmem:$0xC360];
	v14 =	vadd.f32 v14, v11;
	v12 =	vsel vm6, v12, v9;
	v11 =	vbroadcast v17, $0xA  }
0x4d: {  	v21 =	vld [tilespmem:$0xC370];
	v15 =	vadd.f32 v15, v13;
	v13 =	vsel vm7, v12, v10;
	v12 =	vbroadcast v17, $0xB  }
0x4e: {  	v22 =	vld [tilespmem:$0xC380];
	v16 =	vadd.f32 v16, v14;
	v14 =	vsel vm8, v13, v11;
	v13 =	vbroadcast v17, $0xC  }
0x4f: {  	v23 =	vld [tilespmem:$0xC390];
	v18 =	vadd.f32 v18, v15;
	v15 =	vsel vm9, v14, v12;
	v14 =	vbroadcast v17, $0xD  }
0x50: {  	v24 =	vld [tilespmem:$0xC3A0];
	v19 =	vadd.f32 v19, v16;
	v16 =	vsel vm10, v15, v13;
	v15 =	vbroadcast v17, $0xE  }
0x51: {  	v18 =	vadd.f32 v20, v18;
	v20 =	vld [tilespmem:$0xC3B0];
	v25 =	vsel vm11, v16, v14;
	v16 =	vbroadcast v17, $0xF  }
0x52: {  	v26 =	vld [tilespmem:$0xC3C0];
	v25 =	vsel vm12, v25, v15;
	v19 =	vadd.f32 v21, v19  }
0x53: {  	v55 =	vld [tilespmem:$0xC3D0];
	v18 =	vadd.f32 v22, v18;
	v56 =	vsel vm13, v25, v16  }
0x54: {  	v57 =	vld [tilespmem:$0xC3E0];
	v17 =	vsub.s32 v56, v17;
	v19 =	vadd.f32 v23, v19  }
0x55: {  	v58 =	vld [tilespmem:$0xC3F0];
	v18 =	vadd.f32 v24, v18;
	v17 =	vcvt.s32.f32 v17  }
0x56: {  	v59 =	vld [tilespmem:$0xC400];
	v19 =	vadd.f32 v20, v19  }
0x57: {  	v20 =	vld [tilespmem:$0xC410];
	v18 =	vadd.f32 v26, v18;
	v17 =	vmul.f32 $6.400000000e+01, v17  }
0x58: {  	v60 =	vld [tilespmem:$0xC420];
	v19 =	vadd.f32 v55, v19  }
0x59: {  	v61 =	vld [tilespmem:$0xC430];
	v18 =	vadd.f32 v57, v18;
	(erf) = vrcp.f32 v17  }
0x5a: {  	v17 =	vld [tilespmem:$0xC440];
	v19 =	vadd.f32 v58, v19  }
0x5b: {  	v62 =	vld [tilespmem:$0xC450];
	v18 =	vadd.f32 v59, v18  }
0x5c: {  	v63 =	vld [tilespmem:$0xC460];
	v19 =	vadd.f32 v20, v19  }
0x5d: {  	v18 =	vadd.f32 v60, v18  }
0x5e: {  	v20 =	vld [tilespmem:$0xC470];
	v19 =	vadd.f32 v61, v19  }
0x5f: {  	v17 =	vadd.f32 v17, v18;
	_ =	sdelay $0x1  }
0x60: {  	v18 =	vadd.f32 v62, v19;
	v17 =	vadd.f32 v63, v17  }
0x61: {  	v19 =	vpop (erf)  }
0x62: {  	v18 =	vadd.f32 v20, v18;
	v17 =	vmul.f32 v17, v19;
	_ =	sdelay $0x1  }
0x63: {  	v18 =	vmul.f32 v18, v19;
	v19 =	vmul.f32 v17, v17;
	_ =	sdelay $0x1  }
0x64: {  	v18 =	vsub.f32 v18, v19;
	_ =	sdelay $0x1  }
0x65: {  	v18 =	vadd.f32 $9.999999970e-07, v18;
	_ =	sdelay $0x1  }
0x66: {  	v19 =	vshrl.u32 v18, $0x1;
	v18 =	vmul.f32 $5.000000000e-01, v18  }
0x67: {  	v19 =	vsub.s32 $0x5F3759DF, v19  }
0x68: {  	v20 =	vmul.f32 v19, v18;
	_ =	sdelay $0x1  }
0x69: {  	v20 =	vmul.f32 v19, v20;
	_ =	sdelay $0x1  }
0x6a: {  	v20 =	vsub.f32 $1.500000000e+00, v20;
	_ =	sdelay $0x1  }
0x6b: {  	v19 =	vmul.f32 v19, v20;
	_ =	sdelay $0x1  }
0x6c: {  	v20 =	vmul.f32 v19, v18;
	_ =	sdelay $0x1  }
0x6d: {  	v20 =	vmul.f32 v20, v19;
	_ =	sdelay $0x1  }
0x6e: {  	v20 =	vsub.f32 $1.500000000e+00, v20;
	_ =	sdelay $0x1  }
0x6f: {  	v19 =	vmul.f32 v20, v19;
	_ =	sdelay $0x1  }
0x70: {  	v18 =	vmul.f32 v19, v18;
	_ =	sdelay $0x1  }
0x71: {  	s24 =	simm.s32 $0x8000;
	v18 =	vmul.f32 v18, v19  }
0x72: {  	[tilespmem:s24], [sflag:$0x3] =	stream.strided.gather [hbm4b:s11+s18], $0x4000, s19, s18, $0x38;
	[tilespmem:$0xC480] =	vst v63  }
0x73: {  	_ =	swait.ge [sflag:s25], $0x4000;
	v18 =	vsub.f32 $1.500000000e+00, v18  }
0x74: {  	s1 =	simm.s32 $0x0;
	s2 =	simm.s32 $0x0;
	[sflag:s25] =	ssyncset.done $0x0  }
0x75: {  	s21 =	simm.s32 $0x0;
	s23 =	simm.s32 $0x0;
	[sflag:s25] =	ssyncadd.s32 $0xFFFFC000;
	v18 =	vmul.f32 v18, v19  }
.LBB2_2:
0x76: {  	s4 =	sshll.u32 s23, $0x5  }
0x77: {  	s4 =	sor.u32 s5, s4  }
0x78: {  	v19 =	vor.u32 s4, v0  }
0x79: {  	vm14 =	vge.s32 v19, v2;
	vm15 =	vge.s32 v19, v3  }
0x7a: {  	v20 =	vsel vm14, $0x1, v1;
	v21 =	vsel vm15, $0x1, v1;
	vm14 =	vge.s32 v19, v4  }
0x7b: {  	v20 =	vadd.s32 v21, v20;
	v21 =	vsel vm14, $0x1, v1;
	vm14 =	vge.s32 v19, v5  }
0x7c: {  	v20 =	vadd.s32 v21, v20;
	v21 =	vsel vm14, $0x1, v1;
	vm14 =	vge.s32 v19, v6  }
0x7d: {  	v20 =	vadd.s32 v21, v20;
	v21 =	vsel vm14, $0x1, v1;
	vm14 =	vge.s32 v19, v7  }
0x7e: {  	v20 =	vadd.s32 v21, v20;
	v21 =	vsel vm14, $0x1, v1;
	vm14 =	vge.s32 v19, v8  }
0x7f: {  	v20 =	vadd.s32 v21, v20;
	v21 =	vsel vm14, $0x1, v1;
	vm14 =	vge.s32 v19, v9  }
0x80: {  	v20 =	vadd.s32 v21, v20;
	v21 =	vsel vm14, $0x1, v1;
	vm14 =	vge.s32 v19, v10  }
0x81: {  	v20 =	vadd.s32 v21, v20;
	v21 =	vsel vm14, $0x1, v1;
	vm14 =	vge.s32 v19, v11  }
0x82: {  	v20 =	vadd.s32 v21, v20;
	v21 =	vsel vm14, $0x1, v1;
	vm14 =	vge.s32 v19, v12  }
0x83: {  	v20 =	vadd.s32 v21, v20;
	v21 =	vsel vm14, $0x1, v1;
	vm14 =	vge.s32 v19, v13  }
0x84: {  	v20 =	vadd.s32 v21, v20;
	v21 =	vsel vm14, $0x1, v1;
	vm14 =	vge.s32 v19, v14  }
0x85: {  	s4 =	sor.u32 $0x10, s4;
	v20 =	vadd.s32 v21, v20;
	v21 =	vsel vm14, $0x1, v1;
	vm14 =	vge.s32 v19, v15  }
0x86: {  	v23 =	vor.u32 s4, v0;
	v22 =	vsel vm14, $0x1, v1;
	vm14 =	vge.s32 v19, v16  }
0x87: {  	v19 =	vadd.s32 v21, v20;
	v20 =	vsel vm14, $0x1, v1;
	vm14 =	vge.s32 v23, v2  }
0x88: {  	v19 =	vadd.s32 v22, v19;
	v21 =	vsel vm14, $0x1, v1;
	vm14 =	vge.s32 v23, v3  }
0x89: {  	s24 =	sshll.u32 s21, $0x2;
	s6 =	sand.u32 $0x3, s2;
	v20 =	vadd.s32 v20, v19;
	v19 =	vsel vm14, $0x1, v1;
	vm14 =	vge.s32 v23, v4  }
0x8a: {  	s6 =	sshll.u32 s6, $0x7;
	s4 =	sand.u32 $0xFFFFF000, s24;
	v19 =	vadd.s32 v19, v21;
	v21 =	vsel vm14, $0x1, v1;
	vm14 =	vge.s32 v23, v5  }
0x8b: {  	s6 =	sor.u32 s6, s4;
	v19 =	vadd.s32 v21, v19;
	v21 =	vsel vm14, $0x1, v1;
	vm14 =	vge.s32 v23, v6  }
0x8c: {  	s6 =	sshrl.u32 s6, $0x2;
	v19 =	vadd.s32 v21, v19;
	v21 =	vsel vm14, $0x1, v1;
	vm14 =	vge.s32 v23, v7  }
0x8d: {  	s6 =	sor.u32 $0x200, s6;
	v19 =	vadd.s32 v21, v19;
	v21 =	vsel vm14, $0x1, v1;
	vm14 =	vge.s32 v23, v8  }
0x8e: {  	v24 =	vld [tilespmem:s6+$0xFFFFFE80];
	v19 =	vadd.s32 v21, v19;
	v21 =	vsel vm14, $0x1, v1;
	vm14 =	vge.s32 v23, v9  }
0x8f: {  	v22 =	vld [tilespmem:s6+$0x180];
	v19 =	vadd.s32 v21, v19;
	v21 =	vsel vm14, $0x1, v1;
	vm14 =	vge.s32 v23, v10  }
0x90: {  	v26 =	vld [tilespmem:s6+$0xFFFFFF00];
	v19 =	vadd.s32 v21, v19;
	v21 =	vsel vm14, $0x1, v1;
	vm14 =	vge.s32 v23, v11  }
0x91: {  	v27 =	vld [tilespmem:s6+$0xFFFFFF80];
	v21 =	vadd.s32 v21, v19;
	v25 =	vsel vm14, $0x1, v1  }
0x92: {  	vm14 =	vge.s32 v23, v12;
	v19 =	vperm.xlane v17, v20;
	v20 =	vperm.xlane v18, v20  }
0x93: {  	v21 =	vadd.s32 v25, v21;
	v25 =	vsel vm14, $0x1, v1;
	vm14 =	vge.s32 v23, v13  }
0x94: {  	v29 =	vld [tilespmem:s6+$0x80];
	v21 =	vadd.s32 v25, v21;
	v28 =	vsel vm14, $0x1, v1;
	v22 =	vsub.f32 v22, v19  }
0x95: {  	s8 =	sand.u32 $0x7, s1;
	v25 =	vld [tilespmem:s6+$0x0];
	vm14 =	vge.s32 v23, v14;
	v24 =	vsub.f32 v24, v19;
	v26 =	vsub.f32 v26, v19  }
0x96: {  	s8 =	sshll.u32 s8, $0x6;
	v27 =	vsub.f32 v27, v19;
	v21 =	vadd.s32 v28, v21;
	v22 =	vmul.f32 v22, v20  }
0x97: {  	s4 =	sor.u32 s8, s4;
	v28 =	vsel vm14, $0x1, v1;
	vm14 =	vge.s32 v23, v15;
	v24 =	vmul.f32 v24, v20  }
0x98: {  	s4 =	sshrl.u32 s4, $0x2;
	v21 =	vadd.s32 v28, v21;
	v28 =	vld [tilespmem:s6+$0x100];
	v30 =	vsel vm14, $0x1, v1;
	v26 =	vmul.f32 v26, v20;
	[tilespmem:s6+$0x180] =	vst v22  }
0x99: {  	s20 =	sadd.s32 $0x210, s4;
	v31 =	vld [tilespmem:s6+$0xFFFFFE00];
	vm14 =	vge.s32 v23, v16;
	v23 =	vsub.f32 v29, v19;
	[tilespmem:s6+$0xFFFFFE80] =	vst v24;
	v22 =	vmul.f32 v27, v20  }
0x9a: {  	[tilespmem:s6+$0xFFFFFF00] =	vst v26;
	v25 =	vsub.f32 v25, v19;
	v24 =	vld [tilespmem:s20+$0x180]  }
0x9b: {  	v21 =	vadd.s32 v30, v21;
	v27 =	vsel vm14, $0x1, v1;
	v29 =	vld [tilespmem:s20+$0xFFFFFE80];
	[tilespmem:s6+$0xFFFFFF80] =	vst v22;
	v22 =	vmul.f32 v23, v20  }
0x9c: {  	v26 =	vadd.s32 v27, v21;
	v27 =	vld [tilespmem:s20+$0xFFFFFF00];
	v25 =	vmul.f32 v25, v20  }
0x9d: {  	v21 =	vperm.xlane v17, v26;
	v23 =	vsub.f32 v28, v19;
	v28 =	vld [tilespmem:s20+$0xFFFFFF80];
	[tilespmem:s6+$0x80] =	vst v22  }
0x9e: {  	v22 =	vperm.xlane v18, v26;
	[tilespmem:s6+$0x0] =	vst v25;
	v25 =	vsub.f32 v31, v19;
	v26 =	vld [tilespmem:s20+$0x80]  }
0x9f: {  	s4 =	sadd.s32 $0x800, s6;
	v23 =	vmul.f32 v23, v20;
	v30 =	vld [tilespmem:s20+$0x0];
	v24 =	vsub.f32 v24, v21  }
0xa0: {  	v31 =	vld [tilespmem:s4+$0x180];
	v29 =	vsub.f32 v29, v21;
	v25 =	vmul.f32 v25, v20  }
0xa1: {  	v27 =	vsub.f32 v27, v21;
	[tilespmem:s6+$0x100] =	vst v23;
	v23 =	vld [tilespmem:s4+$0xFFFFFE80];
	v24 =	vmul.f32 v24, v22  }
0xa2: {  	v29 =	vmul.f32 v29, v22;
	v28 =	vsub.f32 v28, v21;
	[tilespmem:s6+$0xFFFFFE00] =	vst v25;
	v25 =	vld [tilespmem:s4+$0xFFFFFF00]  }
0xa3: {  	v32 =	vld [tilespmem:s4+$0xFFFFFF80];
	v27 =	vmul.f32 v27, v22;
	[tilespmem:s20+$0x180] =	vst v24;
	v26 =	vsub.f32 v26, v21  }
0xa4: {  	v24 =	vld [tilespmem:s4+$0x0];
	[tilespmem:s20+$0xFFFFFE80] =	vst v29;
	v28 =	vmul.f32 v28, v22;
	v30 =	vsub.f32 v30, v21  }
0xa5: {  	v29 =	vld [tilespmem:s4+$0x80];
	v31 =	vsub.f32 v31, v19;
	[tilespmem:s20+$0xFFFFFF00] =	vst v27;
	v26 =	vmul.f32 v26, v22  }
0xa6: {  	v23 =	vsub.f32 v23, v19;
	[tilespmem:s20+$0xFFFFFF80] =	vst v28;
	v27 =	vmul.f32 v30, v22;
	v30 =	vld [tilespmem:s4+$0x100]  }
0xa7: {  	v28 =	vld [tilespmem:s4+$0xFFFFFE00];
	v31 =	vmul.f32 v31, v20;
	v25 =	vsub.f32 v25, v19;
	[tilespmem:s20+$0x80] =	vst v26  }
0xa8: {  	v63 =	vld [tilespmem:s20+$0xFFFFFE00];
	v23 =	vmul.f32 v23, v20;
	[tilespmem:s20+$0x0] =	vst v27;
	v27 =	vsub.f32 v32, v19  }
0xa9: {  	s6 =	sadd.s32 $0x800, s20;
	[tilespmem:s4+$0x180] =	vst v31;
	v31 =	vld [tilespmem:s20+$0x100];
	v24 =	vsub.f32 v24, v19;
	v26 =	vmul.f32 v25, v20  }
0xaa: {  	v29 =	vsub.f32 v29, v19;
	v33 =	vld [tilespmem:s6+$0x180];
	[tilespmem:s4+$0xFFFFFE80] =	vst v23;
	v23 =	vmul.f32 v27, v20  }
0xab: {  	v25 =	vld [tilespmem:s6+$0xFFFFFE80];
	v24 =	vmul.f32 v24, v20;
	[tilespmem:s4+$0xFFFFFF00] =	vst v26;
	v26 =	vsub.f32 v30, v19  }
0xac: {  	v28 =	vsub.f32 v28, v19;
	v29 =	vmul.f32 v29, v20;
	v27 =	vld [tilespmem:s6+$0xFFFFFF00];
	[tilespmem:s4+$0xFFFFFF80] =	vst v23  }
0xad: {  	v32 =	vsub.f32 v63, v21;
	[tilespmem:s4+$0x0] =	vst v24;
	v23 =	vld [tilespmem:s6+$0xFFFFFF80];
	v34 =	vmul.f32 v26, v20  }
0xae: {  	v28 =	vmul.f32 v28, v20;
	[tilespmem:s4+$0x80] =	vst v29;
	v30 =	vsub.f32 v31, v21;
	v26 =	vld [tilespmem:s6+$0x0]  }
0xaf: {  	s8 =	simm.s32 $0x8;
	s24 =	sadd.s32 $0x800, s4;
	v31 =	vmul.f32 v32, v22;
	v24 =	vld [tilespmem:s6+$0x80];
	v29 =	vsub.f32 v33, v21;
	[tilespmem:s4+$0x100] =	vst v34  }
.LBB2_3:
0xb0: {  	v32 =	vld [tilespmem:s24+$0x180];
	s8 =	sadd.s32 $0x8, s8;
	[tilespmem:s4+$0xFFFFFE00] =	vst v28;
	v25 =	vsub.f32 v25, v21;
	v28 =	vmul.f32 v30, v22;
	s4 =	smov.u32 s24  }
0xb1: {  	v30 =	vld [tilespmem:s24+$0xFFFFFE80];
	p0 =	slt.u32 s8, $0x38;
	v27 =	vsub.f32 v27, v21;
	v29 =	vmul.f32 v29, v22;
	[tilespmem:s20+$0xFFFFFE00] =	vst v31  }
0xb2: {  	v31 =	vld [tilespmem:s24+$0xFFFFFF00];
	v25 =	vmul.f32 v25, v22;
	v23 =	vsub.f32 v23, v21;
	[tilespmem:s20+$0x100] =	vst v28;
	s20 =	smov.u32 s6  }
0xb3: {  	v28 =	vld [tilespmem:s24+$0xFFFFFF80];
	v27 =	vmul.f32 v27, v22;
	v26 =	vsub.f32 v26, v21;
	[tilespmem:s6+$0x180] =	vst v29  }
0xb4: {  	v29 =	vld [tilespmem:s24+$0x0];
	[tilespmem:s6+$0xFFFFFE80] =	vst v25;
	v23 =	vmul.f32 v23, v22;
	v24 =	vsub.f32 v24, v21  }
0xb5: {  	v25 =	vld [tilespmem:s24+$0x80];
	v32 =	vsub.f32 v32, v19;
	[tilespmem:s6+$0xFFFFFF00] =	vst v27;
	v26 =	vmul.f32 v26, v22  }
0xb6: {  	v27 =	vsub.f32 v30, v19;
	v30 =	vld [tilespmem:s24+$0x100];
	[tilespmem:s6+$0xFFFFFF80] =	vst v23;
	v23 =	vmul.f32 v24, v22  }
0xb7: {  	v24 =	vld [tilespmem:s24+$0xFFFFFE00];
	v31 =	vsub.f32 v31, v19;
	v32 =	vmul.f32 v32, v20;
	[tilespmem:s6+$0x0] =	vst v26  }
0xb8: {  	v26 =	vmul.f32 v27, v20;
	v27 =	vsub.f32 v28, v19;
	v28 =	vld [tilespmem:s6+$0xFFFFFE00];
	[tilespmem:s6+$0x80] =	vst v23  }
0xb9: {  	s6 =	sadd.s32 $0x800, s6;
	v23 =	vmul.f32 v31, v20;
	v29 =	vsub.f32 v29, v19;
	[tilespmem:s24+$0x180] =	vst v32;
	v31 =	vld [tilespmem:s20+$0x100]  }
0xba: {  	[tilespmem:s24+$0xFFFFFE80] =	vst v26;
	v26 =	vmul.f32 v27, v20;
	v32 =	vsub.f32 v25, v19;
	v33 =	vld [tilespmem:s6+$0x180]  }
.Ltmp0:
0xbb: {  	v25 =	vld [tilespmem:s6+$0xFFFFFE80];
	[tilespmem:s24+$0xFFFFFF00] =	vst v23;
	v29 =	vmul.f32 v29, v20;
	v30 =	vsub.f32 v30, v19;
	(pc) =	sbr.rel @p0 .LBB2_3-.Ltmp0, $4  }
0xbc: {  	v24 =	vsub.f32 v24, v19;
	v27 =	vld [tilespmem:s6+$0xFFFFFF00];
	[tilespmem:s24+$0xFFFFFF80] =	vst v26;
	v32 =	vmul.f32 v32, v20  }
0xbd: {  	v23 =	vld [tilespmem:s6+$0xFFFFFF80];
	[tilespmem:s24+$0x0] =	vst v29;
	v29 =	vmul.f32 v30, v20;
	v34 =	vsub.f32 v28, v21  }
0xbe: {  	v28 =	vmul.f32 v24, v20;
	v26 =	vld [tilespmem:s6+$0x0];
	[tilespmem:s24+$0x80] =	vst v32;
	v30 =	vsub.f32 v31, v21  }
0xbf: {  	s24 =	sadd.s32 $0x800, s24;
	v24 =	vld [tilespmem:s6+$0x80];
	[tilespmem:s4+$0x100] =	vst v29;
	v29 =	vsub.f32 v33, v21;
	v31 =	vmul.f32 v34, v22  }
0xc0: {  	[tilespmem:s4+$0xFFFFFE00] =	vst v28  }
0xc1: {  	v19 =	vsub.f32 v25, v21;
	v20 =	vmul.f32 v30, v22;
	v58 =	vld [tilespmem:s6+$0xFFFFFE00]  }
0xc2: {  	v60 =	vld [tilespmem:s6+$0x100];
	v27 =	vsub.f32 v27, v21;
	v59 =	vmul.f32 v29, v22;
	[tilespmem:s20+$0xFFFFFE00] =	vst v31  }
0xc3: {  	v19 =	vmul.f32 v19, v22;
	v23 =	vsub.f32 v23, v21;
	[tilespmem:s20+$0x100] =	vst v20  }
0xc4: {  	v20 =	vmul.f32 v27, v22;
	v26 =	vsub.f32 v26, v21;
	[tilespmem:s6+$0x180] =	vst v59  }
0xc5: {  	s23 =	sadd.s32 $0x1, s23;
	[tilespmem:s6+$0xFFFFFE80] =	vst v19;
	v19 =	vmul.f32 v23, v22;
	v61 =	vsub.f32 v24, v21  }
0xc6: {  	p0 =	sne.s32 s23, $0x8;
	[tilespmem:s6+$0xFFFFFF00] =	vst v20;
	v20 =	vmul.f32 v26, v22;
	v62 =	vsub.f32 v58, v21  }
.Ltmp1:
0xc7: {  	v63 =	vsub.f32 v60, v21;
	[tilespmem:s6+$0xFFFFFF80] =	vst v19;
	v19 =	vmul.f32 v61, v22;
	(pc) =	sbr.rel @p0 .LBB2_2-.Ltmp1, $4  }
0xc8: {  	[tilespmem:s6+$0x0] =	vst v20;
	v20 =	vmul.f32 v62, v22  }
0xc9: {  	[tilespmem:s6+$0x80] =	vst v19;
	v19 =	vmul.f32 v63, v22  }
0xca: {  	[tilespmem:s6+$0xFFFFFE00] =	vst v20  }
0xcb: {  	s21 =	sadd.s32 $0x100, s21;
	s1 =	sadd.s32 $0x2, s1;
	s2 =	sadd.s32 $0x1, s2;
	[tilespmem:s6+$0x100] =	vst v19  }
0xcc: {  	s2 =	simm.s32 $0x0  }
0xcd: {  	[hbm4b:s12+s18] =	stream.strided.scatter [tilespmem:s2], [sflag:$0x4], $0x4000, s19, s18, $0x38;
	[tilespmem:$0xC480] =	vst v63  }
0xce: {  	_ =	swait.ge [sflag:s26], $0x4000  }
0xcf: {  	[sflag:s26] =	ssyncset.done $0x0  }
0xd0: {  	[sflag:s26] =	ssyncadd.s32 $0xFFFFC000  }
0xd1: {  	[tilespmem:s2], [sflag:$0x1] =	stream.strided.gather [hbm4b:s13+s18], $0x4000, s19, s18, $0x38;
	[tilespmem:$0xC480] =	vst v63  }
0xd2: {  	_ =	swait.ge [sflag:s28], $0x4000  }
0xd3: {  	s1 =	simm.s32 $0x0;
	[sflag:s28] =	ssyncset.done $0x0  }
0xd4: {  	s21 =	simm.s32 $0x0;
	s23 =	simm.s32 $0x0;
	[sflag:s28] =	ssyncadd.s32 $0xFFFFC000  }
.LBB2_6:
0xd5: {  	s4 =	sshll.u32 s23, $0x5  }
0xd6: {  	s4 =	sor.u32 s7, s4  }
0xd7: {  	v19 =	vor.u32 s4, v0  }
0xd8: {  	vm14 =	vge.s32 v19, v2;
	vm15 =	vge.s32 v19, v3  }
0xd9: {  	v20 =	vsel vm14, $0x1, v1;
	v21 =	vsel vm15, $0x1, v1;
	vm14 =	vge.s32 v19, v4  }
0xda: {  	v20 =	vadd.s32 v21, v20;
	v21 =	vsel vm14, $0x1, v1;
	vm14 =	vge.s32 v19, v5  }
0xdb: {  	v20 =	vadd.s32 v21, v20;
	v21 =	vsel vm14, $0x1, v1;
	vm14 =	vge.s32 v19, v6  }
0xdc: {  	v20 =	vadd.s32 v21, v20;
	v21 =	vsel vm14, $0x1, v1;
	vm14 =	vge.s32 v19, v7  }
0xdd: {  	v20 =	vadd.s32 v21, v20;
	v21 =	vsel vm14, $0x1, v1;
	vm14 =	vge.s32 v19, v8  }
0xde: {  	v20 =	vadd.s32 v21, v20;
	v21 =	vsel vm14, $0x1, v1;
	vm14 =	vge.s32 v19, v9  }
0xdf: {  	v20 =	vadd.s32 v21, v20;
	v21 =	vsel vm14, $0x1, v1;
	vm14 =	vge.s32 v19, v10  }
0xe0: {  	v20 =	vadd.s32 v21, v20;
	v21 =	vsel vm14, $0x1, v1;
	vm14 =	vge.s32 v19, v11  }
0xe1: {  	v20 =	vadd.s32 v21, v20;
	v21 =	vsel vm14, $0x1, v1;
	vm14 =	vge.s32 v19, v12  }
0xe2: {  	v20 =	vadd.s32 v21, v20;
	v21 =	vsel vm14, $0x1, v1;
	vm14 =	vge.s32 v19, v13  }
0xe3: {  	v20 =	vadd.s32 v21, v20;
	v21 =	vsel vm14, $0x1, v1;
	vm14 =	vge.s32 v19, v14  }
0xe4: {  	s4 =	sor.u32 $0x10, s4;
	v20 =	vadd.s32 v21, v20;
	v21 =	vsel vm14, $0x1, v1;
	vm14 =	vge.s32 v19, v15  }
0xe5: {  	v23 =	vor.u32 s4, v0;
	v22 =	vsel vm14, $0x1, v1;
	vm14 =	vge.s32 v19, v16  }
0xe6: {  	v19 =	vadd.s32 v21, v20;
	v20 =	vsel vm14, $0x1, v1;
	vm14 =	vge.s32 v23, v2  }
0xe7: {  	v19 =	vadd.s32 v22, v19;
	v21 =	vsel vm14, $0x1, v1;
	vm14 =	vge.s32 v23, v3  }
0xe8: {  	s24 =	sshll.u32 s21, $0x2;
	s6 =	sand.u32 $0x3, s2;
	v20 =	vadd.s32 v20, v19;
	v19 =	vsel vm14, $0x1, v1;
	vm14 =	vge.s32 v23, v4  }
0xe9: {  	s6 =	sshll.u32 s6, $0x7;
	s4 =	sand.u32 $0xFFFFF000, s24;
	v19 =	vadd.s32 v19, v21;
	v21 =	vsel vm14, $0x1, v1;
	vm14 =	vge.s32 v23, v5  }
0xea: {  	s6 =	sor.u32 s6, s4;
	v19 =	vadd.s32 v21, v19;
	v21 =	vsel vm14, $0x1, v1;
	vm14 =	vge.s32 v23, v6  }
0xeb: {  	s6 =	sshrl.u32 s6, $0x2;
	v19 =	vadd.s32 v21, v19;
	v21 =	vsel vm14, $0x1, v1;
	vm14 =	vge.s32 v23, v7  }
0xec: {  	s6 =	sadd.s32 $0x4200, s6;
	v19 =	vadd.s32 v21, v19;
	v21 =	vsel vm14, $0x1, v1;
	vm14 =	vge.s32 v23, v8  }
0xed: {  	v24 =	vld [tilespmem:s6+$0xFFFFFE80];
	v19 =	vadd.s32 v21, v19;
	v21 =	vsel vm14, $0x1, v1;
	vm14 =	vge.s32 v23, v9  }
0xee: {  	v22 =	vld [tilespmem:s6+$0x180];
	v19 =	vadd.s32 v21, v19;
	v21 =	vsel vm14, $0x1, v1;
	vm14 =	vge.s32 v23, v10  }
0xef: {  	v26 =	vld [tilespmem:s6+$0xFFFFFF00];
	v19 =	vadd.s32 v21, v19;
	v21 =	vsel vm14, $0x1, v1;
	vm14 =	vge.s32 v23, v11  }
0xf0: {  	v27 =	vld [tilespmem:s6+$0xFFFFFF80];
	v21 =	vadd.s32 v21, v19;
	v25 =	vsel vm14, $0x1, v1  }
0xf1: {  	vm14 =	vge.s32 v23, v12;
	v19 =	vperm.xlane v17, v20;
	v20 =	vperm.xlane v18, v20  }
0xf2: {  	v21 =	vadd.s32 v25, v21;
	v25 =	vsel vm14, $0x1, v1;
	vm14 =	vge.s32 v23, v13  }
0xf3: {  	v29 =	vld [tilespmem:s6+$0x80];
	v21 =	vadd.s32 v25, v21;
	v28 =	vsel vm14, $0x1, v1;
	v22 =	vsub.f32 v22, v19  }
0xf4: {  	s8 =	sand.u32 $0x7, s1;
	v25 =	vld [tilespmem:s6+$0x0];
	vm14 =	vge.s32 v23, v14;
	v24 =	vsub.f32 v24, v19;
	v26 =	vsub.f32 v26, v19  }
0xf5: {  	s8 =	sshll.u32 s8, $0x6;
	v27 =	vsub.f32 v27, v19;
	v21 =	vadd.s32 v28, v21;
	v22 =	vmul.f32 v22, v20  }
0xf6: {  	s4 =	sor.u32 s8, s4;
	v28 =	vsel vm14, $0x1, v1;
	vm14 =	vge.s32 v23, v15;
	v24 =	vmul.f32 v24, v20  }
0xf7: {  	s4 =	sshrl.u32 s4, $0x2;
	v21 =	vadd.s32 v28, v21;
	v28 =	vld [tilespmem:s6+$0x100];
	v30 =	vsel vm14, $0x1, v1;
	v26 =	vmul.f32 v26, v20;
	[tilespmem:s6+$0x180] =	vst v22  }
0xf8: {  	s20 =	sadd.s32 $0x4210, s4;
	v31 =	vld [tilespmem:s6+$0xFFFFFE00];
	vm14 =	vge.s32 v23, v16;
	v23 =	vsub.f32 v29, v19;
	[tilespmem:s6+$0xFFFFFE80] =	vst v24;
	v22 =	vmul.f32 v27, v20  }
0xf9: {  	[tilespmem:s6+$0xFFFFFF00] =	vst v26;
	v25 =	vsub.f32 v25, v19;
	v24 =	vld [tilespmem:s20+$0x180]  }
0xfa: {  	v21 =	vadd.s32 v30, v21;
	v27 =	vsel vm14, $0x1, v1;
	v29 =	vld [tilespmem:s20+$0xFFFFFE80];
	[tilespmem:s6+$0xFFFFFF80] =	vst v22;
	v22 =	vmul.f32 v23, v20  }
0xfb: {  	v26 =	vadd.s32 v27, v21;
	v27 =	vld [tilespmem:s20+$0xFFFFFF00];
	v25 =	vmul.f32 v25, v20  }
0xfc: {  	v21 =	vperm.xlane v17, v26;
	v23 =	vsub.f32 v28, v19;
	v28 =	vld [tilespmem:s20+$0xFFFFFF80];
	[tilespmem:s6+$0x80] =	vst v22  }
0xfd: {  	v22 =	vperm.xlane v18, v26;
	[tilespmem:s6+$0x0] =	vst v25;
	v25 =	vsub.f32 v31, v19;
	v26 =	vld [tilespmem:s20+$0x80]  }
0xfe: {  	s4 =	sadd.s32 $0x800, s6;
	v23 =	vmul.f32 v23, v20;
	v30 =	vld [tilespmem:s20+$0x0];
	v24 =	vsub.f32 v24, v21  }
0xff: {  	v31 =	vld [tilespmem:s4+$0x180];
	v29 =	vsub.f32 v29, v21;
	v25 =	vmul.f32 v25, v20  }
0x100: {  	v27 =	vsub.f32 v27, v21;
	[tilespmem:s6+$0x100] =	vst v23;
	v23 =	vld [tilespmem:s4+$0xFFFFFE80];
	v24 =	vmul.f32 v24, v22  }
0x101: {  	v29 =	vmul.f32 v29, v22;
	v28 =	vsub.f32 v28, v21;
	[tilespmem:s6+$0xFFFFFE00] =	vst v25;
	v25 =	vld [tilespmem:s4+$0xFFFFFF00]  }
0x102: {  	v32 =	vld [tilespmem:s4+$0xFFFFFF80];
	v27 =	vmul.f32 v27, v22;
	[tilespmem:s20+$0x180] =	vst v24;
	v26 =	vsub.f32 v26, v21  }
0x103: {  	v24 =	vld [tilespmem:s4+$0x0];
	[tilespmem:s20+$0xFFFFFE80] =	vst v29;
	v28 =	vmul.f32 v28, v22;
	v30 =	vsub.f32 v30, v21  }
0x104: {  	v29 =	vld [tilespmem:s4+$0x80];
	v31 =	vsub.f32 v31, v19;
	[tilespmem:s20+$0xFFFFFF00] =	vst v27;
	v26 =	vmul.f32 v26, v22  }
0x105: {  	v23 =	vsub.f32 v23, v19;
	[tilespmem:s20+$0xFFFFFF80] =	vst v28;
	v27 =	vmul.f32 v30, v22;
	v30 =	vld [tilespmem:s4+$0x100]  }
0x106: {  	v28 =	vld [tilespmem:s4+$0xFFFFFE00];
	v31 =	vmul.f32 v31, v20;
	v25 =	vsub.f32 v25, v19;
	[tilespmem:s20+$0x80] =	vst v26  }
0x107: {  	v63 =	vld [tilespmem:s20+$0xFFFFFE00];
	v23 =	vmul.f32 v23, v20;
	[tilespmem:s20+$0x0] =	vst v27;
	v27 =	vsub.f32 v32, v19  }
0x108: {  	s6 =	sadd.s32 $0x800, s20;
	[tilespmem:s4+$0x180] =	vst v31;
	v31 =	vld [tilespmem:s20+$0x100];
	v24 =	vsub.f32 v24, v19;
	v26 =	vmul.f32 v25, v20  }
0x109: {  	v29 =	vsub.f32 v29, v19;
	v33 =	vld [tilespmem:s6+$0x180];
	[tilespmem:s4+$0xFFFFFE80] =	vst v23;
	v23 =	vmul.f32 v27, v20  }
0x10a: {  	v25 =	vld [tilespmem:s6+$0xFFFFFE80];
	v24 =	vmul.f32 v24, v20;
	[tilespmem:s4+$0xFFFFFF00] =	vst v26;
	v26 =	vsub.f32 v30, v19  }
0x10b: {  	v28 =	vsub.f32 v28, v19;
	v29 =	vmul.f32 v29, v20;
	v27 =	vld [tilespmem:s6+$0xFFFFFF00];
	[tilespmem:s4+$0xFFFFFF80] =	vst v23  }
0x10c: {  	v32 =	vsub.f32 v63, v21;
	[tilespmem:s4+$0x0] =	vst v24;
	v23 =	vld [tilespmem:s6+$0xFFFFFF80];
	v34 =	vmul.f32 v26, v20  }
0x10d: {  	v28 =	vmul.f32 v28, v20;
	[tilespmem:s4+$0x80] =	vst v29;
	v30 =	vsub.f32 v31, v21;
	v26 =	vld [tilespmem:s6+$0x0]  }
0x10e: {  	s8 =	simm.s32 $0x8;
	s24 =	sadd.s32 $0x800, s4;
	v31 =	vmul.f32 v32, v22;
	v24 =	vld [tilespmem:s6+$0x80];
	v29 =	vsub.f32 v33, v21;
	[tilespmem:s4+$0x100] =	vst v34  }
.LBB2_7:
0x10f: {  	v32 =	vld [tilespmem:s24+$0x180];
	s8 =	sadd.s32 $0x8, s8;
	[tilespmem:s4+$0xFFFFFE00] =	vst v28;
	v25 =	vsub.f32 v25, v21;
	v28 =	vmul.f32 v30, v22;
	s4 =	smov.u32 s24  }
0x110: {  	v30 =	vld [tilespmem:s24+$0xFFFFFE80];
	p0 =	slt.u32 s8, $0x38;
	v27 =	vsub.f32 v27, v21;
	v29 =	vmul.f32 v29, v22;
	[tilespmem:s20+$0xFFFFFE00] =	vst v31  }
0x111: {  	v31 =	vld [tilespmem:s24+$0xFFFFFF00];
	v25 =	vmul.f32 v25, v22;
	v23 =	vsub.f32 v23, v21;
	[tilespmem:s20+$0x100] =	vst v28;
	s20 =	smov.u32 s6  }
0x112: {  	v28 =	vld [tilespmem:s24+$0xFFFFFF80];
	v27 =	vmul.f32 v27, v22;
	v26 =	vsub.f32 v26, v21;
	[tilespmem:s6+$0x180] =	vst v29  }
0x113: {  	v29 =	vld [tilespmem:s24+$0x0];
	[tilespmem:s6+$0xFFFFFE80] =	vst v25;
	v23 =	vmul.f32 v23, v22;
	v24 =	vsub.f32 v24, v21  }
0x114: {  	v25 =	vld [tilespmem:s24+$0x80];
	v32 =	vsub.f32 v32, v19;
	[tilespmem:s6+$0xFFFFFF00] =	vst v27;
	v26 =	vmul.f32 v26, v22  }
0x115: {  	v27 =	vsub.f32 v30, v19;
	v30 =	vld [tilespmem:s24+$0x100];
	[tilespmem:s6+$0xFFFFFF80] =	vst v23;
	v23 =	vmul.f32 v24, v22  }
0x116: {  	v24 =	vld [tilespmem:s24+$0xFFFFFE00];
	v31 =	vsub.f32 v31, v19;
	v32 =	vmul.f32 v32, v20;
	[tilespmem:s6+$0x0] =	vst v26  }
0x117: {  	v26 =	vmul.f32 v27, v20;
	v27 =	vsub.f32 v28, v19;
	v28 =	vld [tilespmem:s6+$0xFFFFFE00];
	[tilespmem:s6+$0x80] =	vst v23  }
0x118: {  	s6 =	sadd.s32 $0x800, s6;
	v23 =	vmul.f32 v31, v20;
	v29 =	vsub.f32 v29, v19;
	[tilespmem:s24+$0x180] =	vst v32;
	v31 =	vld [tilespmem:s20+$0x100]  }
0x119: {  	[tilespmem:s24+$0xFFFFFE80] =	vst v26;
	v26 =	vmul.f32 v27, v20;
	v32 =	vsub.f32 v25, v19;
	v33 =	vld [tilespmem:s6+$0x180]  }
.Ltmp2:
0x11a: {  	v25 =	vld [tilespmem:s6+$0xFFFFFE80];
	[tilespmem:s24+$0xFFFFFF00] =	vst v23;
	v29 =	vmul.f32 v29, v20;
	v30 =	vsub.f32 v30, v19;
	(pc) =	sbr.rel @p0 .LBB2_7-.Ltmp2, $4  }
0x11b: {  	v24 =	vsub.f32 v24, v19;
	v27 =	vld [tilespmem:s6+$0xFFFFFF00];
	[tilespmem:s24+$0xFFFFFF80] =	vst v26;
	v32 =	vmul.f32 v32, v20  }
0x11c: {  	v23 =	vld [tilespmem:s6+$0xFFFFFF80];
	[tilespmem:s24+$0x0] =	vst v29;
	v29 =	vmul.f32 v30, v20;
	v34 =	vsub.f32 v28, v21  }
0x11d: {  	v28 =	vmul.f32 v24, v20;
	v26 =	vld [tilespmem:s6+$0x0];
	[tilespmem:s24+$0x80] =	vst v32;
	v30 =	vsub.f32 v31, v21  }
0x11e: {  	s24 =	sadd.s32 $0x800, s24;
	v24 =	vld [tilespmem:s6+$0x80];
	[tilespmem:s4+$0x100] =	vst v29;
	v29 =	vsub.f32 v33, v21;
	v31 =	vmul.f32 v34, v22  }
0x11f: {  	[tilespmem:s4+$0xFFFFFE00] =	vst v28  }
0x120: {  	v19 =	vsub.f32 v25, v21;
	v20 =	vmul.f32 v30, v22;
	v58 =	vld [tilespmem:s6+$0xFFFFFE00]  }
0x121: {  	v60 =	vld [tilespmem:s6+$0x100];
	v27 =	vsub.f32 v27, v21;
	v59 =	vmul.f32 v29, v22;
	[tilespmem:s20+$0xFFFFFE00] =	vst v31  }
0x122: {  	v19 =	vmul.f32 v19, v22;
	v23 =	vsub.f32 v23, v21;
	[tilespmem:s20+$0x100] =	vst v20  }
0x123: {  	v20 =	vmul.f32 v27, v22;
	v26 =	vsub.f32 v26, v21;
	[tilespmem:s6+$0x180] =	vst v59  }
0x124: {  	s23 =	sadd.s32 $0x1, s23;
	[tilespmem:s6+$0xFFFFFE80] =	vst v19;
	v19 =	vmul.f32 v23, v22;
	v61 =	vsub.f32 v24, v21  }
0x125: {  	p0 =	sne.s32 s23, $0x8;
	[tilespmem:s6+$0xFFFFFF00] =	vst v20;
	v20 =	vmul.f32 v26, v22;
	v62 =	vsub.f32 v58, v21  }
.Ltmp3:
0x126: {  	v63 =	vsub.f32 v60, v21;
	[tilespmem:s6+$0xFFFFFF80] =	vst v19;
	v19 =	vmul.f32 v61, v22;
	(pc) =	sbr.rel @p0 .LBB2_6-.Ltmp3, $4  }
0x127: {  	[tilespmem:s6+$0x0] =	vst v20;
	v20 =	vmul.f32 v62, v22  }
0x128: {  	[tilespmem:s6+$0x80] =	vst v19;
	v19 =	vmul.f32 v63, v22  }
0x129: {  	[tilespmem:s6+$0xFFFFFE00] =	vst v20  }
0x12a: {  	s21 =	sadd.s32 $0x100, s21;
	s1 =	sadd.s32 $0x2, s1;
	s2 =	sadd.s32 $0x1, s2;
	[tilespmem:s6+$0x100] =	vst v19  }
0x12b: {  	s1 =	simm.s32 $0x4000  }
0x12c: {  	[hbm4b:s14+s18] =	stream.strided.scatter [tilespmem:s1], [sflag:$0x5], $0x4000, s19, s18, $0x38;
	[tilespmem:$0xC480] =	vst v63  }
0x12d: {  	_ =	swait.ge [sflag:s29], $0x4000  }
0x12e: {  	s2 =	simm.s32 $0x0;
	s21 =	simm.s32 $0x0;
	[sflag:s29] =	ssyncset.done $0x0  }
0x12f: {  	s23 =	simm.s32 $0x0;
	s1 =	simm.s32 $0x0;
	[sflag:s29] =	ssyncadd.s32 $0xFFFFC000  }
.LBB2_10:
0x130: {  	s4 =	sshll.u32 s23, $0x5  }
0x131: {  	s4 =	sor.u32 s9, s4  }
0x132: {  	v19 =	vor.u32 s4, v0  }
0x133: {  	vm14 =	vge.s32 v19, v2;
	vm15 =	vge.s32 v19, v3  }
0x134: {  	v20 =	vsel vm14, $0x1, v1;
	v21 =	vsel vm15, $0x1, v1;
	vm14 =	vge.s32 v19, v4  }
0x135: {  	v20 =	vadd.s32 v21, v20;
	v21 =	vsel vm14, $0x1, v1;
	vm14 =	vge.s32 v19, v5  }
0x136: {  	v20 =	vadd.s32 v21, v20;
	v21 =	vsel vm14, $0x1, v1;
	vm14 =	vge.s32 v19, v6  }
0x137: {  	v20 =	vadd.s32 v21, v20;
	v21 =	vsel vm14, $0x1, v1;
	vm14 =	vge.s32 v19, v7  }
0x138: {  	v20 =	vadd.s32 v21, v20;
	v21 =	vsel vm14, $0x1, v1;
	vm14 =	vge.s32 v19, v8  }
0x139: {  	v20 =	vadd.s32 v21, v20;
	v21 =	vsel vm14, $0x1, v1;
	vm14 =	vge.s32 v19, v9  }
0x13a: {  	v20 =	vadd.s32 v21, v20;
	v21 =	vsel vm14, $0x1, v1;
	vm14 =	vge.s32 v19, v10  }
0x13b: {  	v20 =	vadd.s32 v21, v20;
	v21 =	vsel vm14, $0x1, v1;
	vm14 =	vge.s32 v19, v11  }
0x13c: {  	v20 =	vadd.s32 v21, v20;
	v21 =	vsel vm14, $0x1, v1;
	vm14 =	vge.s32 v19, v12  }
0x13d: {  	v20 =	vadd.s32 v21, v20;
	v21 =	vsel vm14, $0x1, v1;
	vm14 =	vge.s32 v19, v13  }
0x13e: {  	v20 =	vadd.s32 v21, v20;
	v21 =	vsel vm14, $0x1, v1;
	vm14 =	vge.s32 v19, v14  }
0x13f: {  	s4 =	sor.u32 $0x10, s4;
	v20 =	vadd.s32 v21, v20;
	v21 =	vsel vm14, $0x1, v1;
	vm14 =	vge.s32 v19, v15  }
0x140: {  	v23 =	vor.u32 s4, v0;
	v22 =	vsel vm14, $0x1, v1;
	vm14 =	vge.s32 v19, v16  }
0x141: {  	v19 =	vadd.s32 v21, v20;
	v20 =	vsel vm14, $0x1, v1;
	vm14 =	vge.s32 v23, v2  }
0x142: {  	v19 =	vadd.s32 v22, v19;
	v21 =	vsel vm14, $0x1, v1;
	vm14 =	vge.s32 v23, v3  }
0x143: {  	s24 =	sshll.u32 s21, $0x2;
	s6 =	sand.u32 $0x3, s2;
	v20 =	vadd.s32 v20, v19;
	v19 =	vsel vm14, $0x1, v1;
	vm14 =	vge.s32 v23, v4  }
0x144: {  	s6 =	sshll.u32 s6, $0x7;
	s4 =	sand.u32 $0xFFFFF000, s24;
	v19 =	vadd.s32 v19, v21;
	v21 =	vsel vm14, $0x1, v1;
	vm14 =	vge.s32 v23, v5  }
0x145: {  	s6 =	sor.u32 s6, s4;
	v19 =	vadd.s32 v21, v19;
	v21 =	vsel vm14, $0x1, v1;
	vm14 =	vge.s32 v23, v6  }
0x146: {  	s6 =	sshrl.u32 s6, $0x2;
	v19 =	vadd.s32 v21, v19;
	v21 =	vsel vm14, $0x1, v1;
	vm14 =	vge.s32 v23, v7  }
0x147: {  	s6 =	sadd.s32 $0x8200, s6;
	v19 =	vadd.s32 v21, v19;
	v21 =	vsel vm14, $0x1, v1;
	vm14 =	vge.s32 v23, v8  }
0x148: {  	v24 =	vld [tilespmem:s6+$0xFFFFFE80];
	v19 =	vadd.s32 v21, v19;
	v21 =	vsel vm14, $0x1, v1;
	vm14 =	vge.s32 v23, v9  }
0x149: {  	v22 =	vld [tilespmem:s6+$0x180];
	v19 =	vadd.s32 v21, v19;
	v21 =	vsel vm14, $0x1, v1;
	vm14 =	vge.s32 v23, v10  }
0x14a: {  	v26 =	vld [tilespmem:s6+$0xFFFFFF00];
	v19 =	vadd.s32 v21, v19;
	v21 =	vsel vm14, $0x1, v1;
	vm14 =	vge.s32 v23, v11  }
0x14b: {  	v27 =	vld [tilespmem:s6+$0xFFFFFF80];
	v21 =	vadd.s32 v21, v19;
	v25 =	vsel vm14, $0x1, v1  }
0x14c: {  	vm14 =	vge.s32 v23, v12;
	v19 =	vperm.xlane v17, v20;
	v20 =	vperm.xlane v18, v20  }
0x14d: {  	v21 =	vadd.s32 v25, v21;
	v25 =	vsel vm14, $0x1, v1;
	vm14 =	vge.s32 v23, v13  }
0x14e: {  	v29 =	vld [tilespmem:s6+$0x80];
	v21 =	vadd.s32 v25, v21;
	v28 =	vsel vm14, $0x1, v1;
	v22 =	vsub.f32 v22, v19  }
0x14f: {  	s8 =	sand.u32 $0x7, s1;
	v25 =	vld [tilespmem:s6+$0x0];
	vm14 =	vge.s32 v23, v14;
	v24 =	vsub.f32 v24, v19;
	v26 =	vsub.f32 v26, v19  }
0x150: {  	s8 =	sshll.u32 s8, $0x6;
	v27 =	vsub.f32 v27, v19;
	v21 =	vadd.s32 v28, v21;
	v22 =	vmul.f32 v22, v20  }
0x151: {  	s4 =	sor.u32 s8, s4;
	v28 =	vsel vm14, $0x1, v1;
	vm14 =	vge.s32 v23, v15;
	v24 =	vmul.f32 v24, v20  }
0x152: {  	s4 =	sshrl.u32 s4, $0x2;
	v21 =	vadd.s32 v28, v21;
	v28 =	vld [tilespmem:s6+$0x100];
	v30 =	vsel vm14, $0x1, v1;
	v26 =	vmul.f32 v26, v20;
	[tilespmem:s6+$0x180] =	vst v22  }
0x153: {  	s20 =	sadd.s32 $0x8210, s4;
	v31 =	vld [tilespmem:s6+$0xFFFFFE00];
	vm14 =	vge.s32 v23, v16;
	v23 =	vsub.f32 v29, v19;
	[tilespmem:s6+$0xFFFFFE80] =	vst v24;
	v22 =	vmul.f32 v27, v20  }
0x154: {  	[tilespmem:s6+$0xFFFFFF00] =	vst v26;
	v25 =	vsub.f32 v25, v19;
	v24 =	vld [tilespmem:s20+$0x180]  }
0x155: {  	v21 =	vadd.s32 v30, v21;
	v27 =	vsel vm14, $0x1, v1;
	v29 =	vld [tilespmem:s20+$0xFFFFFE80];
	[tilespmem:s6+$0xFFFFFF80] =	vst v22;
	v22 =	vmul.f32 v23, v20  }
0x156: {  	v26 =	vadd.s32 v27, v21;
	v27 =	vld [tilespmem:s20+$0xFFFFFF00];
	v25 =	vmul.f32 v25, v20  }
0x157: {  	v21 =	vperm.xlane v17, v26;
	v23 =	vsub.f32 v28, v19;
	v28 =	vld [tilespmem:s20+$0xFFFFFF80];
	[tilespmem:s6+$0x80] =	vst v22  }
0x158: {  	v22 =	vperm.xlane v18, v26;
	[tilespmem:s6+$0x0] =	vst v25;
	v25 =	vsub.f32 v31, v19;
	v26 =	vld [tilespmem:s20+$0x80]  }
0x159: {  	s4 =	sadd.s32 $0x800, s6;
	v23 =	vmul.f32 v23, v20;
	v30 =	vld [tilespmem:s20+$0x0];
	v24 =	vsub.f32 v24, v21  }
0x15a: {  	v31 =	vld [tilespmem:s4+$0x180];
	v29 =	vsub.f32 v29, v21;
	v25 =	vmul.f32 v25, v20  }
0x15b: {  	v27 =	vsub.f32 v27, v21;
	[tilespmem:s6+$0x100] =	vst v23;
	v23 =	vld [tilespmem:s4+$0xFFFFFE80];
	v24 =	vmul.f32 v24, v22  }
0x15c: {  	v29 =	vmul.f32 v29, v22;
	v28 =	vsub.f32 v28, v21;
	[tilespmem:s6+$0xFFFFFE00] =	vst v25;
	v25 =	vld [tilespmem:s4+$0xFFFFFF00]  }
0x15d: {  	v32 =	vld [tilespmem:s4+$0xFFFFFF80];
	v27 =	vmul.f32 v27, v22;
	[tilespmem:s20+$0x180] =	vst v24;
	v26 =	vsub.f32 v26, v21  }
0x15e: {  	v24 =	vld [tilespmem:s4+$0x0];
	[tilespmem:s20+$0xFFFFFE80] =	vst v29;
	v28 =	vmul.f32 v28, v22;
	v30 =	vsub.f32 v30, v21  }
0x15f: {  	v29 =	vld [tilespmem:s4+$0x80];
	v31 =	vsub.f32 v31, v19;
	[tilespmem:s20+$0xFFFFFF00] =	vst v27;
	v26 =	vmul.f32 v26, v22  }
0x160: {  	v23 =	vsub.f32 v23, v19;
	[tilespmem:s20+$0xFFFFFF80] =	vst v28;
	v27 =	vmul.f32 v30, v22;
	v30 =	vld [tilespmem:s4+$0x100]  }
0x161: {  	v28 =	vld [tilespmem:s4+$0xFFFFFE00];
	v31 =	vmul.f32 v31, v20;
	v25 =	vsub.f32 v25, v19;
	[tilespmem:s20+$0x80] =	vst v26  }
0x162: {  	v63 =	vld [tilespmem:s20+$0xFFFFFE00];
	v23 =	vmul.f32 v23, v20;
	[tilespmem:s20+$0x0] =	vst v27;
	v27 =	vsub.f32 v32, v19  }
0x163: {  	s6 =	sadd.s32 $0x800, s20;
	[tilespmem:s4+$0x180] =	vst v31;
	v31 =	vld [tilespmem:s20+$0x100];
	v24 =	vsub.f32 v24, v19;
	v26 =	vmul.f32 v25, v20  }
0x164: {  	v29 =	vsub.f32 v29, v19;
	v33 =	vld [tilespmem:s6+$0x180];
	[tilespmem:s4+$0xFFFFFE80] =	vst v23;
	v23 =	vmul.f32 v27, v20  }
0x165: {  	v25 =	vld [tilespmem:s6+$0xFFFFFE80];
	v24 =	vmul.f32 v24, v20;
	[tilespmem:s4+$0xFFFFFF00] =	vst v26;
	v26 =	vsub.f32 v30, v19  }
0x166: {  	v28 =	vsub.f32 v28, v19;
	v29 =	vmul.f32 v29, v20;
	v27 =	vld [tilespmem:s6+$0xFFFFFF00];
	[tilespmem:s4+$0xFFFFFF80] =	vst v23  }
0x167: {  	v32 =	vsub.f32 v63, v21;
	[tilespmem:s4+$0x0] =	vst v24;
	v23 =	vld [tilespmem:s6+$0xFFFFFF80];
	v34 =	vmul.f32 v26, v20  }
0x168: {  	v28 =	vmul.f32 v28, v20;
	[tilespmem:s4+$0x80] =	vst v29;
	v30 =	vsub.f32 v31, v21;
	v26 =	vld [tilespmem:s6+$0x0]  }
0x169: {  	s8 =	simm.s32 $0x8;
	s24 =	sadd.s32 $0x800, s4;
	v31 =	vmul.f32 v32, v22;
	v24 =	vld [tilespmem:s6+$0x80];
	v29 =	vsub.f32 v33, v21;
	[tilespmem:s4+$0x100] =	vst v34  }
.LBB2_11:
0x16a: {  	v32 =	vld [tilespmem:s24+$0x180];
	s8 =	sadd.s32 $0x8, s8;
	[tilespmem:s4+$0xFFFFFE00] =	vst v28;
	v25 =	vsub.f32 v25, v21;
	v28 =	vmul.f32 v30, v22;
	s4 =	smov.u32 s24  }
0x16b: {  	v30 =	vld [tilespmem:s24+$0xFFFFFE80];
	p0 =	slt.u32 s8, $0x38;
	v27 =	vsub.f32 v27, v21;
	v29 =	vmul.f32 v29, v22;
	[tilespmem:s20+$0xFFFFFE00] =	vst v31  }
0x16c: {  	v31 =	vld [tilespmem:s24+$0xFFFFFF00];
	v25 =	vmul.f32 v25, v22;
	v23 =	vsub.f32 v23, v21;
	[tilespmem:s20+$0x100] =	vst v28;
	s20 =	smov.u32 s6  }
0x16d: {  	v28 =	vld [tilespmem:s24+$0xFFFFFF80];
	v27 =	vmul.f32 v27, v22;
	v26 =	vsub.f32 v26, v21;
	[tilespmem:s6+$0x180] =	vst v29  }
0x16e: {  	v29 =	vld [tilespmem:s24+$0x0];
	[tilespmem:s6+$0xFFFFFE80] =	vst v25;
	v23 =	vmul.f32 v23, v22;
	v24 =	vsub.f32 v24, v21  }
0x16f: {  	v25 =	vld [tilespmem:s24+$0x80];
	v32 =	vsub.f32 v32, v19;
	[tilespmem:s6+$0xFFFFFF00] =	vst v27;
	v26 =	vmul.f32 v26, v22  }
0x170: {  	v27 =	vsub.f32 v30, v19;
	v30 =	vld [tilespmem:s24+$0x100];
	[tilespmem:s6+$0xFFFFFF80] =	vst v23;
	v23 =	vmul.f32 v24, v22  }
0x171: {  	v24 =	vld [tilespmem:s24+$0xFFFFFE00];
	v31 =	vsub.f32 v31, v19;
	v32 =	vmul.f32 v32, v20;
	[tilespmem:s6+$0x0] =	vst v26  }
0x172: {  	v26 =	vmul.f32 v27, v20;
	v27 =	vsub.f32 v28, v19;
	v28 =	vld [tilespmem:s6+$0xFFFFFE00];
	[tilespmem:s6+$0x80] =	vst v23  }
0x173: {  	s6 =	sadd.s32 $0x800, s6;
	v23 =	vmul.f32 v31, v20;
	v29 =	vsub.f32 v29, v19;
	[tilespmem:s24+$0x180] =	vst v32;
	v31 =	vld [tilespmem:s20+$0x100]  }
0x174: {  	[tilespmem:s24+$0xFFFFFE80] =	vst v26;
	v26 =	vmul.f32 v27, v20;
	v32 =	vsub.f32 v25, v19;
	v33 =	vld [tilespmem:s6+$0x180]  }
.Ltmp4:
0x175: {  	v25 =	vld [tilespmem:s6+$0xFFFFFE80];
	[tilespmem:s24+$0xFFFFFF00] =	vst v23;
	v29 =	vmul.f32 v29, v20;
	v30 =	vsub.f32 v30, v19;
	(pc) =	sbr.rel @p0 .LBB2_11-.Ltmp4, $4  }
0x176: {  	v24 =	vsub.f32 v24, v19;
	v27 =	vld [tilespmem:s6+$0xFFFFFF00];
	[tilespmem:s24+$0xFFFFFF80] =	vst v26;
	v32 =	vmul.f32 v32, v20  }
0x177: {  	v23 =	vld [tilespmem:s6+$0xFFFFFF80];
	[tilespmem:s24+$0x0] =	vst v29;
	v29 =	vmul.f32 v30, v20;
	v34 =	vsub.f32 v28, v21  }
0x178: {  	v28 =	vmul.f32 v24, v20;
	v26 =	vld [tilespmem:s6+$0x0];
	[tilespmem:s24+$0x80] =	vst v32;
	v30 =	vsub.f32 v31, v21  }
0x179: {  	s24 =	sadd.s32 $0x800, s24;
	v24 =	vld [tilespmem:s6+$0x80];
	[tilespmem:s4+$0x100] =	vst v29;
	v29 =	vsub.f32 v33, v21;
	v31 =	vmul.f32 v34, v22  }
0x17a: {  	[tilespmem:s4+$0xFFFFFE00] =	vst v28  }
0x17b: {  	v19 =	vsub.f32 v25, v21;
	v20 =	vmul.f32 v30, v22;
	v58 =	vld [tilespmem:s6+$0xFFFFFE00]  }
0x17c: {  	v60 =	vld [tilespmem:s6+$0x100];
	v27 =	vsub.f32 v27, v21;
	v59 =	vmul.f32 v29, v22;
	[tilespmem:s20+$0xFFFFFE00] =	vst v31  }
0x17d: {  	v19 =	vmul.f32 v19, v22;
	v23 =	vsub.f32 v23, v21;
	[tilespmem:s20+$0x100] =	vst v20  }
0x17e: {  	v20 =	vmul.f32 v27, v22;
	v26 =	vsub.f32 v26, v21;
	[tilespmem:s6+$0x180] =	vst v59  }
0x17f: {  	s23 =	sadd.s32 $0x1, s23;
	[tilespmem:s6+$0xFFFFFE80] =	vst v19;
	v19 =	vmul.f32 v23, v22;
	v61 =	vsub.f32 v24, v21  }
0x180: {  	p0 =	sne.s32 s23, $0x8;
	[tilespmem:s6+$0xFFFFFF00] =	vst v20;
	v20 =	vmul.f32 v26, v22;
	v62 =	vsub.f32 v58, v21  }
.Ltmp5:
0x181: {  	v63 =	vsub.f32 v60, v21;
	[tilespmem:s6+$0xFFFFFF80] =	vst v19;
	v19 =	vmul.f32 v61, v22;
	(pc) =	sbr.rel @p0 .LBB2_10-.Ltmp5, $4  }
0x182: {  	[tilespmem:s6+$0x0] =	vst v20;
	v20 =	vmul.f32 v62, v22  }
0x183: {  	[tilespmem:s6+$0x80] =	vst v19;
	v19 =	vmul.f32 v63, v22  }
0x184: {  	[tilespmem:s6+$0xFFFFFE00] =	vst v20  }
0x185: {  	s21 =	sadd.s32 $0x100, s21;
	s1 =	sadd.s32 $0x2, s1;
	s2 =	sadd.s32 $0x1, s2;
	[tilespmem:s6+$0x100] =	vst v19  }
0x186: {  	s1 =	simm.s32 $0x8000  }
0x187: {  	[hbm4b:s15+s18] =	stream.strided.scatter [tilespmem:s1], [sflag:$0x6], $0x4000, s19, s18, $0x38;
	[tilespmem:$0xC480] =	vst v63  }
0x188: {  	_ =	swait.ge [sflag:s25], $0x4000  }
0x189: {  	s2 =	simm.s32 $0x0;
	s21 =	simm.s32 $0x0;
	[sflag:s25] =	ssyncset.done $0x0  }
0x18a: {  	s23 =	simm.s32 $0x0;
	s1 =	simm.s32 $0x0;
	[sflag:s25] =	ssyncadd.s32 $0xFFFFC000  }
.LBB2_14:
0x18b: {  	s4 =	sshll.u32 s23, $0x5  }
0x18c: {  	s4 =	sor.u32 s10, s4  }
0x18d: {  	v19 =	vor.u32 s4, v0  }
0x18e: {  	vm14 =	vge.s32 v19, v2;
	vm15 =	vge.s32 v19, v3  }
0x18f: {  	v20 =	vsel vm14, $0x1, v1;
	v21 =	vsel vm15, $0x1, v1;
	vm14 =	vge.s32 v19, v4  }
0x190: {  	v20 =	vadd.s32 v21, v20;
	v21 =	vsel vm14, $0x1, v1;
	vm14 =	vge.s32 v19, v5  }
0x191: {  	v20 =	vadd.s32 v21, v20;
	v21 =	vsel vm14, $0x1, v1;
	vm14 =	vge.s32 v19, v6  }
0x192: {  	v20 =	vadd.s32 v21, v20;
	v21 =	vsel vm14, $0x1, v1;
	vm14 =	vge.s32 v19, v7  }
0x193: {  	v20 =	vadd.s32 v21, v20;
	v21 =	vsel vm14, $0x1, v1;
	vm14 =	vge.s32 v19, v8  }
0x194: {  	v20 =	vadd.s32 v21, v20;
	v21 =	vsel vm14, $0x1, v1;
	vm14 =	vge.s32 v19, v9  }
0x195: {  	v20 =	vadd.s32 v21, v20;
	v21 =	vsel vm14, $0x1, v1;
	vm14 =	vge.s32 v19, v10  }
0x196: {  	v20 =	vadd.s32 v21, v20;
	v21 =	vsel vm14, $0x1, v1;
	vm14 =	vge.s32 v19, v11  }
0x197: {  	v20 =	vadd.s32 v21, v20;
	v21 =	vsel vm14, $0x1, v1;
	vm14 =	vge.s32 v19, v12  }
0x198: {  	v20 =	vadd.s32 v21, v20;
	v21 =	vsel vm14, $0x1, v1;
	vm14 =	vge.s32 v19, v13  }
0x199: {  	v20 =	vadd.s32 v21, v20;
	v21 =	vsel vm14, $0x1, v1;
	vm14 =	vge.s32 v19, v14  }
0x19a: {  	s4 =	sor.u32 $0x10, s4;
	v20 =	vadd.s32 v21, v20;
	v21 =	vsel vm14, $0x1, v1;
	vm14 =	vge.s32 v19, v15  }
0x19b: {  	v23 =	vor.u32 s4, v0;
	v22 =	vsel vm14, $0x1, v1;
	vm14 =	vge.s32 v19, v16  }
0x19c: {  	v19 =	vadd.s32 v21, v20;
	v20 =	vsel vm14, $0x1, v1;
	vm14 =	vge.s32 v23, v2  }
0x19d: {  	v19 =	vadd.s32 v22, v19;
	v21 =	vsel vm14, $0x1, v1;
	vm14 =	vge.s32 v23, v3  }
0x19e: {  	s24 =	sshll.u32 s21, $0x2;
	s6 =	sand.u32 $0x3, s2;
	v20 =	vadd.s32 v20, v19;
	v19 =	vsel vm14, $0x1, v1;
	vm14 =	vge.s32 v23, v4  }
0x19f: {  	s6 =	sshll.u32 s6, $0x7;
	s4 =	sand.u32 $0xFFFFF000, s24;
	v19 =	vadd.s32 v19, v21;
	v21 =	vsel vm14, $0x1, v1;
	vm14 =	vge.s32 v23, v5  }
0x1a0: {  	s6 =	sor.u32 s6, s4;
	v19 =	vadd.s32 v21, v19;
	v21 =	vsel vm14, $0x1, v1;
	vm14 =	vge.s32 v23, v6  }
0x1a1: {  	s6 =	sshrl.u32 s6, $0x2;
	v19 =	vadd.s32 v21, v19;
	v21 =	vsel vm14, $0x1, v1;
	vm14 =	vge.s32 v23, v7  }
0x1a2: {  	s6 =	sor.u32 $0x200, s6;
	v19 =	vadd.s32 v21, v19;
	v21 =	vsel vm14, $0x1, v1;
	vm14 =	vge.s32 v23, v8  }
0x1a3: {  	v24 =	vld [tilespmem:s6+$0xFFFFFE80];
	v19 =	vadd.s32 v21, v19;
	v21 =	vsel vm14, $0x1, v1;
	vm14 =	vge.s32 v23, v9  }
0x1a4: {  	v22 =	vld [tilespmem:s6+$0x180];
	v19 =	vadd.s32 v21, v19;
	v21 =	vsel vm14, $0x1, v1;
	vm14 =	vge.s32 v23, v10  }
0x1a5: {  	v26 =	vld [tilespmem:s6+$0xFFFFFF00];
	v19 =	vadd.s32 v21, v19;
	v21 =	vsel vm14, $0x1, v1;
	vm14 =	vge.s32 v23, v11  }
0x1a6: {  	v27 =	vld [tilespmem:s6+$0xFFFFFF80];
	v21 =	vadd.s32 v21, v19;
	v25 =	vsel vm14, $0x1, v1  }
0x1a7: {  	vm14 =	vge.s32 v23, v12;
	v19 =	vperm.xlane v17, v20;
	v20 =	vperm.xlane v18, v20  }
0x1a8: {  	v21 =	vadd.s32 v25, v21;
	v25 =	vsel vm14, $0x1, v1;
	vm14 =	vge.s32 v23, v13  }
0x1a9: {  	v29 =	vld [tilespmem:s6+$0x80];
	v21 =	vadd.s32 v25, v21;
	v28 =	vsel vm14, $0x1, v1;
	v22 =	vsub.f32 v22, v19  }
0x1aa: {  	s8 =	sand.u32 $0x7, s1;
	v25 =	vld [tilespmem:s6+$0x0];
	vm14 =	vge.s32 v23, v14;
	v24 =	vsub.f32 v24, v19;
	v26 =	vsub.f32 v26, v19  }
0x1ab: {  	s8 =	sshll.u32 s8, $0x6;
	v27 =	vsub.f32 v27, v19;
	v21 =	vadd.s32 v28, v21;
	v22 =	vmul.f32 v22, v20  }
0x1ac: {  	s4 =	sor.u32 s8, s4;
	v28 =	vsel vm14, $0x1, v1;
	vm14 =	vge.s32 v23, v15;
	v24 =	vmul.f32 v24, v20  }
0x1ad: {  	s4 =	sshrl.u32 s4, $0x2;
	v21 =	vadd.s32 v28, v21;
	v28 =	vld [tilespmem:s6+$0x100];
	v30 =	vsel vm14, $0x1, v1;
	v26 =	vmul.f32 v26, v20;
	[tilespmem:s6+$0x180] =	vst v22  }
0x1ae: {  	s20 =	sadd.s32 $0x210, s4;
	v31 =	vld [tilespmem:s6+$0xFFFFFE00];
	vm14 =	vge.s32 v23, v16;
	v23 =	vsub.f32 v29, v19;
	[tilespmem:s6+$0xFFFFFE80] =	vst v24;
	v22 =	vmul.f32 v27, v20  }
0x1af: {  	[tilespmem:s6+$0xFFFFFF00] =	vst v26;
	v25 =	vsub.f32 v25, v19;
	v24 =	vld [tilespmem:s20+$0x180]  }
0x1b0: {  	v21 =	vadd.s32 v30, v21;
	v27 =	vsel vm14, $0x1, v1;
	v29 =	vld [tilespmem:s20+$0xFFFFFE80];
	[tilespmem:s6+$0xFFFFFF80] =	vst v22;
	v22 =	vmul.f32 v23, v20  }
0x1b1: {  	v26 =	vadd.s32 v27, v21;
	v27 =	vld [tilespmem:s20+$0xFFFFFF00];
	v25 =	vmul.f32 v25, v20  }
0x1b2: {  	v21 =	vperm.xlane v17, v26;
	v23 =	vsub.f32 v28, v19;
	v28 =	vld [tilespmem:s20+$0xFFFFFF80];
	[tilespmem:s6+$0x80] =	vst v22  }
0x1b3: {  	v22 =	vperm.xlane v18, v26;
	[tilespmem:s6+$0x0] =	vst v25;
	v25 =	vsub.f32 v31, v19;
	v26 =	vld [tilespmem:s20+$0x80]  }
0x1b4: {  	s4 =	sadd.s32 $0x800, s6;
	v23 =	vmul.f32 v23, v20;
	v30 =	vld [tilespmem:s20+$0x0];
	v24 =	vsub.f32 v24, v21  }
0x1b5: {  	v31 =	vld [tilespmem:s4+$0x180];
	v29 =	vsub.f32 v29, v21;
	v25 =	vmul.f32 v25, v20  }
0x1b6: {  	v27 =	vsub.f32 v27, v21;
	[tilespmem:s6+$0x100] =	vst v23;
	v23 =	vld [tilespmem:s4+$0xFFFFFE80];
	v24 =	vmul.f32 v24, v22  }
0x1b7: {  	v29 =	vmul.f32 v29, v22;
	v28 =	vsub.f32 v28, v21;
	[tilespmem:s6+$0xFFFFFE00] =	vst v25;
	v25 =	vld [tilespmem:s4+$0xFFFFFF00]  }
0x1b8: {  	v32 =	vld [tilespmem:s4+$0xFFFFFF80];
	v27 =	vmul.f32 v27, v22;
	[tilespmem:s20+$0x180] =	vst v24;
	v26 =	vsub.f32 v26, v21  }
0x1b9: {  	v24 =	vld [tilespmem:s4+$0x0];
	[tilespmem:s20+$0xFFFFFE80] =	vst v29;
	v28 =	vmul.f32 v28, v22;
	v30 =	vsub.f32 v30, v21  }
0x1ba: {  	v29 =	vld [tilespmem:s4+$0x80];
	v31 =	vsub.f32 v31, v19;
	[tilespmem:s20+$0xFFFFFF00] =	vst v27;
	v26 =	vmul.f32 v26, v22  }
0x1bb: {  	v23 =	vsub.f32 v23, v19;
	[tilespmem:s20+$0xFFFFFF80] =	vst v28;
	v27 =	vmul.f32 v30, v22;
	v30 =	vld [tilespmem:s4+$0x100]  }
0x1bc: {  	v28 =	vld [tilespmem:s4+$0xFFFFFE00];
	v31 =	vmul.f32 v31, v20;
	v25 =	vsub.f32 v25, v19;
	[tilespmem:s20+$0x80] =	vst v26  }
0x1bd: {  	v63 =	vld [tilespmem:s20+$0xFFFFFE00];
	v23 =	vmul.f32 v23, v20;
	[tilespmem:s20+$0x0] =	vst v27;
	v27 =	vsub.f32 v32, v19  }
0x1be: {  	s6 =	sadd.s32 $0x800, s20;
	[tilespmem:s4+$0x180] =	vst v31;
	v31 =	vld [tilespmem:s20+$0x100];
	v24 =	vsub.f32 v24, v19;
	v26 =	vmul.f32 v25, v20  }
0x1bf: {  	v29 =	vsub.f32 v29, v19;
	v33 =	vld [tilespmem:s6+$0x180];
	[tilespmem:s4+$0xFFFFFE80] =	vst v23;
	v23 =	vmul.f32 v27, v20  }
0x1c0: {  	v25 =	vld [tilespmem:s6+$0xFFFFFE80];
	v24 =	vmul.f32 v24, v20;
	[tilespmem:s4+$0xFFFFFF00] =	vst v26;
	v26 =	vsub.f32 v30, v19  }
0x1c1: {  	v28 =	vsub.f32 v28, v19;
	v29 =	vmul.f32 v29, v20;
	v27 =	vld [tilespmem:s6+$0xFFFFFF00];
	[tilespmem:s4+$0xFFFFFF80] =	vst v23  }
0x1c2: {  	v32 =	vsub.f32 v63, v21;
	[tilespmem:s4+$0x0] =	vst v24;
	v23 =	vld [tilespmem:s6+$0xFFFFFF80];
	v34 =	vmul.f32 v26, v20  }
0x1c3: {  	v28 =	vmul.f32 v28, v20;
	[tilespmem:s4+$0x80] =	vst v29;
	v30 =	vsub.f32 v31, v21;
	v26 =	vld [tilespmem:s6+$0x0]  }
0x1c4: {  	s8 =	simm.s32 $0x8;
	s24 =	sadd.s32 $0x800, s4;
	v31 =	vmul.f32 v32, v22;
	v24 =	vld [tilespmem:s6+$0x80];
	v29 =	vsub.f32 v33, v21;
	[tilespmem:s4+$0x100] =	vst v34  }
.LBB2_15:
0x1c5: {  	v32 =	vld [tilespmem:s24+$0x180];
	s8 =	sadd.s32 $0x8, s8;
	[tilespmem:s4+$0xFFFFFE00] =	vst v28;
	v25 =	vsub.f32 v25, v21;
	v28 =	vmul.f32 v30, v22;
	s4 =	smov.u32 s24  }
0x1c6: {  	v30 =	vld [tilespmem:s24+$0xFFFFFE80];
	p0 =	slt.u32 s8, $0x38;
	v27 =	vsub.f32 v27, v21;
	v29 =	vmul.f32 v29, v22;
	[tilespmem:s20+$0xFFFFFE00] =	vst v31  }
0x1c7: {  	v31 =	vld [tilespmem:s24+$0xFFFFFF00];
	v25 =	vmul.f32 v25, v22;
	v23 =	vsub.f32 v23, v21;
	[tilespmem:s20+$0x100] =	vst v28;
	s20 =	smov.u32 s6  }
0x1c8: {  	v28 =	vld [tilespmem:s24+$0xFFFFFF80];
	v27 =	vmul.f32 v27, v22;
	v26 =	vsub.f32 v26, v21;
	[tilespmem:s6+$0x180] =	vst v29  }
0x1c9: {  	v29 =	vld [tilespmem:s24+$0x0];
	[tilespmem:s6+$0xFFFFFE80] =	vst v25;
	v23 =	vmul.f32 v23, v22;
	v24 =	vsub.f32 v24, v21  }
0x1ca: {  	v25 =	vld [tilespmem:s24+$0x80];
	v32 =	vsub.f32 v32, v19;
	[tilespmem:s6+$0xFFFFFF00] =	vst v27;
	v26 =	vmul.f32 v26, v22  }
0x1cb: {  	v27 =	vsub.f32 v30, v19;
	v30 =	vld [tilespmem:s24+$0x100];
	[tilespmem:s6+$0xFFFFFF80] =	vst v23;
	v23 =	vmul.f32 v24, v22  }
0x1cc: {  	v24 =	vld [tilespmem:s24+$0xFFFFFE00];
	v31 =	vsub.f32 v31, v19;
	v32 =	vmul.f32 v32, v20;
	[tilespmem:s6+$0x0] =	vst v26  }
0x1cd: {  	v26 =	vmul.f32 v27, v20;
	v27 =	vsub.f32 v28, v19;
	v28 =	vld [tilespmem:s6+$0xFFFFFE00];
	[tilespmem:s6+$0x80] =	vst v23  }
0x1ce: {  	s6 =	sadd.s32 $0x800, s6;
	v23 =	vmul.f32 v31, v20;
	v29 =	vsub.f32 v29, v19;
	[tilespmem:s24+$0x180] =	vst v32;
	v31 =	vld [tilespmem:s20+$0x100]  }
0x1cf: {  	[tilespmem:s24+$0xFFFFFE80] =	vst v26;
	v26 =	vmul.f32 v27, v20;
	v32 =	vsub.f32 v25, v19;
	v33 =	vld [tilespmem:s6+$0x180]  }
.Ltmp6:
0x1d0: {  	v25 =	vld [tilespmem:s6+$0xFFFFFE80];
	[tilespmem:s24+$0xFFFFFF00] =	vst v23;
	v29 =	vmul.f32 v29, v20;
	v30 =	vsub.f32 v30, v19;
	(pc) =	sbr.rel @p0 .LBB2_15-.Ltmp6, $4  }
0x1d1: {  	v24 =	vsub.f32 v24, v19;
	v27 =	vld [tilespmem:s6+$0xFFFFFF00];
	[tilespmem:s24+$0xFFFFFF80] =	vst v26;
	v32 =	vmul.f32 v32, v20  }
0x1d2: {  	v23 =	vld [tilespmem:s6+$0xFFFFFF80];
	[tilespmem:s24+$0x0] =	vst v29;
	v29 =	vmul.f32 v30, v20;
	v34 =	vsub.f32 v28, v21  }
0x1d3: {  	v28 =	vmul.f32 v24, v20;
	v26 =	vld [tilespmem:s6+$0x0];
	[tilespmem:s24+$0x80] =	vst v32;
	v30 =	vsub.f32 v31, v21  }
0x1d4: {  	s24 =	sadd.s32 $0x800, s24;
	v24 =	vld [tilespmem:s6+$0x80];
	[tilespmem:s4+$0x100] =	vst v29;
	v29 =	vsub.f32 v33, v21;
	v31 =	vmul.f32 v34, v22  }
0x1d5: {  	[tilespmem:s4+$0xFFFFFE00] =	vst v28  }
0x1d6: {  	v19 =	vsub.f32 v25, v21;
	v20 =	vmul.f32 v30, v22;
	v58 =	vld [tilespmem:s6+$0xFFFFFE00]  }
0x1d7: {  	v60 =	vld [tilespmem:s6+$0x100];
	v27 =	vsub.f32 v27, v21;
	v59 =	vmul.f32 v29, v22;
	[tilespmem:s20+$0xFFFFFE00] =	vst v31  }
0x1d8: {  	v19 =	vmul.f32 v19, v22;
	v23 =	vsub.f32 v23, v21;
	[tilespmem:s20+$0x100] =	vst v20  }
0x1d9: {  	v20 =	vmul.f32 v27, v22;
	v26 =	vsub.f32 v26, v21;
	[tilespmem:s6+$0x180] =	vst v59  }
0x1da: {  	s23 =	sadd.s32 $0x1, s23;
	[tilespmem:s6+$0xFFFFFE80] =	vst v19;
	v19 =	vmul.f32 v23, v22;
	v61 =	vsub.f32 v24, v21  }
0x1db: {  	p0 =	sne.s32 s23, $0x8;
	[tilespmem:s6+$0xFFFFFF00] =	vst v20;
	v20 =	vmul.f32 v26, v22;
	v62 =	vsub.f32 v58, v21  }
.Ltmp7:
0x1dc: {  	v63 =	vsub.f32 v60, v21;
	[tilespmem:s6+$0xFFFFFF80] =	vst v19;
	v19 =	vmul.f32 v61, v22;
	(pc) =	sbr.rel @p0 .LBB2_14-.Ltmp7, $4  }
0x1dd: {  	[tilespmem:s6+$0x0] =	vst v20;
	v20 =	vmul.f32 v62, v22  }
0x1de: {  	[tilespmem:s6+$0x80] =	vst v19;
	v19 =	vmul.f32 v63, v22  }
0x1df: {  	[tilespmem:s6+$0xFFFFFE00] =	vst v20  }
0x1e0: {  	s21 =	sadd.s32 $0x100, s21;
	s1 =	sadd.s32 $0x2, s1;
	s2 =	sadd.s32 $0x1, s2;
	[tilespmem:s6+$0x100] =	vst v19  }
0x1e1: {  	[hbm4b:s16+s18] =	stream.strided.scatter [tilespmem:s3], [sflag:$0x4], $0x4000, s19, s18, $0x38;
	[tilespmem:$0xC480] =	vst v63  }
0x1e2: {  	_ =	swait.ge [sflag:s30], $0x4000  }
0x1e3: {  	[sflag:s30] =	ssyncset.done $0x0  }
0x1e4: {  	s0 =	sadd.s32 $0x1, s0;
	[sflag:s30] =	ssyncadd.s32 $0xFFFFC000  }
0x1e5: {  	p0 =	sne.s32 s0, s17;
	_ =	swait.ge [sflag:s31], $0x4000  }
.Ltmp8:
0x1e6: {  	[sflag:s31] =	ssyncset.done $0x0;
	(pc) =	sbr.rel @p0 .LBB2_1-.Ltmp8, $4  }
0x1e7: {  	[sflag:s31] =	ssyncadd.s32 $0xFFFFC000  }
0x1e8: {  	_ =	swait.ge [sflag:s26], $0x4000  }
0x1e9: {  	[sflag:s26] =	ssyncset.done $0x0  }
0x1ea: {  	[sflag:s26] =	ssyncadd.s32 $0xFFFFC000  }
0x1eb: {  	_ =	sfence.sel $0x180000  }
0x1ec: {  	[bflag:$0x0] =	sbarrier.arrive $0xFFFF  }
0x1ed: {  	_ =	strace $0x9000004A  }
0x1ee: {  	s0 =	stileid.u32;
	[bflag:$0x2] =	sbarrier.arrive $0xFFFF  }
0x1ef: {  	p0 =	sne.s32 s0, $0x0;
	s0 =	rddreg [dreg:$0x4]  }
0x1f0: {  	s0 =	sadd.s32 @!p0 $0x100000, s0  }
0x1f1: {  	[sflag:s0] =	ssyncadd.tile.s32 @!p0 $0x1;
	_ =	shalt  }
.Lfunc_end2:
_tile_overlayer_lowered:
.L_overlay_start_2:
0x1f2: {  	(tag) =	ssettag $0x2  }
0x1f3: {  	s0 =	rddreg [dreg:$0x0];
	s2 =	stileid.u32  }
0x1f4: {  	s1 =	rddreg [dreg:$0x1];
	p0 =	sne.s32 s2, $0x0  }
0x1f5: {  	s3 =	rddreg [dreg:$0x2];
	[bflag:$0x3] =	sbarrier.arrive $0xFFFF;
	s2 =	simm.s32 @!p0 $0x1C07  }
0x1f6: {  	[timem:s3], [sflag:s2] =	dma.local @!p0 [hbm:s0], s1  }
0x1f7: {  	s0 =	simm.s32 @!p0 $0x7  }
0x1f8: {  	_ =	swait.ge @!p0 [sflag:s0], s1  }
0x1f9: {  	s1 =	ssub.s32 @!p0 $0x0, s1;
	[sflag:s0] =	ssyncset.done @!p0 $0x0  }
0x1fa: {  	[sflag:s0] =	ssyncadd.s32 @!p0 s1  }
0x1fb: {  	[bflag:$0x3] =	sbarrier.arrive $0xFFFF  }
0x1fc: {  	_ =	shalt  }

</sc_bundles>
